<compile_context>
chip_gen: v7x
topology: tpu7x:2x2x1
jax: 0.10.2.dev20260603
libtpu: 0.0.44.dev20260713+nightly
codegen_flags: <defaults>
</compile_context>

<pallas_src>
import functools

import jax
import jax.numpy as jnp
from jax import lax
from jax.experimental import pallas as pl
from jax.experimental.pallas import tpu as pltpu
from jax.experimental.pallas import tpu_sc as plsc

N_NODES = 10000
N_EDGES = 320000
D = 128
N_LAYERS = 4

NC = 2
NS = 16
NW = NC * NS
N_PAD = 10240
CHUNK = 128
EPT = 10240
NCHUNK = EPT // CHUNK
E_PAD = NW * EPT
ROWS_T = N_PAD // NS
DW = 16
BT = 5120
LN_EPS = 1e-6
NBUF = 4



DH = D // 2
HROWS_T = 2 * N_PAD // NS


def _msg_body(hb_hbm, slo_hbm, shi_hbm, dst_hbm, zero_hbm, out_hbm,
              slo_v, shi_v, dst_v, b0, b1, b2, b3,
              g0, g1, g2, g3, s0, s1, s2, s3, h_sh, agg_sh):
    c = lax.axis_index("c")
    s = lax.axis_index("s")
    wid = s * NC + c
    bufs = (b0, b1, b2, b3)
    gsem = (g0, g1, g2, g3)
    ssem = (s0, s1, s2, s3)
    pltpu.sync_copy(hb_hbm.at[pl.ds(s * HROWS_T, HROWS_T)],
                    h_sh.at[pl.ds(s * HROWS_T, HROWS_T)])
    pltpu.sync_copy(slo_hbm.at[wid], slo_v)
    pltpu.sync_copy(shi_hbm.at[wid], shi_v)
    pltpu.sync_copy(dst_hbm.at[wid], dst_v)

    for p, src_v in ((0, slo_v), (1, shi_v)):
        pltpu.sync_copy(zero_hbm.at[pl.ds(s * ROWS_T, ROWS_T)],
                        agg_sh.at[pl.ds(s * ROWS_T, ROWS_T)])
        plsc.subcore_barrier()

        for b in range(NBUF - 1):
            pltpu.async_copy(h_sh.at[src_v.at[b]], bufs[b], gsem[b])

        def body(g, carry):
            for b in range(NBUF):
                j = NBUF * g + b
                t = (b + NBUF - 1) % NBUF
                pltpu.make_async_copy(h_sh.at[src_v.at[j]],
                                      bufs[b], gsem[b]).wait()
                pltpu.async_copy(bufs[b], agg_sh.at[dst_v.at[j]],
                                 ssem[b], add=True)

                @pl.when(j + NBUF - 1 < NCHUNK)
                def _():
                    @pl.when(j >= 1)
                    def _():
                        pltpu.make_async_copy(
                            bufs[t], agg_sh.at[dst_v.at[0]], ssem[t]).wait()
                    pltpu.async_copy(h_sh.at[src_v.at[j + NBUF - 1]],
                                     bufs[t], gsem[t])
            return carry

        lax.fori_loop(0, NCHUNK // NBUF, body, 0)
        for b in range(NBUF):
            pltpu.make_async_copy(bufs[b], agg_sh.at[dst_v.at[0]],
                                  ssem[b]).wait()
        plsc.subcore_barrier()
        pltpu.sync_copy(agg_sh.at[pl.ds(s * ROWS_T, ROWS_T)],
                        out_hbm.at[p * NW + c * NS + s])


def _deg_body(dst_hbm, zero_hbm, ones_hbm, out_hbm, dst_v, ones_v, deg_sh):
    c = lax.axis_index("c")
    s = lax.axis_index("s")
    wid = s * NC + c
    pltpu.sync_copy(zero_hbm.at[pl.ds(s * ROWS_T, ROWS_T)],
                    deg_sh.at[pl.ds(s * ROWS_T, ROWS_T)])
    pltpu.sync_copy(dst_hbm.at[wid], dst_v)
    pltpu.sync_copy(ones_hbm, ones_v)
    plsc.subcore_barrier()

    def body(j, carry):
        pltpu.sync_copy(ones_v, deg_sh.at[dst_v.at[j]], add=True)
        return carry

    lax.fori_loop(0, NCHUNK, body, 0)
    plsc.subcore_barrier()
    pltpu.sync_copy(deg_sh.at[pl.ds(s * ROWS_T, ROWS_T)],
                    out_hbm.at[c * NS + s])


@functools.lru_cache(maxsize=None)
def _sc_kernels():
    mesh = plsc.VectorSubcoreMesh(core_axis_name="c", subcore_axis_name="s",
                                  num_cores=NC, num_subcores=NS)
    params = pltpu.CompilerParams(use_tc_tiling_on_sc=False)
    msg = pl.kernel(
        _msg_body,
        compiler_params=params,
        out_type=jax.ShapeDtypeStruct((2 * NW, ROWS_T, DH), jnp.bfloat16),
        mesh=mesh,
        scratch_types=[
            pltpu.VMEM((NCHUNK, CHUNK), jnp.int32),
            pltpu.VMEM((NCHUNK, CHUNK), jnp.int32),
            pltpu.VMEM((NCHUNK, CHUNK), jnp.int32),
            pltpu.VMEM((CHUNK, DH), jnp.bfloat16),
            pltpu.VMEM((CHUNK, DH), jnp.bfloat16),
            pltpu.VMEM((CHUNK, DH), jnp.bfloat16),
            pltpu.VMEM((CHUNK, DH), jnp.bfloat16),
            pltpu.SemaphoreType.DMA,
            pltpu.SemaphoreType.DMA,
            pltpu.SemaphoreType.DMA,
            pltpu.SemaphoreType.DMA,
            pltpu.SemaphoreType.DMA,
            pltpu.SemaphoreType.DMA,
            pltpu.SemaphoreType.DMA,
            pltpu.SemaphoreType.DMA,
            pltpu.VMEM_SHARED((2 * N_PAD, DH), jnp.bfloat16),
            pltpu.VMEM_SHARED((N_PAD, DH), jnp.bfloat16),
        ],
    )
    deg = pl.kernel(
        _deg_body,
        compiler_params=params,
        out_type=jax.ShapeDtypeStruct((NW, ROWS_T, DW), jnp.float32),
        mesh=mesh,
        scratch_types=[
            pltpu.VMEM((NCHUNK, CHUNK), jnp.int32),
            pltpu.VMEM((CHUNK, DW), jnp.float32),
            pltpu.VMEM_SHARED((N_PAD, DW), jnp.float32),
        ],
    )
    return msg, deg



def _lin_body(x_ref, w_ref, b_ref, ob_ref):
    y = (jnp.dot(x_ref[...], w_ref[...],
                 preferred_element_type=jnp.float32) + b_ref[...])
    ob_ref[...] = y.astype(jnp.bfloat16)


def _layer_math(h, a_ref, d_ref, w_ref, b_ref, sc_ref, bi_ref):
    deg = jnp.maximum(d_ref[0, :, :1] + d_ref[1, :, :1], 1.0)
    a = jnp.concatenate(
        [a_ref[0, 0].astype(jnp.float32) + a_ref[0, 1].astype(jnp.float32),
         a_ref[1, 0].astype(jnp.float32) + a_ref[1, 1].astype(jnp.float32)],
        axis=-1)
    z = h + a / deg
    y = (jnp.dot(z, w_ref[...], preferred_element_type=jnp.float32)
         + b_ref[...])
    mu = jnp.mean(y, axis=-1, keepdims=True)
    var = jnp.mean(jnp.square(y - mu), axis=-1, keepdims=True)
    yn = (y - mu) * lax.rsqrt(var + LN_EPS) * sc_ref[...] + bi_ref[...]
    return jnp.maximum(yn, 0.0) + h


def _layer_body(h_ref, a_ref, d_ref, w_ref, b_ref, sc_ref, bi_ref,
                ob_ref):
    o = _layer_math(h_ref[...].astype(jnp.float32), a_ref, d_ref,
                    w_ref, b_ref, sc_ref, bi_ref)
    ob_ref[...] = o.astype(jnp.bfloat16)


def _last_body(h_ref, a_ref, d_ref, w_ref, b_ref, sc_ref, bi_ref,
               wo_ref, bo_ref, o_ref, acc_ref):
    j = pl.program_id(0)
    hb = _layer_math(h_ref[...].astype(jnp.float32), a_ref, d_ref,
                     w_ref, b_ref, sc_ref, bi_ref)
    rows = j * BT + lax.broadcasted_iota(jnp.int32, (BT, 1), 0)
    hb = jnp.where(rows < N_NODES, hb, 0.0)
    part = jnp.sum(hb, axis=0, keepdims=True)

    @pl.when(j == 0)
    def _():
        acc_ref[...] = jnp.zeros_like(acc_ref)

    acc_ref[...] += part

    @pl.when(j == pl.num_programs(0) - 1)
    def _():
        o_ref[...] = (jnp.dot(acc_ref[...], wo_ref[...],
                              preferred_element_type=jnp.float32)
                      * (1.0 / N_NODES) + bo_ref[...])


_GRID = N_PAD // BT
_blk = pl.BlockSpec((BT, D), lambda j: (j, 0))
_wblk = pl.BlockSpec((D, D), lambda j: (0, 0))
_vblk = pl.BlockSpec((1, D), lambda j: (0, 0))
_ablk = pl.BlockSpec((2, NC, BT, DH), lambda j: (0, 0, j, 0))
_dblk = pl.BlockSpec((NC, BT, DW), lambda j: (0, j, 0))

_lin_call = pl.pallas_call(
    _lin_body, grid=(_GRID,),
    in_specs=[_blk, _wblk, _vblk],
    out_specs=_blk,
    out_shape=jax.ShapeDtypeStruct((N_PAD, D), jnp.bfloat16),
)

_layer_call = pl.pallas_call(
    _layer_body, grid=(_GRID,),
    in_specs=[_blk, _ablk, _dblk, _wblk, _vblk, _vblk, _vblk],
    out_specs=_blk,
    out_shape=jax.ShapeDtypeStruct((N_PAD, D), jnp.bfloat16),
)

_last_call = pl.pallas_call(
    _last_body, grid=(_GRID,),
    in_specs=[_blk, _ablk, _dblk, _wblk, _vblk, _vblk, _vblk, _wblk, _vblk],
    out_specs=pl.BlockSpec((1, D), lambda j: (0, 0)),
    out_shape=jax.ShapeDtypeStruct((1, D), jnp.float32),
    scratch_shapes=[pltpu.VMEM((1, D), jnp.float32)],
)



def kernel(x, edge_src, edge_dst, num_nodes, num_edges,
           w_in, b_in, w_conv, b_conv, ln_scale, ln_bias, w_out, b_out):
    del num_nodes, num_edges
    x = x.astype(jnp.float32)
    edge_src = edge_src.astype(jnp.int32)
    edge_dst = edge_dst.astype(jnp.int32)

    pad_e = E_PAD - N_EDGES
    x_pad = jnp.pad(x, ((0, N_PAD - N_NODES), (0, 0)))
    src_pad = jnp.concatenate(
        [edge_src, jnp.zeros((pad_e,), jnp.int32)]).reshape(NW, NCHUNK, CHUNK)
    dst_pad = jnp.concatenate(
        [edge_dst, jnp.full((pad_e,), N_NODES, jnp.int32)]
    ).reshape(NW, NCHUNK, CHUNK)
    src_lo = src_pad * 2
    src_hi = src_pad * 2 + 1
    zeros_b = jnp.zeros((N_PAD, DH), jnp.bfloat16)
    zeros_w = jnp.zeros((N_PAD, DW), jnp.float32)
    ones_w = jnp.ones((CHUNK, DW), jnp.float32)

    msg, deg_k = _sc_kernels()
    deg = deg_k(dst_pad, zeros_w, ones_w).reshape(NC, N_PAD, DW)

    hb = _lin_call(x_pad, w_in, b_in.reshape(1, D))
    for i in range(N_LAYERS):
        agg = msg(hb.reshape(2 * N_PAD, DH), src_lo, src_hi, dst_pad,
                  zeros_b).reshape(2, NC, N_PAD, DH)
        if i < N_LAYERS - 1:
            hb = _layer_call(hb, agg, deg, w_conv[i], b_conv[i].reshape(1, D),
                             ln_scale[i].reshape(1, D),
                             ln_bias[i].reshape(1, D))
        else:
            out = _last_call(hb, agg, deg, w_conv[i], b_conv[i].reshape(1, D),
                             ln_scale[i].reshape(1, D),
                             ln_bias[i].reshape(1, D),
                             w_out, b_out.reshape(1, D))
    return out.reshape(D)

# --- scband reference (transcript-rebuilt; emitter-appended) ---
"""Pipeline reference for scband-graph-encoder-44727789420733 (READ-ONLY COPY).

The authoritative reference and input builder live on the scoring server;
editing this copy changes nothing except your own understanding.
"""

import jax, jax.numpy as jnp
import numpy as np

N = 10000
E = 320000
DFEAT = 128
HIDDEN = 128
OUT = 128
LAYERS = 4


def _message_pass(h, edge_src, edge_dst, num_edges):
    max_nodes, hidden_dim = h.shape
    safe_src = jnp.clip(edge_src, 0, max_nodes - 1)
    safe_dst = jnp.clip(edge_dst, 0, max_nodes - 1)
    src_features = h[safe_src]
    edge_mask = (jnp.arange(edge_src.shape[0]) < num_edges).astype(jnp.float32)
    src_features = src_features * edge_mask[:, None]
    agg = jnp.zeros((max_nodes, hidden_dim), dtype=h.dtype)
    agg = agg.at[safe_dst].add(src_features)
    degree = jnp.zeros(max_nodes, dtype=jnp.float32)
    degree = degree.at[safe_dst].add(edge_mask)
    degree = jnp.maximum(degree, 1.0)
    return agg / degree[:, None]


def _layer_norm(h, scale, bias, eps=1e-6):
    mu = jnp.mean(h, axis=-1, keepdims=True)
    var = jnp.var(h, axis=-1, keepdims=True)
    return (h - mu) / jnp.sqrt(var + eps) * scale + bias


def setup_inputs(seed: int = 0) -> dict:
    key = jax.random.key(seed)
    ks = jax.random.split(key, 8)
    x = jax.random.normal(ks[0], (N, DFEAT), dtype=jnp.float32)
    edge_src = jax.random.randint(ks[1], (E,), 0, N)
    edge_dst = jax.random.randint(ks[2], (E,), 0, N)
    num_nodes = jnp.array([N], dtype=jnp.int32)
    num_edges = jnp.array([E], dtype=jnp.int32)
    w_in = jax.random.normal(ks[3], (DFEAT, HIDDEN), dtype=jnp.float32) / np.sqrt(DFEAT)
    b_in = jnp.zeros((HIDDEN,), dtype=jnp.float32)
    w_conv = jax.random.normal(ks[4], (LAYERS, HIDDEN, HIDDEN), dtype=jnp.float32) / np.sqrt(HIDDEN)
    b_conv = jnp.zeros((LAYERS, HIDDEN), dtype=jnp.float32)
    ln_scale = jnp.ones((LAYERS, HIDDEN), dtype=jnp.float32)
    ln_bias = jnp.zeros((LAYERS, HIDDEN), dtype=jnp.float32)
    w_out = jax.random.normal(ks[5], (HIDDEN, OUT), dtype=jnp.float32) / np.sqrt(HIDDEN)
    b_out = jnp.zeros((OUT,), dtype=jnp.float32)
    return {
        "x": x, "edge_src": edge_src, "edge_dst": edge_dst,
        "num_nodes": num_nodes, "num_edges": num_edges,
        "w_in": w_in, "b_in": b_in,
        "w_conv": w_conv, "b_conv": b_conv,
        "ln_scale": ln_scale, "ln_bias": ln_bias,
        "w_out": w_out, "b_out": b_out,
    }


def reference(x, edge_src, edge_dst, num_nodes, num_edges,
              w_in, b_in, w_conv, b_conv, ln_scale, ln_bias, w_out, b_out):
    h = x @ w_in + b_in
    for i in range(LAYERS):
        residual = h
        agg = _message_pass(h, edge_src, edge_dst, num_edges)
        h = (h + agg) @ w_conv[i] + b_conv[i]
        h = _layer_norm(h, ln_scale[i], ln_bias[i])
        h = jax.nn.relu(h)
        h = h + residual
    h = h @ w_out + b_out
    mask = (jnp.arange(h.shape[0]) < num_nodes).astype(h.dtype)
    h_masked = h * mask[:, None]
    return h_masked.sum(axis=0) / jnp.maximum(num_nodes.astype(jnp.float32), 1.0)

if __name__ == "__main__":
    import jax
    _d = setup_inputs()
    print(jax.jit(kernel)(*tuple(_d.values())))

</pallas_src>

<mosaic_0001>
#map = affine_map<(d0, d1) -> (0, 0)>
#map1 = affine_map<(d0, d1) -> (0, 0, 0)>
module attributes {stable_mosaic.version = 14 : i64} {
  func.func @_msg_body(%arg0: i32, %arg1: i32, %arg2: memref<20480x64xbf16, #tpu.memory_space<hbm>>, %arg3: memref<32x80x128xi32, #tpu.memory_space<hbm>>, %arg4: memref<32x80x128xi32, #tpu.memory_space<hbm>>, %arg5: memref<32x80x128xi32, #tpu.memory_space<hbm>>, %arg6: memref<10240x64xbf16, #tpu.memory_space<hbm>>, %arg7: memref<64x640x64xbf16, #tpu.memory_space<hbm>>, %arg8: memref<80x128xi32, #tpu.memory_space<vmem>>, %arg9: memref<80x128xi32, #tpu.memory_space<vmem>>, %arg10: memref<80x128xi32, #tpu.memory_space<vmem>>, %arg11: memref<128x64xbf16, #tpu.memory_space<vmem>>, %arg12: memref<128x64xbf16, #tpu.memory_space<vmem>>, %arg13: memref<128x64xbf16, #tpu.memory_space<vmem>>, %arg14: memref<128x64xbf16, #tpu.memory_space<vmem>>, %arg15: memref<!tpu.dma_semaphore, #tpu.memory_space<semaphore_mem>>, %arg16: memref<!tpu.dma_semaphore, #tpu.memory_space<semaphore_mem>>, %arg17: memref<!tpu.dma_semaphore, #tpu.memory_space<semaphore_mem>>, %arg18: memref<!tpu.dma_semaphore, #tpu.memory_space<semaphore_mem>>, %arg19: memref<!tpu.dma_semaphore, #tpu.memory_space<semaphore_mem>>, %arg20: memref<!tpu.dma_semaphore, #tpu.memory_space<semaphore_mem>>, %arg21: memref<!tpu.dma_semaphore, #tpu.memory_space<semaphore_mem>>, %arg22: memref<!tpu.dma_semaphore, #tpu.memory_space<semaphore_mem>>, %arg23: memref<20480x64xbf16, #tpu.memory_space<vmem_shared>>, %arg24: memref<10240x64xbf16, #tpu.memory_space<vmem_shared>>) attributes {dimension_semantics = [#tpu.dimension_semantics<core_parallel>, #tpu.dimension_semantics<subcore_parallel>], iteration_bounds = array<i64: 2, 16>, scalar_prefetch = 0 : i64, scratch_operands = 17 : i64, tpu.core_type = #tpu.core_type<sc_vector_subcore>, window_params = [{transform_indices = #map}, {transform_indices = #map1}, {transform_indices = #map1}, {transform_indices = #map1}, {transform_indices = #map}, {transform_indices = #map1}]} {
    %mul3A = arith.constant 2 : i32
    %mul3A_0 = arith.muli %arg1, %mul3A : i32
    %add3A = arith.addi %mul3A_0, %arg0 : i32
    %mul3A_1 = arith.constant 1280 : i32
    %mul3A_2 = arith.muli %arg1, %mul3A_1 : i32
    %mul3A_3 = arith.constant 1280 : i32
    %mul3A_4 = arith.muli %arg1, %mul3A_3 : i32
    "tpu.region"() ({
      %run_scoped3A = tpu.sem_alloc : memref<!tpu.dma_semaphore, #tpu.memory_space<semaphore_mem>>
      %dma_start3A_137 = arith.constant 0 : i32
      %dma_start3A_138 = tpu.memref_slice %arg23[%mul3A_4, %dma_start3A_137] : memref<20480x64xbf16, #tpu.memory_space<vmem_shared>> -> memref<1280x64xbf16, #tpu.memory_space<vmem_shared>>
      %dma_start3A_139 = arith.constant 0 : i32
      %dma_start3A_140 = tpu.memref_slice %arg2[%mul3A_2, %dma_start3A_139] : memref<20480x64xbf16, #tpu.memory_space<hbm>> -> memref<1280x64xbf16, #tpu.memory_space<hbm>>
      tpu.enqueue_dma source(%dma_start3A_140 : memref<1280x64xbf16, #tpu.memory_space<hbm>>) target(%dma_start3A_138 : memref<1280x64xbf16, #tpu.memory_space<vmem_shared>>) target_semaphore(%run_scoped3A : memref<!tpu.dma_semaphore, #tpu.memory_space<semaphore_mem>>)
      %dma_wait3A_141 = arith.constant 0 : i32
      %dma_wait3A_142 = tpu.memref_slice %arg23[%mul3A_4, %dma_wait3A_141] : memref<20480x64xbf16, #tpu.memory_space<vmem_shared>> -> memref<1280x64xbf16, #tpu.memory_space<vmem_shared>>
      %dma_wait3A_143 = arith.constant 0 : i32
      %dma_wait3A_144 = tpu.memref_slice %arg2[%mul3A_2, %dma_wait3A_143] : memref<20480x64xbf16, #tpu.memory_space<hbm>> -> memref<1280x64xbf16, #tpu.memory_space<hbm>>
      tpu.wait_dma2 semaphore(%run_scoped3A : memref<!tpu.dma_semaphore, #tpu.memory_space<semaphore_mem>>) src(%dma_wait3A_144 : memref<1280x64xbf16, #tpu.memory_space<hbm>>) dst(%dma_wait3A_142 : memref<1280x64xbf16, #tpu.memory_space<vmem_shared>>)
      tpu.yield
    }) : () -> ()
    "tpu.region"() ({
      %run_scoped3A = tpu.sem_alloc : memref<!tpu.dma_semaphore, #tpu.memory_space<semaphore_mem>>
      %dma_start3A_137 = arith.constant 0 : i32
      %dma_start3A_138 = arith.constant 0 : i32
      %dma_start3A_139 = tpu.memref_slice %arg3[%add3A, %dma_start3A_137, %dma_start3A_138] : memref<32x80x128xi32, #tpu.memory_space<hbm>> -> memref<1x80x128xi32, #tpu.memory_space<hbm>>
      %dma_start3A_140 = tpu.memref_squeeze %dma_start3A_139 : memref<1x80x128xi32, #tpu.memory_space<hbm>> -> memref<80x128xi32, #tpu.memory_space<hbm>>
      %dma_start3A_141 = arith.constant 0 : i32
      %dma_start3A_142 = arith.constant 0 : i32
      %dma_start3A_143 = tpu.memref_slice %arg3[%add3A, %dma_start3A_141, %dma_start3A_142] : memref<32x80x128xi32, #tpu.memory_space<hbm>> -> memref<1x80x128xi32, #tpu.memory_space<hbm>>
      %dma_start3A_144 = tpu.memref_squeeze %dma_start3A_143 : memref<1x80x128xi32, #tpu.memory_space<hbm>> -> memref<80x128xi32, #tpu.memory_space<hbm>>
      tpu.enqueue_dma source(%dma_start3A_144 : memref<80x128xi32, #tpu.memory_space<hbm>>) target(%arg8 : memref<80x128xi32, #tpu.memory_space<vmem>>) target_semaphore(%run_scoped3A : memref<!tpu.dma_semaphore, #tpu.memory_space<semaphore_mem>>)
      %dma_wait3A_145 = arith.constant 0 : i32
      %dma_wait3A_146 = arith.constant 0 : i32
      %dma_wait3A_147 = tpu.memref_slice %arg3[%add3A, %dma_wait3A_145, %dma_wait3A_146] : memref<32x80x128xi32, #tpu.memory_space<hbm>> -> memref<1x80x128xi32, #tpu.memory_space<hbm>>
      %dma_wait3A_148 = tpu.memref_squeeze %dma_wait3A_147 : memref<1x80x128xi32, #tpu.memory_space<hbm>> -> memref<80x128xi32, #tpu.memory_space<hbm>>
      %dma_wait3A_149 = arith.constant 0 : i32
      %dma_wait3A_150 = arith.constant 0 : i32
      %dma_wait3A_151 = tpu.memref_slice %arg3[%add3A, %dma_wait3A_149, %dma_wait3A_150] : memref<32x80x128xi32, #tpu.memory_space<hbm>> -> memref<1x80x128xi32, #tpu.memory_space<hbm>>
      %dma_wait3A_152 = tpu.memref_squeeze %dma_wait3A_151 : memref<1x80x128xi32, #tpu.memory_space<hbm>> -> memref<80x128xi32, #tpu.memory_space<hbm>>
      tpu.wait_dma2 semaphore(%run_scoped3A : memref<!tpu.dma_semaphore, #tpu.memory_space<semaphore_mem>>) src(%dma_wait3A_152 : memref<80x128xi32, #tpu.memory_space<hbm>>) dst(%arg8 : memref<80x128xi32, #tpu.memory_space<vmem>>)
      tpu.yield
    }) : () -> ()
    "tpu.region"() ({
      %run_scoped3A = tpu.sem_alloc : memref<!tpu.dma_semaphore, #tpu.memory_space<semaphore_mem>>
      %dma_start3A_137 = arith.constant 0 : i32
      %dma_start3A_138 = arith.constant 0 : i32
      %dma_start3A_139 = tpu.memref_slice %arg4[%add3A, %dma_start3A_137, %dma_start3A_138] : memref<32x80x128xi32, #tpu.memory_space<hbm>> -> memref<1x80x128xi32, #tpu.memory_space<hbm>>
      %dma_start3A_140 = tpu.memref_squeeze %dma_start3A_139 : memref<1x80x128xi32, #tpu.memory_space<hbm>> -> memref<80x128xi32, #tpu.memory_space<hbm>>
      %dma_start3A_141 = arith.constant 0 : i32
      %dma_start3A_142 = arith.constant 0 : i32
      %dma_start3A_143 = tpu.memref_slice %arg4[%add3A, %dma_start3A_141, %dma_start3A_142] : memref<32x80x128xi32, #tpu.memory_space<hbm>> -> memref<1x80x128xi32, #tpu.memory_space<hbm>>
      %dma_start3A_144 = tpu.memref_squeeze %dma_start3A_143 : memref<1x80x128xi32, #tpu.memory_space<hbm>> -> memref<80x128xi32, #tpu.memory_space<hbm>>
      tpu.enqueue_dma source(%dma_start3A_144 : memref<80x128xi32, #tpu.memory_space<hbm>>) target(%arg9 : memref<80x128xi32, #tpu.memory_space<vmem>>) target_semaphore(%run_scoped3A : memref<!tpu.dma_semaphore, #tpu.memory_space<semaphore_mem>>)
      %dma_wait3A_145 = arith.constant 0 : i32
      %dma_wait3A_146 = arith.constant 0 : i32
      %dma_wait3A_147 = tpu.memref_slice %arg4[%add3A, %dma_wait3A_145, %dma_wait3A_146] : memref<32x80x128xi32, #tpu.memory_space<hbm>> -> memref<1x80x128xi32, #tpu.memory_space<hbm>>
      %dma_wait3A_148 = tpu.memref_squeeze %dma_wait3A_147 : memref<1x80x128xi32, #tpu.memory_space<hbm>> -> memref<80x128xi32, #tpu.memory_space<hbm>>
      %dma_wait3A_149 = arith.constant 0 : i32
      %dma_wait3A_150 = arith.constant 0 : i32
      %dma_wait3A_151 = tpu.memref_slice %arg4[%add3A, %dma_wait3A_149, %dma_wait3A_150] : memref<32x80x128xi32, #tpu.memory_space<hbm>> -> memref<1x80x128xi32, #tpu.memory_space<hbm>>
      %dma_wait3A_152 = tpu.memref_squeeze %dma_wait3A_151 : memref<1x80x128xi32, #tpu.memory_space<hbm>> -> memref<80x128xi32, #tpu.memory_space<hbm>>
      tpu.wait_dma2 semaphore(%run_scoped3A : memref<!tpu.dma_semaphore, #tpu.memory_space<semaphore_mem>>) src(%dma_wait3A_152 : memref<80x128xi32, #tpu.memory_space<hbm>>) dst(%arg9 : memref<80x128xi32, #tpu.memory_space<vmem>>)
      tpu.yield
    }) : () -> ()
    "tpu.region"() ({
      %run_scoped3A = tpu.sem_alloc : memref<!tpu.dma_semaphore, #tpu.memory_space<semaphore_mem>>
      %dma_start3A_137 = arith.constant 0 : i32
      %dma_start3A_138 = arith.constant 0 : i32
      %dma_start3A_139 = tpu.memref_slice %arg5[%add3A, %dma_start3A_137, %dma_start3A_138] : memref<32x80x128xi32, #tpu.memory_space<hbm>> -> memref<1x80x128xi32, #tpu.memory_space<hbm>>
      %dma_start3A_140 = tpu.memref_squeeze %dma_start3A_139 : memref<1x80x128xi32, #tpu.memory_space<hbm>> -> memref<80x128xi32, #tpu.memory_space<hbm>>
      %dma_start3A_141 = arith.constant 0 : i32
      %dma_start3A_142 = arith.constant 0 : i32
      %dma_start3A_143 = tpu.memref_slice %arg5[%add3A, %dma_start3A_141, %dma_start3A_142] : memref<32x80x128xi32, #tpu.memory_space<hbm>> -> memref<1x80x128xi32, #tpu.memory_space<hbm>>
      %dma_start3A_144 = tpu.memref_squeeze %dma_start3A_143 : memref<1x80x128xi32, #tpu.memory_space<hbm>> -> memref<80x128xi32, #tpu.memory_space<hbm>>
      tpu.enqueue_dma source(%dma_start3A_144 : memref<80x128xi32, #tpu.memory_space<hbm>>) target(%arg10 : memref<80x128xi32, #tpu.memory_space<vmem>>) target_semaphore(%run_scoped3A : memref<!tpu.dma_semaphore, #tpu.memory_space<semaphore_mem>>)
      %dma_wait3A_145 = arith.constant 0 : i32
      %dma_wait3A_146 = arith.constant 0 : i32
      %dma_wait3A_147 = tpu.memref_slice %arg5[%add3A, %dma_wait3A_145, %dma_wait3A_146] : memref<32x80x128xi32, #tpu.memory_space<hbm>> -> memref<1x80x128xi32, #tpu.memory_space<hbm>>
      %dma_wait3A_148 = tpu.memref_squeeze %dma_wait3A_147 : memref<1x80x128xi32, #tpu.memory_space<hbm>> -> memref<80x128xi32, #tpu.memory_space<hbm>>
      %dma_wait3A_149 = arith.constant 0 : i32
      %dma_wait3A_150 = arith.constant 0 : i32
      %dma_wait3A_151 = tpu.memref_slice %arg5[%add3A, %dma_wait3A_149, %dma_wait3A_150] : memref<32x80x128xi32, #tpu.memory_space<hbm>> -> memref<1x80x128xi32, #tpu.memory_space<hbm>>
      %dma_wait3A_152 = tpu.memref_squeeze %dma_wait3A_151 : memref<1x80x128xi32, #tpu.memory_space<hbm>> -> memref<80x128xi32, #tpu.memory_space<hbm>>
      tpu.wait_dma2 semaphore(%run_scoped3A : memref<!tpu.dma_semaphore, #tpu.memory_space<semaphore_mem>>) src(%dma_wait3A_152 : memref<80x128xi32, #tpu.memory_space<hbm>>) dst(%arg10 : memref<80x128xi32, #tpu.memory_space<vmem>>)
      tpu.yield
    }) : () -> ()
    %mul3A_5 = arith.constant 640 : i32
    %mul3A_6 = arith.muli %arg1, %mul3A_5 : i32
    %mul3A_7 = arith.constant 640 : i32
    %mul3A_8 = arith.muli %arg1, %mul3A_7 : i32
    "tpu.region"() ({
      %run_scoped3A = tpu.sem_alloc : memref<!tpu.dma_semaphore, #tpu.memory_space<semaphore_mem>>
      %dma_start3A_137 = arith.constant 0 : i32
      %dma_start3A_138 = tpu.memref_slice %arg24[%mul3A_8, %dma_start3A_137] : memref<10240x64xbf16, #tpu.memory_space<vmem_shared>> -> memref<640x64xbf16, #tpu.memory_space<vmem_shared>>
      %dma_start3A_139 = arith.constant 0 : i32
      %dma_start3A_140 = tpu.memref_slice %arg6[%mul3A_6, %dma_start3A_139] : memref<10240x64xbf16, #tpu.memory_space<hbm>> -> memref<640x64xbf16, #tpu.memory_space<hbm>>
      tpu.enqueue_dma source(%dma_start3A_140 : memref<640x64xbf16, #tpu.memory_space<hbm>>) target(%dma_start3A_138 : memref<640x64xbf16, #tpu.memory_space<vmem_shared>>) target_semaphore(%run_scoped3A : memref<!tpu.dma_semaphore, #tpu.memory_space<semaphore_mem>>)
      %dma_wait3A_141 = arith.constant 0 : i32
      %dma_wait3A_142 = tpu.memref_slice %arg24[%mul3A_8, %dma_wait3A_141] : memref<10240x64xbf16, #tpu.memory_space<vmem_shared>> -> memref<640x64xbf16, #tpu.memory_space<vmem_shared>>
      %dma_wait3A_143 = arith.constant 0 : i32
      %dma_wait3A_144 = tpu.memref_slice %arg6[%mul3A_6, %dma_wait3A_143] : memref<10240x64xbf16, #tpu.memory_space<hbm>> -> memref<640x64xbf16, #tpu.memory_space<hbm>>
      tpu.wait_dma2 semaphore(%run_scoped3A : memref<!tpu.dma_semaphore, #tpu.memory_space<semaphore_mem>>) src(%dma_wait3A_144 : memref<640x64xbf16, #tpu.memory_space<hbm>>) dst(%dma_wait3A_142 : memref<640x64xbf16, #tpu.memory_space<vmem_shared>>)
      tpu.yield
    }) : () -> ()
    %barrier3A = arith.constant 0 : index
    tpu.barrier barrier_id(%barrier3A)
    %dma_start3A = arith.constant 0 : i32
    %dma_start3A_9 = arith.constant 0 : i32
    %dma_start3A_10 = tpu.memref_slice %arg8[%dma_start3A, %dma_start3A_9] : memref<80x128xi32, #tpu.memory_space<vmem>> -> memref<1x128xi32, #tpu.memory_space<vmem>>
    %dma_start3A_11 = tpu.memref_squeeze %dma_start3A_10 : memref<1x128xi32, #tpu.memory_space<vmem>> -> memref<128xi32, #tpu.memory_space<vmem>>
    %dma_start3A_12 = arith.constant 0 : i32
    %dma_start3A_13 = arith.constant 0 : i32
    %dma_start3A_14 = tpu.memref_slice %arg23[%dma_start3A_12, %dma_start3A_13] : memref<20480x64xbf16, #tpu.memory_space<vmem_shared>> -> memref<20480x64xbf16, #tpu.memory_space<vmem_shared>>
    tpu.enqueue_indirect_dma source(%dma_start3A_14 : memref<20480x64xbf16, #tpu.memory_space<vmem_shared>>) target(%arg11 : memref<128x64xbf16, #tpu.memory_space<vmem>>) offsets(%dma_start3A_11 : memref<128xi32, #tpu.memory_space<vmem>>) semaphore(%arg15 : memref<!tpu.dma_semaphore, #tpu.memory_space<semaphore_mem>>)
    %dma_start3A_15 = arith.constant 1 : i32
    %dma_start3A_16 = arith.constant 0 : i32
    %dma_start3A_17 = tpu.memref_slice %arg8[%dma_start3A_15, %dma_start3A_16] : memref<80x128xi32, #tpu.memory_space<vmem>> -> memref<1x128xi32, #tpu.memory_space<vmem>>
    %dma_start3A_18 = tpu.memref_squeeze %dma_start3A_17 : memref<1x128xi32, #tpu.memory_space<vmem>> -> memref<128xi32, #tpu.memory_space<vmem>>
    %dma_start3A_19 = arith.constant 0 : i32
    %dma_start3A_20 = arith.constant 0 : i32
    %dma_start3A_21 = tpu.memref_slice %arg23[%dma_start3A_19, %dma_start3A_20] : memref<20480x64xbf16, #tpu.memory_space<vmem_shared>> -> memref<20480x64xbf16, #tpu.memory_space<vmem_shared>>
    tpu.enqueue_indirect_dma source(%dma_start3A_21 : memref<20480x64xbf16, #tpu.memory_space<vmem_shared>>) target(%arg12 : memref<128x64xbf16, #tpu.memory_space<vmem>>) offsets(%dma_start3A_18 : memref<128xi32, #tpu.memory_space<vmem>>) semaphore(%arg16 : memref<!tpu.dma_semaphore, #tpu.memory_space<semaphore_mem>>)
    %dma_start3A_22 = arith.constant 2 : i32
    %dma_start3A_23 = arith.constant 0 : i32
    %dma_start3A_24 = tpu.memref_slice %arg8[%dma_start3A_22, %dma_start3A_23] : memref<80x128xi32, #tpu.memory_space<vmem>> -> memref<1x128xi32, #tpu.memory_space<vmem>>
    %dma_start3A_25 = tpu.memref_squeeze %dma_start3A_24 : memref<1x128xi32, #tpu.memory_space<vmem>> -> memref<128xi32, #tpu.memory_space<vmem>>
    %dma_start3A_26 = arith.constant 0 : i32
    %dma_start3A_27 = arith.constant 0 : i32
    %dma_start3A_28 = tpu.memref_slice %arg23[%dma_start3A_26, %dma_start3A_27] : memref<20480x64xbf16, #tpu.memory_space<vmem_shared>> -> memref<20480x64xbf16, #tpu.memory_space<vmem_shared>>
    tpu.enqueue_indirect_dma source(%dma_start3A_28 : memref<20480x64xbf16, #tpu.memory_space<vmem_shared>>) target(%arg13 : memref<128x64xbf16, #tpu.memory_space<vmem>>) offsets(%dma_start3A_25 : memref<128xi32, #tpu.memory_space<vmem>>) semaphore(%arg17 : memref<!tpu.dma_semaphore, #tpu.memory_space<semaphore_mem>>)
    %scan3A = arith.constant 0 : i32
    %scan3A_29 = arith.constant 0 : i32
    %scan3A_30 = arith.constant 20 : i32
    %scan3A_31 = arith.addi %scan3A_29, %scan3A_30 : i32
    %scan3A_32 = arith.constant 1 : i32
    scf.for %scan3A_137 = %scan3A_29 to %scan3A_31 step %scan3A_32  : i32 {
      %mul3A_138 = arith.constant 4 : i32
      %mul3A_139 = arith.muli %mul3A_138, %scan3A_137 : i32
      %add3A_140 = arith.constant 0 : i32
      %add3A_141 = arith.addi %mul3A_139, %add3A_140 : i32
      %dma_wait3A_142 = arith.constant 0 : i32
      %dma_wait3A_143 = tpu.memref_slice %arg8[%add3A_141, %dma_wait3A_142] : memref<80x128xi32, #tpu.memory_space<vmem>> -> memref<1x128xi32, #tpu.memory_space<vmem>>
      %dma_wait3A_144 = tpu.memref_squeeze %dma_wait3A_143 : memref<1x128xi32, #tpu.memory_space<vmem>> -> memref<128xi32, #tpu.memory_space<vmem>>
      %dma_wait3A_145 = arith.constant 0 : i32
      %dma_wait3A_146 = arith.constant 0 : i32
      %dma_wait3A_147 = tpu.memref_slice %arg23[%dma_wait3A_145, %dma_wait3A_146] : memref<20480x64xbf16, #tpu.memory_space<vmem_shared>> -> memref<20480x64xbf16, #tpu.memory_space<vmem_shared>>
      tpu.wait_indirect_dma semaphore(%arg15 : memref<!tpu.dma_semaphore, #tpu.memory_space<semaphore_mem>>) src(%dma_wait3A_147 : memref<20480x64xbf16, #tpu.memory_space<vmem_shared>>) dst(%arg11 : memref<128x64xbf16, #tpu.memory_space<vmem>>)
      %dma_start3A_148 = arith.constant 0 : i32
      %dma_start3A_149 = tpu.memref_slice %arg10[%add3A_141, %dma_start3A_148] : memref<80x128xi32, #tpu.memory_space<vmem>> -> memref<1x128xi32, #tpu.memory_space<vmem>>
      %dma_start3A_150 = tpu.memref_squeeze %dma_start3A_149 : memref<1x128xi32, #tpu.memory_space<vmem>> -> memref<128xi32, #tpu.memory_space<vmem>>
      %dma_start3A_151 = arith.constant 0 : i32
      %dma_start3A_152 = arith.constant 0 : i32
      %dma_start3A_153 = tpu.memref_slice %arg24[%dma_start3A_151, %dma_start3A_152] : memref<10240x64xbf16, #tpu.memory_space<vmem_shared>> -> memref<10240x64xbf16, #tpu.memory_space<vmem_shared>>
      tpu.enqueue_indirect_dma source(%arg11 : memref<128x64xbf16, #tpu.memory_space<vmem>>) target(%dma_start3A_153 : memref<10240x64xbf16, #tpu.memory_space<vmem_shared>>) offsets(%dma_start3A_150 : memref<128xi32, #tpu.memory_space<vmem>>) semaphore(%arg19 : memref<!tpu.dma_semaphore, #tpu.memory_space<semaphore_mem>>) {add = true}
      %add3A_154 = arith.constant 4 : i32
      %add3A_155 = arith.addi %add3A_141, %add3A_154 : i32
      %sub3A = arith.constant 1 : i32
      %sub3A_156 = arith.subi %add3A_155, %sub3A : i32
      %lt3A = arith.constant 80 : i32
      %lt3A_157 = arith.cmpi slt, %sub3A_156, %lt3A : i32
      %convert_element_type3A = arith.extui %lt3A_157 : i1 to i32
      %cond3A = arith.constant 0 : i32
      %cond3A_158 = arith.cmpi ne, %convert_element_type3A, %cond3A : i32
      scf.if %cond3A_158 {
        %ge3A = arith.constant 1 : i32
        %ge3A_234 = arith.cmpi sge, %add3A_141, %ge3A : i32
        %convert_element_type3A_235 = arith.extui %ge3A_234 : i1 to i32
        %cond3A_236 = arith.constant 0 : i32
        %cond3A_237 = arith.cmpi ne, %convert_element_type3A_235, %cond3A_236 : i32
        scf.if %cond3A_237 {
          %dma_wait3A_248 = arith.constant 0 : i32
          %dma_wait3A_249 = arith.constant 0 : i32
          %dma_wait3A_250 = tpu.memref_slice %arg10[%dma_wait3A_248, %dma_wait3A_249] : memref<80x128xi32, #tpu.memory_space<vmem>> -> memref<1x128xi32, #tpu.memory_space<vmem>>
          %dma_wait3A_251 = tpu.memref_squeeze %dma_wait3A_250 : memref<1x128xi32, #tpu.memory_space<vmem>> -> memref<128xi32, #tpu.memory_space<vmem>>
          %dma_wait3A_252 = arith.constant 0 : i32
          %dma_wait3A_253 = arith.constant 0 : i32
          %dma_wait3A_254 = tpu.memref_slice %arg24[%dma_wait3A_252, %dma_wait3A_253] : memref<10240x64xbf16, #tpu.memory_space<vmem_shared>> -> memref<10240x64xbf16, #tpu.memory_space<vmem_shared>>
          tpu.wait_indirect_dma semaphore(%arg22 : memref<!tpu.dma_semaphore, #tpu.memory_space<semaphore_mem>>) src(%arg14 : memref<128x64xbf16, #tpu.memory_space<vmem>>) dst(%dma_wait3A_254 : memref<10240x64xbf16, #tpu.memory_space<vmem_shared>>)
        } else {
        }
        %add3A_238 = arith.constant 4 : i32
        %add3A_239 = arith.addi %add3A_141, %add3A_238 : i32
        %sub3A_240 = arith.constant 1 : i32
        %sub3A_241 = arith.subi %add3A_239, %sub3A_240 : i32
        %dma_start3A_242 = arith.constant 0 : i32
        %dma_start3A_243 = tpu.memref_slice %arg8[%sub3A_241, %dma_start3A_242] : memref<80x128xi32, #tpu.memory_space<vmem>> -> memref<1x128xi32, #tpu.memory_space<vmem>>
        %dma_start3A_244 = tpu.memref_squeeze %dma_start3A_243 : memref<1x128xi32, #tpu.memory_space<vmem>> -> memref<128xi32, #tpu.memory_space<vmem>>
        %dma_start3A_245 = arith.constant 0 : i32
        %dma_start3A_246 = arith.constant 0 : i32
        %dma_start3A_247 = tpu.memref_slice %arg23[%dma_start3A_245, %dma_start3A_246] : memref<20480x64xbf16, #tpu.memory_space<vmem_shared>> -> memref<20480x64xbf16, #tpu.memory_space<vmem_shared>>
        tpu.enqueue_indirect_dma source(%dma_start3A_247 : memref<20480x64xbf16, #tpu.memory_space<vmem_shared>>) target(%arg14 : memref<128x64xbf16, #tpu.memory_space<vmem>>) offsets(%dma_start3A_244 : memref<128xi32, #tpu.memory_space<vmem>>) semaphore(%arg18 : memref<!tpu.dma_semaphore, #tpu.memory_space<semaphore_mem>>)
      } else {
      }
      %mul3A_159 = arith.constant 4 : i32
      %mul3A_160 = arith.muli %mul3A_159, %scan3A_137 : i32
      %add3A_161 = arith.constant 1 : i32
      %add3A_162 = arith.addi %mul3A_160, %add3A_161 : i32
      %dma_wait3A_163 = arith.constant 0 : i32
      %dma_wait3A_164 = tpu.memref_slice %arg8[%add3A_162, %dma_wait3A_163] : memref<80x128xi32, #tpu.memory_space<vmem>> -> memref<1x128xi32, #tpu.memory_space<vmem>>
      %dma_wait3A_165 = tpu.memref_squeeze %dma_wait3A_164 : memref<1x128xi32, #tpu.memory_space<vmem>> -> memref<128xi32, #tpu.memory_space<vmem>>
      %dma_wait3A_166 = arith.constant 0 : i32
      %dma_wait3A_167 = arith.constant 0 : i32
      %dma_wait3A_168 = tpu.memref_slice %arg23[%dma_wait3A_166, %dma_wait3A_167] : memref<20480x64xbf16, #tpu.memory_space<vmem_shared>> -> memref<20480x64xbf16, #tpu.memory_space<vmem_shared>>
      tpu.wait_indirect_dma semaphore(%arg16 : memref<!tpu.dma_semaphore, #tpu.memory_space<semaphore_mem>>) src(%dma_wait3A_168 : memref<20480x64xbf16, #tpu.memory_space<vmem_shared>>) dst(%arg12 : memref<128x64xbf16, #tpu.memory_space<vmem>>)
      %dma_start3A_169 = arith.constant 0 : i32
      %dma_start3A_170 = tpu.memref_slice %arg10[%add3A_162, %dma_start3A_169] : memref<80x128xi32, #tpu.memory_space<vmem>> -> memref<1x128xi32, #tpu.memory_space<vmem>>
      %dma_start3A_171 = tpu.memref_squeeze %dma_start3A_170 : memref<1x128xi32, #tpu.memory_space<vmem>> -> memref<128xi32, #tpu.memory_space<vmem>>
      %dma_start3A_172 = arith.constant 0 : i32
      %dma_start3A_173 = arith.constant 0 : i32
      %dma_start3A_174 = tpu.memref_slice %arg24[%dma_start3A_172, %dma_start3A_173] : memref<10240x64xbf16, #tpu.memory_space<vmem_shared>> -> memref<10240x64xbf16, #tpu.memory_space<vmem_shared>>
      tpu.enqueue_indirect_dma source(%arg12 : memref<128x64xbf16, #tpu.memory_space<vmem>>) target(%dma_start3A_174 : memref<10240x64xbf16, #tpu.memory_space<vmem_shared>>) offsets(%dma_start3A_171 : memref<128xi32, #tpu.memory_space<vmem>>) semaphore(%arg20 : memref<!tpu.dma_semaphore, #tpu.memory_space<semaphore_mem>>) {add = true}
      %add3A_175 = arith.constant 4 : i32
      %add3A_176 = arith.addi %add3A_162, %add3A_175 : i32
      %sub3A_177 = arith.constant 1 : i32
      %sub3A_178 = arith.subi %add3A_176, %sub3A_177 : i32
      %lt3A_179 = arith.constant 80 : i32
      %lt3A_180 = arith.cmpi slt, %sub3A_178, %lt3A_179 : i32
      %convert_element_type3A_181 = arith.extui %lt3A_180 : i1 to i32
      %cond3A_182 = arith.constant 0 : i32
      %cond3A_183 = arith.cmpi ne, %convert_element_type3A_181, %cond3A_182 : i32
      scf.if %cond3A_183 {
        %ge3A = arith.constant 1 : i32
        %ge3A_234 = arith.cmpi sge, %add3A_162, %ge3A : i32
        %convert_element_type3A_235 = arith.extui %ge3A_234 : i1 to i32
        %cond3A_236 = arith.constant 0 : i32
        %cond3A_237 = arith.cmpi ne, %convert_element_type3A_235, %cond3A_236 : i32
        scf.if %cond3A_237 {
          %dma_wait3A_248 = arith.constant 0 : i32
          %dma_wait3A_249 = arith.constant 0 : i32
          %dma_wait3A_250 = tpu.memref_slice %arg10[%dma_wait3A_248, %dma_wait3A_249] : memref<80x128xi32, #tpu.memory_space<vmem>> -> memref<1x128xi32, #tpu.memory_space<vmem>>
          %dma_wait3A_251 = tpu.memref_squeeze %dma_wait3A_250 : memref<1x128xi32, #tpu.memory_space<vmem>> -> memref<128xi32, #tpu.memory_space<vmem>>
          %dma_wait3A_252 = arith.constant 0 : i32
          %dma_wait3A_253 = arith.constant 0 : i32
          %dma_wait3A_254 = tpu.memref_slice %arg24[%dma_wait3A_252, %dma_wait3A_253] : memref<10240x64xbf16, #tpu.memory_space<vmem_shared>> -> memref<10240x64xbf16, #tpu.memory_space<vmem_shared>>
          tpu.wait_indirect_dma semaphore(%arg19 : memref<!tpu.dma_semaphore, #tpu.memory_space<semaphore_mem>>) src(%arg11 : memref<128x64xbf16, #tpu.memory_space<vmem>>) dst(%dma_wait3A_254 : memref<10240x64xbf16, #tpu.memory_space<vmem_shared>>)
        } else {
        }
        %add3A_238 = arith.constant 4 : i32
        %add3A_239 = arith.addi %add3A_162, %add3A_238 : i32
        %sub3A_240 = arith.constant 1 : i32
        %sub3A_241 = arith.subi %add3A_239, %sub3A_240 : i32
        %dma_start3A_242 = arith.constant 0 : i32
        %dma_start3A_243 = tpu.memref_slice %arg8[%sub3A_241, %dma_start3A_242] : memref<80x128xi32, #tpu.memory_space<vmem>> -> memref<1x128xi32, #tpu.memory_space<vmem>>
        %dma_start3A_244 = tpu.memref_squeeze %dma_start3A_243 : memref<1x128xi32, #tpu.memory_space<vmem>> -> memref<128xi32, #tpu.memory_space<vmem>>
        %dma_start3A_245 = arith.constant 0 : i32
        %dma_start3A_246 = arith.constant 0 : i32
        %dma_start3A_247 = tpu.memref_slice %arg23[%dma_start3A_245, %dma_start3A_246] : memref<20480x64xbf16, #tpu.memory_space<vmem_shared>> -> memref<20480x64xbf16, #tpu.memory_space<vmem_shared>>
        tpu.enqueue_indirect_dma source(%dma_start3A_247 : memref<20480x64xbf16, #tpu.memory_space<vmem_shared>>) target(%arg11 : memref<128x64xbf16, #tpu.memory_space<vmem>>) offsets(%dma_start3A_244 : memref<128xi32, #tpu.memory_space<vmem>>) semaphore(%arg15 : memref<!tpu.dma_semaphore, #tpu.memory_space<semaphore_mem>>)
      } else {
      }
      %mul3A_184 = arith.constant 4 : i32
      %mul3A_185 = arith.muli %mul3A_184, %scan3A_137 : i32
      %add3A_186 = arith.constant 2 : i32
      %add3A_187 = arith.addi %mul3A_185, %add3A_186 : i32
      %dma_wait3A_188 = arith.constant 0 : i32
      %dma_wait3A_189 = tpu.memref_slice %arg8[%add3A_187, %dma_wait3A_188] : memref<80x128xi32, #tpu.memory_space<vmem>> -> memref<1x128xi32, #tpu.memory_space<vmem>>
      %dma_wait3A_190 = tpu.memref_squeeze %dma_wait3A_189 : memref<1x128xi32, #tpu.memory_space<vmem>> -> memref<128xi32, #tpu.memory_space<vmem>>
      %dma_wait3A_191 = arith.constant 0 : i32
      %dma_wait3A_192 = arith.constant 0 : i32
      %dma_wait3A_193 = tpu.memref_slice %arg23[%dma_wait3A_191, %dma_wait3A_192] : memref<20480x64xbf16, #tpu.memory_space<vmem_shared>> -> memref<20480x64xbf16, #tpu.memory_space<vmem_shared>>
      tpu.wait_indirect_dma semaphore(%arg17 : memref<!tpu.dma_semaphore, #tpu.memory_space<semaphore_mem>>) src(%dma_wait3A_193 : memref<20480x64xbf16, #tpu.memory_space<vmem_shared>>) dst(%arg13 : memref<128x64xbf16, #tpu.memory_space<vmem>>)
      %dma_start3A_194 = arith.constant 0 : i32
      %dma_start3A_195 = tpu.memref_slice %arg10[%add3A_187, %dma_start3A_194] : memref<80x128xi32, #tpu.memory_space<vmem>> -> memref<1x128xi32, #tpu.memory_space<vmem>>
      %dma_start3A_196 = tpu.memref_squeeze %dma_start3A_195 : memref<1x128xi32, #tpu.memory_space<vmem>> -> memref<128xi32, #tpu.memory_space<vmem>>
      %dma_start3A_197 = arith.constant 0 : i32
      %dma_start3A_198 = arith.constant 0 : i32
      %dma_start3A_199 = tpu.memref_slice %arg24[%dma_start3A_197, %dma_start3A_198] : memref<10240x64xbf16, #tpu.memory_space<vmem_shared>> -> memref<10240x64xbf16, #tpu.memory_space<vmem_shared>>
      tpu.enqueue_indirect_dma source(%arg13 : memref<128x64xbf16, #tpu.memory_space<vmem>>) target(%dma_start3A_199 : memref<10240x64xbf16, #tpu.memory_space<vmem_shared>>) offsets(%dma_start3A_196 : memref<128xi32, #tpu.memory_space<vmem>>) semaphore(%arg21 : memref<!tpu.dma_semaphore, #tpu.memory_space<semaphore_mem>>) {add = true}
      %add3A_200 = arith.constant 4 : i32
      %add3A_201 = arith.addi %add3A_187, %add3A_200 : i32
      %sub3A_202 = arith.constant 1 : i32
      %sub3A_203 = arith.subi %add3A_201, %sub3A_202 : i32
      %lt3A_204 = arith.constant 80 : i32
      %lt3A_205 = arith.cmpi slt, %sub3A_203, %lt3A_204 : i32
      %convert_element_type3A_206 = arith.extui %lt3A_205 : i1 to i32
      %cond3A_207 = arith.constant 0 : i32
      %cond3A_208 = arith.cmpi ne, %convert_element_type3A_206, %cond3A_207 : i32
      scf.if %cond3A_208 {
        %ge3A = arith.constant 1 : i32
        %ge3A_234 = arith.cmpi sge, %add3A_187, %ge3A : i32
        %convert_element_type3A_235 = arith.extui %ge3A_234 : i1 to i32
        %cond3A_236 = arith.constant 0 : i32
        %cond3A_237 = arith.cmpi ne, %convert_element_type3A_235, %cond3A_236 : i32
        scf.if %cond3A_237 {
          %dma_wait3A_248 = arith.constant 0 : i32
          %dma_wait3A_249 = arith.constant 0 : i32
          %dma_wait3A_250 = tpu.memref_slice %arg10[%dma_wait3A_248, %dma_wait3A_249] : memref<80x128xi32, #tpu.memory_space<vmem>> -> memref<1x128xi32, #tpu.memory_space<vmem>>
          %dma_wait3A_251 = tpu.memref_squeeze %dma_wait3A_250 : memref<1x128xi32, #tpu.memory_space<vmem>> -> memref<128xi32, #tpu.memory_space<vmem>>
          %dma_wait3A_252 = arith.constant 0 : i32
          %dma_wait3A_253 = arith.constant 0 : i32
          %dma_wait3A_254 = tpu.memref_slice %arg24[%dma_wait3A_252, %dma_wait3A_253] : memref<10240x64xbf16, #tpu.memory_space<vmem_shared>> -> memref<10240x64xbf16, #tpu.memory_space<vmem_shared>>
          tpu.wait_indirect_dma semaphore(%arg20 : memref<!tpu.dma_semaphore, #tpu.memory_space<semaphore_mem>>) src(%arg12 : memref<128x64xbf16, #tpu.memory_space<vmem>>) dst(%dma_wait3A_254 : memref<10240x64xbf16, #tpu.memory_space<vmem_shared>>)
        } else {
        }
        %add3A_238 = arith.constant 4 : i32
        %add3A_239 = arith.addi %add3A_187, %add3A_238 : i32
        %sub3A_240 = arith.constant 1 : i32
        %sub3A_241 = arith.subi %add3A_239, %sub3A_240 : i32
        %dma_start3A_242 = arith.constant 0 : i32
        %dma_start3A_243 = tpu.memref_slice %arg8[%sub3A_241, %dma_start3A_242] : memref<80x128xi32, #tpu.memory_space<vmem>> -> memref<1x128xi32, #tpu.memory_space<vmem>>
        %dma_start3A_244 = tpu.memref_squeeze %dma_start3A_243 : memref<1x128xi32, #tpu.memory_space<vmem>> -> memref<128xi32, #tpu.memory_space<vmem>>
        %dma_start3A_245 = arith.constant 0 : i32
        %dma_start3A_246 = arith.constant 0 : i32
        %dma_start3A_247 = tpu.memref_slice %arg23[%dma_start3A_245, %dma_start3A_246] : memref<20480x64xbf16, #tpu.memory_space<vmem_shared>> -> memref<20480x64xbf16, #tpu.memory_space<vmem_shared>>
        tpu.enqueue_indirect_dma source(%dma_start3A_247 : memref<20480x64xbf16, #tpu.memory_space<vmem_shared>>) target(%arg12 : memref<128x64xbf16, #tpu.memory_space<vmem>>) offsets(%dma_start3A_244 : memref<128xi32, #tpu.memory_space<vmem>>) semaphore(%arg16 : memref<!tpu.dma_semaphore, #tpu.memory_space<semaphore_mem>>)
      } else {
      }
      %mul3A_209 = arith.constant 4 : i32
      %mul3A_210 = arith.muli %mul3A_209, %scan3A_137 : i32
      %add3A_211 = arith.constant 3 : i32
      %add3A_212 = arith.addi %mul3A_210, %add3A_211 : i32
      %dma_wait3A_213 = arith.constant 0 : i32
      %dma_wait3A_214 = tpu.memref_slice %arg8[%add3A_212, %dma_wait3A_213] : memref<80x128xi32, #tpu.memory_space<vmem>> -> memref<1x128xi32, #tpu.memory_space<vmem>>
      %dma_wait3A_215 = tpu.memref_squeeze %dma_wait3A_214 : memref<1x128xi32, #tpu.memory_space<vmem>> -> memref<128xi32, #tpu.memory_space<vmem>>
      %dma_wait3A_216 = arith.constant 0 : i32
      %dma_wait3A_217 = arith.constant 0 : i32
      %dma_wait3A_218 = tpu.memref_slice %arg23[%dma_wait3A_216, %dma_wait3A_217] : memref<20480x64xbf16, #tpu.memory_space<vmem_shared>> -> memref<20480x64xbf16, #tpu.memory_space<vmem_shared>>
      tpu.wait_indirect_dma semaphore(%arg18 : memref<!tpu.dma_semaphore, #tpu.memory_space<semaphore_mem>>) src(%dma_wait3A_218 : memref<20480x64xbf16, #tpu.memory_space<vmem_shared>>) dst(%arg14 : memref<128x64xbf16, #tpu.memory_space<vmem>>)
      %dma_start3A_219 = arith.constant 0 : i32
      %dma_start3A_220 = tpu.memref_slice %arg10[%add3A_212, %dma_start3A_219] : memref<80x128xi32, #tpu.memory_space<vmem>> -> memref<1x128xi32, #tpu.memory_space<vmem>>
      %dma_start3A_221 = tpu.memref_squeeze %dma_start3A_220 : memref<1x128xi32, #tpu.memory_space<vmem>> -> memref<128xi32, #tpu.memory_space<vmem>>
      %dma_start3A_222 = arith.constant 0 : i32
      %dma_start3A_223 = arith.constant 0 : i32
      %dma_start3A_224 = tpu.memref_slice %arg24[%dma_start3A_222, %dma_start3A_223] : memref<10240x64xbf16, #tpu.memory_space<vmem_shared>> -> memref<10240x64xbf16, #tpu.memory_space<vmem_shared>>
      tpu.enqueue_indirect_dma source(%arg14 : memref<128x64xbf16, #tpu.memory_space<vmem>>) target(%dma_start3A_224 : memref<10240x64xbf16, #tpu.memory_space<vmem_shared>>) offsets(%dma_start3A_221 : memref<128xi32, #tpu.memory_space<vmem>>) semaphore(%arg22 : memref<!tpu.dma_semaphore, #tpu.memory_space<semaphore_mem>>) {add = true}
      %add3A_225 = arith.constant 4 : i32
      %add3A_226 = arith.addi %add3A_212, %add3A_225 : i32
      %sub3A_227 = arith.constant 1 : i32
      %sub3A_228 = arith.subi %add3A_226, %sub3A_227 : i32
      %lt3A_229 = arith.constant 80 : i32
      %lt3A_230 = arith.cmpi slt, %sub3A_228, %lt3A_229 : i32
      %convert_element_type3A_231 = arith.extui %lt3A_230 : i1 to i32
      %cond3A_232 = arith.constant 0 : i32
      %cond3A_233 = arith.cmpi ne, %convert_element_type3A_231, %cond3A_232 : i32
      scf.if %cond3A_233 {
        %ge3A = arith.constant 1 : i32
        %ge3A_234 = arith.cmpi sge, %add3A_212, %ge3A : i32
        %convert_element_type3A_235 = arith.extui %ge3A_234 : i1 to i32
        %cond3A_236 = arith.constant 0 : i32
        %cond3A_237 = arith.cmpi ne, %convert_element_type3A_235, %cond3A_236 : i32
        scf.if %cond3A_237 {
          %dma_wait3A_248 = arith.constant 0 : i32
          %dma_wait3A_249 = arith.constant 0 : i32
          %dma_wait3A_250 = tpu.memref_slice %arg10[%dma_wait3A_248, %dma_wait3A_249] : memref<80x128xi32, #tpu.memory_space<vmem>> -> memref<1x128xi32, #tpu.memory_space<vmem>>
          %dma_wait3A_251 = tpu.memref_squeeze %dma_wait3A_250 : memref<1x128xi32, #tpu.memory_space<vmem>> -> memref<128xi32, #tpu.memory_space<vmem>>
          %dma_wait3A_252 = arith.constant 0 : i32
          %dma_wait3A_253 = arith.constant 0 : i32
          %dma_wait3A_254 = tpu.memref_slice %arg24[%dma_wait3A_252, %dma_wait3A_253] : memref<10240x64xbf16, #tpu.memory_space<vmem_shared>> -> memref<10240x64xbf16, #tpu.memory_space<vmem_shared>>
          tpu.wait_indirect_dma semaphore(%arg21 : memref<!tpu.dma_semaphore, #tpu.memory_space<semaphore_mem>>) src(%arg13 : memref<128x64xbf16, #tpu.memory_space<vmem>>) dst(%dma_wait3A_254 : memref<10240x64xbf16, #tpu.memory_space<vmem_shared>>)
        } else {
        }
        %add3A_238 = arith.constant 4 : i32
        %add3A_239 = arith.addi %add3A_212, %add3A_238 : i32
        %sub3A_240 = arith.constant 1 : i32
        %sub3A_241 = arith.subi %add3A_239, %sub3A_240 : i32
        %dma_start3A_242 = arith.constant 0 : i32
        %dma_start3A_243 = tpu.memref_slice %arg8[%sub3A_241, %dma_start3A_242] : memref<80x128xi32, #tpu.memory_space<vmem>> -> memref<1x128xi32, #tpu.memory_space<vmem>>
        %dma_start3A_244 = tpu.memref_squeeze %dma_start3A_243 : memref<1x128xi32, #tpu.memory_space<vmem>> -> memref<128xi32, #tpu.memory_space<vmem>>
        %dma_start3A_245 = arith.constant 0 : i32
        %dma_start3A_246 = arith.constant 0 : i32
        %dma_start3A_247 = tpu.memref_slice %arg23[%dma_start3A_245, %dma_start3A_246] : memref<20480x64xbf16, #tpu.memory_space<vmem_shared>> -> memref<20480x64xbf16, #tpu.memory_space<vmem_shared>>
        tpu.enqueue_indirect_dma source(%dma_start3A_247 : memref<20480x64xbf16, #tpu.memory_space<vmem_shared>>) target(%arg13 : memref<128x64xbf16, #tpu.memory_space<vmem>>) offsets(%dma_start3A_244 : memref<128xi32, #tpu.memory_space<vmem>>) semaphore(%arg17 : memref<!tpu.dma_semaphore, #tpu.memory_space<semaphore_mem>>)
      } else {
      }
    }
    %scan3A_33 = arith.constant 20 : i32
    %dma_wait3A = arith.constant 0 : i32
    %dma_wait3A_34 = arith.constant 0 : i32
    %dma_wait3A_35 = tpu.memref_slice %arg10[%dma_wait3A, %dma_wait3A_34] : memref<80x128xi32, #tpu.memory_space<vmem>> -> memref<1x128xi32, #tpu.memory_space<vmem>>
    %dma_wait3A_36 = tpu.memref_squeeze %dma_wait3A_35 : memref<1x128xi32, #tpu.memory_space<vmem>> -> memref<128xi32, #tpu.memory_space<vmem>>
    %dma_wait3A_37 = arith.constant 0 : i32
    %dma_wait3A_38 = arith.constant 0 : i32
    %dma_wait3A_39 = tpu.memref_slice %arg24[%dma_wait3A_37, %dma_wait3A_38] : memref<10240x64xbf16, #tpu.memory_space<vmem_shared>> -> memref<10240x64xbf16, #tpu.memory_space<vmem_shared>>
    tpu.wait_indirect_dma semaphore(%arg19 : memref<!tpu.dma_semaphore, #tpu.memory_space<semaphore_mem>>) src(%arg11 : memref<128x64xbf16, #tpu.memory_space<vmem>>) dst(%dma_wait3A_39 : memref<10240x64xbf16, #tpu.memory_space<vmem_shared>>)
    %dma_wait3A_40 = arith.constant 0 : i32
    %dma_wait3A_41 = arith.constant 0 : i32
    %dma_wait3A_42 = tpu.memref_slice %arg10[%dma_wait3A_40, %dma_wait3A_41] : memref<80x128xi32, #tpu.memory_space<vmem>> -> memref<1x128xi32, #tpu.memory_space<vmem>>
    %dma_wait3A_43 = tpu.memref_squeeze %dma_wait3A_42 : memref<1x128xi32, #tpu.memory_space<vmem>> -> memref<128xi32, #tpu.memory_space<vmem>>
    %dma_wait3A_44 = arith.constant 0 : i32
    %dma_wait3A_45 = arith.constant 0 : i32
    %dma_wait3A_46 = tpu.memref_slice %arg24[%dma_wait3A_44, %dma_wait3A_45] : memref<10240x64xbf16, #tpu.memory_space<vmem_shared>> -> memref<10240x64xbf16, #tpu.memory_space<vmem_shared>>
    tpu.wait_indirect_dma semaphore(%arg20 : memref<!tpu.dma_semaphore, #tpu.memory_space<semaphore_mem>>) src(%arg12 : memref<128x64xbf16, #tpu.memory_space<vmem>>) dst(%dma_wait3A_46 : memref<10240x64xbf16, #tpu.memory_space<vmem_shared>>)
    %dma_wait3A_47 = arith.constant 0 : i32
    %dma_wait3A_48 = arith.constant 0 : i32
    %dma_wait3A_49 = tpu.memref_slice %arg10[%dma_wait3A_47, %dma_wait3A_48] : memref<80x128xi32, #tpu.memory_space<vmem>> -> memref<1x128xi32, #tpu.memory_space<vmem>>
    %dma_wait3A_50 = tpu.memref_squeeze %dma_wait3A_49 : memref<1x128xi32, #tpu.memory_space<vmem>> -> memref<128xi32, #tpu.memory_space<vmem>>
    %dma_wait3A_51 = arith.constant 0 : i32
    %dma_wait3A_52 = arith.constant 0 : i32
    %dma_wait3A_53 = tpu.memref_slice %arg24[%dma_wait3A_51, %dma_wait3A_52] : memref<10240x64xbf16, #tpu.memory_space<vmem_shared>> -> memref<10240x64xbf16, #tpu.memory_space<vmem_shared>>
    tpu.wait_indirect_dma semaphore(%arg21 : memref<!tpu.dma_semaphore, #tpu.memory_space<semaphore_mem>>) src(%arg13 : memref<128x64xbf16, #tpu.memory_space<vmem>>) dst(%dma_wait3A_53 : memref<10240x64xbf16, #tpu.memory_space<vmem_shared>>)
    %dma_wait3A_54 = arith.constant 0 : i32
    %dma_wait3A_55 = arith.constant 0 : i32
    %dma_wait3A_56 = tpu.memref_slice %arg10[%dma_wait3A_54, %dma_wait3A_55] : memref<80x128xi32, #tpu.memory_space<vmem>> -> memref<1x128xi32, #tpu.memory_space<vmem>>
    %dma_wait3A_57 = tpu.memref_squeeze %dma_wait3A_56 : memref<1x128xi32, #tpu.memory_space<vmem>> -> memref<128xi32, #tpu.memory_space<vmem>>
    %dma_wait3A_58 = arith.constant 0 : i32
    %dma_wait3A_59 = arith.constant 0 : i32
    %dma_wait3A_60 = tpu.memref_slice %arg24[%dma_wait3A_58, %dma_wait3A_59] : memref<10240x64xbf16, #tpu.memory_space<vmem_shared>> -> memref<10240x64xbf16, #tpu.memory_space<vmem_shared>>
    tpu.wait_indirect_dma semaphore(%arg22 : memref<!tpu.dma_semaphore, #tpu.memory_space<semaphore_mem>>) src(%arg14 : memref<128x64xbf16, #tpu.memory_space<vmem>>) dst(%dma_wait3A_60 : memref<10240x64xbf16, #tpu.memory_space<vmem_shared>>)
    %barrier3A_61 = arith.constant 0 : index
    tpu.barrier barrier_id(%barrier3A_61)
    %mul3A_62 = arith.constant 640 : i32
    %mul3A_63 = arith.muli %arg1, %mul3A_62 : i32
    %mul3A_64 = arith.constant 16 : i32
    %mul3A_65 = arith.muli %arg0, %mul3A_64 : i32
    %add3A_66 = arith.constant 0 : i32
    %add3A_67 = arith.addi %add3A_66, %mul3A_65 : i32
    %add3A_68 = arith.addi %add3A_67, %arg1 : i32
    "tpu.region"() ({
      %run_scoped3A = tpu.sem_alloc : memref<!tpu.dma_semaphore, #tpu.memory_space<semaphore_mem>>
      %dma_start3A_137 = arith.constant 0 : i32
      %dma_start3A_138 = arith.constant 0 : i32
      %dma_start3A_139 = tpu.memref_slice %arg7[%add3A_68, %dma_start3A_137, %dma_start3A_138] : memref<64x640x64xbf16, #tpu.memory_space<hbm>> -> memref<1x640x64xbf16, #tpu.memory_space<hbm>>
      %dma_start3A_140 = tpu.memref_squeeze %dma_start3A_139 : memref<1x640x64xbf16, #tpu.memory_space<hbm>> -> memref<640x64xbf16, #tpu.memory_space<hbm>>
      %dma_start3A_141 = arith.constant 0 : i32
      %dma_start3A_142 = tpu.memref_slice %arg24[%mul3A_63, %dma_start3A_141] : memref<10240x64xbf16, #tpu.memory_space<vmem_shared>> -> memref<640x64xbf16, #tpu.memory_space<vmem_shared>>
      tpu.enqueue_dma source(%dma_start3A_142 : memref<640x64xbf16, #tpu.memory_space<vmem_shared>>) target(%dma_start3A_140 : memref<640x64xbf16, #tpu.memory_space<hbm>>) target_semaphore(%run_scoped3A : memref<!tpu.dma_semaphore, #tpu.memory_space<semaphore_mem>>)
      %dma_wait3A_143 = arith.constant 0 : i32
      %dma_wait3A_144 = arith.constant 0 : i32
      %dma_wait3A_145 = tpu.memref_slice %arg7[%add3A_68, %dma_wait3A_143, %dma_wait3A_144] : memref<64x640x64xbf16, #tpu.memory_space<hbm>> -> memref<1x640x64xbf16, #tpu.memory_space<hbm>>
      %dma_wait3A_146 = tpu.memref_squeeze %dma_wait3A_145 : memref<1x640x64xbf16, #tpu.memory_space<hbm>> -> memref<640x64xbf16, #tpu.memory_space<hbm>>
      %dma_wait3A_147 = arith.constant 0 : i32
      %dma_wait3A_148 = tpu.memref_slice %arg24[%mul3A_63, %dma_wait3A_147] : memref<10240x64xbf16, #tpu.memory_space<vmem_shared>> -> memref<640x64xbf16, #tpu.memory_space<vmem_shared>>
      tpu.wait_dma2 semaphore(%run_scoped3A : memref<!tpu.dma_semaphore, #tpu.memory_space<semaphore_mem>>) src(%dma_wait3A_148 : memref<640x64xbf16, #tpu.memory_space<vmem_shared>>) dst(%dma_wait3A_146 : memref<640x64xbf16, #tpu.memory_space<hbm>>)
      tpu.yield
    }) : () -> ()
    %mul3A_69 = arith.constant 640 : i32
    %mul3A_70 = arith.muli %arg1, %mul3A_69 : i32
    %mul3A_71 = arith.constant 640 : i32
    %mul3A_72 = arith.muli %arg1, %mul3A_71 : i32
    "tpu.region"() ({
      %run_scoped3A = tpu.sem_alloc : memref<!tpu.dma_semaphore, #tpu.memory_space<semaphore_mem>>
      %dma_start3A_137 = arith.constant 0 : i32
      %dma_start3A_138 = tpu.memref_slice %arg24[%mul3A_72, %dma_start3A_137] : memref<10240x64xbf16, #tpu.memory_space<vmem_shared>> -> memref<640x64xbf16, #tpu.memory_space<vmem_shared>>
      %dma_start3A_139 = arith.constant 0 : i32
      %dma_start3A_140 = tpu.memref_slice %arg6[%mul3A_70, %dma_start3A_139] : memref<10240x64xbf16, #tpu.memory_space<hbm>> -> memref<640x64xbf16, #tpu.memory_space<hbm>>
      tpu.enqueue_dma source(%dma_start3A_140 : memref<640x64xbf16, #tpu.memory_space<hbm>>) target(%dma_start3A_138 : memref<640x64xbf16, #tpu.memory_space<vmem_shared>>) target_semaphore(%run_scoped3A : memref<!tpu.dma_semaphore, #tpu.memory_space<semaphore_mem>>)
      %dma_wait3A_141 = arith.constant 0 : i32
      %dma_wait3A_142 = tpu.memref_slice %arg24[%mul3A_72, %dma_wait3A_141] : memref<10240x64xbf16, #tpu.memory_space<vmem_shared>> -> memref<640x64xbf16, #tpu.memory_space<vmem_shared>>
      %dma_wait3A_143 = arith.constant 0 : i32
      %dma_wait3A_144 = tpu.memref_slice %arg6[%mul3A_70, %dma_wait3A_143] : memref<10240x64xbf16, #tpu.memory_space<hbm>> -> memref<640x64xbf16, #tpu.memory_space<hbm>>
      tpu.wait_dma2 semaphore(%run_scoped3A : memref<!tpu.dma_semaphore, #tpu.memory_space<semaphore_mem>>) src(%dma_wait3A_144 : memref<640x64xbf16, #tpu.memory_space<hbm>>) dst(%dma_wait3A_142 : memref<640x64xbf16, #tpu.memory_space<vmem_shared>>)
      tpu.yield
    }) : () -> ()
    %barrier3A_73 = arith.constant 0 : index
    tpu.barrier barrier_id(%barrier3A_73)
    %dma_start3A_74 = arith.constant 0 : i32
    %dma_start3A_75 = arith.constant 0 : i32
    %dma_start3A_76 = tpu.memref_slice %arg9[%dma_start3A_74, %dma_start3A_75] : memref<80x128xi32, #tpu.memory_space<vmem>> -> memref<1x128xi32, #tpu.memory_space<vmem>>
    %dma_start3A_77 = tpu.memref_squeeze %dma_start3A_76 : memref<1x128xi32, #tpu.memory_space<vmem>> -> memref<128xi32, #tpu.memory_space<vmem>>
    %dma_start3A_78 = arith.constant 0 : i32
    %dma_start3A_79 = arith.constant 0 : i32
    %dma_start3A_80 = tpu.memref_slice %arg23[%dma_start3A_78, %dma_start3A_79] : memref<20480x64xbf16, #tpu.memory_space<vmem_shared>> -> memref<20480x64xbf16, #tpu.memory_space<vmem_shared>>
    tpu.enqueue_indirect_dma source(%dma_start3A_80 : memref<20480x64xbf16, #tpu.memory_space<vmem_shared>>) target(%arg11 : memref<128x64xbf16, #tpu.memory_space<vmem>>) offsets(%dma_start3A_77 : memref<128xi32, #tpu.memory_space<vmem>>) semaphore(%arg15 : memref<!tpu.dma_semaphore, #tpu.memory_space<semaphore_mem>>)
    %dma_start3A_81 = arith.constant 1 : i32
    %dma_start3A_82 = arith.constant 0 : i32
    %dma_start3A_83 = tpu.memref_slice %arg9[%dma_start3A_81, %dma_start3A_82] : memref<80x128xi32, #tpu.memory_space<vmem>> -> memref<1x128xi32, #tpu.memory_space<vmem>>
    %dma_start3A_84 = tpu.memref_squeeze %dma_start3A_83 : memref<1x128xi32, #tpu.memory_space<vmem>> -> memref<128xi32, #tpu.memory_space<vmem>>
    %dma_start3A_85 = arith.constant 0 : i32
    %dma_start3A_86 = arith.constant 0 : i32
    %dma_start3A_87 = tpu.memref_slice %arg23[%dma_start3A_85, %dma_start3A_86] : memref<20480x64xbf16, #tpu.memory_space<vmem_shared>> -> memref<20480x64xbf16, #tpu.memory_space<vmem_shared>>
    tpu.enqueue_indirect_dma source(%dma_start3A_87 : memref<20480x64xbf16, #tpu.memory_space<vmem_shared>>) target(%arg12 : memref<128x64xbf16, #tpu.memory_space<vmem>>) offsets(%dma_start3A_84 : memref<128xi32, #tpu.memory_space<vmem>>) semaphore(%arg16 : memref<!tpu.dma_semaphore, #tpu.memory_space<semaphore_mem>>)
    %dma_start3A_88 = arith.constant 2 : i32
    %dma_start3A_89 = arith.constant 0 : i32
    %dma_start3A_90 = tpu.memref_slice %arg9[%dma_start3A_88, %dma_start3A_89] : memref<80x128xi32, #tpu.memory_space<vmem>> -> memref<1x128xi32, #tpu.memory_space<vmem>>
    %dma_start3A_91 = tpu.memref_squeeze %dma_start3A_90 : memref<1x128xi32, #tpu.memory_space<vmem>> -> memref<128xi32, #tpu.memory_space<vmem>>
    %dma_start3A_92 = arith.constant 0 : i32
    %dma_start3A_93 = arith.constant 0 : i32
    %dma_start3A_94 = tpu.memref_slice %arg23[%dma_start3A_92, %dma_start3A_93] : memref<20480x64xbf16, #tpu.memory_space<vmem_shared>> -> memref<20480x64xbf16, #tpu.memory_space<vmem_shared>>
    tpu.enqueue_indirect_dma source(%dma_start3A_94 : memref<20480x64xbf16, #tpu.memory_space<vmem_shared>>) target(%arg13 : memref<128x64xbf16, #tpu.memory_space<vmem>>) offsets(%dma_start3A_91 : memref<128xi32, #tpu.memory_space<vmem>>) semaphore(%arg17 : memref<!tpu.dma_semaphore, #tpu.memory_space<semaphore_mem>>)
    %scan3A_95 = arith.constant 0 : i32
    %scan3A_96 = arith.constant 0 : i32
    %scan3A_97 = arith.constant 20 : i32
    %scan3A_98 = arith.addi %scan3A_96, %scan3A_97 : i32
    %scan3A_99 = arith.constant 1 : i32
    scf.for %scan3A_137 = %scan3A_96 to %scan3A_98 step %scan3A_99  : i32 {
      %mul3A_138 = arith.constant 4 : i32
      %mul3A_139 = arith.muli %mul3A_138, %scan3A_137 : i32
      %add3A_140 = arith.constant 0 : i32
      %add3A_141 = arith.addi %mul3A_139, %add3A_140 : i32
      %dma_wait3A_142 = arith.constant 0 : i32
      %dma_wait3A_143 = tpu.memref_slice %arg9[%add3A_141, %dma_wait3A_142] : memref<80x128xi32, #tpu.memory_space<vmem>> -> memref<1x128xi32, #tpu.memory_space<vmem>>
      %dma_wait3A_144 = tpu.memref_squeeze %dma_wait3A_143 : memref<1x128xi32, #tpu.memory_space<vmem>> -> memref<128xi32, #tpu.memory_space<vmem>>
      %dma_wait3A_145 = arith.constant 0 : i32
      %dma_wait3A_146 = arith.constant 0 : i32
      %dma_wait3A_147 = tpu.memref_slice %arg23[%dma_wait3A_145, %dma_wait3A_146] : memref<20480x64xbf16, #tpu.memory_space<vmem_shared>> -> memref<20480x64xbf16, #tpu.memory_space<vmem_shared>>
      tpu.wait_indirect_dma semaphore(%arg15 : memref<!tpu.dma_semaphore, #tpu.memory_space<semaphore_mem>>) src(%dma_wait3A_147 : memref<20480x64xbf16, #tpu.memory_space<vmem_shared>>) dst(%arg11 : memref<128x64xbf16, #tpu.memory_space<vmem>>)
      %dma_start3A_148 = arith.constant 0 : i32
      %dma_start3A_149 = tpu.memref_slice %arg10[%add3A_141, %dma_start3A_148] : memref<80x128xi32, #tpu.memory_space<vmem>> -> memref<1x128xi32, #tpu.memory_space<vmem>>
      %dma_start3A_150 = tpu.memref_squeeze %dma_start3A_149 : memref<1x128xi32, #tpu.memory_space<vmem>> -> memref<128xi32, #tpu.memory_space<vmem>>
      %dma_start3A_151 = arith.constant 0 : i32
      %dma_start3A_152 = arith.constant 0 : i32
      %dma_start3A_153 = tpu.memref_slice %arg24[%dma_start3A_151, %dma_start3A_152] : memref<10240x64xbf16, #tpu.memory_space<vmem_shared>> -> memref<10240x64xbf16, #tpu.memory_space<vmem_shared>>
      tpu.enqueue_indirect_dma source(%arg11 : memref<128x64xbf16, #tpu.memory_space<vmem>>) target(%dma_start3A_153 : memref<10240x64xbf16, #tpu.memory_space<vmem_shared>>) offsets(%dma_start3A_150 : memref<128xi32, #tpu.memory_space<vmem>>) semaphore(%arg19 : memref<!tpu.dma_semaphore, #tpu.memory_space<semaphore_mem>>) {add = true}
      %add3A_154 = arith.constant 4 : i32
      %add3A_155 = arith.addi %add3A_141, %add3A_154 : i32
      %sub3A = arith.constant 1 : i32
      %sub3A_156 = arith.subi %add3A_155, %sub3A : i32
      %lt3A = arith.constant 80 : i32
      %lt3A_157 = arith.cmpi slt, %sub3A_156, %lt3A : i32
      %convert_element_type3A = arith.extui %lt3A_157 : i1 to i32
      %cond3A = arith.constant 0 : i32
      %cond3A_158 = arith.cmpi ne, %convert_element_type3A, %cond3A : i32
      scf.if %cond3A_158 {
        %ge3A = arith.constant 1 : i32
        %ge3A_234 = arith.cmpi sge, %add3A_141, %ge3A : i32
        %convert_element_type3A_235 = arith.extui %ge3A_234 : i1 to i32
        %cond3A_236 = arith.constant 0 : i32
        %cond3A_237 = arith.cmpi ne, %convert_element_type3A_235, %cond3A_236 : i32
        scf.if %cond3A_237 {
          %dma_wait3A_248 = arith.constant 0 : i32
          %dma_wait3A_249 = arith.constant 0 : i32
          %dma_wait3A_250 = tpu.memref_slice %arg10[%dma_wait3A_248, %dma_wait3A_249] : memref<80x128xi32, #tpu.memory_space<vmem>> -> memref<1x128xi32, #tpu.memory_space<vmem>>
          %dma_wait3A_251 = tpu.memref_squeeze %dma_wait3A_250 : memref<1x128xi32, #tpu.memory_space<vmem>> -> memref<128xi32, #tpu.memory_space<vmem>>
          %dma_wait3A_252 = arith.constant 0 : i32
          %dma_wait3A_253 = arith.constant 0 : i32
          %dma_wait3A_254 = tpu.memref_slice %arg24[%dma_wait3A_252, %dma_wait3A_253] : memref<10240x64xbf16, #tpu.memory_space<vmem_shared>> -> memref<10240x64xbf16, #tpu.memory_space<vmem_shared>>
          tpu.wait_indirect_dma semaphore(%arg22 : memref<!tpu.dma_semaphore, #tpu.memory_space<semaphore_mem>>) src(%arg14 : memref<128x64xbf16, #tpu.memory_space<vmem>>) dst(%dma_wait3A_254 : memref<10240x64xbf16, #tpu.memory_space<vmem_shared>>)
        } else {
        }
        %add3A_238 = arith.constant 4 : i32
        %add3A_239 = arith.addi %add3A_141, %add3A_238 : i32
        %sub3A_240 = arith.constant 1 : i32
        %sub3A_241 = arith.subi %add3A_239, %sub3A_240 : i32
        %dma_start3A_242 = arith.constant 0 : i32
        %dma_start3A_243 = tpu.memref_slice %arg9[%sub3A_241, %dma_start3A_242] : memref<80x128xi32, #tpu.memory_space<vmem>> -> memref<1x128xi32, #tpu.memory_space<vmem>>
        %dma_start3A_244 = tpu.memref_squeeze %dma_start3A_243 : memref<1x128xi32, #tpu.memory_space<vmem>> -> memref<128xi32, #tpu.memory_space<vmem>>
        %dma_start3A_245 = arith.constant 0 : i32
        %dma_start3A_246 = arith.constant 0 : i32
        %dma_start3A_247 = tpu.memref_slice %arg23[%dma_start3A_245, %dma_start3A_246] : memref<20480x64xbf16, #tpu.memory_space<vmem_shared>> -> memref<20480x64xbf16, #tpu.memory_space<vmem_shared>>
        tpu.enqueue_indirect_dma source(%dma_start3A_247 : memref<20480x64xbf16, #tpu.memory_space<vmem_shared>>) target(%arg14 : memref<128x64xbf16, #tpu.memory_space<vmem>>) offsets(%dma_start3A_244 : memref<128xi32, #tpu.memory_space<vmem>>) semaphore(%arg18 : memref<!tpu.dma_semaphore, #tpu.memory_space<semaphore_mem>>)
      } else {
      }
      %mul3A_159 = arith.constant 4 : i32
      %mul3A_160 = arith.muli %mul3A_159, %scan3A_137 : i32
      %add3A_161 = arith.constant 1 : i32
      %add3A_162 = arith.addi %mul3A_160, %add3A_161 : i32
      %dma_wait3A_163 = arith.constant 0 : i32
      %dma_wait3A_164 = tpu.memref_slice %arg9[%add3A_162, %dma_wait3A_163] : memref<80x128xi32, #tpu.memory_space<vmem>> -> memref<1x128xi32, #tpu.memory_space<vmem>>
      %dma_wait3A_165 = tpu.memref_squeeze %dma_wait3A_164 : memref<1x128xi32, #tpu.memory_space<vmem>> -> memref<128xi32, #tpu.memory_space<vmem>>
      %dma_wait3A_166 = arith.constant 0 : i32
      %dma_wait3A_167 = arith.constant 0 : i32
      %dma_wait3A_168 = tpu.memref_slice %arg23[%dma_wait3A_166, %dma_wait3A_167] : memref<20480x64xbf16, #tpu.memory_space<vmem_shared>> -> memref<20480x64xbf16, #tpu.memory_space<vmem_shared>>
      tpu.wait_indirect_dma semaphore(%arg16 : memref<!tpu.dma_semaphore, #tpu.memory_space<semaphore_mem>>) src(%dma_wait3A_168 : memref<20480x64xbf16, #tpu.memory_space<vmem_shared>>) dst(%arg12 : memref<128x64xbf16, #tpu.memory_space<vmem>>)
      %dma_start3A_169 = arith.constant 0 : i32
      %dma_start3A_170 = tpu.memref_slice %arg10[%add3A_162, %dma_start3A_169] : memref<80x128xi32, #tpu.memory_space<vmem>> -> memref<1x128xi32, #tpu.memory_space<vmem>>
      %dma_start3A_171 = tpu.memref_squeeze %dma_start3A_170 : memref<1x128xi32, #tpu.memory_space<vmem>> -> memref<128xi32, #tpu.memory_space<vmem>>
      %dma_start3A_172 = arith.constant 0 : i32
      %dma_start3A_173 = arith.constant 0 : i32
      %dma_start3A_174 = tpu.memref_slice %arg24[%dma_start3A_172, %dma_start3A_173] : memref<10240x64xbf16, #tpu.memory_space<vmem_shared>> -> memref<10240x64xbf16, #tpu.memory_space<vmem_shared>>
      tpu.enqueue_indirect_dma source(%arg12 : memref<128x64xbf16, #tpu.memory_space<vmem>>) target(%dma_start3A_174 : memref<10240x64xbf16, #tpu.memory_space<vmem_shared>>) offsets(%dma_start3A_171 : memref<128xi32, #tpu.memory_space<vmem>>) semaphore(%arg20 : memref<!tpu.dma_semaphore, #tpu.memory_space<semaphore_mem>>) {add = true}
      %add3A_175 = arith.constant 4 : i32
      %add3A_176 = arith.addi %add3A_162, %add3A_175 : i32
      %sub3A_177 = arith.constant 1 : i32
      %sub3A_178 = arith.subi %add3A_176, %sub3A_177 : i32
      %lt3A_179 = arith.constant 80 : i32
      %lt3A_180 = arith.cmpi slt, %sub3A_178, %lt3A_179 : i32
      %convert_element_type3A_181 = arith.extui %lt3A_180 : i1 to i32
      %cond3A_182 = arith.constant 0 : i32
      %cond3A_183 = arith.cmpi ne, %convert_element_type3A_181, %cond3A_182 : i32
      scf.if %cond3A_183 {
        %ge3A = arith.constant 1 : i32
        %ge3A_234 = arith.cmpi sge, %add3A_162, %ge3A : i32
        %convert_element_type3A_235 = arith.extui %ge3A_234 : i1 to i32
        %cond3A_236 = arith.constant 0 : i32
        %cond3A_237 = arith.cmpi ne, %convert_element_type3A_235, %cond3A_236 : i32
        scf.if %cond3A_237 {
          %dma_wait3A_248 = arith.constant 0 : i32
          %dma_wait3A_249 = arith.constant 0 : i32
          %dma_wait3A_250 = tpu.memref_slice %arg10[%dma_wait3A_248, %dma_wait3A_249] : memref<80x128xi32, #tpu.memory_space<vmem>> -> memref<1x128xi32, #tpu.memory_space<vmem>>
          %dma_wait3A_251 = tpu.memref_squeeze %dma_wait3A_250 : memref<1x128xi32, #tpu.memory_space<vmem>> -> memref<128xi32, #tpu.memory_space<vmem>>
          %dma_wait3A_252 = arith.constant 0 : i32
          %dma_wait3A_253 = arith.constant 0 : i32
          %dma_wait3A_254 = tpu.memref_slice %arg24[%dma_wait3A_252, %dma_wait3A_253] : memref<10240x64xbf16, #tpu.memory_space<vmem_shared>> -> memref<10240x64xbf16, #tpu.memory_space<vmem_shared>>
          tpu.wait_indirect_dma semaphore(%arg19 : memref<!tpu.dma_semaphore, #tpu.memory_space<semaphore_mem>>) src(%arg11 : memref<128x64xbf16, #tpu.memory_space<vmem>>) dst(%dma_wait3A_254 : memref<10240x64xbf16, #tpu.memory_space<vmem_shared>>)
        } else {
        }
        %add3A_238 = arith.constant 4 : i32
        %add3A_239 = arith.addi %add3A_162, %add3A_238 : i32
        %sub3A_240 = arith.constant 1 : i32
        %sub3A_241 = arith.subi %add3A_239, %sub3A_240 : i32
        %dma_start3A_242 = arith.constant 0 : i32
        %dma_start3A_243 = tpu.memref_slice %arg9[%sub3A_241, %dma_start3A_242] : memref<80x128xi32, #tpu.memory_space<vmem>> -> memref<1x128xi32, #tpu.memory_space<vmem>>
        %dma_start3A_244 = tpu.memref_squeeze %dma_start3A_243 : memref<1x128xi32, #tpu.memory_space<vmem>> -> memref<128xi32, #tpu.memory_space<vmem>>
        %dma_start3A_245 = arith.constant 0 : i32
        %dma_start3A_246 = arith.constant 0 : i32
        %dma_start3A_247 = tpu.memref_slice %arg23[%dma_start3A_245, %dma_start3A_246] : memref<20480x64xbf16, #tpu.memory_space<vmem_shared>> -> memref<20480x64xbf16, #tpu.memory_space<vmem_shared>>
        tpu.enqueue_indirect_dma source(%dma_start3A_247 : memref<20480x64xbf16, #tpu.memory_space<vmem_shared>>) target(%arg11 : memref<128x64xbf16, #tpu.memory_space<vmem>>) offsets(%dma_start3A_244 : memref<128xi32, #tpu.memory_space<vmem>>) semaphore(%arg15 : memref<!tpu.dma_semaphore, #tpu.memory_space<semaphore_mem>>)
      } else {
      }
      %mul3A_184 = arith.constant 4 : i32
      %mul3A_185 = arith.muli %mul3A_184, %scan3A_137 : i32
      %add3A_186 = arith.constant 2 : i32
      %add3A_187 = arith.addi %mul3A_185, %add3A_186 : i32
      %dma_wait3A_188 = arith.constant 0 : i32
      %dma_wait3A_189 = tpu.memref_slice %arg9[%add3A_187, %dma_wait3A_188] : memref<80x128xi32, #tpu.memory_space<vmem>> -> memref<1x128xi32, #tpu.memory_space<vmem>>
      %dma_wait3A_190 = tpu.memref_squeeze %dma_wait3A_189 : memref<1x128xi32, #tpu.memory_space<vmem>> -> memref<128xi32, #tpu.memory_space<vmem>>
      %dma_wait3A_191 = arith.constant 0 : i32
      %dma_wait3A_192 = arith.constant 0 : i32
      %dma_wait3A_193 = tpu.memref_slice %arg23[%dma_wait3A_191, %dma_wait3A_192] : memref<20480x64xbf16, #tpu.memory_space<vmem_shared>> -> memref<20480x64xbf16, #tpu.memory_space<vmem_shared>>
      tpu.wait_indirect_dma semaphore(%arg17 : memref<!tpu.dma_semaphore, #tpu.memory_space<semaphore_mem>>) src(%dma_wait3A_193 : memref<20480x64xbf16, #tpu.memory_space<vmem_shared>>) dst(%arg13 : memref<128x64xbf16, #tpu.memory_space<vmem>>)
      %dma_start3A_194 = arith.constant 0 : i32
      %dma_start3A_195 = tpu.memref_slice %arg10[%add3A_187, %dma_start3A_194] : memref<80x128xi32, #tpu.memory_space<vmem>> -> memref<1x128xi32, #tpu.memory_space<vmem>>
      %dma_start3A_196 = tpu.memref_squeeze %dma_start3A_195 : memref<1x128xi32, #tpu.memory_space<vmem>> -> memref<128xi32, #tpu.memory_space<vmem>>
      %dma_start3A_197 = arith.constant 0 : i32
      %dma_start3A_198 = arith.constant 0 : i32
      %dma_start3A_199 = tpu.memref_slice %arg24[%dma_start3A_197, %dma_start3A_198] : memref<10240x64xbf16, #tpu.memory_space<vmem_shared>> -> memref<10240x64xbf16, #tpu.memory_space<vmem_shared>>
      tpu.enqueue_indirect_dma source(%arg13 : memref<128x64xbf16, #tpu.memory_space<vmem>>) target(%dma_start3A_199 : memref<10240x64xbf16, #tpu.memory_space<vmem_shared>>) offsets(%dma_start3A_196 : memref<128xi32, #tpu.memory_space<vmem>>) semaphore(%arg21 : memref<!tpu.dma_semaphore, #tpu.memory_space<semaphore_mem>>) {add = true}
      %add3A_200 = arith.constant 4 : i32
      %add3A_201 = arith.addi %add3A_187, %add3A_200 : i32
      %sub3A_202 = arith.constant 1 : i32
      %sub3A_203 = arith.subi %add3A_201, %sub3A_202 : i32
      %lt3A_204 = arith.constant 80 : i32
      %lt3A_205 = arith.cmpi slt, %sub3A_203, %lt3A_204 : i32
      %convert_element_type3A_206 = arith.extui %lt3A_205 : i1 to i32
      %cond3A_207 = arith.constant 0 : i32
      %cond3A_208 = arith.cmpi ne, %convert_element_type3A_206, %cond3A_207 : i32
      scf.if %cond3A_208 {
        %ge3A = arith.constant 1 : i32
        %ge3A_234 = arith.cmpi sge, %add3A_187, %ge3A : i32
        %convert_element_type3A_235 = arith.extui %ge3A_234 : i1 to i32
        %cond3A_236 = arith.constant 0 : i32
        %cond3A_237 = arith.cmpi ne, %convert_element_type3A_235, %cond3A_236 : i32
        scf.if %cond3A_237 {
          %dma_wait3A_248 = arith.constant 0 : i32
          %dma_wait3A_249 = arith.constant 0 : i32
          %dma_wait3A_250 = tpu.memref_slice %arg10[%dma_wait3A_248, %dma_wait3A_249] : memref<80x128xi32, #tpu.memory_space<vmem>> -> memref<1x128xi32, #tpu.memory_space<vmem>>
          %dma_wait3A_251 = tpu.memref_squeeze %dma_wait3A_250 : memref<1x128xi32, #tpu.memory_space<vmem>> -> memref<128xi32, #tpu.memory_space<vmem>>
          %dma_wait3A_252 = arith.constant 0 : i32
          %dma_wait3A_253 = arith.constant 0 : i32
          %dma_wait3A_254 = tpu.memref_slice %arg24[%dma_wait3A_252, %dma_wait3A_253] : memref<10240x64xbf16, #tpu.memory_space<vmem_shared>> -> memref<10240x64xbf16, #tpu.memory_space<vmem_shared>>
          tpu.wait_indirect_dma semaphore(%arg20 : memref<!tpu.dma_semaphore, #tpu.memory_space<semaphore_mem>>) src(%arg12 : memref<128x64xbf16, #tpu.memory_space<vmem>>) dst(%dma_wait3A_254 : memref<10240x64xbf16, #tpu.memory_space<vmem_shared>>)
        } else {
        }
        %add3A_238 = arith.constant 4 : i32
        %add3A_239 = arith.addi %add3A_187, %add3A_238 : i32
        %sub3A_240 = arith.constant 1 : i32
        %sub3A_241 = arith.subi %add3A_239, %sub3A_240 : i32
        %dma_start3A_242 = arith.constant 0 : i32
        %dma_start3A_243 = tpu.memref_slice %arg9[%sub3A_241, %dma_start3A_242] : memref<80x128xi32, #tpu.memory_space<vmem>> -> memref<1x128xi32, #tpu.memory_space<vmem>>
        %dma_start3A_244 = tpu.memref_squeeze %dma_start3A_243 : memref<1x128xi32, #tpu.memory_space<vmem>> -> memref<128xi32, #tpu.memory_space<vmem>>
        %dma_start3A_245 = arith.constant 0 : i32
        %dma_start3A_246 = arith.constant 0 : i32
        %dma_start3A_247 = tpu.memref_slice %arg23[%dma_start3A_245, %dma_start3A_246] : memref<20480x64xbf16, #tpu.memory_space<vmem_shared>> -> memref<20480x64xbf16, #tpu.memory_space<vmem_shared>>
        tpu.enqueue_indirect_dma source(%dma_start3A_247 : memref<20480x64xbf16, #tpu.memory_space<vmem_shared>>) target(%arg12 : memref<128x64xbf16, #tpu.memory_space<vmem>>) offsets(%dma_start3A_244 : memref<128xi32, #tpu.memory_space<vmem>>) semaphore(%arg16 : memref<!tpu.dma_semaphore, #tpu.memory_space<semaphore_mem>>)
      } else {
      }
      %mul3A_209 = arith.constant 4 : i32
      %mul3A_210 = arith.muli %mul3A_209, %scan3A_137 : i32
      %add3A_211 = arith.constant 3 : i32
      %add3A_212 = arith.addi %mul3A_210, %add3A_211 : i32
      %dma_wait3A_213 = arith.constant 0 : i32
      %dma_wait3A_214 = tpu.memref_slice %arg9[%add3A_212, %dma_wait3A_213] : memref<80x128xi32, #tpu.memory_space<vmem>> -> memref<1x128xi32, #tpu.memory_space<vmem>>
      %dma_wait3A_215 = tpu.memref_squeeze %dma_wait3A_214 : memref<1x128xi32, #tpu.memory_space<vmem>> -> memref<128xi32, #tpu.memory_space<vmem>>
      %dma_wait3A_216 = arith.constant 0 : i32
      %dma_wait3A_217 = arith.constant 0 : i32
      %dma_wait3A_218 = tpu.memref_slice %arg23[%dma_wait3A_216, %dma_wait3A_217] : memref<20480x64xbf16, #tpu.memory_space<vmem_shared>> -> memref<20480x64xbf16, #tpu.memory_space<vmem_shared>>
      tpu.wait_indirect_dma semaphore(%arg18 : memref<!tpu.dma_semaphore, #tpu.memory_space<semaphore_mem>>) src(%dma_wait3A_218 : memref<20480x64xbf16, #tpu.memory_space<vmem_shared>>) dst(%arg14 : memref<128x64xbf16, #tpu.memory_space<vmem>>)
      %dma_start3A_219 = arith.constant 0 : i32
      %dma_start3A_220 = tpu.memref_slice %arg10[%add3A_212, %dma_start3A_219] : memref<80x128xi32, #tpu.memory_space<vmem>> -> memref<1x128xi32, #tpu.memory_space<vmem>>
      %dma_start3A_221 = tpu.memref_squeeze %dma_start3A_220 : memref<1x128xi32, #tpu.memory_space<vmem>> -> memref<128xi32, #tpu.memory_space<vmem>>
      %dma_start3A_222 = arith.constant 0 : i32
      %dma_start3A_223 = arith.constant 0 : i32
      %dma_start3A_224 = tpu.memref_slice %arg24[%dma_start3A_222, %dma_start3A_223] : memref<10240x64xbf16, #tpu.memory_space<vmem_shared>> -> memref<10240x64xbf16, #tpu.memory_space<vmem_shared>>
      tpu.enqueue_indirect_dma source(%arg14 : memref<128x64xbf16, #tpu.memory_space<vmem>>) target(%dma_start3A_224 : memref<10240x64xbf16, #tpu.memory_space<vmem_shared>>) offsets(%dma_start3A_221 : memref<128xi32, #tpu.memory_space<vmem>>) semaphore(%arg22 : memref<!tpu.dma_semaphore, #tpu.memory_space<semaphore_mem>>) {add = true}
      %add3A_225 = arith.constant 4 : i32
      %add3A_226 = arith.addi %add3A_212, %add3A_225 : i32
      %sub3A_227 = arith.constant 1 : i32
      %sub3A_228 = arith.subi %add3A_226, %sub3A_227 : i32
      %lt3A_229 = arith.constant 80 : i32
      %lt3A_230 = arith.cmpi slt, %sub3A_228, %lt3A_229 : i32
      %convert_element_type3A_231 = arith.extui %lt3A_230 : i1 to i32
      %cond3A_232 = arith.constant 0 : i32
      %cond3A_233 = arith.cmpi ne, %convert_element_type3A_231, %cond3A_232 : i32
      scf.if %cond3A_233 {
        %ge3A = arith.constant 1 : i32
        %ge3A_234 = arith.cmpi sge, %add3A_212, %ge3A : i32
        %convert_element_type3A_235 = arith.extui %ge3A_234 : i1 to i32
        %cond3A_236 = arith.constant 0 : i32
        %cond3A_237 = arith.cmpi ne, %convert_element_type3A_235, %cond3A_236 : i32
        scf.if %cond3A_237 {
          %dma_wait3A_248 = arith.constant 0 : i32
          %dma_wait3A_249 = arith.constant 0 : i32
          %dma_wait3A_250 = tpu.memref_slice %arg10[%dma_wait3A_248, %dma_wait3A_249] : memref<80x128xi32, #tpu.memory_space<vmem>> -> memref<1x128xi32, #tpu.memory_space<vmem>>
          %dma_wait3A_251 = tpu.memref_squeeze %dma_wait3A_250 : memref<1x128xi32, #tpu.memory_space<vmem>> -> memref<128xi32, #tpu.memory_space<vmem>>
          %dma_wait3A_252 = arith.constant 0 : i32
          %dma_wait3A_253 = arith.constant 0 : i32
          %dma_wait3A_254 = tpu.memref_slice %arg24[%dma_wait3A_252, %dma_wait3A_253] : memref<10240x64xbf16, #tpu.memory_space<vmem_shared>> -> memref<10240x64xbf16, #tpu.memory_space<vmem_shared>>
          tpu.wait_indirect_dma semaphore(%arg21 : memref<!tpu.dma_semaphore, #tpu.memory_space<semaphore_mem>>) src(%arg13 : memref<128x64xbf16, #tpu.memory_space<vmem>>) dst(%dma_wait3A_254 : memref<10240x64xbf16, #tpu.memory_space<vmem_shared>>)
        } else {
        }
        %add3A_238 = arith.constant 4 : i32
        %add3A_239 = arith.addi %add3A_212, %add3A_238 : i32
        %sub3A_240 = arith.constant 1 : i32
        %sub3A_241 = arith.subi %add3A_239, %sub3A_240 : i32
        %dma_start3A_242 = arith.constant 0 : i32
        %dma_start3A_243 = tpu.memref_slice %arg9[%sub3A_241, %dma_start3A_242] : memref<80x128xi32, #tpu.memory_space<vmem>> -> memref<1x128xi32, #tpu.memory_space<vmem>>
        %dma_start3A_244 = tpu.memref_squeeze %dma_start3A_243 : memref<1x128xi32, #tpu.memory_space<vmem>> -> memref<128xi32, #tpu.memory_space<vmem>>
        %dma_start3A_245 = arith.constant 0 : i32
        %dma_start3A_246 = arith.constant 0 : i32
        %dma_start3A_247 = tpu.memref_slice %arg23[%dma_start3A_245, %dma_start3A_246] : memref<20480x64xbf16, #tpu.memory_space<vmem_shared>> -> memref<20480x64xbf16, #tpu.memory_space<vmem_shared>>
        tpu.enqueue_indirect_dma source(%dma_start3A_247 : memref<20480x64xbf16, #tpu.memory_space<vmem_shared>>) target(%arg13 : memref<128x64xbf16, #tpu.memory_space<vmem>>) offsets(%dma_start3A_244 : memref<128xi32, #tpu.memory_space<vmem>>) semaphore(%arg17 : memref<!tpu.dma_semaphore, #tpu.memory_space<semaphore_mem>>)
      } else {
      }
    }
    %scan3A_100 = arith.constant 20 : i32
    %dma_wait3A_101 = arith.constant 0 : i32
    %dma_wait3A_102 = arith.constant 0 : i32
    %dma_wait3A_103 = tpu.memref_slice %arg10[%dma_wait3A_101, %dma_wait3A_102] : memref<80x128xi32, #tpu.memory_space<vmem>> -> memref<1x128xi32, #tpu.memory_space<vmem>>
    %dma_wait3A_104 = tpu.memref_squeeze %dma_wait3A_103 : memref<1x128xi32, #tpu.memory_space<vmem>> -> memref<128xi32, #tpu.memory_space<vmem>>
    %dma_wait3A_105 = arith.constant 0 : i32
    %dma_wait3A_106 = arith.constant 0 : i32
    %dma_wait3A_107 = tpu.memref_slice %arg24[%dma_wait3A_105, %dma_wait3A_106] : memref<10240x64xbf16, #tpu.memory_space<vmem_shared>> -> memref<10240x64xbf16, #tpu.memory_space<vmem_shared>>
    tpu.wait_indirect_dma semaphore(%arg19 : memref<!tpu.dma_semaphore, #tpu.memory_space<semaphore_mem>>) src(%arg11 : memref<128x64xbf16, #tpu.memory_space<vmem>>) dst(%dma_wait3A_107 : memref<10240x64xbf16, #tpu.memory_space<vmem_shared>>)
    %dma_wait3A_108 = arith.constant 0 : i32
    %dma_wait3A_109 = arith.constant 0 : i32
    %dma_wait3A_110 = tpu.memref_slice %arg10[%dma_wait3A_108, %dma_wait3A_109] : memref<80x128xi32, #tpu.memory_space<vmem>> -> memref<1x128xi32, #tpu.memory_space<vmem>>
    %dma_wait3A_111 = tpu.memref_squeeze %dma_wait3A_110 : memref<1x128xi32, #tpu.memory_space<vmem>> -> memref<128xi32, #tpu.memory_space<vmem>>
    %dma_wait3A_112 = arith.constant 0 : i32
    %dma_wait3A_113 = arith.constant 0 : i32
    %dma_wait3A_114 = tpu.memref_slice %arg24[%dma_wait3A_112, %dma_wait3A_113] : memref<10240x64xbf16, #tpu.memory_space<vmem_shared>> -> memref<10240x64xbf16, #tpu.memory_space<vmem_shared>>
    tpu.wait_indirect_dma semaphore(%arg20 : memref<!tpu.dma_semaphore, #tpu.memory_space<semaphore_mem>>) src(%arg12 : memref<128x64xbf16, #tpu.memory_space<vmem>>) dst(%dma_wait3A_114 : memref<10240x64xbf16, #tpu.memory_space<vmem_shared>>)
    %dma_wait3A_115 = arith.constant 0 : i32
    %dma_wait3A_116 = arith.constant 0 : i32
    %dma_wait3A_117 = tpu.memref_slice %arg10[%dma_wait3A_115, %dma_wait3A_116] : memref<80x128xi32, #tpu.memory_space<vmem>> -> memref<1x128xi32, #tpu.memory_space<vmem>>
    %dma_wait3A_118 = tpu.memref_squeeze %dma_wait3A_117 : memref<1x128xi32, #tpu.memory_space<vmem>> -> memref<128xi32, #tpu.memory_space<vmem>>
    %dma_wait3A_119 = arith.constant 0 : i32
    %dma_wait3A_120 = arith.constant 0 : i32
    %dma_wait3A_121 = tpu.memref_slice %arg24[%dma_wait3A_119, %dma_wait3A_120] : memref<10240x64xbf16, #tpu.memory_space<vmem_shared>> -> memref<10240x64xbf16, #tpu.memory_space<vmem_shared>>
    tpu.wait_indirect_dma semaphore(%arg21 : memref<!tpu.dma_semaphore, #tpu.memory_space<semaphore_mem>>) src(%arg13 : memref<128x64xbf16, #tpu.memory_space<vmem>>) dst(%dma_wait3A_121 : memref<10240x64xbf16, #tpu.memory_space<vmem_shared>>)
    %dma_wait3A_122 = arith.constant 0 : i32
    %dma_wait3A_123 = arith.constant 0 : i32
    %dma_wait3A_124 = tpu.memref_slice %arg10[%dma_wait3A_122, %dma_wait3A_123] : memref<80x128xi32, #tpu.memory_space<vmem>> -> memref<1x128xi32, #tpu.memory_space<vmem>>
    %dma_wait3A_125 = tpu.memref_squeeze %dma_wait3A_124 : memref<1x128xi32, #tpu.memory_space<vmem>> -> memref<128xi32, #tpu.memory_space<vmem>>
    %dma_wait3A_126 = arith.constant 0 : i32
    %dma_wait3A_127 = arith.constant 0 : i32
    %dma_wait3A_128 = tpu.memref_slice %arg24[%dma_wait3A_126, %dma_wait3A_127] : memref<10240x64xbf16, #tpu.memory_space<vmem_shared>> -> memref<10240x64xbf16, #tpu.memory_space<vmem_shared>>
    tpu.wait_indirect_dma semaphore(%arg22 : memref<!tpu.dma_semaphore, #tpu.memory_space<semaphore_mem>>) src(%arg14 : memref<128x64xbf16, #tpu.memory_space<vmem>>) dst(%dma_wait3A_128 : memref<10240x64xbf16, #tpu.memory_space<vmem_shared>>)
    %barrier3A_129 = arith.constant 0 : index
    tpu.barrier barrier_id(%barrier3A_129)
    %mul3A_130 = arith.constant 640 : i32
    %mul3A_131 = arith.muli %arg1, %mul3A_130 : i32
    %mul3A_132 = arith.constant 16 : i32
    %mul3A_133 = arith.muli %arg0, %mul3A_132 : i32
    %add3A_134 = arith.constant 32 : i32
    %add3A_135 = arith.addi %add3A_134, %mul3A_133 : i32
    %add3A_136 = arith.addi %add3A_135, %arg1 : i32
    "tpu.region"() ({
      %run_scoped3A = tpu.sem_alloc : memref<!tpu.dma_semaphore, #tpu.memory_space<semaphore_mem>>
      %dma_start3A_137 = arith.constant 0 : i32
      %dma_start3A_138 = arith.constant 0 : i32
      %dma_start3A_139 = tpu.memref_slice %arg7[%add3A_136, %dma_start3A_137, %dma_start3A_138] : memref<64x640x64xbf16, #tpu.memory_space<hbm>> -> memref<1x640x64xbf16, #tpu.memory_space<hbm>>
      %dma_start3A_140 = tpu.memref_squeeze %dma_start3A_139 : memref<1x640x64xbf16, #tpu.memory_space<hbm>> -> memref<640x64xbf16, #tpu.memory_space<hbm>>
      %dma_start3A_141 = arith.constant 0 : i32
      %dma_start3A_142 = tpu.memref_slice %arg24[%mul3A_131, %dma_start3A_141] : memref<10240x64xbf16, #tpu.memory_space<vmem_shared>> -> memref<640x64xbf16, #tpu.memory_space<vmem_shared>>
      tpu.enqueue_dma source(%dma_start3A_142 : memref<640x64xbf16, #tpu.memory_space<vmem_shared>>) target(%dma_start3A_140 : memref<640x64xbf16, #tpu.memory_space<hbm>>) target_semaphore(%run_scoped3A : memref<!tpu.dma_semaphore, #tpu.memory_space<semaphore_mem>>)
      %dma_wait3A_143 = arith.constant 0 : i32
      %dma_wait3A_144 = arith.constant 0 : i32
      %dma_wait3A_145 = tpu.memref_slice %arg7[%add3A_136, %dma_wait3A_143, %dma_wait3A_144] : memref<64x640x64xbf16, #tpu.memory_space<hbm>> -> memref<1x640x64xbf16, #tpu.memory_space<hbm>>
      %dma_wait3A_146 = tpu.memref_squeeze %dma_wait3A_145 : memref<1x640x64xbf16, #tpu.memory_space<hbm>> -> memref<640x64xbf16, #tpu.memory_space<hbm>>
      %dma_wait3A_147 = arith.constant 0 : i32
      %dma_wait3A_148 = tpu.memref_slice %arg24[%mul3A_131, %dma_wait3A_147] : memref<10240x64xbf16, #tpu.memory_space<vmem_shared>> -> memref<640x64xbf16, #tpu.memory_space<vmem_shared>>
      tpu.wait_dma2 semaphore(%run_scoped3A : memref<!tpu.dma_semaphore, #tpu.memory_space<semaphore_mem>>) src(%dma_wait3A_148 : memref<640x64xbf16, #tpu.memory_space<vmem_shared>>) dst(%dma_wait3A_146 : memref<640x64xbf16, #tpu.memory_space<hbm>>)
      tpu.yield
    }) : () -> ()
    return
  }
}

#map = affine_map<(d0, d1) -> (0, 0)>
#map1 = affine_map<(d0, d1) -> (0, 0, 0)>
module attributes {stable_mosaic.version = 14 : i64} {
  func.func @_msg_body(%arg0: i32, %arg1: i32, %arg2: memref<20480x64xbf16, #tpu.memory_space<hbm>>, %arg3: memref<32x80x128xi32, #tpu.memory_space<hbm>>, %arg4: memref<32x80x128xi32, #tpu.memory_space<hbm>>, %arg5: memref<32x80x128xi32, #tpu.memory_space<hbm>>, %arg6: memref<10240x64xbf16, #tpu.memory_space<hbm>>, %arg7: memref<64x640x64xbf16, #tpu.memory_space<hbm>>, %arg8: memref<80x128xi32, #tpu.memory_space<vmem>>, %arg9: memref<80x128xi32, #tpu.memory_space<vmem>>, %arg10: memref<80x128xi32, #tpu.memory_space<vmem>>, %arg11: memref<128x64xbf16, #tpu.memory_space<vmem>>, %arg12: memref<128x64xbf16, #tpu.memory_space<vmem>>, %arg13: memref<128x64xbf16, #tpu.memory_space<vmem>>, %arg14: memref<128x64xbf16, #tpu.memory_space<vmem>>, %arg15: memref<!tpu.dma_semaphore, #tpu.memory_space<semaphore_mem>>, %arg16: memref<!tpu.dma_semaphore, #tpu.memory_space<semaphore_mem>>, %arg17: memref<!tpu.dma_semaphore, #tpu.memory_space<semaphore_mem>>, %arg18: memref<!tpu.dma_semaphore, #tpu.memory_space<semaphore_mem>>, %arg19: memref<!tpu.dma_semaphore, #tpu.memory_space<semaphore_mem>>, %arg20: memref<!tpu.dma_semaphore, #tpu.memory_space<semaphore_mem>>, %arg21: memref<!tpu.dma_semaphore, #tpu.memory_space<semaphore_mem>>, %arg22: memref<!tpu.dma_semaphore, #tpu.memory_space<semaphore_mem>>, %arg23: memref<20480x64xbf16, #tpu.memory_space<vmem_shared>>, %arg24: memref<10240x64xbf16, #tpu.memory_space<vmem_shared>>) attributes {dimension_semantics = [#tpu.dimension_semantics<core_parallel>, #tpu.dimension_semantics<subcore_parallel>], iteration_bounds = array<i64: 2, 16>, scalar_prefetch = 0 : i64, scratch_operands = 17 : i64, tpu.core_type = #tpu.core_type<sc_vector_subcore>, window_params = [{transform_indices = #map}, {transform_indices = #map1}, {transform_indices = #map1}, {transform_indices = #map1}, {transform_indices = #map}, {transform_indices = #map1}]} {
    %mul3A = arith.constant 2 : i32
    %mul3A_0 = arith.muli %arg1, %mul3A : i32
    %add3A = arith.addi %mul3A_0, %arg0 : i32
    %mul3A_1 = arith.constant 1280 : i32
    %mul3A_2 = arith.muli %arg1, %mul3A_1 : i32
    %mul3A_3 = arith.constant 1280 : i32
    %mul3A_4 = arith.muli %arg1, %mul3A_3 : i32
    "tpu.region"() ({
      %run_scoped3A = tpu.sem_alloc : memref<!tpu.dma_semaphore, #tpu.memory_space<semaphore_mem>>
      %dma_start3A_137 = arith.constant 0 : i32
      %dma_start3A_138 = tpu.memref_slice %arg23[%mul3A_4, %dma_start3A_137] : memref<20480x64xbf16, #tpu.memory_space<vmem_shared>> -> memref<1280x64xbf16, #tpu.memory_space<vmem_shared>>
      %dma_start3A_139 = arith.constant 0 : i32
      %dma_start3A_140 = tpu.memref_slice %arg2[%mul3A_2, %dma_start3A_139] : memref<20480x64xbf16, #tpu.memory_space<hbm>> -> memref<1280x64xbf16, #tpu.memory_space<hbm>>
      tpu.enqueue_dma source(%dma_start3A_140 : memref<1280x64xbf16, #tpu.memory_space<hbm>>) target(%dma_start3A_138 : memref<1280x64xbf16, #tpu.memory_space<vmem_shared>>) target_semaphore(%run_scoped3A : memref<!tpu.dma_semaphore, #tpu.memory_space<semaphore_mem>>)
      %dma_wait3A_141 = arith.constant 0 : i32
      %dma_wait3A_142 = tpu.memref_slice %arg23[%mul3A_4, %dma_wait3A_141] : memref<20480x64xbf16, #tpu.memory_space<vmem_shared>> -> memref<1280x64xbf16, #tpu.memory_space<vmem_shared>>
      %dma_wait3A_143 = arith.constant 0 : i32
      %dma_wait3A_144 = tpu.memref_slice %arg2[%mul3A_2, %dma_wait3A_143] : memref<20480x64xbf16, #tpu.memory_space<hbm>> -> memref<1280x64xbf16, #tpu.memory_space<hbm>>
      tpu.wait_dma2 semaphore(%run_scoped3A : memref<!tpu.dma_semaphore, #tpu.memory_space<semaphore_mem>>) src(%dma_wait3A_144 : memref<1280x64xbf16, #tpu.memory_space<hbm>>) dst(%dma_wait3A_142 : memref<1280x64xbf16, #tpu.memory_space<vmem_shared>>)
      tpu.yield
    }) : () -> ()
    "tpu.region"() ({
      %run_scoped3A = tpu.sem_alloc : memref<!tpu.dma_semaphore, #tpu.memory_space<semaphore_mem>>
      %dma_start3A_137 = arith.constant 0 : i32
      %dma_start3A_138 = arith.constant 0 : i32
      %dma_start3A_139 = tpu.memref_slice %arg3[%add3A, %dma_start3A_137, %dma_start3A_138] : memref<32x80x128xi32, #tpu.memory_space<hbm>> -> memref<1x80x128xi32, #tpu.memory_space<hbm>>
      %dma_start3A_140 = tpu.memref_squeeze %dma_start3A_139 : memref<1x80x128xi32, #tpu.memory_space<hbm>> -> memref<80x128xi32, #tpu.memory_space<hbm>>
      %dma_start3A_141 = arith.constant 0 : i32
      %dma_start3A_142 = arith.constant 0 : i32
      %dma_start3A_143 = tpu.memref_slice %arg3[%add3A, %dma_start3A_141, %dma_start3A_142] : memref<32x80x128xi32, #tpu.memory_space<hbm>> -> memref<1x80x128xi32, #tpu.memory_space<hbm>>
      %dma_start3A_144 = tpu.memref_squeeze %dma_start3A_143 : memref<1x80x128xi32, #tpu.memory_space<hbm>> -> memref<80x128xi32, #tpu.memory_space<hbm>>
      tpu.enqueue_dma source(%dma_start3A_144 : memref<80x128xi32, #tpu.memory_space<hbm>>) target(%arg8 : memref<80x128xi32, #tpu.memory_space<vmem>>) target_semaphore(%run_scoped3A : memref<!tpu.dma_semaphore, #tpu.memory_space<semaphore_mem>>)
      %dma_wait3A_145 = arith.constant 0 : i32
      %dma_wait3A_146 = arith.constant 0 : i32
      %dma_wait3A_147 = tpu.memref_slice %arg3[%add3A, %dma_wait3A_145, %dma_wait3A_146] : memref<32x80x128xi32, #tpu.memory_space<hbm>> -> memref<1x80x128xi32, #tpu.memory_space<hbm>>
      %dma_wait3A_148 = tpu.memref_squeeze %dma_wait3A_147 : memref<1x80x128xi32, #tpu.memory_space<hbm>> -> memref<80x128xi32, #tpu.memory_space<hbm>>
      %dma_wait3A_149 = arith.constant 0 : i32
      %dma_wait3A_150 = arith.constant 0 : i32
      %dma_wait3A_151 = tpu.memref_slice %arg3[%add3A, %dma_wait3A_149, %dma_wait3A_150] : memref<32x80x128xi32, #tpu.memory_space<hbm>> -> memref<1x80x128xi32, #tpu.memory_space<hbm>>
      %dma_wait3A_152 = tpu.memref_squeeze %dma_wait3A_151 : memref<1x80x128xi32, #tpu.memory_space<hbm>> -> memref<80x128xi32, #tpu.memory_space<hbm>>
      tpu.wait_dma2 semaphore(%run_scoped3A : memref<!tpu.dma_semaphore, #tpu.memory_space<semaphore_mem>>) src(%dma_wait3A_152 : memref<80x128xi32, #tpu.memory_space<hbm>>) dst(%arg8 : memref<80x128xi32, #tpu.memory_space<vmem>>)
      tpu.yield
    }) : () -> ()
    "tpu.region"() ({
      %run_scoped3A = tpu.sem_alloc : memref<!tpu.dma_semaphore, #tpu.memory_space<semaphore_mem>>
      %dma_start3A_137 = arith.constant 0 : i32
      %dma_start3A_138 = arith.constant 0 : i32
      %dma_start3A_139 = tpu.memref_slice %arg4[%add3A, %dma_start3A_137, %dma_start3A_138] : memref<32x80x128xi32, #tpu.memory_space<hbm>> -> memref<1x80x128xi32, #tpu.memory_space<hbm>>
      %dma_start3A_140 = tpu.memref_squeeze %dma_start3A_139 : memref<1x80x128xi32, #tpu.memory_space<hbm>> -> memref<80x128xi32, #tpu.memory_space<hbm>>
      %dma_start3A_141 = arith.constant 0 : i32
      %dma_start3A_142 = arith.constant 0 : i32
      %dma_start3A_143 = tpu.memref_slice %arg4[%add3A, %dma_start3A_141, %dma_start3A_142] : memref<32x80x128xi32, #tpu.memory_space<hbm>> -> memref<1x80x128xi32, #tpu.memory_space<hbm>>
      %dma_start3A_144 = tpu.memref_squeeze %dma_start3A_143 : memref<1x80x128xi32, #tpu.memory_space<hbm>> -> memref<80x128xi32, #tpu.memory_space<hbm>>
      tpu.enqueue_dma source(%dma_start3A_144 : memref<80x128xi32, #tpu.memory_space<hbm>>) target(%arg9 : memref<80x128xi32, #tpu.memory_space<vmem>>) target_semaphore(%run_scoped3A : memref<!tpu.dma_semaphore, #tpu.memory_space<semaphore_mem>>)
      %dma_wait3A_145 = arith.constant 0 : i32
      %dma_wait3A_146 = arith.constant 0 : i32
      %dma_wait3A_147 = tpu.memref_slice %arg4[%add3A, %dma_wait3A_145, %dma_wait3A_146] : memref<32x80x128xi32, #tpu.memory_space<hbm>> -> memref<1x80x128xi32, #tpu.memory_space<hbm>>
      %dma_wait3A_148 = tpu.memref_squeeze %dma_wait3A_147 : memref<1x80x128xi32, #tpu.memory_space<hbm>> -> memref<80x128xi32, #tpu.memory_space<hbm>>
      %dma_wait3A_149 = arith.constant 0 : i32
      %dma_wait3A_150 = arith.constant 0 : i32
      %dma_wait3A_151 = tpu.memref_slice %arg4[%add3A, %dma_wait3A_149, %dma_wait3A_150] : memref<32x80x128xi32, #tpu.memory_space<hbm>> -> memref<1x80x128xi32, #tpu.memory_space<hbm>>
      %dma_wait3A_152 = tpu.memref_squeeze %dma_wait3A_151 : memref<1x80x128xi32, #tpu.memory_space<hbm>> -> memref<80x128xi32, #tpu.memory_space<hbm>>
      tpu.wait_dma2 semaphore(%run_scoped3A : memref<!tpu.dma_semaphore, #tpu.memory_space<semaphore_mem>>) src(%dma_wait3A_152 : memref<80x128xi32, #tpu.memory_space<hbm>>) dst(%arg9 : memref<80x128xi32, #tpu.memory_space<vmem>>)
      tpu.yield
    }) : () -> ()
    "tpu.region"() ({
      %run_scoped3A = tpu.sem_alloc : memref<!tpu.dma_semaphore, #tpu.memory_space<semaphore_mem>>
      %dma_start3A_137 = arith.constant 0 : i32
      %dma_start3A_138 = arith.constant 0 : i32
      %dma_start3A_139 = tpu.memref_slice %arg5[%add3A, %dma_start3A_137, %dma_start3A_138] : memref<32x80x128xi32, #tpu.memory_space<hbm>> -> memref<1x80x128xi32, #tpu.memory_space<hbm>>
      %dma_start3A_140 = tpu.memref_squeeze %dma_start3A_139 : memref<1x80x128xi32, #tpu.memory_space<hbm>> -> memref<80x128xi32, #tpu.memory_space<hbm>>
      %dma_start3A_141 = arith.constant 0 : i32
      %dma_start3A_142 = arith.constant 0 : i32
      %dma_start3A_143 = tpu.memref_slice %arg5[%add3A, %dma_start3A_141, %dma_start3A_142] : memref<32x80x128xi32, #tpu.memory_space<hbm>> -> memref<1x80x128xi32, #tpu.memory_space<hbm>>
      %dma_start3A_144 = tpu.memref_squeeze %dma_start3A_143 : memref<1x80x128xi32, #tpu.memory_space<hbm>> -> memref<80x128xi32, #tpu.memory_space<hbm>>
      tpu.enqueue_dma source(%dma_start3A_144 : memref<80x128xi32, #tpu.memory_space<hbm>>) target(%arg10 : memref<80x128xi32, #tpu.memory_space<vmem>>) target_semaphore(%run_scoped3A : memref<!tpu.dma_semaphore, #tpu.memory_space<semaphore_mem>>)
      %dma_wait3A_145 = arith.constant 0 : i32
      %dma_wait3A_146 = arith.constant 0 : i32
      %dma_wait3A_147 = tpu.memref_slice %arg5[%add3A, %dma_wait3A_145, %dma_wait3A_146] : memref<32x80x128xi32, #tpu.memory_space<hbm>> -> memref<1x80x128xi32, #tpu.memory_space<hbm>>
      %dma_wait3A_148 = tpu.memref_squeeze %dma_wait3A_147 : memref<1x80x128xi32, #tpu.memory_space<hbm>> -> memref<80x128xi32, #tpu.memory_space<hbm>>
      %dma_wait3A_149 = arith.constant 0 : i32
      %dma_wait3A_150 = arith.constant 0 : i32
      %dma_wait3A_151 = tpu.memref_slice %arg5[%add3A, %dma_wait3A_149, %dma_wait3A_150] : memref<32x80x128xi32, #tpu.memory_space<hbm>> -> memref<1x80x128xi32, #tpu.memory_space<hbm>>
      %dma_wait3A_152 = tpu.memref_squeeze %dma_wait3A_151 : memref<1x80x128xi32, #tpu.memory_space<hbm>> -> memref<80x128xi32, #tpu.memory_space<hbm>>
      tpu.wait_dma2 semaphore(%run_scoped3A : memref<!tpu.dma_semaphore, #tpu.memory_space<semaphore_mem>>) src(%dma_wait3A_152 : memref<80x128xi32, #tpu.memory_space<hbm>>) dst(%arg10 : memref<80x128xi32, #tpu.memory_space<vmem>>)
      tpu.yield
    }) : () -> ()
    %mul3A_5 = arith.constant 640 : i32
    %mul3A_6 = arith.muli %arg1, %mul3A_5 : i32
    %mul3A_7 = arith.constant 640 : i32
    %mul3A_8 = arith.muli %arg1, %mul3A_7 : i32
    "tpu.region"() ({
      %run_scoped3A = tpu.sem_alloc : memref<!tpu.dma_semaphore, #tpu.memory_space<semaphore_mem>>
      %dma_start3A_137 = arith.constant 0 : i32
      %dma_start3A_138 = tpu.memref_slice %arg24[%mul3A_8, %dma_start3A_137] : memref<10240x64xbf16, #tpu.memory_space<vmem_shared>> -> memref<640x64xbf16, #tpu.memory_space<vmem_shared>>
      %dma_start3A_139 = arith.constant 0 : i32
      %dma_start3A_140 = tpu.memref_slice %arg6[%mul3A_6, %dma_start3A_139] : memref<10240x64xbf16, #tpu.memory_space<hbm>> -> memref<640x64xbf16, #tpu.memory_space<hbm>>
      tpu.enqueue_dma source(%dma_start3A_140 : memref<640x64xbf16, #tpu.memory_space<hbm>>) target(%dma_start3A_138 : memref<640x64xbf16, #tpu.memory_space<vmem_shared>>) target_semaphore(%run_scoped3A : memref<!tpu.dma_semaphore, #tpu.memory_space<semaphore_mem>>)
      %dma_wait3A_141 = arith.constant 0 : i32
      %dma_wait3A_142 = tpu.memref_slice %arg24[%mul3A_8, %dma_wait3A_141] : memref<10240x64xbf16, #tpu.memory_space<vmem_shared>> -> memref<640x64xbf16, #tpu.memory_space<vmem_shared>>
      %dma_wait3A_143 = arith.constant 0 : i32
      %dma_wait3A_144 = tpu.memref_slice %arg6[%mul3A_6, %dma_wait3A_143] : memref<10240x64xbf16, #tpu.memory_space<hbm>> -> memref<640x64xbf16, #tpu.memory_space<hbm>>
      tpu.wait_dma2 semaphore(%run_scoped3A : memref<!tpu.dma_semaphore, #tpu.memory_space<semaphore_mem>>) src(%dma_wait3A_144 : memref<640x64xbf16, #tpu.memory_space<hbm>>) dst(%dma_wait3A_142 : memref<640x64xbf16, #tpu.memory_space<vmem_shared>>)
      tpu.yield
    }) : () -> ()
    %barrier3A = arith.constant 0 : index
    tpu.barrier barrier_id(%barrier3A)
    %dma_start3A = arith.constant 0 : i32
    %dma_start3A_9 = arith.constant 0 : i32
    %dma_start3A_10 = tpu.memref_slice %arg8[%dma_start3A, %dma_start3A_9] : memref<80x128xi32, #tpu.memory_space<vmem>> -> memref<1x128xi32, #tpu.memory_space<vmem>>
    %dma_start3A_11 = tpu.memref_squeeze %dma_start3A_10 : memref<1x128xi32, #tpu.memory_space<vmem>> -> memref<128xi32, #tpu.memory_space<vmem>>
    %dma_start3A_12 = arith.constant 0 : i32
    %dma_start3A_13 = arith.constant 0 : i32
    %dma_start3A_14 = tpu.memref_slice %arg23[%dma_start3A_12, %dma_start3A_13] : memref<20480x64xbf16, #tpu.memory_space<vmem_shared>> -> memref<20480x64xbf16, #tpu.memory_space<vmem_shared>>
    tpu.enqueue_indirect_dma source(%dma_start3A_14 : memref<20480x64xbf16, #tpu.memory_space<vmem_shared>>) target(%arg11 : memref<128x64xbf16, #tpu.memory_space<vmem>>) offsets(%dma_start3A_11 : memref<128xi32, #tpu.memory_space<vmem>>) semaphore(%arg15 : memref<!tpu.dma_semaphore, #tpu.memory_space<semaphore_mem>>)
    %dma_start3A_15 = arith.constant 1 : i32
    %dma_start3A_16 = arith.constant 0 : i32
    %dma_start3A_17 = tpu.memref_slice %arg8[%dma_start3A_15, %dma_start3A_16] : memref<80x128xi32, #tpu.memory_space<vmem>> -> memref<1x128xi32, #tpu.memory_space<vmem>>
    %dma_start3A_18 = tpu.memref_squeeze %dma_start3A_17 : memref<1x128xi32, #tpu.memory_space<vmem>> -> memref<128xi32, #tpu.memory_space<vmem>>
    %dma_start3A_19 = arith.constant 0 : i32
    %dma_start3A_20 = arith.constant 0 : i32
    %dma_start3A_21 = tpu.memref_slice %arg23[%dma_start3A_19, %dma_start3A_20] : memref<20480x64xbf16, #tpu.memory_space<vmem_shared>> -> memref<20480x64xbf16, #tpu.memory_space<vmem_shared>>
    tpu.enqueue_indirect_dma source(%dma_start3A_21 : memref<20480x64xbf16, #tpu.memory_space<vmem_shared>>) target(%arg12 : memref<128x64xbf16, #tpu.memory_space<vmem>>) offsets(%dma_start3A_18 : memref<128xi32, #tpu.memory_space<vmem>>) semaphore(%arg16 : memref<!tpu.dma_semaphore, #tpu.memory_space<semaphore_mem>>)
    %dma_start3A_22 = arith.constant 2 : i32
    %dma_start3A_23 = arith.constant 0 : i32
    %dma_start3A_24 = tpu.memref_slice %arg8[%dma_start3A_22, %dma_start3A_23] : memref<80x128xi32, #tpu.memory_space<vmem>> -> memref<1x128xi32, #tpu.memory_space<vmem>>
    %dma_start3A_25 = tpu.memref_squeeze %dma_start3A_24 : memref<1x128xi32, #tpu.memory_space<vmem>> -> memref<128xi32, #tpu.memory_space<vmem>>
    %dma_start3A_26 = arith.constant 0 : i32
    %dma_start3A_27 = arith.constant 0 : i32
    %dma_start3A_28 = tpu.memref_slice %arg23[%dma_start3A_26, %dma_start3A_27] : memref<20480x64xbf16, #tpu.memory_space<vmem_shared>> -> memref<20480x64xbf16, #tpu.memory_space<vmem_shared>>
    tpu.enqueue_indirect_dma source(%dma_start3A_28 : memref<20480x64xbf16, #tpu.memory_space<vmem_shared>>) target(%arg13 : memref<128x64xbf16, #tpu.memory_space<vmem>>) offsets(%dma_start3A_25 : memref<128xi32, #tpu.memory_space<vmem>>) semaphore(%arg17 : memref<!tpu.dma_semaphore, #tpu.memory_space<semaphore_mem>>)
    %scan3A = arith.constant 0 : i32
    %scan3A_29 = arith.constant 0 : i32
    %scan3A_30 = arith.constant 20 : i32
    %scan3A_31 = arith.addi %scan3A_29, %scan3A_30 : i32
    %scan3A_32 = arith.constant 1 : i32
    scf.for %scan3A_137 = %scan3A_29 to %scan3A_31 step %scan3A_32  : i32 {
      %mul3A_138 = arith.constant 4 : i32
      %mul3A_139 = arith.muli %mul3A_138, %scan3A_137 : i32
      %add3A_140 = arith.constant 0 : i32
      %add3A_141 = arith.addi %mul3A_139, %add3A_140 : i32
      %dma_wait3A_142 = arith.constant 0 : i32
      %dma_wait3A_143 = tpu.memref_slice %arg8[%add3A_141, %dma_wait3A_142] : memref<80x128xi32, #tpu.memory_space<vmem>> -> memref<1x128xi32, #tpu.memory_space<vmem>>
      %dma_wait3A_144 = tpu.memref_squeeze %dma_wait3A_143 : memref<1x128xi32, #tpu.memory_space<vmem>> -> memref<128xi32, #tpu.memory_space<vmem>>
      %dma_wait3A_145 = arith.constant 0 : i32
      %dma_wait3A_146 = arith.constant 0 : i32
      %dma_wait3A_147 = tpu.memref_slice %arg23[%dma_wait3A_145, %dma_wait3A_146] : memref<20480x64xbf16, #tpu.memory_space<vmem_shared>> -> memref<20480x64xbf16, #tpu.memory_space<vmem_shared>>
      tpu.wait_indirect_dma semaphore(%arg15 : memref<!tpu.dma_semaphore, #tpu.memory_space<semaphore_mem>>) src(%dma_wait3A_147 : memref<20480x64xbf16, #tpu.memory_space<vmem_shared>>) dst(%arg11 : memref<128x64xbf16, #tpu.memory_space<vmem>>)
      %dma_start3A_148 = arith.constant 0 : i32
      %dma_start3A_149 = tpu.memref_slice %arg10[%add3A_141, %dma_start3A_148] : memref<80x128xi32, #tpu.memory_space<vmem>> -> memref<1x128xi32, #tpu.memory_space<vmem>>
      %dma_start3A_150 = tpu.memref_squeeze %dma_start3A_149 : memref<1x128xi32, #tpu.memory_space<vmem>> -> memref<128xi32, #tpu.memory_space<vmem>>
      %dma_start3A_151 = arith.constant 0 : i32
      %dma_start3A_152 = arith.constant 0 : i32
      %dma_start3A_153 = tpu.memref_slice %arg24[%dma_start3A_151, %dma_start3A_152] : memref<10240x64xbf16, #tpu.memory_space<vmem_shared>> -> memref<10240x64xbf16, #tpu.memory_space<vmem_shared>>
      tpu.enqueue_indirect_dma source(%arg11 : memref<128x64xbf16, #tpu.memory_space<vmem>>) target(%dma_start3A_153 : memref<10240x64xbf16, #tpu.memory_space<vmem_shared>>) offsets(%dma_start3A_150 : memref<128xi32, #tpu.memory_space<vmem>>) semaphore(%arg19 : memref<!tpu.dma_semaphore, #tpu.memory_space<semaphore_mem>>) {add = true}
      %add3A_154 = arith.constant 4 : i32
      %add3A_155 = arith.addi %add3A_141, %add3A_154 : i32
      %sub3A = arith.constant 1 : i32
      %sub3A_156 = arith.subi %add3A_155, %sub3A : i32
      %lt3A = arith.constant 80 : i32
      %lt3A_157 = arith.cmpi slt, %sub3A_156, %lt3A : i32
      %convert_element_type3A = arith.extui %lt3A_157 : i1 to i32
      %cond3A = arith.constant 0 : i32
      %cond3A_158 = arith.cmpi ne, %convert_element_type3A, %cond3A : i32
      scf.if %cond3A_158 {
        %ge3A = arith.constant 1 : i32
        %ge3A_234 = arith.cmpi sge, %add3A_141, %ge3A : i32
        %convert_element_type3A_235 = arith.extui %ge3A_234 : i1 to i32
        %cond3A_236 = arith.constant 0 : i32
        %cond3A_237 = arith.cmpi ne, %convert_element_type3A_235, %cond3A_236 : i32
        scf.if %cond3A_237 {
          %dma_wait3A_248 = arith.constant 0 : i32
          %dma_wait3A_249 = arith.constant 0 : i32
          %dma_wait3A_250 = tpu.memref_slice %arg10[%dma_wait3A_248, %dma_wait3A_249] : memref<80x128xi32, #tpu.memory_space<vmem>> -> memref<1x128xi32, #tpu.memory_space<vmem>>
          %dma_wait3A_251 = tpu.memref_squeeze %dma_wait3A_250 : memref<1x128xi32, #tpu.memory_space<vmem>> -> memref<128xi32, #tpu.memory_space<vmem>>
          %dma_wait3A_252 = arith.constant 0 : i32
          %dma_wait3A_253 = arith.constant 0 : i32
          %dma_wait3A_254 = tpu.memref_slice %arg24[%dma_wait3A_252, %dma_wait3A_253] : memref<10240x64xbf16, #tpu.memory_space<vmem_shared>> -> memref<10240x64xbf16, #tpu.memory_space<vmem_shared>>
          tpu.wait_indirect_dma semaphore(%arg22 : memref<!tpu.dma_semaphore, #tpu.memory_space<semaphore_mem>>) src(%arg14 : memref<128x64xbf16, #tpu.memory_space<vmem>>) dst(%dma_wait3A_254 : memref<10240x64xbf16, #tpu.memory_space<vmem_shared>>)
        } else {
        }
        %add3A_238 = arith.constant 4 : i32
        %add3A_239 = arith.addi %add3A_141, %add3A_238 : i32
        %sub3A_240 = arith.constant 1 : i32
        %sub3A_241 = arith.subi %add3A_239, %sub3A_240 : i32
        %dma_start3A_242 = arith.constant 0 : i32
        %dma_start3A_243 = tpu.memref_slice %arg8[%sub3A_241, %dma_start3A_242] : memref<80x128xi32, #tpu.memory_space<vmem>> -> memref<1x128xi32, #tpu.memory_space<vmem>>
        %dma_start3A_244 = tpu.memref_squeeze %dma_start3A_243 : memref<1x128xi32, #tpu.memory_space<vmem>> -> memref<128xi32, #tpu.memory_space<vmem>>
        %dma_start3A_245 = arith.constant 0 : i32
        %dma_start3A_246 = arith.constant 0 : i32
        %dma_start3A_247 = tpu.memref_slice %arg23[%dma_start3A_245, %dma_start3A_246] : memref<20480x64xbf16, #tpu.memory_space<vmem_shared>> -> memref<20480x64xbf16, #tpu.memory_space<vmem_shared>>
        tpu.enqueue_indirect_dma source(%dma_start3A_247 : memref<20480x64xbf16, #tpu.memory_space<vmem_shared>>) target(%arg14 : memref<128x64xbf16, #tpu.memory_space<vmem>>) offsets(%dma_start3A_244 : memref<128xi32, #tpu.memory_space<vmem>>) semaphore(%arg18 : memref<!tpu.dma_semaphore, #tpu.memory_space<semaphore_mem>>)
      } else {
      }
      %mul3A_159 = arith.constant 4 : i32
      %mul3A_160 = arith.muli %mul3A_159, %scan3A_137 : i32
      %add3A_161 = arith.constant 1 : i32
      %add3A_162 = arith.addi %mul3A_160, %add3A_161 : i32
      %dma_wait3A_163 = arith.constant 0 : i32
      %dma_wait3A_164 = tpu.memref_slice %arg8[%add3A_162, %dma_wait3A_163] : memref<80x128xi32, #tpu.memory_space<vmem>> -> memref<1x128xi32, #tpu.memory_space<vmem>>
      %dma_wait3A_165 = tpu.memref_squeeze %dma_wait3A_164 : memref<1x128xi32, #tpu.memory_space<vmem>> -> memref<128xi32, #tpu.memory_space<vmem>>
      %dma_wait3A_166 = arith.constant 0 : i32
      %dma_wait3A_167 = arith.constant 0 : i32
      %dma_wait3A_168 = tpu.memref_slice %arg23[%dma_wait3A_166, %dma_wait3A_167] : memref<20480x64xbf16, #tpu.memory_space<vmem_shared>> -> memref<20480x64xbf16, #tpu.memory_space<vmem_shared>>
      tpu.wait_indirect_dma semaphore(%arg16 : memref<!tpu.dma_semaphore, #tpu.memory_space<semaphore_mem>>) src(%dma_wait3A_168 : memref<20480x64xbf16, #tpu.memory_space<vmem_shared>>) dst(%arg12 : memref<128x64xbf16, #tpu.memory_space<vmem>>)
      %dma_start3A_169 = arith.constant 0 : i32
      %dma_start3A_170 = tpu.memref_slice %arg10[%add3A_162, %dma_start3A_169] : memref<80x128xi32, #tpu.memory_space<vmem>> -> memref<1x128xi32, #tpu.memory_space<vmem>>
      %dma_start3A_171 = tpu.memref_squeeze %dma_start3A_170 : memref<1x128xi32, #tpu.memory_space<vmem>> -> memref<128xi32, #tpu.memory_space<vmem>>
      %dma_start3A_172 = arith.constant 0 : i32
      %dma_start3A_173 = arith.constant 0 : i32
      %dma_start3A_174 = tpu.memref_slice %arg24[%dma_start3A_172, %dma_start3A_173] : memref<10240x64xbf16, #tpu.memory_space<vmem_shared>> -> memref<10240x64xbf16, #tpu.memory_space<vmem_shared>>
      tpu.enqueue_indirect_dma source(%arg12 : memref<128x64xbf16, #tpu.memory_space<vmem>>) target(%dma_start3A_174 : memref<10240x64xbf16, #tpu.memory_space<vmem_shared>>) offsets(%dma_start3A_171 : memref<128xi32, #tpu.memory_space<vmem>>) semaphore(%arg20 : memref<!tpu.dma_semaphore, #tpu.memory_space<semaphore_mem>>) {add = true}
      %add3A_175 = arith.constant 4 : i32
      %add3A_176 = arith.addi %add3A_162, %add3A_175 : i32
      %sub3A_177 = arith.constant 1 : i32
      %sub3A_178 = arith.subi %add3A_176, %sub3A_177 : i32
      %lt3A_179 = arith.constant 80 : i32
      %lt3A_180 = arith.cmpi slt, %sub3A_178, %lt3A_179 : i32
      %convert_element_type3A_181 = arith.extui %lt3A_180 : i1 to i32
      %cond3A_182 = arith.constant 0 : i32
      %cond3A_183 = arith.cmpi ne, %convert_element_type3A_181, %cond3A_182 : i32
      scf.if %cond3A_183 {
        %ge3A = arith.constant 1 : i32
        %ge3A_234 = arith.cmpi sge, %add3A_162, %ge3A : i32
        %convert_element_type3A_235 = arith.extui %ge3A_234 : i1 to i32
        %cond3A_236 = arith.constant 0 : i32
        %cond3A_237 = arith.cmpi ne, %convert_element_type3A_235, %cond3A_236 : i32
        scf.if %cond3A_237 {
          %dma_wait3A_248 = arith.constant 0 : i32
          %dma_wait3A_249 = arith.constant 0 : i32
          %dma_wait3A_250 = tpu.memref_slice %arg10[%dma_wait3A_248, %dma_wait3A_249] : memref<80x128xi32, #tpu.memory_space<vmem>> -> memref<1x128xi32, #tpu.memory_space<vmem>>
          %dma_wait3A_251 = tpu.memref_squeeze %dma_wait3A_250 : memref<1x128xi32, #tpu.memory_space<vmem>> -> memref<128xi32, #tpu.memory_space<vmem>>
          %dma_wait3A_252 = arith.constant 0 : i32
          %dma_wait3A_253 = arith.constant 0 : i32
          %dma_wait3A_254 = tpu.memref_slice %arg24[%dma_wait3A_252, %dma_wait3A_253] : memref<10240x64xbf16, #tpu.memory_space<vmem_shared>> -> memref<10240x64xbf16, #tpu.memory_space<vmem_shared>>
          tpu.wait_indirect_dma semaphore(%arg19 : memref<!tpu.dma_semaphore, #tpu.memory_space<semaphore_mem>>) src(%arg11 : memref<128x64xbf16, #tpu.memory_space<vmem>>) dst(%dma_wait3A_254 : memref<10240x64xbf16, #tpu.memory_space<vmem_shared>>)
        } else {
        }
        %add3A_238 = arith.constant 4 : i32
        %add3A_239 = arith.addi %add3A_162, %add3A_238 : i32
        %sub3A_240 = arith.constant 1 : i32
        %sub3A_241 = arith.subi %add3A_239, %sub3A_240 : i32
        %dma_start3A_242 = arith.constant 0 : i32
        %dma_start3A_243 = tpu.memref_slice %arg8[%sub3A_241, %dma_start3A_242] : memref<80x128xi32, #tpu.memory_space<vmem>> -> memref<1x128xi32, #tpu.memory_space<vmem>>
        %dma_start3A_244 = tpu.memref_squeeze %dma_start3A_243 : memref<1x128xi32, #tpu.memory_space<vmem>> -> memref<128xi32, #tpu.memory_space<vmem>>
        %dma_start3A_245 = arith.constant 0 : i32
        %dma_start3A_246 = arith.constant 0 : i32
        %dma_start3A_247 = tpu.memref_slice %arg23[%dma_start3A_245, %dma_start3A_246] : memref<20480x64xbf16, #tpu.memory_space<vmem_shared>> -> memref<20480x64xbf16, #tpu.memory_space<vmem_shared>>
        tpu.enqueue_indirect_dma source(%dma_start3A_247 : memref<20480x64xbf16, #tpu.memory_space<vmem_shared>>) target(%arg11 : memref<128x64xbf16, #tpu.memory_space<vmem>>) offsets(%dma_start3A_244 : memref<128xi32, #tpu.memory_space<vmem>>) semaphore(%arg15 : memref<!tpu.dma_semaphore, #tpu.memory_space<semaphore_mem>>)
      } else {
      }
      %mul3A_184 = arith.constant 4 : i32
      %mul3A_185 = arith.muli %mul3A_184, %scan3A_137 : i32
      %add3A_186 = arith.constant 2 : i32
      %add3A_187 = arith.addi %mul3A_185, %add3A_186 : i32
      %dma_wait3A_188 = arith.constant 0 : i32
      %dma_wait3A_189 = tpu.memref_slice %arg8[%add3A_187, %dma_wait3A_188] : memref<80x128xi32, #tpu.memory_space<vmem>> -> memref<1x128xi32, #tpu.memory_space<vmem>>
      %dma_wait3A_190 = tpu.memref_squeeze %dma_wait3A_189 : memref<1x128xi32, #tpu.memory_space<vmem>> -> memref<128xi32, #tpu.memory_space<vmem>>
      %dma_wait3A_191 = arith.constant 0 : i32
      %dma_wait3A_192 = arith.constant 0 : i32
      %dma_wait3A_193 = tpu.memref_slice %arg23[%dma_wait3A_191, %dma_wait3A_192] : memref<20480x64xbf16, #tpu.memory_space<vmem_shared>> -> memref<20480x64xbf16, #tpu.memory_space<vmem_shared>>
      tpu.wait_indirect_dma semaphore(%arg17 : memref<!tpu.dma_semaphore, #tpu.memory_space<semaphore_mem>>) src(%dma_wait3A_193 : memref<20480x64xbf16, #tpu.memory_space<vmem_shared>>) dst(%arg13 : memref<128x64xbf16, #tpu.memory_space<vmem>>)
      %dma_start3A_194 = arith.constant 0 : i32
      %dma_start3A_195 = tpu.memref_slice %arg10[%add3A_187, %dma_start3A_194] : memref<80x128xi32, #tpu.memory_space<vmem>> -> memref<1x128xi32, #tpu.memory_space<vmem>>
      %dma_start3A_196 = tpu.memref_squeeze %dma_start3A_195 : memref<1x128xi32, #tpu.memory_space<vmem>> -> memref<128xi32, #tpu.memory_space<vmem>>
      %dma_start3A_197 = arith.constant 0 : i32
      %dma_start3A_198 = arith.constant 0 : i32
      %dma_start3A_199 = tpu.memref_slice %arg24[%dma_start3A_197, %dma_start3A_198] : memref<10240x64xbf16, #tpu.memory_space<vmem_shared>> -> memref<10240x64xbf16, #tpu.memory_space<vmem_shared>>
      tpu.enqueue_indirect_dma source(%arg13 : memref<128x64xbf16, #tpu.memory_space<vmem>>) target(%dma_start3A_199 : memref<10240x64xbf16, #tpu.memory_space<vmem_shared>>) offsets(%dma_start3A_196 : memref<128xi32, #tpu.memory_space<vmem>>) semaphore(%arg21 : memref<!tpu.dma_semaphore, #tpu.memory_space<semaphore_mem>>) {add = true}
      %add3A_200 = arith.constant 4 : i32
      %add3A_201 = arith.addi %add3A_187, %add3A_200 : i32
      %sub3A_202 = arith.constant 1 : i32
      %sub3A_203 = arith.subi %add3A_201, %sub3A_202 : i32
      %lt3A_204 = arith.constant 80 : i32
      %lt3A_205 = arith.cmpi slt, %sub3A_203, %lt3A_204 : i32
      %convert_element_type3A_206 = arith.extui %lt3A_205 : i1 to i32
      %cond3A_207 = arith.constant 0 : i32
      %cond3A_208 = arith.cmpi ne, %convert_element_type3A_206, %cond3A_207 : i32
      scf.if %cond3A_208 {
        %ge3A = arith.constant 1 : i32
        %ge3A_234 = arith.cmpi sge, %add3A_187, %ge3A : i32
        %convert_element_type3A_235 = arith.extui %ge3A_234 : i1 to i32
        %cond3A_236 = arith.constant 0 : i32
        %cond3A_237 = arith.cmpi ne, %convert_element_type3A_235, %cond3A_236 : i32
        scf.if %cond3A_237 {
          %dma_wait3A_248 = arith.constant 0 : i32
          %dma_wait3A_249 = arith.constant 0 : i32
          %dma_wait3A_250 = tpu.memref_slice %arg10[%dma_wait3A_248, %dma_wait3A_249] : memref<80x128xi32, #tpu.memory_space<vmem>> -> memref<1x128xi32, #tpu.memory_space<vmem>>
          %dma_wait3A_251 = tpu.memref_squeeze %dma_wait3A_250 : memref<1x128xi32, #tpu.memory_space<vmem>> -> memref<128xi32, #tpu.memory_space<vmem>>
          %dma_wait3A_252 = arith.constant 0 : i32
          %dma_wait3A_253 = arith.constant 0 : i32
          %dma_wait3A_254 = tpu.memref_slice %arg24[%dma_wait3A_252, %dma_wait3A_253] : memref<10240x64xbf16, #tpu.memory_space<vmem_shared>> -> memref<10240x64xbf16, #tpu.memory_space<vmem_shared>>
          tpu.wait_indirect_dma semaphore(%arg20 : memref<!tpu.dma_semaphore, #tpu.memory_space<semaphore_mem>>) src(%arg12 : memref<128x64xbf16, #tpu.memory_space<vmem>>) dst(%dma_wait3A_254 : memref<10240x64xbf16, #tpu.memory_space<vmem_shared>>)
        } else {
        }
        %add3A_238 = arith.constant 4 : i32
        %add3A_239 = arith.addi %add3A_187, %add3A_238 : i32
        %sub3A_240 = arith.constant 1 : i32
        %sub3A_241 = arith.subi %add3A_239, %sub3A_240 : i32
        %dma_start3A_242 = arith.constant 0 : i32
        %dma_start3A_243 = tpu.memref_slice %arg8[%sub3A_241, %dma_start3A_242] : memref<80x128xi32, #tpu.memory_space<vmem>> -> memref<1x128xi32, #tpu.memory_space<vmem>>
        %dma_start3A_244 = tpu.memref_squeeze %dma_start3A_243 : memref<1x128xi32, #tpu.memory_space<vmem>> -> memref<128xi32, #tpu.memory_space<vmem>>
        %dma_start3A_245 = arith.constant 0 : i32
        %dma_start3A_246 = arith.constant 0 : i32
        %dma_start3A_247 = tpu.memref_slice %arg23[%dma_start3A_245, %dma_start3A_246] : memref<20480x64xbf16, #tpu.memory_space<vmem_shared>> -> memref<20480x64xbf16, #tpu.memory_space<vmem_shared>>
        tpu.enqueue_indirect_dma source(%dma_start3A_247 : memref<20480x64xbf16, #tpu.memory_space<vmem_shared>>) target(%arg12 : memref<128x64xbf16, #tpu.memory_space<vmem>>) offsets(%dma_start3A_244 : memref<128xi32, #tpu.memory_space<vmem>>) semaphore(%arg16 : memref<!tpu.dma_semaphore, #tpu.memory_space<semaphore_mem>>)
      } else {
      }
      %mul3A_209 = arith.constant 4 : i32
      %mul3A_210 = arith.muli %mul3A_209, %scan3A_137 : i32
      %add3A_211 = arith.constant 3 : i32
      %add3A_212 = arith.addi %mul3A_210, %add3A_211 : i32
      %dma_wait3A_213 = arith.constant 0 : i32
      %dma_wait3A_214 = tpu.memref_slice %arg8[%add3A_212, %dma_wait3A_213] : memref<80x128xi32, #tpu.memory_space<vmem>> -> memref<1x128xi32, #tpu.memory_space<vmem>>
      %dma_wait3A_215 = tpu.memref_squeeze %dma_wait3A_214 : memref<1x128xi32, #tpu.memory_space<vmem>> -> memref<128xi32, #tpu.memory_space<vmem>>
      %dma_wait3A_216 = arith.constant 0 : i32
      %dma_wait3A_217 = arith.constant 0 : i32
      %dma_wait3A_218 = tpu.memref_slice %arg23[%dma_wait3A_216, %dma_wait3A_217] : memref<20480x64xbf16, #tpu.memory_space<vmem_shared>> -> memref<20480x64xbf16, #tpu.memory_space<vmem_shared>>
      tpu.wait_indirect_dma semaphore(%arg18 : memref<!tpu.dma_semaphore, #tpu.memory_space<semaphore_mem>>) src(%dma_wait3A_218 : memref<20480x64xbf16, #tpu.memory_space<vmem_shared>>) dst(%arg14 : memref<128x64xbf16, #tpu.memory_space<vmem>>)
      %dma_start3A_219 = arith.constant 0 : i32
      %dma_start3A_220 = tpu.memref_slice %arg10[%add3A_212, %dma_start3A_219] : memref<80x128xi32, #tpu.memory_space<vmem>> -> memref<1x128xi32, #tpu.memory_space<vmem>>
      %dma_start3A_221 = tpu.memref_squeeze %dma_start3A_220 : memref<1x128xi32, #tpu.memory_space<vmem>> -> memref<128xi32, #tpu.memory_space<vmem>>
      %dma_start3A_222 = arith.constant 0 : i32
      %dma_start3A_223 = arith.constant 0 : i32
      %dma_start3A_224 = tpu.memref_slice %arg24[%dma_start3A_222, %dma_start3A_223] : memref<10240x64xbf16, #tpu.memory_space<vmem_shared>> -> memref<10240x64xbf16, #tpu.memory_space<vmem_shared>>
      tpu.enqueue_indirect_dma source(%arg14 : memref<128x64xbf16, #tpu.memory_space<vmem>>) target(%dma_start3A_224 : memref<10240x64xbf16, #tpu.memory_space<vmem_shared>>) offsets(%dma_start3A_221 : memref<128xi32, #tpu.memory_space<vmem>>) semaphore(%arg22 : memref<!tpu.dma_semaphore, #tpu.memory_space<semaphore_mem>>) {add = true}
      %add3A_225 = arith.constant 4 : i32
      %add3A_226 = arith.addi %add3A_212, %add3A_225 : i32
      %sub3A_227 = arith.constant 1 : i32
      %sub3A_228 = arith.subi %add3A_226, %sub3A_227 : i32
      %lt3A_229 = arith.constant 80 : i32
      %lt3A_230 = arith.cmpi slt, %sub3A_228, %lt3A_229 : i32
      %convert_element_type3A_231 = arith.extui %lt3A_230 : i1 to i32
      %cond3A_232 = arith.constant 0 : i32
      %cond3A_233 = arith.cmpi ne, %convert_element_type3A_231, %cond3A_232 : i32
      scf.if %cond3A_233 {
        %ge3A = arith.constant 1 : i32
        %ge3A_234 = arith.cmpi sge, %add3A_212, %ge3A : i32
        %convert_element_type3A_235 = arith.extui %ge3A_234 : i1 to i32
        %cond3A_236 = arith.constant 0 : i32
        %cond3A_237 = arith.cmpi ne, %convert_element_type3A_235, %cond3A_236 : i32
        scf.if %cond3A_237 {
          %dma_wait3A_248 = arith.constant 0 : i32
          %dma_wait3A_249 = arith.constant 0 : i32
          %dma_wait3A_250 = tpu.memref_slice %arg10[%dma_wait3A_248, %dma_wait3A_249] : memref<80x128xi32, #tpu.memory_space<vmem>> -> memref<1x128xi32, #tpu.memory_space<vmem>>
          %dma_wait3A_251 = tpu.memref_squeeze %dma_wait3A_250 : memref<1x128xi32, #tpu.memory_space<vmem>> -> memref<128xi32, #tpu.memory_space<vmem>>
          %dma_wait3A_252 = arith.constant 0 : i32
          %dma_wait3A_253 = arith.constant 0 : i32
          %dma_wait3A_254 = tpu.memref_slice %arg24[%dma_wait3A_252, %dma_wait3A_253] : memref<10240x64xbf16, #tpu.memory_space<vmem_shared>> -> memref<10240x64xbf16, #tpu.memory_space<vmem_shared>>
          tpu.wait_indirect_dma semaphore(%arg21 : memref<!tpu.dma_semaphore, #tpu.memory_space<semaphore_mem>>) src(%arg13 : memref<128x64xbf16, #tpu.memory_space<vmem>>) dst(%dma_wait3A_254 : memref<10240x64xbf16, #tpu.memory_space<vmem_shared>>)
        } else {
        }
        %add3A_238 = arith.constant 4 : i32
        %add3A_239 = arith.addi %add3A_212, %add3A_238 : i32
        %sub3A_240 = arith.constant 1 : i32
        %sub3A_241 = arith.subi %add3A_239, %sub3A_240 : i32
        %dma_start3A_242 = arith.constant 0 : i32
        %dma_start3A_243 = tpu.memref_slice %arg8[%sub3A_241, %dma_start3A_242] : memref<80x128xi32, #tpu.memory_space<vmem>> -> memref<1x128xi32, #tpu.memory_space<vmem>>
        %dma_start3A_244 = tpu.memref_squeeze %dma_start3A_243 : memref<1x128xi32, #tpu.memory_space<vmem>> -> memref<128xi32, #tpu.memory_space<vmem>>
        %dma_start3A_245 = arith.constant 0 : i32
        %dma_start3A_246 = arith.constant 0 : i32
        %dma_start3A_247 = tpu.memref_slice %arg23[%dma_start3A_245, %dma_start3A_246] : memref<20480x64xbf16, #tpu.memory_space<vmem_shared>> -> memref<20480x64xbf16, #tpu.memory_space<vmem_shared>>
        tpu.enqueue_indirect_dma source(%dma_start3A_247 : memref<20480x64xbf16, #tpu.memory_space<vmem_shared>>) target(%arg13 : memref<128x64xbf16, #tpu.memory_space<vmem>>) offsets(%dma_start3A_244 : memref<128xi32, #tpu.memory_space<vmem>>) semaphore(%arg17 : memref<!tpu.dma_semaphore, #tpu.memory_space<semaphore_mem>>)
      } else {
      }
    }
    %scan3A_33 = arith.constant 20 : i32
    %dma_wait3A = arith.constant 0 : i32
    %dma_wait3A_34 = arith.constant 0 : i32
    %dma_wait3A_35 = tpu.memref_slice %arg10[%dma_wait3A, %dma_wait3A_34] : memref<80x128xi32, #tpu.memory_space<vmem>> -> memref<1x128xi32, #tpu.memory_space<vmem>>
    %dma_wait3A_36 = tpu.memref_squeeze %dma_wait3A_35 : memref<1x128xi32, #tpu.memory_space<vmem>> -> memref<128xi32, #tpu.memory_space<vmem>>
    %dma_wait3A_37 = arith.constant 0 : i32
    %dma_wait3A_38 = arith.constant 0 : i32
    %dma_wait3A_39 = tpu.memref_slice %arg24[%dma_wait3A_37, %dma_wait3A_38] : memref<10240x64xbf16, #tpu.memory_space<vmem_shared>> -> memref<10240x64xbf16, #tpu.memory_space<vmem_shared>>
    tpu.wait_indirect_dma semaphore(%arg19 : memref<!tpu.dma_semaphore, #tpu.memory_space<semaphore_mem>>) src(%arg11 : memref<128x64xbf16, #tpu.memory_space<vmem>>) dst(%dma_wait3A_39 : memref<10240x64xbf16, #tpu.memory_space<vmem_shared>>)
    %dma_wait3A_40 = arith.constant 0 : i32
    %dma_wait3A_41 = arith.constant 0 : i32
    %dma_wait3A_42 = tpu.memref_slice %arg10[%dma_wait3A_40, %dma_wait3A_41] : memref<80x128xi32, #tpu.memory_space<vmem>> -> memref<1x128xi32, #tpu.memory_space<vmem>>
    %dma_wait3A_43 = tpu.memref_squeeze %dma_wait3A_42 : memref<1x128xi32, #tpu.memory_space<vmem>> -> memref<128xi32, #tpu.memory_space<vmem>>
    %dma_wait3A_44 = arith.constant 0 : i32
    %dma_wait3A_45 = arith.constant 0 : i32
    %dma_wait3A_46 = tpu.memref_slice %arg24[%dma_wait3A_44, %dma_wait3A_45] : memref<10240x64xbf16, #tpu.memory_space<vmem_shared>> -> memref<10240x64xbf16, #tpu.memory_space<vmem_shared>>
    tpu.wait_indirect_dma semaphore(%arg20 : memref<!tpu.dma_semaphore, #tpu.memory_space<semaphore_mem>>) src(%arg12 : memref<128x64xbf16, #tpu.memory_space<vmem>>) dst(%dma_wait3A_46 : memref<10240x64xbf16, #tpu.memory_space<vmem_shared>>)
    %dma_wait3A_47 = arith.constant 0 : i32
    %dma_wait3A_48 = arith.constant 0 : i32
    %dma_wait3A_49 = tpu.memref_slice %arg10[%dma_wait3A_47, %dma_wait3A_48] : memref<80x128xi32, #tpu.memory_space<vmem>> -> memref<1x128xi32, #tpu.memory_space<vmem>>
    %dma_wait3A_50 = tpu.memref_squeeze %dma_wait3A_49 : memref<1x128xi32, #tpu.memory_space<vmem>> -> memref<128xi32, #tpu.memory_space<vmem>>
    %dma_wait3A_51 = arith.constant 0 : i32
    %dma_wait3A_52 = arith.constant 0 : i32
    %dma_wait3A_53 = tpu.memref_slice %arg24[%dma_wait3A_51, %dma_wait3A_52] : memref<10240x64xbf16, #tpu.memory_space<vmem_shared>> -> memref<10240x64xbf16, #tpu.memory_space<vmem_shared>>
    tpu.wait_indirect_dma semaphore(%arg21 : memref<!tpu.dma_semaphore, #tpu.memory_space<semaphore_mem>>) src(%arg13 : memref<128x64xbf16, #tpu.memory_space<vmem>>) dst(%dma_wait3A_53 : memref<10240x64xbf16, #tpu.memory_space<vmem_shared>>)
    %dma_wait3A_54 = arith.constant 0 : i32
    %dma_wait3A_55 = arith.constant 0 : i32
    %dma_wait3A_56 = tpu.memref_slice %arg10[%dma_wait3A_54, %dma_wait3A_55] : memref<80x128xi32, #tpu.memory_space<vmem>> -> memref<1x128xi32, #tpu.memory_space<vmem>>
    %dma_wait3A_57 = tpu.memref_squeeze %dma_wait3A_56 : memref<1x128xi32, #tpu.memory_space<vmem>> -> memref<128xi32, #tpu.memory_space<vmem>>
    %dma_wait3A_58 = arith.constant 0 : i32
    %dma_wait3A_59 = arith.constant 0 : i32
    %dma_wait3A_60 = tpu.memref_slice %arg24[%dma_wait3A_58, %dma_wait3A_59] : memref<10240x64xbf16, #tpu.memory_space<vmem_shared>> -> memref<10240x64xbf16, #tpu.memory_space<vmem_shared>>
    tpu.wait_indirect_dma semaphore(%arg22 : memref<!tpu.dma_semaphore, #tpu.memory_space<semaphore_mem>>) src(%arg14 : memref<128x64xbf16, #tpu.memory_space<vmem>>) dst(%dma_wait3A_60 : memref<10240x64xbf16, #tpu.memory_space<vmem_shared>>)
    %barrier3A_61 = arith.constant 0 : index
    tpu.barrier barrier_id(%barrier3A_61)
    %mul3A_62 = arith.constant 640 : i32
    %mul3A_63 = arith.muli %arg1, %mul3A_62 : i32
    %mul3A_64 = arith.constant 16 : i32
    %mul3A_65 = arith.muli %arg0, %mul3A_64 : i32
    %add3A_66 = arith.constant 0 : i32
    %add3A_67 = arith.addi %add3A_66, %mul3A_65 : i32
    %add3A_68 = arith.addi %add3A_67, %arg1 : i32
    "tpu.region"() ({
      %run_scoped3A = tpu.sem_alloc : memref<!tpu.dma_semaphore, #tpu.memory_space<semaphore_mem>>
      %dma_start3A_137 = arith.constant 0 : i32
      %dma_start3A_138 = arith.constant 0 : i32
      %dma_start3A_139 = tpu.memref_slice %arg7[%add3A_68, %dma_start3A_137, %dma_start3A_138] : memref<64x640x64xbf16, #tpu.memory_space<hbm>> -> memref<1x640x64xbf16, #tpu.memory_space<hbm>>
      %dma_start3A_140 = tpu.memref_squeeze %dma_start3A_139 : memref<1x640x64xbf16, #tpu.memory_space<hbm>> -> memref<640x64xbf16, #tpu.memory_space<hbm>>
      %dma_start3A_141 = arith.constant 0 : i32
      %dma_start3A_142 = tpu.memref_slice %arg24[%mul3A_63, %dma_start3A_141] : memref<10240x64xbf16, #tpu.memory_space<vmem_shared>> -> memref<640x64xbf16, #tpu.memory_space<vmem_shared>>
      tpu.enqueue_dma source(%dma_start3A_142 : memref<640x64xbf16, #tpu.memory_space<vmem_shared>>) target(%dma_start3A_140 : memref<640x64xbf16, #tpu.memory_space<hbm>>) target_semaphore(%run_scoped3A : memref<!tpu.dma_semaphore, #tpu.memory_space<semaphore_mem>>)
      %dma_wait3A_143 = arith.constant 0 : i32
      %dma_wait3A_144 = arith.constant 0 : i32
      %dma_wait3A_145 = tpu.memref_slice %arg7[%add3A_68, %dma_wait3A_143, %dma_wait3A_144] : memref<64x640x64xbf16, #tpu.memory_space<hbm>> -> memref<1x640x64xbf16, #tpu.memory_space<hbm>>
      %dma_wait3A_146 = tpu.memref_squeeze %dma_wait3A_145 : memref<1x640x64xbf16, #tpu.memory_space<hbm>> -> memref<640x64xbf16, #tpu.memory_space<hbm>>
      %dma_wait3A_147 = arith.constant 0 : i32
      %dma_wait3A_148 = tpu.memref_slice %arg24[%mul3A_63, %dma_wait3A_147] : memref<10240x64xbf16, #tpu.memory_space<vmem_shared>> -> memref<640x64xbf16, #tpu.memory_space<vmem_shared>>
      tpu.wait_dma2 semaphore(%run_scoped3A : memref<!tpu.dma_semaphore, #tpu.memory_space<semaphore_mem>>) src(%dma_wait3A_148 : memref<640x64xbf16, #tpu.memory_space<vmem_shared>>) dst(%dma_wait3A_146 : memref<640x64xbf16, #tpu.memory_space<hbm>>)
      tpu.yield
    }) : () -> ()
    %mul3A_69 = arith.constant 640 : i32
    %mul3A_70 = arith.muli %arg1, %mul3A_69 : i32
    %mul3A_71 = arith.constant 640 : i32
    %mul3A_72 = arith.muli %arg1, %mul3A_71 : i32
    "tpu.region"() ({
      %run_scoped3A = tpu.sem_alloc : memref<!tpu.dma_semaphore, #tpu.memory_space<semaphore_mem>>
      %dma_start3A_137 = arith.constant 0 : i32
      %dma_start3A_138 = tpu.memref_slice %arg24[%mul3A_72, %dma_start3A_137] : memref<10240x64xbf16, #tpu.memory_space<vmem_shared>> -> memref<640x64xbf16, #tpu.memory_space<vmem_shared>>
      %dma_start3A_139 = arith.constant 0 : i32
      %dma_start3A_140 = tpu.memref_slice %arg6[%mul3A_70, %dma_start3A_139] : memref<10240x64xbf16, #tpu.memory_space<hbm>> -> memref<640x64xbf16, #tpu.memory_space<hbm>>
      tpu.enqueue_dma source(%dma_start3A_140 : memref<640x64xbf16, #tpu.memory_space<hbm>>) target(%dma_start3A_138 : memref<640x64xbf16, #tpu.memory_space<vmem_shared>>) target_semaphore(%run_scoped3A : memref<!tpu.dma_semaphore, #tpu.memory_space<semaphore_mem>>)
      %dma_wait3A_141 = arith.constant 0 : i32
      %dma_wait3A_142 = tpu.memref_slice %arg24[%mul3A_72, %dma_wait3A_141] : memref<10240x64xbf16, #tpu.memory_space<vmem_shared>> -> memref<640x64xbf16, #tpu.memory_space<vmem_shared>>
      %dma_wait3A_143 = arith.constant 0 : i32
      %dma_wait3A_144 = tpu.memref_slice %arg6[%mul3A_70, %dma_wait3A_143] : memref<10240x64xbf16, #tpu.memory_space<hbm>> -> memref<640x64xbf16, #tpu.memory_space<hbm>>
      tpu.wait_dma2 semaphore(%run_scoped3A : memref<!tpu.dma_semaphore, #tpu.memory_space<semaphore_mem>>) src(%dma_wait3A_144 : memref<640x64xbf16, #tpu.memory_space<hbm>>) dst(%dma_wait3A_142 : memref<640x64xbf16, #tpu.memory_space<vmem_shared>>)
      tpu.yield
    }) : () -> ()
    %barrier3A_73 = arith.constant 0 : index
    tpu.barrier barrier_id(%barrier3A_73)
    %dma_start3A_74 = arith.constant 0 : i32
    %dma_start3A_75 = arith.constant 0 : i32
    %dma_start3A_76 = tpu.memref_slice %arg9[%dma_start3A_74, %dma_start3A_75] : memref<80x128xi32, #tpu.memory_space<vmem>> -> memref<1x128xi32, #tpu.memory_space<vmem>>
    %dma_start3A_77 = tpu.memref_squeeze %dma_start3A_76 : memref<1x128xi32, #tpu.memory_space<vmem>> -> memref<128xi32, #tpu.memory_space<vmem>>
    %dma_start3A_78 = arith.constant 0 : i32
    %dma_start3A_79 = arith.constant 0 : i32
    %dma_start3A_80 = tpu.memref_slice %arg23[%dma_start3A_78, %dma_start3A_79] : memref<20480x64xbf16, #tpu.memory_space<vmem_shared>> -> memref<20480x64xbf16, #tpu.memory_space<vmem_shared>>
    tpu.enqueue_indirect_dma source(%dma_start3A_80 : memref<20480x64xbf16, #tpu.memory_space<vmem_shared>>) target(%arg11 : memref<128x64xbf16, #tpu.memory_space<vmem>>) offsets(%dma_start3A_77 : memref<128xi32, #tpu.memory_space<vmem>>) semaphore(%arg15 : memref<!tpu.dma_semaphore, #tpu.memory_space<semaphore_mem>>)
    %dma_start3A_81 = arith.constant 1 : i32
    %dma_start3A_82 = arith.constant 0 : i32
    %dma_start3A_83 = tpu.memref_slice %arg9[%dma_start3A_81, %dma_start3A_82] : memref<80x128xi32, #tpu.memory_space<vmem>> -> memref<1x128xi32, #tpu.memory_space<vmem>>
    %dma_start3A_84 = tpu.memref_squeeze %dma_start3A_83 : memref<1x128xi32, #tpu.memory_space<vmem>> -> memref<128xi32, #tpu.memory_space<vmem>>
    %dma_start3A_85 = arith.constant 0 : i32
    %dma_start3A_86 = arith.constant 0 : i32
    %dma_start3A_87 = tpu.memref_slice %arg23[%dma_start3A_85, %dma_start3A_86] : memref<20480x64xbf16, #tpu.memory_space<vmem_shared>> -> memref<20480x64xbf16, #tpu.memory_space<vmem_shared>>
    tpu.enqueue_indirect_dma source(%dma_start3A_87 : memref<20480x64xbf16, #tpu.memory_space<vmem_shared>>) target(%arg12 : memref<128x64xbf16, #tpu.memory_space<vmem>>) offsets(%dma_start3A_84 : memref<128xi32, #tpu.memory_space<vmem>>) semaphore(%arg16 : memref<!tpu.dma_semaphore, #tpu.memory_space<semaphore_mem>>)
    %dma_start3A_88 = arith.constant 2 : i32
    %dma_start3A_89 = arith.constant 0 : i32
    %dma_start3A_90 = tpu.memref_slice %arg9[%dma_start3A_88, %dma_start3A_89] : memref<80x128xi32, #tpu.memory_space<vmem>> -> memref<1x128xi32, #tpu.memory_space<vmem>>
    %dma_start3A_91 = tpu.memref_squeeze %dma_start3A_90 : memref<1x128xi32, #tpu.memory_space<vmem>> -> memref<128xi32, #tpu.memory_space<vmem>>
    %dma_start3A_92 = arith.constant 0 : i32
    %dma_start3A_93 = arith.constant 0 : i32
    %dma_start3A_94 = tpu.memref_slice %arg23[%dma_start3A_92, %dma_start3A_93] : memref<20480x64xbf16, #tpu.memory_space<vmem_shared>> -> memref<20480x64xbf16, #tpu.memory_space<vmem_shared>>
    tpu.enqueue_indirect_dma source(%dma_start3A_94 : memref<20480x64xbf16, #tpu.memory_space<vmem_shared>>) target(%arg13 : memref<128x64xbf16, #tpu.memory_space<vmem>>) offsets(%dma_start3A_91 : memref<128xi32, #tpu.memory_space<vmem>>) semaphore(%arg17 : memref<!tpu.dma_semaphore, #tpu.memory_space<semaphore_mem>>)
    %scan3A_95 = arith.constant 0 : i32
    %scan3A_96 = arith.constant 0 : i32
    %scan3A_97 = arith.constant 20 : i32
    %scan3A_98 = arith.addi %scan3A_96, %scan3A_97 : i32
    %scan3A_99 = arith.constant 1 : i32
    scf.for %scan3A_137 = %scan3A_96 to %scan3A_98 step %scan3A_99  : i32 {
      %mul3A_138 = arith.constant 4 : i32
      %mul3A_139 = arith.muli %mul3A_138, %scan3A_137 : i32
      %add3A_140 = arith.constant 0 : i32
      %add3A_141 = arith.addi %mul3A_139, %add3A_140 : i32
      %dma_wait3A_142 = arith.constant 0 : i32
      %dma_wait3A_143 = tpu.memref_slice %arg9[%add3A_141, %dma_wait3A_142] : memref<80x128xi32, #tpu.memory_space<vmem>> -> memref<1x128xi32, #tpu.memory_space<vmem>>
      %dma_wait3A_144 = tpu.memref_squeeze %dma_wait3A_143 : memref<1x128xi32, #tpu.memory_space<vmem>> -> memref<128xi32, #tpu.memory_space<vmem>>
      %dma_wait3A_145 = arith.constant 0 : i32
      %dma_wait3A_146 = arith.constant 0 : i32
      %dma_wait3A_147 = tpu.memref_slice %arg23[%dma_wait3A_145, %dma_wait3A_146] : memref<20480x64xbf16, #tpu.memory_space<vmem_shared>> -> memref<20480x64xbf16, #tpu.memory_space<vmem_shared>>
      tpu.wait_indirect_dma semaphore(%arg15 : memref<!tpu.dma_semaphore, #tpu.memory_space<semaphore_mem>>) src(%dma_wait3A_147 : memref<20480x64xbf16, #tpu.memory_space<vmem_shared>>) dst(%arg11 : memref<128x64xbf16, #tpu.memory_space<vmem>>)
      %dma_start3A_148 = arith.constant 0 : i32
      %dma_start3A_149 = tpu.memref_slice %arg10[%add3A_141, %dma_start3A_148] : memref<80x128xi32, #tpu.memory_space<vmem>> -> memref<1x128xi32, #tpu.memory_space<vmem>>
      %dma_start3A_150 = tpu.memref_squeeze %dma_start3A_149 : memref<1x128xi32, #tpu.memory_space<vmem>> -> memref<128xi32, #tpu.memory_space<vmem>>
      %dma_start3A_151 = arith.constant 0 : i32
      %dma_start3A_152 = arith.constant 0 : i32
      %dma_start3A_153 = tpu.memref_slice %arg24[%dma_start3A_151, %dma_start3A_152] : memref<10240x64xbf16, #tpu.memory_space<vmem_shared>> -> memref<10240x64xbf16, #tpu.memory_space<vmem_shared>>
      tpu.enqueue_indirect_dma source(%arg11 : memref<128x64xbf16, #tpu.memory_space<vmem>>) target(%dma_start3A_153 : memref<10240x64xbf16, #tpu.memory_space<vmem_shared>>) offsets(%dma_start3A_150 : memref<128xi32, #tpu.memory_space<vmem>>) semaphore(%arg19 : memref<!tpu.dma_semaphore, #tpu.memory_space<semaphore_mem>>) {add = true}
      %add3A_154 = arith.constant 4 : i32
      %add3A_155 = arith.addi %add3A_141, %add3A_154 : i32
      %sub3A = arith.constant 1 : i32
      %sub3A_156 = arith.subi %add3A_155, %sub3A : i32
      %lt3A = arith.constant 80 : i32
      %lt3A_157 = arith.cmpi slt, %sub3A_156, %lt3A : i32
      %convert_element_type3A = arith.extui %lt3A_157 : i1 to i32
      %cond3A = arith.constant 0 : i32
      %cond3A_158 = arith.cmpi ne, %convert_element_type3A, %cond3A : i32
      scf.if %cond3A_158 {
        %ge3A = arith.constant 1 : i32
        %ge3A_234 = arith.cmpi sge, %add3A_141, %ge3A : i32
        %convert_element_type3A_235 = arith.extui %ge3A_234 : i1 to i32
        %cond3A_236 = arith.constant 0 : i32
        %cond3A_237 = arith.cmpi ne, %convert_element_type3A_235, %cond3A_236 : i32
        scf.if %cond3A_237 {
          %dma_wait3A_248 = arith.constant 0 : i32
          %dma_wait3A_249 = arith.constant 0 : i32
          %dma_wait3A_250 = tpu.memref_slice %arg10[%dma_wait3A_248, %dma_wait3A_249] : memref<80x128xi32, #tpu.memory_space<vmem>> -> memref<1x128xi32, #tpu.memory_space<vmem>>
          %dma_wait3A_251 = tpu.memref_squeeze %dma_wait3A_250 : memref<1x128xi32, #tpu.memory_space<vmem>> -> memref<128xi32, #tpu.memory_space<vmem>>
          %dma_wait3A_252 = arith.constant 0 : i32
          %dma_wait3A_253 = arith.constant 0 : i32
          %dma_wait3A_254 = tpu.memref_slice %arg24[%dma_wait3A_252, %dma_wait3A_253] : memref<10240x64xbf16, #tpu.memory_space<vmem_shared>> -> memref<10240x64xbf16, #tpu.memory_space<vmem_shared>>
          tpu.wait_indirect_dma semaphore(%arg22 : memref<!tpu.dma_semaphore, #tpu.memory_space<semaphore_mem>>) src(%arg14 : memref<128x64xbf16, #tpu.memory_space<vmem>>) dst(%dma_wait3A_254 : memref<10240x64xbf16, #tpu.memory_space<vmem_shared>>)
        } else {
        }
        %add3A_238 = arith.constant 4 : i32
        %add3A_239 = arith.addi %add3A_141, %add3A_238 : i32
        %sub3A_240 = arith.constant 1 : i32
        %sub3A_241 = arith.subi %add3A_239, %sub3A_240 : i32
        %dma_start3A_242 = arith.constant 0 : i32
        %dma_start3A_243 = tpu.memref_slice %arg9[%sub3A_241, %dma_start3A_242] : memref<80x128xi32, #tpu.memory_space<vmem>> -> memref<1x128xi32, #tpu.memory_space<vmem>>
        %dma_start3A_244 = tpu.memref_squeeze %dma_start3A_243 : memref<1x128xi32, #tpu.memory_space<vmem>> -> memref<128xi32, #tpu.memory_space<vmem>>
        %dma_start3A_245 = arith.constant 0 : i32
        %dma_start3A_246 = arith.constant 0 : i32
        %dma_start3A_247 = tpu.memref_slice %arg23[%dma_start3A_245, %dma_start3A_246] : memref<20480x64xbf16, #tpu.memory_space<vmem_shared>> -> memref<20480x64xbf16, #tpu.memory_space<vmem_shared>>
        tpu.enqueue_indirect_dma source(%dma_start3A_247 : memref<20480x64xbf16, #tpu.memory_space<vmem_shared>>) target(%arg14 : memref<128x64xbf16, #tpu.memory_space<vmem>>) offsets(%dma_start3A_244 : memref<128xi32, #tpu.memory_space<vmem>>) semaphore(%arg18 : memref<!tpu.dma_semaphore, #tpu.memory_space<semaphore_mem>>)
      } else {
      }
      %mul3A_159 = arith.constant 4 : i32
      %mul3A_160 = arith.muli %mul3A_159, %scan3A_137 : i32
      %add3A_161 = arith.constant 1 : i32
      %add3A_162 = arith.addi %mul3A_160, %add3A_161 : i32
      %dma_wait3A_163 = arith.constant 0 : i32
      %dma_wait3A_164 = tpu.memref_slice %arg9[%add3A_162, %dma_wait3A_163] : memref<80x128xi32, #tpu.memory_space<vmem>> -> memref<1x128xi32, #tpu.memory_space<vmem>>
      %dma_wait3A_165 = tpu.memref_squeeze %dma_wait3A_164 : memref<1x128xi32, #tpu.memory_space<vmem>> -> memref<128xi32, #tpu.memory_space<vmem>>
      %dma_wait3A_166 = arith.constant 0 : i32
      %dma_wait3A_167 = arith.constant 0 : i32
      %dma_wait3A_168 = tpu.memref_slice %arg23[%dma_wait3A_166, %dma_wait3A_167] : memref<20480x64xbf16, #tpu.memory_space<vmem_shared>> -> memref<20480x64xbf16, #tpu.memory_space<vmem_shared>>
      tpu.wait_indirect_dma semaphore(%arg16 : memref<!tpu.dma_semaphore, #tpu.memory_space<semaphore_mem>>) src(%dma_wait3A_168 : memref<20480x64xbf16, #tpu.memory_space<vmem_shared>>) dst(%arg12 : memref<128x64xbf16, #tpu.memory_space<vmem>>)
      %dma_start3A_169 = arith.constant 0 : i32
      %dma_start3A_170 = tpu.memref_slice %arg10[%add3A_162, %dma_start3A_169] : memref<80x128xi32, #tpu.memory_space<vmem>> -> memref<1x128xi32, #tpu.memory_space<vmem>>
      %dma_start3A_171 = tpu.memref_squeeze %dma_start3A_170 : memref<1x128xi32, #tpu.memory_space<vmem>> -> memref<128xi32, #tpu.memory_space<vmem>>
      %dma_start3A_172 = arith.constant 0 : i32
      %dma_start3A_173 = arith.constant 0 : i32
      %dma_start3A_174 = tpu.memref_slice %arg24[%dma_start3A_172, %dma_start3A_173] : memref<10240x64xbf16, #tpu.memory_space<vmem_shared>> -> memref<10240x64xbf16, #tpu.memory_space<vmem_shared>>
      tpu.enqueue_indirect_dma source(%arg12 : memref<128x64xbf16, #tpu.memory_space<vmem>>) target(%dma_start3A_174 : memref<10240x64xbf16, #tpu.memory_space<vmem_shared>>) offsets(%dma_start3A_171 : memref<128xi32, #tpu.memory_space<vmem>>) semaphore(%arg20 : memref<!tpu.dma_semaphore, #tpu.memory_space<semaphore_mem>>) {add = true}
      %add3A_175 = arith.constant 4 : i32
      %add3A_176 = arith.addi %add3A_162, %add3A_175 : i32
      %sub3A_177 = arith.constant 1 : i32
      %sub3A_178 = arith.subi %add3A_176, %sub3A_177 : i32
      %lt3A_179 = arith.constant 80 : i32
      %lt3A_180 = arith.cmpi slt, %sub3A_178, %lt3A_179 : i32
      %convert_element_type3A_181 = arith.extui %lt3A_180 : i1 to i32
      %cond3A_182 = arith.constant 0 : i32
      %cond3A_183 = arith.cmpi ne, %convert_element_type3A_181, %cond3A_182 : i32
      scf.if %cond3A_183 {
        %ge3A = arith.constant 1 : i32
        %ge3A_234 = arith.cmpi sge, %add3A_162, %ge3A : i32
        %convert_element_type3A_235 = arith.extui %ge3A_234 : i1 to i32
        %cond3A_236 = arith.constant 0 : i32
        %cond3A_237 = arith.cmpi ne, %convert_element_type3A_235, %cond3A_236 : i32
        scf.if %cond3A_237 {
          %dma_wait3A_248 = arith.constant 0 : i32
          %dma_wait3A_249 = arith.constant 0 : i32
          %dma_wait3A_250 = tpu.memref_slice %arg10[%dma_wait3A_248, %dma_wait3A_249] : memref<80x128xi32, #tpu.memory_space<vmem>> -> memref<1x128xi32, #tpu.memory_space<vmem>>
          %dma_wait3A_251 = tpu.memref_squeeze %dma_wait3A_250 : memref<1x128xi32, #tpu.memory_space<vmem>> -> memref<128xi32, #tpu.memory_space<vmem>>
          %dma_wait3A_252 = arith.constant 0 : i32
          %dma_wait3A_253 = arith.constant 0 : i32
          %dma_wait3A_254 = tpu.memref_slice %arg24[%dma_wait3A_252, %dma_wait3A_253] : memref<10240x64xbf16, #tpu.memory_space<vmem_shared>> -> memref<10240x64xbf16, #tpu.memory_space<vmem_shared>>
          tpu.wait_indirect_dma semaphore(%arg19 : memref<!tpu.dma_semaphore, #tpu.memory_space<semaphore_mem>>) src(%arg11 : memref<128x64xbf16, #tpu.memory_space<vmem>>) dst(%dma_wait3A_254 : memref<10240x64xbf16, #tpu.memory_space<vmem_shared>>)
        } else {
        }
        %add3A_238 = arith.constant 4 : i32
        %add3A_239 = arith.addi %add3A_162, %add3A_238 : i32
        %sub3A_240 = arith.constant 1 : i32
        %sub3A_241 = arith.subi %add3A_239, %sub3A_240 : i32
        %dma_start3A_242 = arith.constant 0 : i32
        %dma_start3A_243 = tpu.memref_slice %arg9[%sub3A_241, %dma_start3A_242] : memref<80x128xi32, #tpu.memory_space<vmem>> -> memref<1x128xi32, #tpu.memory_space<vmem>>
        %dma_start3A_244 = tpu.memref_squeeze %dma_start3A_243 : memref<1x128xi32, #tpu.memory_space<vmem>> -> memref<128xi32, #tpu.memory_space<vmem>>
        %dma_start3A_245 = arith.constant 0 : i32
        %dma_start3A_246 = arith.constant 0 : i32
        %dma_start3A_247 = tpu.memref_slice %arg23[%dma_start3A_245, %dma_start3A_246] : memref<20480x64xbf16, #tpu.memory_space<vmem_shared>> -> memref<20480x64xbf16, #tpu.memory_space<vmem_shared>>
        tpu.enqueue_indirect_dma source(%dma_start3A_247 : memref<20480x64xbf16, #tpu.memory_space<vmem_shared>>) target(%arg11 : memref<128x64xbf16, #tpu.memory_space<vmem>>) offsets(%dma_start3A_244 : memref<128xi32, #tpu.memory_space<vmem>>) semaphore(%arg15 : memref<!tpu.dma_semaphore, #tpu.memory_space<semaphore_mem>>)
      } else {
      }
      %mul3A_184 = arith.constant 4 : i32
      %mul3A_185 = arith.muli %mul3A_184, %scan3A_137 : i32
      %add3A_186 = arith.constant 2 : i32
      %add3A_187 = arith.addi %mul3A_185, %add3A_186 : i32
      %dma_wait3A_188 = arith.constant 0 : i32
      %dma_wait3A_189 = tpu.memref_slice %arg9[%add3A_187, %dma_wait3A_188] : memref<80x128xi32, #tpu.memory_space<vmem>> -> memref<1x128xi32, #tpu.memory_space<vmem>>
      %dma_wait3A_190 = tpu.memref_squeeze %dma_wait3A_189 : memref<1x128xi32, #tpu.memory_space<vmem>> -> memref<128xi32, #tpu.memory_space<vmem>>
      %dma_wait3A_191 = arith.constant 0 : i32
      %dma_wait3A_192 = arith.constant 0 : i32
      %dma_wait3A_193 = tpu.memref_slice %arg23[%dma_wait3A_191, %dma_wait3A_192] : memref<20480x64xbf16, #tpu.memory_space<vmem_shared>> -> memref<20480x64xbf16, #tpu.memory_space<vmem_shared>>
      tpu.wait_indirect_dma semaphore(%arg17 : memref<!tpu.dma_semaphore, #tpu.memory_space<semaphore_mem>>) src(%dma_wait3A_193 : memref<20480x64xbf16, #tpu.memory_space<vmem_shared>>) dst(%arg13 : memref<128x64xbf16, #tpu.memory_space<vmem>>)
      %dma_start3A_194 = arith.constant 0 : i32
      %dma_start3A_195 = tpu.memref_slice %arg10[%add3A_187, %dma_start3A_194] : memref<80x128xi32, #tpu.memory_space<vmem>> -> memref<1x128xi32, #tpu.memory_space<vmem>>
      %dma_start3A_196 = tpu.memref_squeeze %dma_start3A_195 : memref<1x128xi32, #tpu.memory_space<vmem>> -> memref<128xi32, #tpu.memory_space<vmem>>
      %dma_start3A_197 = arith.constant 0 : i32
      %dma_start3A_198 = arith.constant 0 : i32
      %dma_start3A_199 = tpu.memref_slice %arg24[%dma_start3A_197, %dma_start3A_198] : memref<10240x64xbf16, #tpu.memory_space<vmem_shared>> -> memref<10240x64xbf16, #tpu.memory_space<vmem_shared>>
      tpu.enqueue_indirect_dma source(%arg13 : memref<128x64xbf16, #tpu.memory_space<vmem>>) target(%dma_start3A_199 : memref<10240x64xbf16, #tpu.memory_space<vmem_shared>>) offsets(%dma_start3A_196 : memref<128xi32, #tpu.memory_space<vmem>>) semaphore(%arg21 : memref<!tpu.dma_semaphore, #tpu.memory_space<semaphore_mem>>) {add = true}
      %add3A_200 = arith.constant 4 : i32
      %add3A_201 = arith.addi %add3A_187, %add3A_200 : i32
      %sub3A_202 = arith.constant 1 : i32
      %sub3A_203 = arith.subi %add3A_201, %sub3A_202 : i32
      %lt3A_204 = arith.constant 80 : i32
      %lt3A_205 = arith.cmpi slt, %sub3A_203, %lt3A_204 : i32
      %convert_element_type3A_206 = arith.extui %lt3A_205 : i1 to i32
      %cond3A_207 = arith.constant 0 : i32
      %cond3A_208 = arith.cmpi ne, %convert_element_type3A_206, %cond3A_207 : i32
      scf.if %cond3A_208 {
        %ge3A = arith.constant 1 : i32
        %ge3A_234 = arith.cmpi sge, %add3A_187, %ge3A : i32
        %convert_element_type3A_235 = arith.extui %ge3A_234 : i1 to i32
        %cond3A_236 = arith.constant 0 : i32
        %cond3A_237 = arith.cmpi ne, %convert_element_type3A_235, %cond3A_236 : i32
        scf.if %cond3A_237 {
          %dma_wait3A_248 = arith.constant 0 : i32
          %dma_wait3A_249 = arith.constant 0 : i32
          %dma_wait3A_250 = tpu.memref_slice %arg10[%dma_wait3A_248, %dma_wait3A_249] : memref<80x128xi32, #tpu.memory_space<vmem>> -> memref<1x128xi32, #tpu.memory_space<vmem>>
          %dma_wait3A_251 = tpu.memref_squeeze %dma_wait3A_250 : memref<1x128xi32, #tpu.memory_space<vmem>> -> memref<128xi32, #tpu.memory_space<vmem>>
          %dma_wait3A_252 = arith.constant 0 : i32
          %dma_wait3A_253 = arith.constant 0 : i32
          %dma_wait3A_254 = tpu.memref_slice %arg24[%dma_wait3A_252, %dma_wait3A_253] : memref<10240x64xbf16, #tpu.memory_space<vmem_shared>> -> memref<10240x64xbf16, #tpu.memory_space<vmem_shared>>
          tpu.wait_indirect_dma semaphore(%arg20 : memref<!tpu.dma_semaphore, #tpu.memory_space<semaphore_mem>>) src(%arg12 : memref<128x64xbf16, #tpu.memory_space<vmem>>) dst(%dma_wait3A_254 : memref<10240x64xbf16, #tpu.memory_space<vmem_shared>>)
        } else {
        }
        %add3A_238 = arith.constant 4 : i32
        %add3A_239 = arith.addi %add3A_187, %add3A_238 : i32
        %sub3A_240 = arith.constant 1 : i32
        %sub3A_241 = arith.subi %add3A_239, %sub3A_240 : i32
        %dma_start3A_242 = arith.constant 0 : i32
        %dma_start3A_243 = tpu.memref_slice %arg9[%sub3A_241, %dma_start3A_242] : memref<80x128xi32, #tpu.memory_space<vmem>> -> memref<1x128xi32, #tpu.memory_space<vmem>>
        %dma_start3A_244 = tpu.memref_squeeze %dma_start3A_243 : memref<1x128xi32, #tpu.memory_space<vmem>> -> memref<128xi32, #tpu.memory_space<vmem>>
        %dma_start3A_245 = arith.constant 0 : i32
        %dma_start3A_246 = arith.constant 0 : i32
        %dma_start3A_247 = tpu.memref_slice %arg23[%dma_start3A_245, %dma_start3A_246] : memref<20480x64xbf16, #tpu.memory_space<vmem_shared>> -> memref<20480x64xbf16, #tpu.memory_space<vmem_shared>>
        tpu.enqueue_indirect_dma source(%dma_start3A_247 : memref<20480x64xbf16, #tpu.memory_space<vmem_shared>>) target(%arg12 : memref<128x64xbf16, #tpu.memory_space<vmem>>) offsets(%dma_start3A_244 : memref<128xi32, #tpu.memory_space<vmem>>) semaphore(%arg16 : memref<!tpu.dma_semaphore, #tpu.memory_space<semaphore_mem>>)
      } else {
      }
      %mul3A_209 = arith.constant 4 : i32
      %mul3A_210 = arith.muli %mul3A_209, %scan3A_137 : i32
      %add3A_211 = arith.constant 3 : i32
      %add3A_212 = arith.addi %mul3A_210, %add3A_211 : i32
      %dma_wait3A_213 = arith.constant 0 : i32
      %dma_wait3A_214 = tpu.memref_slice %arg9[%add3A_212, %dma_wait3A_213] : memref<80x128xi32, #tpu.memory_space<vmem>> -> memref<1x128xi32, #tpu.memory_space<vmem>>
      %dma_wait3A_215 = tpu.memref_squeeze %dma_wait3A_214 : memref<1x128xi32, #tpu.memory_space<vmem>> -> memref<128xi32, #tpu.memory_space<vmem>>
      %dma_wait3A_216 = arith.constant 0 : i32
      %dma_wait3A_217 = arith.constant 0 : i32
      %dma_wait3A_218 = tpu.memref_slice %arg23[%dma_wait3A_216, %dma_wait3A_217] : memref<20480x64xbf16, #tpu.memory_space<vmem_shared>> -> memref<20480x64xbf16, #tpu.memory_space<vmem_shared>>
      tpu.wait_indirect_dma semaphore(%arg18 : memref<!tpu.dma_semaphore, #tpu.memory_space<semaphore_mem>>) src(%dma_wait3A_218 : memref<20480x64xbf16, #tpu.memory_space<vmem_shared>>) dst(%arg14 : memref<128x64xbf16, #tpu.memory_space<vmem>>)
      %dma_start3A_219 = arith.constant 0 : i32
      %dma_start3A_220 = tpu.memref_slice %arg10[%add3A_212, %dma_start3A_219] : memref<80x128xi32, #tpu.memory_space<vmem>> -> memref<1x128xi32, #tpu.memory_space<vmem>>
      %dma_start3A_221 = tpu.memref_squeeze %dma_start3A_220 : memref<1x128xi32, #tpu.memory_space<vmem>> -> memref<128xi32, #tpu.memory_space<vmem>>
      %dma_start3A_222 = arith.constant 0 : i32
      %dma_start3A_223 = arith.constant 0 : i32
      %dma_start3A_224 = tpu.memref_slice %arg24[%dma_start3A_222, %dma_start3A_223] : memref<10240x64xbf16, #tpu.memory_space<vmem_shared>> -> memref<10240x64xbf16, #tpu.memory_space<vmem_shared>>
      tpu.enqueue_indirect_dma source(%arg14 : memref<128x64xbf16, #tpu.memory_space<vmem>>) target(%dma_start3A_224 : memref<10240x64xbf16, #tpu.memory_space<vmem_shared>>) offsets(%dma_start3A_221 : memref<128xi32, #tpu.memory_space<vmem>>) semaphore(%arg22 : memref<!tpu.dma_semaphore, #tpu.memory_space<semaphore_mem>>) {add = true}
      %add3A_225 = arith.constant 4 : i32
      %add3A_226 = arith.addi %add3A_212, %add3A_225 : i32
      %sub3A_227 = arith.constant 1 : i32
      %sub3A_228 = arith.subi %add3A_226, %sub3A_227 : i32
      %lt3A_229 = arith.constant 80 : i32
      %lt3A_230 = arith.cmpi slt, %sub3A_228, %lt3A_229 : i32
      %convert_element_type3A_231 = arith.extui %lt3A_230 : i1 to i32
      %cond3A_232 = arith.constant 0 : i32
      %cond3A_233 = arith.cmpi ne, %convert_element_type3A_231, %cond3A_232 : i32
      scf.if %cond3A_233 {
        %ge3A = arith.constant 1 : i32
        %ge3A_234 = arith.cmpi sge, %add3A_212, %ge3A : i32
        %convert_element_type3A_235 = arith.extui %ge3A_234 : i1 to i32
        %cond3A_236 = arith.constant 0 : i32
        %cond3A_237 = arith.cmpi ne, %convert_element_type3A_235, %cond3A_236 : i32
        scf.if %cond3A_237 {
          %dma_wait3A_248 = arith.constant 0 : i32
          %dma_wait3A_249 = arith.constant 0 : i32
          %dma_wait3A_250 = tpu.memref_slice %arg10[%dma_wait3A_248, %dma_wait3A_249] : memref<80x128xi32, #tpu.memory_space<vmem>> -> memref<1x128xi32, #tpu.memory_space<vmem>>
          %dma_wait3A_251 = tpu.memref_squeeze %dma_wait3A_250 : memref<1x128xi32, #tpu.memory_space<vmem>> -> memref<128xi32, #tpu.memory_space<vmem>>
          %dma_wait3A_252 = arith.constant 0 : i32
          %dma_wait3A_253 = arith.constant 0 : i32
          %dma_wait3A_254 = tpu.memref_slice %arg24[%dma_wait3A_252, %dma_wait3A_253] : memref<10240x64xbf16, #tpu.memory_space<vmem_shared>> -> memref<10240x64xbf16, #tpu.memory_space<vmem_shared>>
          tpu.wait_indirect_dma semaphore(%arg21 : memref<!tpu.dma_semaphore, #tpu.memory_space<semaphore_mem>>) src(%arg13 : memref<128x64xbf16, #tpu.memory_space<vmem>>) dst(%dma_wait3A_254 : memref<10240x64xbf16, #tpu.memory_space<vmem_shared>>)
        } else {
        }
        %add3A_238 = arith.constant 4 : i32
        %add3A_239 = arith.addi %add3A_212, %add3A_238 : i32
        %sub3A_240 = arith.constant 1 : i32
        %sub3A_241 = arith.subi %add3A_239, %sub3A_240 : i32
        %dma_start3A_242 = arith.constant 0 : i32
        %dma_start3A_243 = tpu.memref_slice %arg9[%sub3A_241, %dma_start3A_242] : memref<80x128xi32, #tpu.memory_space<vmem>> -> memref<1x128xi32, #tpu.memory_space<vmem>>
        %dma_start3A_244 = tpu.memref_squeeze %dma_start3A_243 : memref<1x128xi32, #tpu.memory_space<vmem>> -> memref<128xi32, #tpu.memory_space<vmem>>
        %dma_start3A_245 = arith.constant 0 : i32
        %dma_start3A_246 = arith.constant 0 : i32
        %dma_start3A_247 = tpu.memref_slice %arg23[%dma_start3A_245, %dma_start3A_246] : memref<20480x64xbf16, #tpu.memory_space<vmem_shared>> -> memref<20480x64xbf16, #tpu.memory_space<vmem_shared>>
        tpu.enqueue_indirect_dma source(%dma_start3A_247 : memref<20480x64xbf16, #tpu.memory_space<vmem_shared>>) target(%arg13 : memref<128x64xbf16, #tpu.memory_space<vmem>>) offsets(%dma_start3A_244 : memref<128xi32, #tpu.memory_space<vmem>>) semaphore(%arg17 : memref<!tpu.dma_semaphore, #tpu.memory_space<semaphore_mem>>)
      } else {
      }
    }
    %scan3A_100 = arith.constant 20 : i32
    %dma_wait3A_101 = arith.constant 0 : i32
    %dma_wait3A_102 = arith.constant 0 : i32
    %dma_wait3A_103 = tpu.memref_slice %arg10[%dma_wait3A_101, %dma_wait3A_102] : memref<80x128xi32, #tpu.memory_space<vmem>> -> memref<1x128xi32, #tpu.memory_space<vmem>>
    %dma_wait3A_104 = tpu.memref_squeeze %dma_wait3A_103 : memref<1x128xi32, #tpu.memory_space<vmem>> -> memref<128xi32, #tpu.memory_space<vmem>>
    %dma_wait3A_105 = arith.constant 0 : i32
    %dma_wait3A_106 = arith.constant 0 : i32
    %dma_wait3A_107 = tpu.memref_slice %arg24[%dma_wait3A_105, %dma_wait3A_106] : memref<10240x64xbf16, #tpu.memory_space<vmem_shared>> -> memref<10240x64xbf16, #tpu.memory_space<vmem_shared>>
    tpu.wait_indirect_dma semaphore(%arg19 : memref<!tpu.dma_semaphore, #tpu.memory_space<semaphore_mem>>) src(%arg11 : memref<128x64xbf16, #tpu.memory_space<vmem>>) dst(%dma_wait3A_107 : memref<10240x64xbf16, #tpu.memory_space<vmem_shared>>)
    %dma_wait3A_108 = arith.constant 0 : i32
    %dma_wait3A_109 = arith.constant 0 : i32
    %dma_wait3A_110 = tpu.memref_slice %arg10[%dma_wait3A_108, %dma_wait3A_109] : memref<80x128xi32, #tpu.memory_space<vmem>> -> memref<1x128xi32, #tpu.memory_space<vmem>>
    %dma_wait3A_111 = tpu.memref_squeeze %dma_wait3A_110 : memref<1x128xi32, #tpu.memory_space<vmem>> -> memref<128xi32, #tpu.memory_space<vmem>>
    %dma_wait3A_112 = arith.constant 0 : i32
    %dma_wait3A_113 = arith.constant 0 : i32
    %dma_wait3A_114 = tpu.memref_slice %arg24[%dma_wait3A_112, %dma_wait3A_113] : memref<10240x64xbf16, #tpu.memory_space<vmem_shared>> -> memref<10240x64xbf16, #tpu.memory_space<vmem_shared>>
    tpu.wait_indirect_dma semaphore(%arg20 : memref<!tpu.dma_semaphore, #tpu.memory_space<semaphore_mem>>) src(%arg12 : memref<128x64xbf16, #tpu.memory_space<vmem>>) dst(%dma_wait3A_114 : memref<10240x64xbf16, #tpu.memory_space<vmem_shared>>)
    %dma_wait3A_115 = arith.constant 0 : i32
    %dma_wait3A_116 = arith.constant 0 : i32
    %dma_wait3A_117 = tpu.memref_slice %arg10[%dma_wait3A_115, %dma_wait3A_116] : memref<80x128xi32, #tpu.memory_space<vmem>> -> memref<1x128xi32, #tpu.memory_space<vmem>>
    %dma_wait3A_118 = tpu.memref_squeeze %dma_wait3A_117 : memref<1x128xi32, #tpu.memory_space<vmem>> -> memref<128xi32, #tpu.memory_space<vmem>>
    %dma_wait3A_119 = arith.constant 0 : i32
    %dma_wait3A_120 = arith.constant 0 : i32
    %dma_wait3A_121 = tpu.memref_slice %arg24[%dma_wait3A_119, %dma_wait3A_120] : memref<10240x64xbf16, #tpu.memory_space<vmem_shared>> -> memref<10240x64xbf16, #tpu.memory_space<vmem_shared>>
    tpu.wait_indirect_dma semaphore(%arg21 : memref<!tpu.dma_semaphore, #tpu.memory_space<semaphore_mem>>) src(%arg13 : memref<128x64xbf16, #tpu.memory_space<vmem>>) dst(%dma_wait3A_121 : memref<10240x64xbf16, #tpu.memory_space<vmem_shared>>)
    %dma_wait3A_122 = arith.constant 0 : i32
    %dma_wait3A_123 = arith.constant 0 : i32
    %dma_wait3A_124 = tpu.memref_slice %arg10[%dma_wait3A_122, %dma_wait3A_123] : memref<80x128xi32, #tpu.memory_space<vmem>> -> memref<1x128xi32, #tpu.memory_space<vmem>>
    %dma_wait3A_125 = tpu.memref_squeeze %dma_wait3A_124 : memref<1x128xi32, #tpu.memory_space<vmem>> -> memref<128xi32, #tpu.memory_space<vmem>>
    %dma_wait3A_126 = arith.constant 0 : i32
    %dma_wait3A_127 = arith.constant 0 : i32
    %dma_wait3A_128 = tpu.memref_slice %arg24[%dma_wait3A_126, %dma_wait3A_127] : memref<10240x64xbf16, #tpu.memory_space<vmem_shared>> -> memref<10240x64xbf16, #tpu.memory_space<vmem_shared>>
    tpu.wait_indirect_dma semaphore(%arg22 : memref<!tpu.dma_semaphore, #tpu.memory_space<semaphore_mem>>) src(%arg14 : memref<128x64xbf16, #tpu.memory_space<vmem>>) dst(%dma_wait3A_128 : memref<10240x64xbf16, #tpu.memory_space<vmem_shared>>)
    %barrier3A_129 = arith.constant 0 : index
    tpu.barrier barrier_id(%barrier3A_129)
    %mul3A_130 = arith.constant 640 : i32
    %mul3A_131 = arith.muli %arg1, %mul3A_130 : i32
    %mul3A_132 = arith.constant 16 : i32
    %mul3A_133 = arith.muli %arg0, %mul3A_132 : i32
    %add3A_134 = arith.constant 32 : i32
    %add3A_135 = arith.addi %add3A_134, %mul3A_133 : i32
    %add3A_136 = arith.addi %add3A_135, %arg1 : i32
    "tpu.region"() ({
      %run_scoped3A = tpu.sem_alloc : memref<!tpu.dma_semaphore, #tpu.memory_space<semaphore_mem>>
      %dma_start3A_137 = arith.constant 0 : i32
      %dma_start3A_138 = arith.constant 0 : i32
      %dma_start3A_139 = tpu.memref_slice %arg7[%add3A_136, %dma_start3A_137, %dma_start3A_138] : memref<64x640x64xbf16, #tpu.memory_space<hbm>> -> memref<1x640x64xbf16, #tpu.memory_space<hbm>>
      %dma_start3A_140 = tpu.memref_squeeze %dma_start3A_139 : memref<1x640x64xbf16, #tpu.memory_space<hbm>> -> memref<640x64xbf16, #tpu.memory_space<hbm>>
      %dma_start3A_141 = arith.constant 0 : i32
      %dma_start3A_142 = tpu.memref_slice %arg24[%mul3A_131, %dma_start3A_141] : memref<10240x64xbf16, #tpu.memory_space<vmem_shared>> -> memref<640x64xbf16, #tpu.memory_space<vmem_shared>>
      tpu.enqueue_dma source(%dma_start3A_142 : memref<640x64xbf16, #tpu.memory_space<vmem_shared>>) target(%dma_start3A_140 : memref<640x64xbf16, #tpu.memory_space<hbm>>) target_semaphore(%run_scoped3A : memref<!tpu.dma_semaphore, #tpu.memory_space<semaphore_mem>>)
      %dma_wait3A_143 = arith.constant 0 : i32
      %dma_wait3A_144 = arith.constant 0 : i32
      %dma_wait3A_145 = tpu.memref_slice %arg7[%add3A_136, %dma_wait3A_143, %dma_wait3A_144] : memref<64x640x64xbf16, #tpu.memory_space<hbm>> -> memref<1x640x64xbf16, #tpu.memory_space<hbm>>
      %dma_wait3A_146 = tpu.memref_squeeze %dma_wait3A_145 : memref<1x640x64xbf16, #tpu.memory_space<hbm>> -> memref<640x64xbf16, #tpu.memory_space<hbm>>
      %dma_wait3A_147 = arith.constant 0 : i32
      %dma_wait3A_148 = tpu.memref_slice %arg24[%mul3A_131, %dma_wait3A_147] : memref<10240x64xbf16, #tpu.memory_space<vmem_shared>> -> memref<640x64xbf16, #tpu.memory_space<vmem_shared>>
      tpu.wait_dma2 semaphore(%run_scoped3A : memref<!tpu.dma_semaphore, #tpu.memory_space<semaphore_mem>>) src(%dma_wait3A_148 : memref<640x64xbf16, #tpu.memory_space<vmem_shared>>) dst(%dma_wait3A_146 : memref<640x64xbf16, #tpu.memory_space<hbm>>)
      tpu.yield
    }) : () -> ()
    return
  }
}

#map = affine_map<(d0, d1) -> (0, 0)>
#map1 = affine_map<(d0, d1) -> (0, 0, 0)>
module attributes {stable_mosaic.version = 14 : i64} {
  func.func @_msg_body(%arg0: i32, %arg1: i32, %arg2: memref<20480x64xbf16, #tpu.memory_space<hbm>>, %arg3: memref<32x80x128xi32, #tpu.memory_space<hbm>>, %arg4: memref<32x80x128xi32, #tpu.memory_space<hbm>>, %arg5: memref<32x80x128xi32, #tpu.memory_space<hbm>>, %arg6: memref<10240x64xbf16, #tpu.memory_space<hbm>>, %arg7: memref<64x640x64xbf16, #tpu.memory_space<hbm>>, %arg8: memref<80x128xi32, #tpu.memory_space<vmem>>, %arg9: memref<80x128xi32, #tpu.memory_space<vmem>>, %arg10: memref<80x128xi32, #tpu.memory_space<vmem>>, %arg11: memref<128x64xbf16, #tpu.memory_space<vmem>>, %arg12: memref<128x64xbf16, #tpu.memory_space<vmem>>, %arg13: memref<128x64xbf16, #tpu.memory_space<vmem>>, %arg14: memref<128x64xbf16, #tpu.memory_space<vmem>>, %arg15: memref<!tpu.dma_semaphore, #tpu.memory_space<semaphore_mem>>, %arg16: memref<!tpu.dma_semaphore, #tpu.memory_space<semaphore_mem>>, %arg17: memref<!tpu.dma_semaphore, #tpu.memory_space<semaphore_mem>>, %arg18: memref<!tpu.dma_semaphore, #tpu.memory_space<semaphore_mem>>, %arg19: memref<!tpu.dma_semaphore, #tpu.memory_space<semaphore_mem>>, %arg20: memref<!tpu.dma_semaphore, #tpu.memory_space<semaphore_mem>>, %arg21: memref<!tpu.dma_semaphore, #tpu.memory_space<semaphore_mem>>, %arg22: memref<!tpu.dma_semaphore, #tpu.memory_space<semaphore_mem>>, %arg23: memref<20480x64xbf16, #tpu.memory_space<vmem_shared>>, %arg24: memref<10240x64xbf16, #tpu.memory_space<vmem_shared>>) attributes {dimension_semantics = [#tpu.dimension_semantics<core_parallel>, #tpu.dimension_semantics<subcore_parallel>], iteration_bounds = array<i64: 2, 16>, scalar_prefetch = 0 : i64, scratch_operands = 17 : i64, tpu.core_type = #tpu.core_type<sc_vector_subcore>, window_params = [{transform_indices = #map}, {transform_indices = #map1}, {transform_indices = #map1}, {transform_indices = #map1}, {transform_indices = #map}, {transform_indices = #map1}]} {
    %mul3A = arith.constant 2 : i32
    %mul3A_0 = arith.muli %arg1, %mul3A : i32
    %add3A = arith.addi %mul3A_0, %arg0 : i32
    %mul3A_1 = arith.constant 1280 : i32
    %mul3A_2 = arith.muli %arg1, %mul3A_1 : i32
    %mul3A_3 = arith.constant 1280 : i32
    %mul3A_4 = arith.muli %arg1, %mul3A_3 : i32
    "tpu.region"() ({
      %run_scoped3A = tpu.sem_alloc : memref<!tpu.dma_semaphore, #tpu.memory_space<semaphore_mem>>
      %dma_start3A_137 = arith.constant 0 : i32
      %dma_start3A_138 = tpu.memref_slice %arg23[%mul3A_4, %dma_start3A_137] : memref<20480x64xbf16, #tpu.memory_space<vmem_shared>> -> memref<1280x64xbf16, #tpu.memory_space<vmem_shared>>
      %dma_start3A_139 = arith.constant 0 : i32
      %dma_start3A_140 = tpu.memref_slice %arg2[%mul3A_2, %dma_start3A_139] : memref<20480x64xbf16, #tpu.memory_space<hbm>> -> memref<1280x64xbf16, #tpu.memory_space<hbm>>
      tpu.enqueue_dma source(%dma_start3A_140 : memref<1280x64xbf16, #tpu.memory_space<hbm>>) target(%dma_start3A_138 : memref<1280x64xbf16, #tpu.memory_space<vmem_shared>>) target_semaphore(%run_scoped3A : memref<!tpu.dma_semaphore, #tpu.memory_space<semaphore_mem>>)
      %dma_wait3A_141 = arith.constant 0 : i32
      %dma_wait3A_142 = tpu.memref_slice %arg23[%mul3A_4, %dma_wait3A_141] : memref<20480x64xbf16, #tpu.memory_space<vmem_shared>> -> memref<1280x64xbf16, #tpu.memory_space<vmem_shared>>
      %dma_wait3A_143 = arith.constant 0 : i32
      %dma_wait3A_144 = tpu.memref_slice %arg2[%mul3A_2, %dma_wait3A_143] : memref<20480x64xbf16, #tpu.memory_space<hbm>> -> memref<1280x64xbf16, #tpu.memory_space<hbm>>
      tpu.wait_dma2 semaphore(%run_scoped3A : memref<!tpu.dma_semaphore, #tpu.memory_space<semaphore_mem>>) src(%dma_wait3A_144 : memref<1280x64xbf16, #tpu.memory_space<hbm>>) dst(%dma_wait3A_142 : memref<1280x64xbf16, #tpu.memory_space<vmem_shared>>)
      tpu.yield
    }) : () -> ()
    "tpu.region"() ({
      %run_scoped3A = tpu.sem_alloc : memref<!tpu.dma_semaphore, #tpu.memory_space<semaphore_mem>>
      %dma_start3A_137 = arith.constant 0 : i32
      %dma_start3A_138 = arith.constant 0 : i32
      %dma_start3A_139 = tpu.memref_slice %arg3[%add3A, %dma_start3A_137, %dma_start3A_138] : memref<32x80x128xi32, #tpu.memory_space<hbm>> -> memref<1x80x128xi32, #tpu.memory_space<hbm>>
      %dma_start3A_140 = tpu.memref_squeeze %dma_start3A_139 : memref<1x80x128xi32, #tpu.memory_space<hbm>> -> memref<80x128xi32, #tpu.memory_space<hbm>>
      %dma_start3A_141 = arith.constant 0 : i32
      %dma_start3A_142 = arith.constant 0 : i32
      %dma_start3A_143 = tpu.memref_slice %arg3[%add3A, %dma_start3A_141, %dma_start3A_142] : memref<32x80x128xi32, #tpu.memory_space<hbm>> -> memref<1x80x128xi32, #tpu.memory_space<hbm>>
      %dma_start3A_144 = tpu.memref_squeeze %dma_start3A_143 : memref<1x80x128xi32, #tpu.memory_space<hbm>> -> memref<80x128xi32, #tpu.memory_space<hbm>>
      tpu.enqueue_dma source(%dma_start3A_144 : memref<80x128xi32, #tpu.memory_space<hbm>>) target(%arg8 : memref<80x128xi32, #tpu.memory_space<vmem>>) target_semaphore(%run_scoped3A : memref<!tpu.dma_semaphore, #tpu.memory_space<semaphore_mem>>)
      %dma_wait3A_145 = arith.constant 0 : i32
      %dma_wait3A_146 = arith.constant 0 : i32
      %dma_wait3A_147 = tpu.memref_slice %arg3[%add3A, %dma_wait3A_145, %dma_wait3A_146] : memref<32x80x128xi32, #tpu.memory_space<hbm>> -> memref<1x80x128xi32, #tpu.memory_space<hbm>>
      %dma_wait3A_148 = tpu.memref_squeeze %dma_wait3A_147 : memref<1x80x128xi32, #tpu.memory_space<hbm>> -> memref<80x128xi32, #tpu.memory_space<hbm>>
      %dma_wait3A_149 = arith.constant 0 : i32
      %dma_wait3A_150 = arith.constant 0 : i32
      %dma_wait3A_151 = tpu.memref_slice %arg3[%add3A, %dma_wait3A_149, %dma_wait3A_150] : memref<32x80x128xi32, #tpu.memory_space<hbm>> -> memref<1x80x128xi32, #tpu.memory_space<hbm>>
      %dma_wait3A_152 = tpu.memref_squeeze %dma_wait3A_151 : memref<1x80x128xi32, #tpu.memory_space<hbm>> -> memref<80x128xi32, #tpu.memory_space<hbm>>
      tpu.wait_dma2 semaphore(%run_scoped3A : memref<!tpu.dma_semaphore, #tpu.memory_space<semaphore_mem>>) src(%dma_wait3A_152 : memref<80x128xi32, #tpu.memory_space<hbm>>) dst(%arg8 : memref<80x128xi32, #tpu.memory_space<vmem>>)
      tpu.yield
    }) : () -> ()
    "tpu.region"() ({
      %run_scoped3A = tpu.sem_alloc : memref<!tpu.dma_semaphore, #tpu.memory_space<semaphore_mem>>
      %dma_start3A_137 = arith.constant 0 : i32
      %dma_start3A_138 = arith.constant 0 : i32
      %dma_start3A_139 = tpu.memref_slice %arg4[%add3A, %dma_start3A_137, %dma_start3A_138] : memref<32x80x128xi32, #tpu.memory_space<hbm>> -> memref<1x80x128xi32, #tpu.memory_space<hbm>>
      %dma_start3A_140 = tpu.memref_squeeze %dma_start3A_139 : memref<1x80x128xi32, #tpu.memory_space<hbm>> -> memref<80x128xi32, #tpu.memory_space<hbm>>
      %dma_start3A_141 = arith.constant 0 : i32
      %dma_start3A_142 = arith.constant 0 : i32
      %dma_start3A_143 = tpu.memref_slice %arg4[%add3A, %dma_start3A_141, %dma_start3A_142] : memref<32x80x128xi32, #tpu.memory_space<hbm>> -> memref<1x80x128xi32, #tpu.memory_space<hbm>>
      %dma_start3A_144 = tpu.memref_squeeze %dma_start3A_143 : memref<1x80x128xi32, #tpu.memory_space<hbm>> -> memref<80x128xi32, #tpu.memory_space<hbm>>
      tpu.enqueue_dma source(%dma_start3A_144 : memref<80x128xi32, #tpu.memory_space<hbm>>) target(%arg9 : memref<80x128xi32, #tpu.memory_space<vmem>>) target_semaphore(%run_scoped3A : memref<!tpu.dma_semaphore, #tpu.memory_space<semaphore_mem>>)
      %dma_wait3A_145 = arith.constant 0 : i32
      %dma_wait3A_146 = arith.constant 0 : i32
      %dma_wait3A_147 = tpu.memref_slice %arg4[%add3A, %dma_wait3A_145, %dma_wait3A_146] : memref<32x80x128xi32, #tpu.memory_space<hbm>> -> memref<1x80x128xi32, #tpu.memory_space<hbm>>
      %dma_wait3A_148 = tpu.memref_squeeze %dma_wait3A_147 : memref<1x80x128xi32, #tpu.memory_space<hbm>> -> memref<80x128xi32, #tpu.memory_space<hbm>>
      %dma_wait3A_149 = arith.constant 0 : i32
      %dma_wait3A_150 = arith.constant 0 : i32
      %dma_wait3A_151 = tpu.memref_slice %arg4[%add3A, %dma_wait3A_149, %dma_wait3A_150] : memref<32x80x128xi32, #tpu.memory_space<hbm>> -> memref<1x80x128xi32, #tpu.memory_space<hbm>>
      %dma_wait3A_152 = tpu.memref_squeeze %dma_wait3A_151 : memref<1x80x128xi32, #tpu.memory_space<hbm>> -> memref<80x128xi32, #tpu.memory_space<hbm>>
      tpu.wait_dma2 semaphore(%run_scoped3A : memref<!tpu.dma_semaphore, #tpu.memory_space<semaphore_mem>>) src(%dma_wait3A_152 : memref<80x128xi32, #tpu.memory_space<hbm>>) dst(%arg9 : memref<80x128xi32, #tpu.memory_space<vmem>>)
      tpu.yield
    }) : () -> ()
    "tpu.region"() ({
      %run_scoped3A = tpu.sem_alloc : memref<!tpu.dma_semaphore, #tpu.memory_space<semaphore_mem>>
      %dma_start3A_137 = arith.constant 0 : i32
      %dma_start3A_138 = arith.constant 0 : i32
      %dma_start3A_139 = tpu.memref_slice %arg5[%add3A, %dma_start3A_137, %dma_start3A_138] : memref<32x80x128xi32, #tpu.memory_space<hbm>> -> memref<1x80x128xi32, #tpu.memory_space<hbm>>
      %dma_start3A_140 = tpu.memref_squeeze %dma_start3A_139 : memref<1x80x128xi32, #tpu.memory_space<hbm>> -> memref<80x128xi32, #tpu.memory_space<hbm>>
      %dma_start3A_141 = arith.constant 0 : i32
      %dma_start3A_142 = arith.constant 0 : i32
      %dma_start3A_143 = tpu.memref_slice %arg5[%add3A, %dma_start3A_141, %dma_start3A_142] : memref<32x80x128xi32, #tpu.memory_space<hbm>> -> memref<1x80x128xi32, #tpu.memory_space<hbm>>
      %dma_start3A_144 = tpu.memref_squeeze %dma_start3A_143 : memref<1x80x128xi32, #tpu.memory_space<hbm>> -> memref<80x128xi32, #tpu.memory_space<hbm>>
      tpu.enqueue_dma source(%dma_start3A_144 : memref<80x128xi32, #tpu.memory_space<hbm>>) target(%arg10 : memref<80x128xi32, #tpu.memory_space<vmem>>) target_semaphore(%run_scoped3A : memref<!tpu.dma_semaphore, #tpu.memory_space<semaphore_mem>>)
      %dma_wait3A_145 = arith.constant 0 : i32
      %dma_wait3A_146 = arith.constant 0 : i32
      %dma_wait3A_147 = tpu.memref_slice %arg5[%add3A, %dma_wait3A_145, %dma_wait3A_146] : memref<32x80x128xi32, #tpu.memory_space<hbm>> -> memref<1x80x128xi32, #tpu.memory_space<hbm>>
      %dma_wait3A_148 = tpu.memref_squeeze %dma_wait3A_147 : memref<1x80x128xi32, #tpu.memory_space<hbm>> -> memref<80x128xi32, #tpu.memory_space<hbm>>
      %dma_wait3A_149 = arith.constant 0 : i32
      %dma_wait3A_150 = arith.constant 0 : i32
      %dma_wait3A_151 = tpu.memref_slice %arg5[%add3A, %dma_wait3A_149, %dma_wait3A_150] : memref<32x80x128xi32, #tpu.memory_space<hbm>> -> memref<1x80x128xi32, #tpu.memory_space<hbm>>
      %dma_wait3A_152 = tpu.memref_squeeze %dma_wait3A_151 : memref<1x80x128xi32, #tpu.memory_space<hbm>> -> memref<80x128xi32, #tpu.memory_space<hbm>>
      tpu.wait_dma2 semaphore(%run_scoped3A : memref<!tpu.dma_semaphore, #tpu.memory_space<semaphore_mem>>) src(%dma_wait3A_152 : memref<80x128xi32, #tpu.memory_space<hbm>>) dst(%arg10 : memref<80x128xi32, #tpu.memory_space<vmem>>)
      tpu.yield
    }) : () -> ()
    %mul3A_5 = arith.constant 640 : i32
    %mul3A_6 = arith.muli %arg1, %mul3A_5 : i32
    %mul3A_7 = arith.constant 640 : i32
    %mul3A_8 = arith.muli %arg1, %mul3A_7 : i32
    "tpu.region"() ({
      %run_scoped3A = tpu.sem_alloc : memref<!tpu.dma_semaphore, #tpu.memory_space<semaphore_mem>>
      %dma_start3A_137 = arith.constant 0 : i32
      %dma_start3A_138 = tpu.memref_slice %arg24[%mul3A_8, %dma_start3A_137] : memref<10240x64xbf16, #tpu.memory_space<vmem_shared>> -> memref<640x64xbf16, #tpu.memory_space<vmem_shared>>
      %dma_start3A_139 = arith.constant 0 : i32
      %dma_start3A_140 = tpu.memref_slice %arg6[%mul3A_6, %dma_start3A_139] : memref<10240x64xbf16, #tpu.memory_space<hbm>> -> memref<640x64xbf16, #tpu.memory_space<hbm>>
      tpu.enqueue_dma source(%dma_start3A_140 : memref<640x64xbf16, #tpu.memory_space<hbm>>) target(%dma_start3A_138 : memref<640x64xbf16, #tpu.memory_space<vmem_shared>>) target_semaphore(%run_scoped3A : memref<!tpu.dma_semaphore, #tpu.memory_space<semaphore_mem>>)
      %dma_wait3A_141 = arith.constant 0 : i32
      %dma_wait3A_142 = tpu.memref_slice %arg24[%mul3A_8, %dma_wait3A_141] : memref<10240x64xbf16, #tpu.memory_space<vmem_shared>> -> memref<640x64xbf16, #tpu.memory_space<vmem_shared>>
      %dma_wait3A_143 = arith.constant 0 : i32
      %dma_wait3A_144 = tpu.memref_slice %arg6[%mul3A_6, %dma_wait3A_143] : memref<10240x64xbf16, #tpu.memory_space<hbm>> -> memref<640x64xbf16, #tpu.memory_space<hbm>>
      tpu.wait_dma2 semaphore(%run_scoped3A : memref<!tpu.dma_semaphore, #tpu.memory_space<semaphore_mem>>) src(%dma_wait3A_144 : memref<640x64xbf16, #tpu.memory_space<hbm>>) dst(%dma_wait3A_142 : memref<640x64xbf16, #tpu.memory_space<vmem_shared>>)
      tpu.yield
    }) : () -> ()
    %barrier3A = arith.constant 0 : index
    tpu.barrier barrier_id(%barrier3A)
    %dma_start3A = arith.constant 0 : i32
    %dma_start3A_9 = arith.constant 0 : i32
    %dma_start3A_10 = tpu.memref_slice %arg8[%dma_start3A, %dma_start3A_9] : memref<80x128xi32, #tpu.memory_space<vmem>> -> memref<1x128xi32, #tpu.memory_space<vmem>>
    %dma_start3A_11 = tpu.memref_squeeze %dma_start3A_10 : memref<1x128xi32, #tpu.memory_space<vmem>> -> memref<128xi32, #tpu.memory_space<vmem>>
    %dma_start3A_12 = arith.constant 0 : i32
    %dma_start3A_13 = arith.constant 0 : i32
    %dma_start3A_14 = tpu.memref_slice %arg23[%dma_start3A_12, %dma_start3A_13] : memref<20480x64xbf16, #tpu.memory_space<vmem_shared>> -> memref<20480x64xbf16, #tpu.memory_space<vmem_shared>>
    tpu.enqueue_indirect_dma source(%dma_start3A_14 : memref<20480x64xbf16, #tpu.memory_space<vmem_shared>>) target(%arg11 : memref<128x64xbf16, #tpu.memory_space<vmem>>) offsets(%dma_start3A_11 : memref<128xi32, #tpu.memory_space<vmem>>) semaphore(%arg15 : memref<!tpu.dma_semaphore, #tpu.memory_space<semaphore_mem>>)
    %dma_start3A_15 = arith.constant 1 : i32
    %dma_start3A_16 = arith.constant 0 : i32
    %dma_start3A_17 = tpu.memref_slice %arg8[%dma_start3A_15, %dma_start3A_16] : memref<80x128xi32, #tpu.memory_space<vmem>> -> memref<1x128xi32, #tpu.memory_space<vmem>>
    %dma_start3A_18 = tpu.memref_squeeze %dma_start3A_17 : memref<1x128xi32, #tpu.memory_space<vmem>> -> memref<128xi32, #tpu.memory_space<vmem>>
    %dma_start3A_19 = arith.constant 0 : i32
    %dma_start3A_20 = arith.constant 0 : i32
    %dma_start3A_21 = tpu.memref_slice %arg23[%dma_start3A_19, %dma_start3A_20] : memref<20480x64xbf16, #tpu.memory_space<vmem_shared>> -> memref<20480x64xbf16, #tpu.memory_space<vmem_shared>>
    tpu.enqueue_indirect_dma source(%dma_start3A_21 : memref<20480x64xbf16, #tpu.memory_space<vmem_shared>>) target(%arg12 : memref<128x64xbf16, #tpu.memory_space<vmem>>) offsets(%dma_start3A_18 : memref<128xi32, #tpu.memory_space<vmem>>) semaphore(%arg16 : memref<!tpu.dma_semaphore, #tpu.memory_space<semaphore_mem>>)
    %dma_start3A_22 = arith.constant 2 : i32
    %dma_start3A_23 = arith.constant 0 : i32
    %dma_start3A_24 = tpu.memref_slice %arg8[%dma_start3A_22, %dma_start3A_23] : memref<80x128xi32, #tpu.memory_space<vmem>> -> memref<1x128xi32, #tpu.memory_space<vmem>>
    %dma_start3A_25 = tpu.memref_squeeze %dma_start3A_24 : memref<1x128xi32, #tpu.memory_space<vmem>> -> memref<128xi32, #tpu.memory_space<vmem>>
    %dma_start3A_26 = arith.constant 0 : i32
    %dma_start3A_27 = arith.constant 0 : i32
    %dma_start3A_28 = tpu.memref_slice %arg23[%dma_start3A_26, %dma_start3A_27] : memref<20480x64xbf16, #tpu.memory_space<vmem_shared>> -> memref<20480x64xbf16, #tpu.memory_space<vmem_shared>>
    tpu.enqueue_indirect_dma source(%dma_start3A_28 : memref<20480x64xbf16, #tpu.memory_space<vmem_shared>>) target(%arg13 : memref<128x64xbf16, #tpu.memory_space<vmem>>) offsets(%dma_start3A_25 : memref<128xi32, #tpu.memory_space<vmem>>) semaphore(%arg17 : memref<!tpu.dma_semaphore, #tpu.memory_space<semaphore_mem>>)
    %scan3A = arith.constant 0 : i32
    %scan3A_29 = arith.constant 0 : i32
    %scan3A_30 = arith.constant 20 : i32
    %scan3A_31 = arith.addi %scan3A_29, %scan3A_30 : i32
    %scan3A_32 = arith.constant 1 : i32
    scf.for %scan3A_137 = %scan3A_29 to %scan3A_31 step %scan3A_32  : i32 {
      %mul3A_138 = arith.constant 4 : i32
      %mul3A_139 = arith.muli %mul3A_138, %scan3A_137 : i32
      %add3A_140 = arith.constant 0 : i32
      %add3A_141 = arith.addi %mul3A_139, %add3A_140 : i32
      %dma_wait3A_142 = arith.constant 0 : i32
      %dma_wait3A_143 = tpu.memref_slice %arg8[%add3A_141, %dma_wait3A_142] : memref<80x128xi32, #tpu.memory_space<vmem>> -> memref<1x128xi32, #tpu.memory_space<vmem>>
      %dma_wait3A_144 = tpu.memref_squeeze %dma_wait3A_143 : memref<1x128xi32, #tpu.memory_space<vmem>> -> memref<128xi32, #tpu.memory_space<vmem>>
      %dma_wait3A_145 = arith.constant 0 : i32
      %dma_wait3A_146 = arith.constant 0 : i32
      %dma_wait3A_147 = tpu.memref_slice %arg23[%dma_wait3A_145, %dma_wait3A_146] : memref<20480x64xbf16, #tpu.memory_space<vmem_shared>> -> memref<20480x64xbf16, #tpu.memory_space<vmem_shared>>
      tpu.wait_indirect_dma semaphore(%arg15 : memref<!tpu.dma_semaphore, #tpu.memory_space<semaphore_mem>>) src(%dma_wait3A_147 : memref<20480x64xbf16, #tpu.memory_space<vmem_shared>>) dst(%arg11 : memref<128x64xbf16, #tpu.memory_space<vmem>>)
      %dma_start3A_148 = arith.constant 0 : i32
      %dma_start3A_149 = tpu.memref_slice %arg10[%add3A_141, %dma_start3A_148] : memref<80x128xi32, #tpu.memory_space<vmem>> -> memref<1x128xi32, #tpu.memory_space<vmem>>
      %dma_start3A_150 = tpu.memref_squeeze %dma_start3A_149 : memref<1x128xi32, #tpu.memory_space<vmem>> -> memref<128xi32, #tpu.memory_space<vmem>>
      %dma_start3A_151 = arith.constant 0 : i32
      %dma_start3A_152 = arith.constant 0 : i32
      %dma_start3A_153 = tpu.memref_slice %arg24[%dma_start3A_151, %dma_start3A_152] : memref<10240x64xbf16, #tpu.memory_space<vmem_shared>> -> memref<10240x64xbf16, #tpu.memory_space<vmem_shared>>
      tpu.enqueue_indirect_dma source(%arg11 : memref<128x64xbf16, #tpu.memory_space<vmem>>) target(%dma_start3A_153 : memref<10240x64xbf16, #tpu.memory_space<vmem_shared>>) offsets(%dma_start3A_150 : memref<128xi32, #tpu.memory_space<vmem>>) semaphore(%arg19 : memref<!tpu.dma_semaphore, #tpu.memory_space<semaphore_mem>>) {add = true}
      %add3A_154 = arith.constant 4 : i32
      %add3A_155 = arith.addi %add3A_141, %add3A_154 : i32
      %sub3A = arith.constant 1 : i32
      %sub3A_156 = arith.subi %add3A_155, %sub3A : i32
      %lt3A = arith.constant 80 : i32
      %lt3A_157 = arith.cmpi slt, %sub3A_156, %lt3A : i32
      %convert_element_type3A = arith.extui %lt3A_157 : i1 to i32
      %cond3A = arith.constant 0 : i32
      %cond3A_158 = arith.cmpi ne, %convert_element_type3A, %cond3A : i32
      scf.if %cond3A_158 {
        %ge3A = arith.constant 1 : i32
        %ge3A_234 = arith.cmpi sge, %add3A_141, %ge3A : i32
        %convert_element_type3A_235 = arith.extui %ge3A_234 : i1 to i32
        %cond3A_236 = arith.constant 0 : i32
        %cond3A_237 = arith.cmpi ne, %convert_element_type3A_235, %cond3A_236 : i32
        scf.if %cond3A_237 {
          %dma_wait3A_248 = arith.constant 0 : i32
          %dma_wait3A_249 = arith.constant 0 : i32
          %dma_wait3A_250 = tpu.memref_slice %arg10[%dma_wait3A_248, %dma_wait3A_249] : memref<80x128xi32, #tpu.memory_space<vmem>> -> memref<1x128xi32, #tpu.memory_space<vmem>>
          %dma_wait3A_251 = tpu.memref_squeeze %dma_wait3A_250 : memref<1x128xi32, #tpu.memory_space<vmem>> -> memref<128xi32, #tpu.memory_space<vmem>>
          %dma_wait3A_252 = arith.constant 0 : i32
          %dma_wait3A_253 = arith.constant 0 : i32
          %dma_wait3A_254 = tpu.memref_slice %arg24[%dma_wait3A_252, %dma_wait3A_253] : memref<10240x64xbf16, #tpu.memory_space<vmem_shared>> -> memref<10240x64xbf16, #tpu.memory_space<vmem_shared>>
          tpu.wait_indirect_dma semaphore(%arg22 : memref<!tpu.dma_semaphore, #tpu.memory_space<semaphore_mem>>) src(%arg14 : memref<128x64xbf16, #tpu.memory_space<vmem>>) dst(%dma_wait3A_254 : memref<10240x64xbf16, #tpu.memory_space<vmem_shared>>)
        } else {
        }
        %add3A_238 = arith.constant 4 : i32
        %add3A_239 = arith.addi %add3A_141, %add3A_238 : i32
        %sub3A_240 = arith.constant 1 : i32
        %sub3A_241 = arith.subi %add3A_239, %sub3A_240 : i32
        %dma_start3A_242 = arith.constant 0 : i32
        %dma_start3A_243 = tpu.memref_slice %arg8[%sub3A_241, %dma_start3A_242] : memref<80x128xi32, #tpu.memory_space<vmem>> -> memref<1x128xi32, #tpu.memory_space<vmem>>
        %dma_start3A_244 = tpu.memref_squeeze %dma_start3A_243 : memref<1x128xi32, #tpu.memory_space<vmem>> -> memref<128xi32, #tpu.memory_space<vmem>>
        %dma_start3A_245 = arith.constant 0 : i32
        %dma_start3A_246 = arith.constant 0 : i32
        %dma_start3A_247 = tpu.memref_slice %arg23[%dma_start3A_245, %dma_start3A_246] : memref<20480x64xbf16, #tpu.memory_space<vmem_shared>> -> memref<20480x64xbf16, #tpu.memory_space<vmem_shared>>
        tpu.enqueue_indirect_dma source(%dma_start3A_247 : memref<20480x64xbf16, #tpu.memory_space<vmem_shared>>) target(%arg14 : memref<128x64xbf16, #tpu.memory_space<vmem>>) offsets(%dma_start3A_244 : memref<128xi32, #tpu.memory_space<vmem>>) semaphore(%arg18 : memref<!tpu.dma_semaphore, #tpu.memory_space<semaphore_mem>>)
      } else {
      }
      %mul3A_159 = arith.constant 4 : i32
      %mul3A_160 = arith.muli %mul3A_159, %scan3A_137 : i32
      %add3A_161 = arith.constant 1 : i32
      %add3A_162 = arith.addi %mul3A_160, %add3A_161 : i32
      %dma_wait3A_163 = arith.constant 0 : i32
      %dma_wait3A_164 = tpu.memref_slice %arg8[%add3A_162, %dma_wait3A_163] : memref<80x128xi32, #tpu.memory_space<vmem>> -> memref<1x128xi32, #tpu.memory_space<vmem>>
      %dma_wait3A_165 = tpu.memref_squeeze %dma_wait3A_164 : memref<1x128xi32, #tpu.memory_space<vmem>> -> memref<128xi32, #tpu.memory_space<vmem>>
      %dma_wait3A_166 = arith.constant 0 : i32
      %dma_wait3A_167 = arith.constant 0 : i32
      %dma_wait3A_168 = tpu.memref_slice %arg23[%dma_wait3A_166, %dma_wait3A_167] : memref<20480x64xbf16, #tpu.memory_space<vmem_shared>> -> memref<20480x64xbf16, #tpu.memory_space<vmem_shared>>
      tpu.wait_indirect_dma semaphore(%arg16 : memref<!tpu.dma_semaphore, #tpu.memory_space<semaphore_mem>>) src(%dma_wait3A_168 : memref<20480x64xbf16, #tpu.memory_space<vmem_shared>>) dst(%arg12 : memref<128x64xbf16, #tpu.memory_space<vmem>>)
      %dma_start3A_169 = arith.constant 0 : i32
      %dma_start3A_170 = tpu.memref_slice %arg10[%add3A_162, %dma_start3A_169] : memref<80x128xi32, #tpu.memory_space<vmem>> -> memref<1x128xi32, #tpu.memory_space<vmem>>
      %dma_start3A_171 = tpu.memref_squeeze %dma_start3A_170 : memref<1x128xi32, #tpu.memory_space<vmem>> -> memref<128xi32, #tpu.memory_space<vmem>>
      %dma_start3A_172 = arith.constant 0 : i32
      %dma_start3A_173 = arith.constant 0 : i32
      %dma_start3A_174 = tpu.memref_slice %arg24[%dma_start3A_172, %dma_start3A_173] : memref<10240x64xbf16, #tpu.memory_space<vmem_shared>> -> memref<10240x64xbf16, #tpu.memory_space<vmem_shared>>
      tpu.enqueue_indirect_dma source(%arg12 : memref<128x64xbf16, #tpu.memory_space<vmem>>) target(%dma_start3A_174 : memref<10240x64xbf16, #tpu.memory_space<vmem_shared>>) offsets(%dma_start3A_171 : memref<128xi32, #tpu.memory_space<vmem>>) semaphore(%arg20 : memref<!tpu.dma_semaphore, #tpu.memory_space<semaphore_mem>>) {add = true}
      %add3A_175 = arith.constant 4 : i32
      %add3A_176 = arith.addi %add3A_162, %add3A_175 : i32
      %sub3A_177 = arith.constant 1 : i32
      %sub3A_178 = arith.subi %add3A_176, %sub3A_177 : i32
      %lt3A_179 = arith.constant 80 : i32
      %lt3A_180 = arith.cmpi slt, %sub3A_178, %lt3A_179 : i32
      %convert_element_type3A_181 = arith.extui %lt3A_180 : i1 to i32
      %cond3A_182 = arith.constant 0 : i32
      %cond3A_183 = arith.cmpi ne, %convert_element_type3A_181, %cond3A_182 : i32
      scf.if %cond3A_183 {
        %ge3A = arith.constant 1 : i32
        %ge3A_234 = arith.cmpi sge, %add3A_162, %ge3A : i32
        %convert_element_type3A_235 = arith.extui %ge3A_234 : i1 to i32
        %cond3A_236 = arith.constant 0 : i32
        %cond3A_237 = arith.cmpi ne, %convert_element_type3A_235, %cond3A_236 : i32
        scf.if %cond3A_237 {
          %dma_wait3A_248 = arith.constant 0 : i32
          %dma_wait3A_249 = arith.constant 0 : i32
          %dma_wait3A_250 = tpu.memref_slice %arg10[%dma_wait3A_248, %dma_wait3A_249] : memref<80x128xi32, #tpu.memory_space<vmem>> -> memref<1x128xi32, #tpu.memory_space<vmem>>
          %dma_wait3A_251 = tpu.memref_squeeze %dma_wait3A_250 : memref<1x128xi32, #tpu.memory_space<vmem>> -> memref<128xi32, #tpu.memory_space<vmem>>
          %dma_wait3A_252 = arith.constant 0 : i32
          %dma_wait3A_253 = arith.constant 0 : i32
          %dma_wait3A_254 = tpu.memref_slice %arg24[%dma_wait3A_252, %dma_wait3A_253] : memref<10240x64xbf16, #tpu.memory_space<vmem_shared>> -> memref<10240x64xbf16, #tpu.memory_space<vmem_shared>>
          tpu.wait_indirect_dma semaphore(%arg19 : memref<!tpu.dma_semaphore, #tpu.memory_space<semaphore_mem>>) src(%arg11 : memref<128x64xbf16, #tpu.memory_space<vmem>>) dst(%dma_wait3A_254 : memref<10240x64xbf16, #tpu.memory_space<vmem_shared>>)
        } else {
        }
        %add3A_238 = arith.constant 4 : i32
        %add3A_239 = arith.addi %add3A_162, %add3A_238 : i32
        %sub3A_240 = arith.constant 1 : i32
        %sub3A_241 = arith.subi %add3A_239, %sub3A_240 : i32
        %dma_start3A_242 = arith.constant 0 : i32
        %dma_start3A_243 = tpu.memref_slice %arg8[%sub3A_241, %dma_start3A_242] : memref<80x128xi32, #tpu.memory_space<vmem>> -> memref<1x128xi32, #tpu.memory_space<vmem>>
        %dma_start3A_244 = tpu.memref_squeeze %dma_start3A_243 : memref<1x128xi32, #tpu.memory_space<vmem>> -> memref<128xi32, #tpu.memory_space<vmem>>
        %dma_start3A_245 = arith.constant 0 : i32
        %dma_start3A_246 = arith.constant 0 : i32
        %dma_start3A_247 = tpu.memref_slice %arg23[%dma_start3A_245, %dma_start3A_246] : memref<20480x64xbf16, #tpu.memory_space<vmem_shared>> -> memref<20480x64xbf16, #tpu.memory_space<vmem_shared>>
        tpu.enqueue_indirect_dma source(%dma_start3A_247 : memref<20480x64xbf16, #tpu.memory_space<vmem_shared>>) target(%arg11 : memref<128x64xbf16, #tpu.memory_space<vmem>>) offsets(%dma_start3A_244 : memref<128xi32, #tpu.memory_space<vmem>>) semaphore(%arg15 : memref<!tpu.dma_semaphore, #tpu.memory_space<semaphore_mem>>)
      } else {
      }
      %mul3A_184 = arith.constant 4 : i32
      %mul3A_185 = arith.muli %mul3A_184, %scan3A_137 : i32
      %add3A_186 = arith.constant 2 : i32
      %add3A_187 = arith.addi %mul3A_185, %add3A_186 : i32
      %dma_wait3A_188 = arith.constant 0 : i32
      %dma_wait3A_189 = tpu.memref_slice %arg8[%add3A_187, %dma_wait3A_188] : memref<80x128xi32, #tpu.memory_space<vmem>> -> memref<1x128xi32, #tpu.memory_space<vmem>>
      %dma_wait3A_190 = tpu.memref_squeeze %dma_wait3A_189 : memref<1x128xi32, #tpu.memory_space<vmem>> -> memref<128xi32, #tpu.memory_space<vmem>>
      %dma_wait3A_191 = arith.constant 0 : i32
      %dma_wait3A_192 = arith.constant 0 : i32
      %dma_wait3A_193 = tpu.memref_slice %arg23[%dma_wait3A_191, %dma_wait3A_192] : memref<20480x64xbf16, #tpu.memory_space<vmem_shared>> -> memref<20480x64xbf16, #tpu.memory_space<vmem_shared>>
      tpu.wait_indirect_dma semaphore(%arg17 : memref<!tpu.dma_semaphore, #tpu.memory_space<semaphore_mem>>) src(%dma_wait3A_193 : memref<20480x64xbf16, #tpu.memory_space<vmem_shared>>) dst(%arg13 : memref<128x64xbf16, #tpu.memory_space<vmem>>)
      %dma_start3A_194 = arith.constant 0 : i32
      %dma_start3A_195 = tpu.memref_slice %arg10[%add3A_187, %dma_start3A_194] : memref<80x128xi32, #tpu.memory_space<vmem>> -> memref<1x128xi32, #tpu.memory_space<vmem>>
      %dma_start3A_196 = tpu.memref_squeeze %dma_start3A_195 : memref<1x128xi32, #tpu.memory_space<vmem>> -> memref<128xi32, #tpu.memory_space<vmem>>
      %dma_start3A_197 = arith.constant 0 : i32
      %dma_start3A_198 = arith.constant 0 : i32
      %dma_start3A_199 = tpu.memref_slice %arg24[%dma_start3A_197, %dma_start3A_198] : memref<10240x64xbf16, #tpu.memory_space<vmem_shared>> -> memref<10240x64xbf16, #tpu.memory_space<vmem_shared>>
      tpu.enqueue_indirect_dma source(%arg13 : memref<128x64xbf16, #tpu.memory_space<vmem>>) target(%dma_start3A_199 : memref<10240x64xbf16, #tpu.memory_space<vmem_shared>>) offsets(%dma_start3A_196 : memref<128xi32, #tpu.memory_space<vmem>>) semaphore(%arg21 : memref<!tpu.dma_semaphore, #tpu.memory_space<semaphore_mem>>) {add = true}
      %add3A_200 = arith.constant 4 : i32
      %add3A_201 = arith.addi %add3A_187, %add3A_200 : i32
      %sub3A_202 = arith.constant 1 : i32
      %sub3A_203 = arith.subi %add3A_201, %sub3A_202 : i32
      %lt3A_204 = arith.constant 80 : i32
      %lt3A_205 = arith.cmpi slt, %sub3A_203, %lt3A_204 : i32
      %convert_element_type3A_206 = arith.extui %lt3A_205 : i1 to i32
      %cond3A_207 = arith.constant 0 : i32
      %cond3A_208 = arith.cmpi ne, %convert_element_type3A_206, %cond3A_207 : i32
      scf.if %cond3A_208 {
        %ge3A = arith.constant 1 : i32
        %ge3A_234 = arith.cmpi sge, %add3A_187, %ge3A : i32
        %convert_element_type3A_235 = arith.extui %ge3A_234 : i1 to i32
        %cond3A_236 = arith.constant 0 : i32
        %cond3A_237 = arith.cmpi ne, %convert_element_type3A_235, %cond3A_236 : i32
        scf.if %cond3A_237 {
          %dma_wait3A_248 = arith.constant 0 : i32
          %dma_wait3A_249 = arith.constant 0 : i32
          %dma_wait3A_250 = tpu.memref_slice %arg10[%dma_wait3A_248, %dma_wait3A_249] : memref<80x128xi32, #tpu.memory_space<vmem>> -> memref<1x128xi32, #tpu.memory_space<vmem>>
          %dma_wait3A_251 = tpu.memref_squeeze %dma_wait3A_250 : memref<1x128xi32, #tpu.memory_space<vmem>> -> memref<128xi32, #tpu.memory_space<vmem>>
          %dma_wait3A_252 = arith.constant 0 : i32
          %dma_wait3A_253 = arith.constant 0 : i32
          %dma_wait3A_254 = tpu.memref_slice %arg24[%dma_wait3A_252, %dma_wait3A_253] : memref<10240x64xbf16, #tpu.memory_space<vmem_shared>> -> memref<10240x64xbf16, #tpu.memory_space<vmem_shared>>
          tpu.wait_indirect_dma semaphore(%arg20 : memref<!tpu.dma_semaphore, #tpu.memory_space<semaphore_mem>>) src(%arg12 : memref<128x64xbf16, #tpu.memory_space<vmem>>) dst(%dma_wait3A_254 : memref<10240x64xbf16, #tpu.memory_space<vmem_shared>>)
        } else {
        }
        %add3A_238 = arith.constant 4 : i32
        %add3A_239 = arith.addi %add3A_187, %add3A_238 : i32
        %sub3A_240 = arith.constant 1 : i32
        %sub3A_241 = arith.subi %add3A_239, %sub3A_240 : i32
        %dma_start3A_242 = arith.constant 0 : i32
        %dma_start3A_243 = tpu.memref_slice %arg8[%sub3A_241, %dma_start3A_242] : memref<80x128xi32, #tpu.memory_space<vmem>> -> memref<1x128xi32, #tpu.memory_space<vmem>>
        %dma_start3A_244 = tpu.memref_squeeze %dma_start3A_243 : memref<1x128xi32, #tpu.memory_space<vmem>> -> memref<128xi32, #tpu.memory_space<vmem>>
        %dma_start3A_245 = arith.constant 0 : i32
        %dma_start3A_246 = arith.constant 0 : i32
        %dma_start3A_247 = tpu.memref_slice %arg23[%dma_start3A_245, %dma_start3A_246] : memref<20480x64xbf16, #tpu.memory_space<vmem_shared>> -> memref<20480x64xbf16, #tpu.memory_space<vmem_shared>>
        tpu.enqueue_indirect_dma source(%dma_start3A_247 : memref<20480x64xbf16, #tpu.memory_space<vmem_shared>>) target(%arg12 : memref<128x64xbf16, #tpu.memory_space<vmem>>) offsets(%dma_start3A_244 : memref<128xi32, #tpu.memory_space<vmem>>) semaphore(%arg16 : memref<!tpu.dma_semaphore, #tpu.memory_space<semaphore_mem>>)
      } else {
      }
      %mul3A_209 = arith.constant 4 : i32
      %mul3A_210 = arith.muli %mul3A_209, %scan3A_137 : i32
      %add3A_211 = arith.constant 3 : i32
      %add3A_212 = arith.addi %mul3A_210, %add3A_211 : i32
      %dma_wait3A_213 = arith.constant 0 : i32
      %dma_wait3A_214 = tpu.memref_slice %arg8[%add3A_212, %dma_wait3A_213] : memref<80x128xi32, #tpu.memory_space<vmem>> -> memref<1x128xi32, #tpu.memory_space<vmem>>
      %dma_wait3A_215 = tpu.memref_squeeze %dma_wait3A_214 : memref<1x128xi32, #tpu.memory_space<vmem>> -> memref<128xi32, #tpu.memory_space<vmem>>
      %dma_wait3A_216 = arith.constant 0 : i32
      %dma_wait3A_217 = arith.constant 0 : i32
      %dma_wait3A_218 = tpu.memref_slice %arg23[%dma_wait3A_216, %dma_wait3A_217] : memref<20480x64xbf16, #tpu.memory_space<vmem_shared>> -> memref<20480x64xbf16, #tpu.memory_space<vmem_shared>>
      tpu.wait_indirect_dma semaphore(%arg18 : memref<!tpu.dma_semaphore, #tpu.memory_space<semaphore_mem>>) src(%dma_wait3A_218 : memref<20480x64xbf16, #tpu.memory_space<vmem_shared>>) dst(%arg14 : memref<128x64xbf16, #tpu.memory_space<vmem>>)
      %dma_start3A_219 = arith.constant 0 : i32
      %dma_start3A_220 = tpu.memref_slice %arg10[%add3A_212, %dma_start3A_219] : memref<80x128xi32, #tpu.memory_space<vmem>> -> memref<1x128xi32, #tpu.memory_space<vmem>>
      %dma_start3A_221 = tpu.memref_squeeze %dma_start3A_220 : memref<1x128xi32, #tpu.memory_space<vmem>> -> memref<128xi32, #tpu.memory_space<vmem>>
      %dma_start3A_222 = arith.constant 0 : i32
      %dma_start3A_223 = arith.constant 0 : i32
      %dma_start3A_224 = tpu.memref_slice %arg24[%dma_start3A_222, %dma_start3A_223] : memref<10240x64xbf16, #tpu.memory_space<vmem_shared>> -> memref<10240x64xbf16, #tpu.memory_space<vmem_shared>>
      tpu.enqueue_indirect_dma source(%arg14 : memref<128x64xbf16, #tpu.memory_space<vmem>>) target(%dma_start3A_224 : memref<10240x64xbf16, #tpu.memory_space<vmem_shared>>) offsets(%dma_start3A_221 : memref<128xi32, #tpu.memory_space<vmem>>) semaphore(%arg22 : memref<!tpu.dma_semaphore, #tpu.memory_space<semaphore_mem>>) {add = true}
      %add3A_225 = arith.constant 4 : i32
      %add3A_226 = arith.addi %add3A_212, %add3A_225 : i32
      %sub3A_227 = arith.constant 1 : i32
      %sub3A_228 = arith.subi %add3A_226, %sub3A_227 : i32
      %lt3A_229 = arith.constant 80 : i32
      %lt3A_230 = arith.cmpi slt, %sub3A_228, %lt3A_229 : i32
      %convert_element_type3A_231 = arith.extui %lt3A_230 : i1 to i32
      %cond3A_232 = arith.constant 0 : i32
      %cond3A_233 = arith.cmpi ne, %convert_element_type3A_231, %cond3A_232 : i32
      scf.if %cond3A_233 {
        %ge3A = arith.constant 1 : i32
        %ge3A_234 = arith.cmpi sge, %add3A_212, %ge3A : i32
        %convert_element_type3A_235 = arith.extui %ge3A_234 : i1 to i32
        %cond3A_236 = arith.constant 0 : i32
        %cond3A_237 = arith.cmpi ne, %convert_element_type3A_235, %cond3A_236 : i32
        scf.if %cond3A_237 {
          %dma_wait3A_248 = arith.constant 0 : i32
          %dma_wait3A_249 = arith.constant 0 : i32
          %dma_wait3A_250 = tpu.memref_slice %arg10[%dma_wait3A_248, %dma_wait3A_249] : memref<80x128xi32, #tpu.memory_space<vmem>> -> memref<1x128xi32, #tpu.memory_space<vmem>>
          %dma_wait3A_251 = tpu.memref_squeeze %dma_wait3A_250 : memref<1x128xi32, #tpu.memory_space<vmem>> -> memref<128xi32, #tpu.memory_space<vmem>>
          %dma_wait3A_252 = arith.constant 0 : i32
          %dma_wait3A_253 = arith.constant 0 : i32
          %dma_wait3A_254 = tpu.memref_slice %arg24[%dma_wait3A_252, %dma_wait3A_253] : memref<10240x64xbf16, #tpu.memory_space<vmem_shared>> -> memref<10240x64xbf16, #tpu.memory_space<vmem_shared>>
          tpu.wait_indirect_dma semaphore(%arg21 : memref<!tpu.dma_semaphore, #tpu.memory_space<semaphore_mem>>) src(%arg13 : memref<128x64xbf16, #tpu.memory_space<vmem>>) dst(%dma_wait3A_254 : memref<10240x64xbf16, #tpu.memory_space<vmem_shared>>)
        } else {
        }
        %add3A_238 = arith.constant 4 : i32
        %add3A_239 = arith.addi %add3A_212, %add3A_238 : i32
        %sub3A_240 = arith.constant 1 : i32
        %sub3A_241 = arith.subi %add3A_239, %sub3A_240 : i32
        %dma_start3A_242 = arith.constant 0 : i32
        %dma_start3A_243 = tpu.memref_slice %arg8[%sub3A_241, %dma_start3A_242] : memref<80x128xi32, #tpu.memory_space<vmem>> -> memref<1x128xi32, #tpu.memory_space<vmem>>
        %dma_start3A_244 = tpu.memref_squeeze %dma_start3A_243 : memref<1x128xi32, #tpu.memory_space<vmem>> -> memref<128xi32, #tpu.memory_space<vmem>>
        %dma_start3A_245 = arith.constant 0 : i32
        %dma_start3A_246 = arith.constant 0 : i32
        %dma_start3A_247 = tpu.memref_slice %arg23[%dma_start3A_245, %dma_start3A_246] : memref<20480x64xbf16, #tpu.memory_space<vmem_shared>> -> memref<20480x64xbf16, #tpu.memory_space<vmem_shared>>
        tpu.enqueue_indirect_dma source(%dma_start3A_247 : memref<20480x64xbf16, #tpu.memory_space<vmem_shared>>) target(%arg13 : memref<128x64xbf16, #tpu.memory_space<vmem>>) offsets(%dma_start3A_244 : memref<128xi32, #tpu.memory_space<vmem>>) semaphore(%arg17 : memref<!tpu.dma_semaphore, #tpu.memory_space<semaphore_mem>>)
      } else {
      }
    }
    %scan3A_33 = arith.constant 20 : i32
    %dma_wait3A = arith.constant 0 : i32
    %dma_wait3A_34 = arith.constant 0 : i32
    %dma_wait3A_35 = tpu.memref_slice %arg10[%dma_wait3A, %dma_wait3A_34] : memref<80x128xi32, #tpu.memory_space<vmem>> -> memref<1x128xi32, #tpu.memory_space<vmem>>
    %dma_wait3A_36 = tpu.memref_squeeze %dma_wait3A_35 : memref<1x128xi32, #tpu.memory_space<vmem>> -> memref<128xi32, #tpu.memory_space<vmem>>
    %dma_wait3A_37 = arith.constant 0 : i32
    %dma_wait3A_38 = arith.constant 0 : i32
    %dma_wait3A_39 = tpu.memref_slice %arg24[%dma_wait3A_37, %dma_wait3A_38] : memref<10240x64xbf16, #tpu.memory_space<vmem_shared>> -> memref<10240x64xbf16, #tpu.memory_space<vmem_shared>>
    tpu.wait_indirect_dma semaphore(%arg19 : memref<!tpu.dma_semaphore, #tpu.memory_space<semaphore_mem>>) src(%arg11 : memref<128x64xbf16, #tpu.memory_space<vmem>>) dst(%dma_wait3A_39 : memref<10240x64xbf16, #tpu.memory_space<vmem_shared>>)
    %dma_wait3A_40 = arith.constant 0 : i32
    %dma_wait3A_41 = arith.constant 0 : i32
    %dma_wait3A_42 = tpu.memref_slice %arg10[%dma_wait3A_40, %dma_wait3A_41] : memref<80x128xi32, #tpu.memory_space<vmem>> -> memref<1x128xi32, #tpu.memory_space<vmem>>
    %dma_wait3A_43 = tpu.memref_squeeze %dma_wait3A_42 : memref<1x128xi32, #tpu.memory_space<vmem>> -> memref<128xi32, #tpu.memory_space<vmem>>
    %dma_wait3A_44 = arith.constant 0 : i32
    %dma_wait3A_45 = arith.constant 0 : i32
    %dma_wait3A_46 = tpu.memref_slice %arg24[%dma_wait3A_44, %dma_wait3A_45] : memref<10240x64xbf16, #tpu.memory_space<vmem_shared>> -> memref<10240x64xbf16, #tpu.memory_space<vmem_shared>>
    tpu.wait_indirect_dma semaphore(%arg20 : memref<!tpu.dma_semaphore, #tpu.memory_space<semaphore_mem>>) src(%arg12 : memref<128x64xbf16, #tpu.memory_space<vmem>>) dst(%dma_wait3A_46 : memref<10240x64xbf16, #tpu.memory_space<vmem_shared>>)
    %dma_wait3A_47 = arith.constant 0 : i32
    %dma_wait3A_48 = arith.constant 0 : i32
    %dma_wait3A_49 = tpu.memref_slice %arg10[%dma_wait3A_47, %dma_wait3A_48] : memref<80x128xi32, #tpu.memory_space<vmem>> -> memref<1x128xi32, #tpu.memory_space<vmem>>
    %dma_wait3A_50 = tpu.memref_squeeze %dma_wait3A_49 : memref<1x128xi32, #tpu.memory_space<vmem>> -> memref<128xi32, #tpu.memory_space<vmem>>
    %dma_wait3A_51 = arith.constant 0 : i32
    %dma_wait3A_52 = arith.constant 0 : i32
    %dma_wait3A_53 = tpu.memref_slice %arg24[%dma_wait3A_51, %dma_wait3A_52] : memref<10240x64xbf16, #tpu.memory_space<vmem_shared>> -> memref<10240x64xbf16, #tpu.memory_space<vmem_shared>>
    tpu.wait_indirect_dma semaphore(%arg21 : memref<!tpu.dma_semaphore, #tpu.memory_space<semaphore_mem>>) src(%arg13 : memref<128x64xbf16, #tpu.memory_space<vmem>>) dst(%dma_wait3A_53 : memref<10240x64xbf16, #tpu.memory_space<vmem_shared>>)
    %dma_wait3A_54 = arith.constant 0 : i32
    %dma_wait3A_55 = arith.constant 0 : i32
    %dma_wait3A_56 = tpu.memref_slice %arg10[%dma_wait3A_54, %dma_wait3A_55] : memref<80x128xi32, #tpu.memory_space<vmem>> -> memref<1x128xi32, #tpu.memory_space<vmem>>
    %dma_wait3A_57 = tpu.memref_squeeze %dma_wait3A_56 : memref<1x128xi32, #tpu.memory_space<vmem>> -> memref<128xi32, #tpu.memory_space<vmem>>
    %dma_wait3A_58 = arith.constant 0 : i32
    %dma_wait3A_59 = arith.constant 0 : i32
    %dma_wait3A_60 = tpu.memref_slice %arg24[%dma_wait3A_58, %dma_wait3A_59] : memref<10240x64xbf16, #tpu.memory_space<vmem_shared>> -> memref<10240x64xbf16, #tpu.memory_space<vmem_shared>>
    tpu.wait_indirect_dma semaphore(%arg22 : memref<!tpu.dma_semaphore, #tpu.memory_space<semaphore_mem>>) src(%arg14 : memref<128x64xbf16, #tpu.memory_space<vmem>>) dst(%dma_wait3A_60 : memref<10240x64xbf16, #tpu.memory_space<vmem_shared>>)
    %barrier3A_61 = arith.constant 0 : index
    tpu.barrier barrier_id(%barrier3A_61)
    %mul3A_62 = arith.constant 640 : i32
    %mul3A_63 = arith.muli %arg1, %mul3A_62 : i32
    %mul3A_64 = arith.constant 16 : i32
    %mul3A_65 = arith.muli %arg0, %mul3A_64 : i32
    %add3A_66 = arith.constant 0 : i32
    %add3A_67 = arith.addi %add3A_66, %mul3A_65 : i32
    %add3A_68 = arith.addi %add3A_67, %arg1 : i32
    "tpu.region"() ({
      %run_scoped3A = tpu.sem_alloc : memref<!tpu.dma_semaphore, #tpu.memory_space<semaphore_mem>>
      %dma_start3A_137 = arith.constant 0 : i32
      %dma_start3A_138 = arith.constant 0 : i32
      %dma_start3A_139 = tpu.memref_slice %arg7[%add3A_68, %dma_start3A_137, %dma_start3A_138] : memref<64x640x64xbf16, #tpu.memory_space<hbm>> -> memref<1x640x64xbf16, #tpu.memory_space<hbm>>
      %dma_start3A_140 = tpu.memref_squeeze %dma_start3A_139 : memref<1x640x64xbf16, #tpu.memory_space<hbm>> -> memref<640x64xbf16, #tpu.memory_space<hbm>>
      %dma_start3A_141 = arith.constant 0 : i32
      %dma_start3A_142 = tpu.memref_slice %arg24[%mul3A_63, %dma_start3A_141] : memref<10240x64xbf16, #tpu.memory_space<vmem_shared>> -> memref<640x64xbf16, #tpu.memory_space<vmem_shared>>
      tpu.enqueue_dma source(%dma_start3A_142 : memref<640x64xbf16, #tpu.memory_space<vmem_shared>>) target(%dma_start3A_140 : memref<640x64xbf16, #tpu.memory_space<hbm>>) target_semaphore(%run_scoped3A : memref<!tpu.dma_semaphore, #tpu.memory_space<semaphore_mem>>)
      %dma_wait3A_143 = arith.constant 0 : i32
      %dma_wait3A_144 = arith.constant 0 : i32
      %dma_wait3A_145 = tpu.memref_slice %arg7[%add3A_68, %dma_wait3A_143, %dma_wait3A_144] : memref<64x640x64xbf16, #tpu.memory_space<hbm>> -> memref<1x640x64xbf16, #tpu.memory_space<hbm>>
      %dma_wait3A_146 = tpu.memref_squeeze %dma_wait3A_145 : memref<1x640x64xbf16, #tpu.memory_space<hbm>> -> memref<640x64xbf16, #tpu.memory_space<hbm>>
      %dma_wait3A_147 = arith.constant 0 : i32
      %dma_wait3A_148 = tpu.memref_slice %arg24[%mul3A_63, %dma_wait3A_147] : memref<10240x64xbf16, #tpu.memory_space<vmem_shared>> -> memref<640x64xbf16, #tpu.memory_space<vmem_shared>>
      tpu.wait_dma2 semaphore(%run_scoped3A : memref<!tpu.dma_semaphore, #tpu.memory_space<semaphore_mem>>) src(%dma_wait3A_148 : memref<640x64xbf16, #tpu.memory_space<vmem_shared>>) dst(%dma_wait3A_146 : memref<640x64xbf16, #tpu.memory_space<hbm>>)
      tpu.yield
    }) : () -> ()
    %mul3A_69 = arith.constant 640 : i32
    %mul3A_70 = arith.muli %arg1, %mul3A_69 : i32
    %mul3A_71 = arith.constant 640 : i32
    %mul3A_72 = arith.muli %arg1, %mul3A_71 : i32
    "tpu.region"() ({
      %run_scoped3A = tpu.sem_alloc : memref<!tpu.dma_semaphore, #tpu.memory_space<semaphore_mem>>
      %dma_start3A_137 = arith.constant 0 : i32
      %dma_start3A_138 = tpu.memref_slice %arg24[%mul3A_72, %dma_start3A_137] : memref<10240x64xbf16, #tpu.memory_space<vmem_shared>> -> memref<640x64xbf16, #tpu.memory_space<vmem_shared>>
      %dma_start3A_139 = arith.constant 0 : i32
      %dma_start3A_140 = tpu.memref_slice %arg6[%mul3A_70, %dma_start3A_139] : memref<10240x64xbf16, #tpu.memory_space<hbm>> -> memref<640x64xbf16, #tpu.memory_space<hbm>>
      tpu.enqueue_dma source(%dma_start3A_140 : memref<640x64xbf16, #tpu.memory_space<hbm>>) target(%dma_start3A_138 : memref<640x64xbf16, #tpu.memory_space<vmem_shared>>) target_semaphore(%run_scoped3A : memref<!tpu.dma_semaphore, #tpu.memory_space<semaphore_mem>>)
      %dma_wait3A_141 = arith.constant 0 : i32
      %dma_wait3A_142 = tpu.memref_slice %arg24[%mul3A_72, %dma_wait3A_141] : memref<10240x64xbf16, #tpu.memory_space<vmem_shared>> -> memref<640x64xbf16, #tpu.memory_space<vmem_shared>>
      %dma_wait3A_143 = arith.constant 0 : i32
      %dma_wait3A_144 = tpu.memref_slice %arg6[%mul3A_70, %dma_wait3A_143] : memref<10240x64xbf16, #tpu.memory_space<hbm>> -> memref<640x64xbf16, #tpu.memory_space<hbm>>
      tpu.wait_dma2 semaphore(%run_scoped3A : memref<!tpu.dma_semaphore, #tpu.memory_space<semaphore_mem>>) src(%dma_wait3A_144 : memref<640x64xbf16, #tpu.memory_space<hbm>>) dst(%dma_wait3A_142 : memref<640x64xbf16, #tpu.memory_space<vmem_shared>>)
      tpu.yield
    }) : () -> ()
    %barrier3A_73 = arith.constant 0 : index
    tpu.barrier barrier_id(%barrier3A_73)
    %dma_start3A_74 = arith.constant 0 : i32
    %dma_start3A_75 = arith.constant 0 : i32
    %dma_start3A_76 = tpu.memref_slice %arg9[%dma_start3A_74, %dma_start3A_75] : memref<80x128xi32, #tpu.memory_space<vmem>> -> memref<1x128xi32, #tpu.memory_space<vmem>>
    %dma_start3A_77 = tpu.memref_squeeze %dma_start3A_76 : memref<1x128xi32, #tpu.memory_space<vmem>> -> memref<128xi32, #tpu.memory_space<vmem>>
    %dma_start3A_78 = arith.constant 0 : i32
    %dma_start3A_79 = arith.constant 0 : i32
    %dma_start3A_80 = tpu.memref_slice %arg23[%dma_start3A_78, %dma_start3A_79] : memref<20480x64xbf16, #tpu.memory_space<vmem_shared>> -> memref<20480x64xbf16, #tpu.memory_space<vmem_shared>>
    tpu.enqueue_indirect_dma source(%dma_start3A_80 : memref<20480x64xbf16, #tpu.memory_space<vmem_shared>>) target(%arg11 : memref<128x64xbf16, #tpu.memory_space<vmem>>) offsets(%dma_start3A_77 : memref<128xi32, #tpu.memory_space<vmem>>) semaphore(%arg15 : memref<!tpu.dma_semaphore, #tpu.memory_space<semaphore_mem>>)
    %dma_start3A_81 = arith.constant 1 : i32
    %dma_start3A_82 = arith.constant 0 : i32
    %dma_start3A_83 = tpu.memref_slice %arg9[%dma_start3A_81, %dma_start3A_82] : memref<80x128xi32, #tpu.memory_space<vmem>> -> memref<1x128xi32, #tpu.memory_space<vmem>>
    %dma_start3A_84 = tpu.memref_squeeze %dma_start3A_83 : memref<1x128xi32, #tpu.memory_space<vmem>> -> memref<128xi32, #tpu.memory_space<vmem>>
    %dma_start3A_85 = arith.constant 0 : i32
    %dma_start3A_86 = arith.constant 0 : i32
    %dma_start3A_87 = tpu.memref_slice %arg23[%dma_start3A_85, %dma_start3A_86] : memref<20480x64xbf16, #tpu.memory_space<vmem_shared>> -> memref<20480x64xbf16, #tpu.memory_space<vmem_shared>>
    tpu.enqueue_indirect_dma source(%dma_start3A_87 : memref<20480x64xbf16, #tpu.memory_space<vmem_shared>>) target(%arg12 : memref<128x64xbf16, #tpu.memory_space<vmem>>) offsets(%dma_start3A_84 : memref<128xi32, #tpu.memory_space<vmem>>) semaphore(%arg16 : memref<!tpu.dma_semaphore, #tpu.memory_space<semaphore_mem>>)
    %dma_start3A_88 = arith.constant 2 : i32
    %dma_start3A_89 = arith.constant 0 : i32
    %dma_start3A_90 = tpu.memref_slice %arg9[%dma_start3A_88, %dma_start3A_89] : memref<80x128xi32, #tpu.memory_space<vmem>> -> memref<1x128xi32, #tpu.memory_space<vmem>>
    %dma_start3A_91 = tpu.memref_squeeze %dma_start3A_90 : memref<1x128xi32, #tpu.memory_space<vmem>> -> memref<128xi32, #tpu.memory_space<vmem>>
    %dma_start3A_92 = arith.constant 0 : i32
    %dma_start3A_93 = arith.constant 0 : i32
    %dma_start3A_94 = tpu.memref_slice %arg23[%dma_start3A_92, %dma_start3A_93] : memref<20480x64xbf16, #tpu.memory_space<vmem_shared>> -> memref<20480x64xbf16, #tpu.memory_space<vmem_shared>>
    tpu.enqueue_indirect_dma source(%dma_start3A_94 : memref<20480x64xbf16, #tpu.memory_space<vmem_shared>>) target(%arg13 : memref<128x64xbf16, #tpu.memory_space<vmem>>) offsets(%dma_start3A_91 : memref<128xi32, #tpu.memory_space<vmem>>) semaphore(%arg17 : memref<!tpu.dma_semaphore, #tpu.memory_space<semaphore_mem>>)
    %scan3A_95 = arith.constant 0 : i32
    %scan3A_96 = arith.constant 0 : i32
    %scan3A_97 = arith.constant 20 : i32
    %scan3A_98 = arith.addi %scan3A_96, %scan3A_97 : i32
    %scan3A_99 = arith.constant 1 : i32
    scf.for %scan3A_137 = %scan3A_96 to %scan3A_98 step %scan3A_99  : i32 {
      %mul3A_138 = arith.constant 4 : i32
      %mul3A_139 = arith.muli %mul3A_138, %scan3A_137 : i32
      %add3A_140 = arith.constant 0 : i32
      %add3A_141 = arith.addi %mul3A_139, %add3A_140 : i32
      %dma_wait3A_142 = arith.constant 0 : i32
      %dma_wait3A_143 = tpu.memref_slice %arg9[%add3A_141, %dma_wait3A_142] : memref<80x128xi32, #tpu.memory_space<vmem>> -> memref<1x128xi32, #tpu.memory_space<vmem>>
      %dma_wait3A_144 = tpu.memref_squeeze %dma_wait3A_143 : memref<1x128xi32, #tpu.memory_space<vmem>> -> memref<128xi32, #tpu.memory_space<vmem>>
      %dma_wait3A_145 = arith.constant 0 : i32
      %dma_wait3A_146 = arith.constant 0 : i32
      %dma_wait3A_147 = tpu.memref_slice %arg23[%dma_wait3A_145, %dma_wait3A_146] : memref<20480x64xbf16, #tpu.memory_space<vmem_shared>> -> memref<20480x64xbf16, #tpu.memory_space<vmem_shared>>
      tpu.wait_indirect_dma semaphore(%arg15 : memref<!tpu.dma_semaphore, #tpu.memory_space<semaphore_mem>>) src(%dma_wait3A_147 : memref<20480x64xbf16, #tpu.memory_space<vmem_shared>>) dst(%arg11 : memref<128x64xbf16, #tpu.memory_space<vmem>>)
      %dma_start3A_148 = arith.constant 0 : i32
      %dma_start3A_149 = tpu.memref_slice %arg10[%add3A_141, %dma_start3A_148] : memref<80x128xi32, #tpu.memory_space<vmem>> -> memref<1x128xi32, #tpu.memory_space<vmem>>
      %dma_start3A_150 = tpu.memref_squeeze %dma_start3A_149 : memref<1x128xi32, #tpu.memory_space<vmem>> -> memref<128xi32, #tpu.memory_space<vmem>>
      %dma_start3A_151 = arith.constant 0 : i32
      %dma_start3A_152 = arith.constant 0 : i32
      %dma_start3A_153 = tpu.memref_slice %arg24[%dma_start3A_151, %dma_start3A_152] : memref<10240x64xbf16, #tpu.memory_space<vmem_shared>> -> memref<10240x64xbf16, #tpu.memory_space<vmem_shared>>
      tpu.enqueue_indirect_dma source(%arg11 : memref<128x64xbf16, #tpu.memory_space<vmem>>) target(%dma_start3A_153 : memref<10240x64xbf16, #tpu.memory_space<vmem_shared>>) offsets(%dma_start3A_150 : memref<128xi32, #tpu.memory_space<vmem>>) semaphore(%arg19 : memref<!tpu.dma_semaphore, #tpu.memory_space<semaphore_mem>>) {add = true}
      %add3A_154 = arith.constant 4 : i32
      %add3A_155 = arith.addi %add3A_141, %add3A_154 : i32
      %sub3A = arith.constant 1 : i32
      %sub3A_156 = arith.subi %add3A_155, %sub3A : i32
      %lt3A = arith.constant 80 : i32
      %lt3A_157 = arith.cmpi slt, %sub3A_156, %lt3A : i32
      %convert_element_type3A = arith.extui %lt3A_157 : i1 to i32
      %cond3A = arith.constant 0 : i32
      %cond3A_158 = arith.cmpi ne, %convert_element_type3A, %cond3A : i32
      scf.if %cond3A_158 {
        %ge3A = arith.constant 1 : i32
        %ge3A_234 = arith.cmpi sge, %add3A_141, %ge3A : i32
        %convert_element_type3A_235 = arith.extui %ge3A_234 : i1 to i32
        %cond3A_236 = arith.constant 0 : i32
        %cond3A_237 = arith.cmpi ne, %convert_element_type3A_235, %cond3A_236 : i32
        scf.if %cond3A_237 {
          %dma_wait3A_248 = arith.constant 0 : i32
          %dma_wait3A_249 = arith.constant 0 : i32
          %dma_wait3A_250 = tpu.memref_slice %arg10[%dma_wait3A_248, %dma_wait3A_249] : memref<80x128xi32, #tpu.memory_space<vmem>> -> memref<1x128xi32, #tpu.memory_space<vmem>>
          %dma_wait3A_251 = tpu.memref_squeeze %dma_wait3A_250 : memref<1x128xi32, #tpu.memory_space<vmem>> -> memref<128xi32, #tpu.memory_space<vmem>>
          %dma_wait3A_252 = arith.constant 0 : i32
          %dma_wait3A_253 = arith.constant 0 : i32
          %dma_wait3A_254 = tpu.memref_slice %arg24[%dma_wait3A_252, %dma_wait3A_253] : memref<10240x64xbf16, #tpu.memory_space<vmem_shared>> -> memref<10240x64xbf16, #tpu.memory_space<vmem_shared>>
          tpu.wait_indirect_dma semaphore(%arg22 : memref<!tpu.dma_semaphore, #tpu.memory_space<semaphore_mem>>) src(%arg14 : memref<128x64xbf16, #tpu.memory_space<vmem>>) dst(%dma_wait3A_254 : memref<10240x64xbf16, #tpu.memory_space<vmem_shared>>)
        } else {
        }
        %add3A_238 = arith.constant 4 : i32
        %add3A_239 = arith.addi %add3A_141, %add3A_238 : i32
        %sub3A_240 = arith.constant 1 : i32
        %sub3A_241 = arith.subi %add3A_239, %sub3A_240 : i32
        %dma_start3A_242 = arith.constant 0 : i32
        %dma_start3A_243 = tpu.memref_slice %arg9[%sub3A_241, %dma_start3A_242] : memref<80x128xi32, #tpu.memory_space<vmem>> -> memref<1x128xi32, #tpu.memory_space<vmem>>
        %dma_start3A_244 = tpu.memref_squeeze %dma_start3A_243 : memref<1x128xi32, #tpu.memory_space<vmem>> -> memref<128xi32, #tpu.memory_space<vmem>>
        %dma_start3A_245 = arith.constant 0 : i32
        %dma_start3A_246 = arith.constant 0 : i32
        %dma_start3A_247 = tpu.memref_slice %arg23[%dma_start3A_245, %dma_start3A_246] : memref<20480x64xbf16, #tpu.memory_space<vmem_shared>> -> memref<20480x64xbf16, #tpu.memory_space<vmem_shared>>
        tpu.enqueue_indirect_dma source(%dma_start3A_247 : memref<20480x64xbf16, #tpu.memory_space<vmem_shared>>) target(%arg14 : memref<128x64xbf16, #tpu.memory_space<vmem>>) offsets(%dma_start3A_244 : memref<128xi32, #tpu.memory_space<vmem>>) semaphore(%arg18 : memref<!tpu.dma_semaphore, #tpu.memory_space<semaphore_mem>>)
      } else {
      }
      %mul3A_159 = arith.constant 4 : i32
      %mul3A_160 = arith.muli %mul3A_159, %scan3A_137 : i32
      %add3A_161 = arith.constant 1 : i32
      %add3A_162 = arith.addi %mul3A_160, %add3A_161 : i32
      %dma_wait3A_163 = arith.constant 0 : i32
      %dma_wait3A_164 = tpu.memref_slice %arg9[%add3A_162, %dma_wait3A_163] : memref<80x128xi32, #tpu.memory_space<vmem>> -> memref<1x128xi32, #tpu.memory_space<vmem>>
      %dma_wait3A_165 = tpu.memref_squeeze %dma_wait3A_164 : memref<1x128xi32, #tpu.memory_space<vmem>> -> memref<128xi32, #tpu.memory_space<vmem>>
      %dma_wait3A_166 = arith.constant 0 : i32
      %dma_wait3A_167 = arith.constant 0 : i32
      %dma_wait3A_168 = tpu.memref_slice %arg23[%dma_wait3A_166, %dma_wait3A_167] : memref<20480x64xbf16, #tpu.memory_space<vmem_shared>> -> memref<20480x64xbf16, #tpu.memory_space<vmem_shared>>
      tpu.wait_indirect_dma semaphore(%arg16 : memref<!tpu.dma_semaphore, #tpu.memory_space<semaphore_mem>>) src(%dma_wait3A_168 : memref<20480x64xbf16, #tpu.memory_space<vmem_shared>>) dst(%arg12 : memref<128x64xbf16, #tpu.memory_space<vmem>>)
      %dma_start3A_169 = arith.constant 0 : i32
      %dma_start3A_170 = tpu.memref_slice %arg10[%add3A_162, %dma_start3A_169] : memref<80x128xi32, #tpu.memory_space<vmem>> -> memref<1x128xi32, #tpu.memory_space<vmem>>
      %dma_start3A_171 = tpu.memref_squeeze %dma_start3A_170 : memref<1x128xi32, #tpu.memory_space<vmem>> -> memref<128xi32, #tpu.memory_space<vmem>>
      %dma_start3A_172 = arith.constant 0 : i32
      %dma_start3A_173 = arith.constant 0 : i32
      %dma_start3A_174 = tpu.memref_slice %arg24[%dma_start3A_172, %dma_start3A_173] : memref<10240x64xbf16, #tpu.memory_space<vmem_shared>> -> memref<10240x64xbf16, #tpu.memory_space<vmem_shared>>
      tpu.enqueue_indirect_dma source(%arg12 : memref<128x64xbf16, #tpu.memory_space<vmem>>) target(%dma_start3A_174 : memref<10240x64xbf16, #tpu.memory_space<vmem_shared>>) offsets(%dma_start3A_171 : memref<128xi32, #tpu.memory_space<vmem>>) semaphore(%arg20 : memref<!tpu.dma_semaphore, #tpu.memory_space<semaphore_mem>>) {add = true}
      %add3A_175 = arith.constant 4 : i32
      %add3A_176 = arith.addi %add3A_162, %add3A_175 : i32
      %sub3A_177 = arith.constant 1 : i32
      %sub3A_178 = arith.subi %add3A_176, %sub3A_177 : i32
      %lt3A_179 = arith.constant 80 : i32
      %lt3A_180 = arith.cmpi slt, %sub3A_178, %lt3A_179 : i32
      %convert_element_type3A_181 = arith.extui %lt3A_180 : i1 to i32
      %cond3A_182 = arith.constant 0 : i32
      %cond3A_183 = arith.cmpi ne, %convert_element_type3A_181, %cond3A_182 : i32
      scf.if %cond3A_183 {
        %ge3A = arith.constant 1 : i32
        %ge3A_234 = arith.cmpi sge, %add3A_162, %ge3A : i32
        %convert_element_type3A_235 = arith.extui %ge3A_234 : i1 to i32
        %cond3A_236 = arith.constant 0 : i32
        %cond3A_237 = arith.cmpi ne, %convert_element_type3A_235, %cond3A_236 : i32
        scf.if %cond3A_237 {
          %dma_wait3A_248 = arith.constant 0 : i32
          %dma_wait3A_249 = arith.constant 0 : i32
          %dma_wait3A_250 = tpu.memref_slice %arg10[%dma_wait3A_248, %dma_wait3A_249] : memref<80x128xi32, #tpu.memory_space<vmem>> -> memref<1x128xi32, #tpu.memory_space<vmem>>
          %dma_wait3A_251 = tpu.memref_squeeze %dma_wait3A_250 : memref<1x128xi32, #tpu.memory_space<vmem>> -> memref<128xi32, #tpu.memory_space<vmem>>
          %dma_wait3A_252 = arith.constant 0 : i32
          %dma_wait3A_253 = arith.constant 0 : i32
          %dma_wait3A_254 = tpu.memref_slice %arg24[%dma_wait3A_252, %dma_wait3A_253] : memref<10240x64xbf16, #tpu.memory_space<vmem_shared>> -> memref<10240x64xbf16, #tpu.memory_space<vmem_shared>>
          tpu.wait_indirect_dma semaphore(%arg19 : memref<!tpu.dma_semaphore, #tpu.memory_space<semaphore_mem>>) src(%arg11 : memref<128x64xbf16, #tpu.memory_space<vmem>>) dst(%dma_wait3A_254 : memref<10240x64xbf16, #tpu.memory_space<vmem_shared>>)
        } else {
        }
        %add3A_238 = arith.constant 4 : i32
        %add3A_239 = arith.addi %add3A_162, %add3A_238 : i32
        %sub3A_240 = arith.constant 1 : i32
        %sub3A_241 = arith.subi %add3A_239, %sub3A_240 : i32
        %dma_start3A_242 = arith.constant 0 : i32
        %dma_start3A_243 = tpu.memref_slice %arg9[%sub3A_241, %dma_start3A_242] : memref<80x128xi32, #tpu.memory_space<vmem>> -> memref<1x128xi32, #tpu.memory_space<vmem>>
        %dma_start3A_244 = tpu.memref_squeeze %dma_start3A_243 : memref<1x128xi32, #tpu.memory_space<vmem>> -> memref<128xi32, #tpu.memory_space<vmem>>
        %dma_start3A_245 = arith.constant 0 : i32
        %dma_start3A_246 = arith.constant 0 : i32
        %dma_start3A_247 = tpu.memref_slice %arg23[%dma_start3A_245, %dma_start3A_246] : memref<20480x64xbf16, #tpu.memory_space<vmem_shared>> -> memref<20480x64xbf16, #tpu.memory_space<vmem_shared>>
        tpu.enqueue_indirect_dma source(%dma_start3A_247 : memref<20480x64xbf16, #tpu.memory_space<vmem_shared>>) target(%arg11 : memref<128x64xbf16, #tpu.memory_space<vmem>>) offsets(%dma_start3A_244 : memref<128xi32, #tpu.memory_space<vmem>>) semaphore(%arg15 : memref<!tpu.dma_semaphore, #tpu.memory_space<semaphore_mem>>)
      } else {
      }
      %mul3A_184 = arith.constant 4 : i32
      %mul3A_185 = arith.muli %mul3A_184, %scan3A_137 : i32
      %add3A_186 = arith.constant 2 : i32
      %add3A_187 = arith.addi %mul3A_185, %add3A_186 : i32
      %dma_wait3A_188 = arith.constant 0 : i32
      %dma_wait3A_189 = tpu.memref_slice %arg9[%add3A_187, %dma_wait3A_188] : memref<80x128xi32, #tpu.memory_space<vmem>> -> memref<1x128xi32, #tpu.memory_space<vmem>>
      %dma_wait3A_190 = tpu.memref_squeeze %dma_wait3A_189 : memref<1x128xi32, #tpu.memory_space<vmem>> -> memref<128xi32, #tpu.memory_space<vmem>>
      %dma_wait3A_191 = arith.constant 0 : i32
      %dma_wait3A_192 = arith.constant 0 : i32
      %dma_wait3A_193 = tpu.memref_slice %arg23[%dma_wait3A_191, %dma_wait3A_192] : memref<20480x64xbf16, #tpu.memory_space<vmem_shared>> -> memref<20480x64xbf16, #tpu.memory_space<vmem_shared>>
      tpu.wait_indirect_dma semaphore(%arg17 : memref<!tpu.dma_semaphore, #tpu.memory_space<semaphore_mem>>) src(%dma_wait3A_193 : memref<20480x64xbf16, #tpu.memory_space<vmem_shared>>) dst(%arg13 : memref<128x64xbf16, #tpu.memory_space<vmem>>)
      %dma_start3A_194 = arith.constant 0 : i32
      %dma_start3A_195 = tpu.memref_slice %arg10[%add3A_187, %dma_start3A_194] : memref<80x128xi32, #tpu.memory_space<vmem>> -> memref<1x128xi32, #tpu.memory_space<vmem>>
      %dma_start3A_196 = tpu.memref_squeeze %dma_start3A_195 : memref<1x128xi32, #tpu.memory_space<vmem>> -> memref<128xi32, #tpu.memory_space<vmem>>
      %dma_start3A_197 = arith.constant 0 : i32
      %dma_start3A_198 = arith.constant 0 : i32
      %dma_start3A_199 = tpu.memref_slice %arg24[%dma_start3A_197, %dma_start3A_198] : memref<10240x64xbf16, #tpu.memory_space<vmem_shared>> -> memref<10240x64xbf16, #tpu.memory_space<vmem_shared>>
      tpu.enqueue_indirect_dma source(%arg13 : memref<128x64xbf16, #tpu.memory_space<vmem>>) target(%dma_start3A_199 : memref<10240x64xbf16, #tpu.memory_space<vmem_shared>>) offsets(%dma_start3A_196 : memref<128xi32, #tpu.memory_space<vmem>>) semaphore(%arg21 : memref<!tpu.dma_semaphore, #tpu.memory_space<semaphore_mem>>) {add = true}
      %add3A_200 = arith.constant 4 : i32
      %add3A_201 = arith.addi %add3A_187, %add3A_200 : i32
      %sub3A_202 = arith.constant 1 : i32
      %sub3A_203 = arith.subi %add3A_201, %sub3A_202 : i32
      %lt3A_204 = arith.constant 80 : i32
      %lt3A_205 = arith.cmpi slt, %sub3A_203, %lt3A_204 : i32
      %convert_element_type3A_206 = arith.extui %lt3A_205 : i1 to i32
      %cond3A_207 = arith.constant 0 : i32
      %cond3A_208 = arith.cmpi ne, %convert_element_type3A_206, %cond3A_207 : i32
      scf.if %cond3A_208 {
        %ge3A = arith.constant 1 : i32
        %ge3A_234 = arith.cmpi sge, %add3A_187, %ge3A : i32
        %convert_element_type3A_235 = arith.extui %ge3A_234 : i1 to i32
        %cond3A_236 = arith.constant 0 : i32
        %cond3A_237 = arith.cmpi ne, %convert_element_type3A_235, %cond3A_236 : i32
        scf.if %cond3A_237 {
          %dma_wait3A_248 = arith.constant 0 : i32
          %dma_wait3A_249 = arith.constant 0 : i32
          %dma_wait3A_250 = tpu.memref_slice %arg10[%dma_wait3A_248, %dma_wait3A_249] : memref<80x128xi32, #tpu.memory_space<vmem>> -> memref<1x128xi32, #tpu.memory_space<vmem>>
          %dma_wait3A_251 = tpu.memref_squeeze %dma_wait3A_250 : memref<1x128xi32, #tpu.memory_space<vmem>> -> memref<128xi32, #tpu.memory_space<vmem>>
          %dma_wait3A_252 = arith.constant 0 : i32
          %dma_wait3A_253 = arith.constant 0 : i32
          %dma_wait3A_254 = tpu.memref_slice %arg24[%dma_wait3A_252, %dma_wait3A_253] : memref<10240x64xbf16, #tpu.memory_space<vmem_shared>> -> memref<10240x64xbf16, #tpu.memory_space<vmem_shared>>
          tpu.wait_indirect_dma semaphore(%arg20 : memref<!tpu.dma_semaphore, #tpu.memory_space<semaphore_mem>>) src(%arg12 : memref<128x64xbf16, #tpu.memory_space<vmem>>) dst(%dma_wait3A_254 : memref<10240x64xbf16, #tpu.memory_space<vmem_shared>>)
        } else {
        }
        %add3A_238 = arith.constant 4 : i32
        %add3A_239 = arith.addi %add3A_187, %add3A_238 : i32
        %sub3A_240 = arith.constant 1 : i32
        %sub3A_241 = arith.subi %add3A_239, %sub3A_240 : i32
        %dma_start3A_242 = arith.constant 0 : i32
        %dma_start3A_243 = tpu.memref_slice %arg9[%sub3A_241, %dma_start3A_242] : memref<80x128xi32, #tpu.memory_space<vmem>> -> memref<1x128xi32, #tpu.memory_space<vmem>>
        %dma_start3A_244 = tpu.memref_squeeze %dma_start3A_243 : memref<1x128xi32, #tpu.memory_space<vmem>> -> memref<128xi32, #tpu.memory_space<vmem>>
        %dma_start3A_245 = arith.constant 0 : i32
        %dma_start3A_246 = arith.constant 0 : i32
        %dma_start3A_247 = tpu.memref_slice %arg23[%dma_start3A_245, %dma_start3A_246] : memref<20480x64xbf16, #tpu.memory_space<vmem_shared>> -> memref<20480x64xbf16, #tpu.memory_space<vmem_shared>>
        tpu.enqueue_indirect_dma source(%dma_start3A_247 : memref<20480x64xbf16, #tpu.memory_space<vmem_shared>>) target(%arg12 : memref<128x64xbf16, #tpu.memory_space<vmem>>) offsets(%dma_start3A_244 : memref<128xi32, #tpu.memory_space<vmem>>) semaphore(%arg16 : memref<!tpu.dma_semaphore, #tpu.memory_space<semaphore_mem>>)
      } else {
      }
      %mul3A_209 = arith.constant 4 : i32
      %mul3A_210 = arith.muli %mul3A_209, %scan3A_137 : i32
      %add3A_211 = arith.constant 3 : i32
      %add3A_212 = arith.addi %mul3A_210, %add3A_211 : i32
      %dma_wait3A_213 = arith.constant 0 : i32
      %dma_wait3A_214 = tpu.memref_slice %arg9[%add3A_212, %dma_wait3A_213] : memref<80x128xi32, #tpu.memory_space<vmem>> -> memref<1x128xi32, #tpu.memory_space<vmem>>
      %dma_wait3A_215 = tpu.memref_squeeze %dma_wait3A_214 : memref<1x128xi32, #tpu.memory_space<vmem>> -> memref<128xi32, #tpu.memory_space<vmem>>
      %dma_wait3A_216 = arith.constant 0 : i32
      %dma_wait3A_217 = arith.constant 0 : i32
      %dma_wait3A_218 = tpu.memref_slice %arg23[%dma_wait3A_216, %dma_wait3A_217] : memref<20480x64xbf16, #tpu.memory_space<vmem_shared>> -> memref<20480x64xbf16, #tpu.memory_space<vmem_shared>>
      tpu.wait_indirect_dma semaphore(%arg18 : memref<!tpu.dma_semaphore, #tpu.memory_space<semaphore_mem>>) src(%dma_wait3A_218 : memref<20480x64xbf16, #tpu.memory_space<vmem_shared>>) dst(%arg14 : memref<128x64xbf16, #tpu.memory_space<vmem>>)
      %dma_start3A_219 = arith.constant 0 : i32
      %dma_start3A_220 = tpu.memref_slice %arg10[%add3A_212, %dma_start3A_219] : memref<80x128xi32, #tpu.memory_space<vmem>> -> memref<1x128xi32, #tpu.memory_space<vmem>>
      %dma_start3A_221 = tpu.memref_squeeze %dma_start3A_220 : memref<1x128xi32, #tpu.memory_space<vmem>> -> memref<128xi32, #tpu.memory_space<vmem>>
      %dma_start3A_222 = arith.constant 0 : i32
      %dma_start3A_223 = arith.constant 0 : i32
      %dma_start3A_224 = tpu.memref_slice %arg24[%dma_start3A_222, %dma_start3A_223] : memref<10240x64xbf16, #tpu.memory_space<vmem_shared>> -> memref<10240x64xbf16, #tpu.memory_space<vmem_shared>>
      tpu.enqueue_indirect_dma source(%arg14 : memref<128x64xbf16, #tpu.memory_space<vmem>>) target(%dma_start3A_224 : memref<10240x64xbf16, #tpu.memory_space<vmem_shared>>) offsets(%dma_start3A_221 : memref<128xi32, #tpu.memory_space<vmem>>) semaphore(%arg22 : memref<!tpu.dma_semaphore, #tpu.memory_space<semaphore_mem>>) {add = true}
      %add3A_225 = arith.constant 4 : i32
      %add3A_226 = arith.addi %add3A_212, %add3A_225 : i32
      %sub3A_227 = arith.constant 1 : i32
      %sub3A_228 = arith.subi %add3A_226, %sub3A_227 : i32
      %lt3A_229 = arith.constant 80 : i32
      %lt3A_230 = arith.cmpi slt, %sub3A_228, %lt3A_229 : i32
      %convert_element_type3A_231 = arith.extui %lt3A_230 : i1 to i32
      %cond3A_232 = arith.constant 0 : i32
      %cond3A_233 = arith.cmpi ne, %convert_element_type3A_231, %cond3A_232 : i32
      scf.if %cond3A_233 {
        %ge3A = arith.constant 1 : i32
        %ge3A_234 = arith.cmpi sge, %add3A_212, %ge3A : i32
        %convert_element_type3A_235 = arith.extui %ge3A_234 : i1 to i32
        %cond3A_236 = arith.constant 0 : i32
        %cond3A_237 = arith.cmpi ne, %convert_element_type3A_235, %cond3A_236 : i32
        scf.if %cond3A_237 {
          %dma_wait3A_248 = arith.constant 0 : i32
          %dma_wait3A_249 = arith.constant 0 : i32
          %dma_wait3A_250 = tpu.memref_slice %arg10[%dma_wait3A_248, %dma_wait3A_249] : memref<80x128xi32, #tpu.memory_space<vmem>> -> memref<1x128xi32, #tpu.memory_space<vmem>>
          %dma_wait3A_251 = tpu.memref_squeeze %dma_wait3A_250 : memref<1x128xi32, #tpu.memory_space<vmem>> -> memref<128xi32, #tpu.memory_space<vmem>>
          %dma_wait3A_252 = arith.constant 0 : i32
          %dma_wait3A_253 = arith.constant 0 : i32
          %dma_wait3A_254 = tpu.memref_slice %arg24[%dma_wait3A_252, %dma_wait3A_253] : memref<10240x64xbf16, #tpu.memory_space<vmem_shared>> -> memref<10240x64xbf16, #tpu.memory_space<vmem_shared>>
          tpu.wait_indirect_dma semaphore(%arg21 : memref<!tpu.dma_semaphore, #tpu.memory_space<semaphore_mem>>) src(%arg13 : memref<128x64xbf16, #tpu.memory_space<vmem>>) dst(%dma_wait3A_254 : memref<10240x64xbf16, #tpu.memory_space<vmem_shared>>)
        } else {
        }
        %add3A_238 = arith.constant 4 : i32
        %add3A_239 = arith.addi %add3A_212, %add3A_238 : i32
        %sub3A_240 = arith.constant 1 : i32
        %sub3A_241 = arith.subi %add3A_239, %sub3A_240 : i32
        %dma_start3A_242 = arith.constant 0 : i32
        %dma_start3A_243 = tpu.memref_slice %arg9[%sub3A_241, %dma_start3A_242] : memref<80x128xi32, #tpu.memory_space<vmem>> -> memref<1x128xi32, #tpu.memory_space<vmem>>
        %dma_start3A_244 = tpu.memref_squeeze %dma_start3A_243 : memref<1x128xi32, #tpu.memory_space<vmem>> -> memref<128xi32, #tpu.memory_space<vmem>>
        %dma_start3A_245 = arith.constant 0 : i32
        %dma_start3A_246 = arith.constant 0 : i32
        %dma_start3A_247 = tpu.memref_slice %arg23[%dma_start3A_245, %dma_start3A_246] : memref<20480x64xbf16, #tpu.memory_space<vmem_shared>> -> memref<20480x64xbf16, #tpu.memory_space<vmem_shared>>
        tpu.enqueue_indirect_dma source(%dma_start3A_247 : memref<20480x64xbf16, #tpu.memory_space<vmem_shared>>) target(%arg13 : memref<128x64xbf16, #tpu.memory_space<vmem>>) offsets(%dma_start3A_244 : memref<128xi32, #tpu.memory_space<vmem>>) semaphore(%arg17 : memref<!tpu.dma_semaphore, #tpu.memory_space<semaphore_mem>>)
      } else {
      }
    }
    %scan3A_100 = arith.constant 20 : i32
    %dma_wait3A_101 = arith.constant 0 : i32
    %dma_wait3A_102 = arith.constant 0 : i32
    %dma_wait3A_103 = tpu.memref_slice %arg10[%dma_wait3A_101, %dma_wait3A_102] : memref<80x128xi32, #tpu.memory_space<vmem>> -> memref<1x128xi32, #tpu.memory_space<vmem>>
    %dma_wait3A_104 = tpu.memref_squeeze %dma_wait3A_103 : memref<1x128xi32, #tpu.memory_space<vmem>> -> memref<128xi32, #tpu.memory_space<vmem>>
    %dma_wait3A_105 = arith.constant 0 : i32
    %dma_wait3A_106 = arith.constant 0 : i32
    %dma_wait3A_107 = tpu.memref_slice %arg24[%dma_wait3A_105, %dma_wait3A_106] : memref<10240x64xbf16, #tpu.memory_space<vmem_shared>> -> memref<10240x64xbf16, #tpu.memory_space<vmem_shared>>
    tpu.wait_indirect_dma semaphore(%arg19 : memref<!tpu.dma_semaphore, #tpu.memory_space<semaphore_mem>>) src(%arg11 : memref<128x64xbf16, #tpu.memory_space<vmem>>) dst(%dma_wait3A_107 : memref<10240x64xbf16, #tpu.memory_space<vmem_shared>>)
    %dma_wait3A_108 = arith.constant 0 : i32
    %dma_wait3A_109 = arith.constant 0 : i32
    %dma_wait3A_110 = tpu.memref_slice %arg10[%dma_wait3A_108, %dma_wait3A_109] : memref<80x128xi32, #tpu.memory_space<vmem>> -> memref<1x128xi32, #tpu.memory_space<vmem>>
    %dma_wait3A_111 = tpu.memref_squeeze %dma_wait3A_110 : memref<1x128xi32, #tpu.memory_space<vmem>> -> memref<128xi32, #tpu.memory_space<vmem>>
    %dma_wait3A_112 = arith.constant 0 : i32
    %dma_wait3A_113 = arith.constant 0 : i32
    %dma_wait3A_114 = tpu.memref_slice %arg24[%dma_wait3A_112, %dma_wait3A_113] : memref<10240x64xbf16, #tpu.memory_space<vmem_shared>> -> memref<10240x64xbf16, #tpu.memory_space<vmem_shared>>
    tpu.wait_indirect_dma semaphore(%arg20 : memref<!tpu.dma_semaphore, #tpu.memory_space<semaphore_mem>>) src(%arg12 : memref<128x64xbf16, #tpu.memory_space<vmem>>) dst(%dma_wait3A_114 : memref<10240x64xbf16, #tpu.memory_space<vmem_shared>>)
    %dma_wait3A_115 = arith.constant 0 : i32
    %dma_wait3A_116 = arith.constant 0 : i32
    %dma_wait3A_117 = tpu.memref_slice %arg10[%dma_wait3A_115, %dma_wait3A_116] : memref<80x128xi32, #tpu.memory_space<vmem>> -> memref<1x128xi32, #tpu.memory_space<vmem>>
    %dma_wait3A_118 = tpu.memref_squeeze %dma_wait3A_117 : memref<1x128xi32, #tpu.memory_space<vmem>> -> memref<128xi32, #tpu.memory_space<vmem>>
    %dma_wait3A_119 = arith.constant 0 : i32
    %dma_wait3A_120 = arith.constant 0 : i32
    %dma_wait3A_121 = tpu.memref_slice %arg24[%dma_wait3A_119, %dma_wait3A_120] : memref<10240x64xbf16, #tpu.memory_space<vmem_shared>> -> memref<10240x64xbf16, #tpu.memory_space<vmem_shared>>
    tpu.wait_indirect_dma semaphore(%arg21 : memref<!tpu.dma_semaphore, #tpu.memory_space<semaphore_mem>>) src(%arg13 : memref<128x64xbf16, #tpu.memory_space<vmem>>) dst(%dma_wait3A_121 : memref<10240x64xbf16, #tpu.memory_space<vmem_shared>>)
    %dma_wait3A_122 = arith.constant 0 : i32
    %dma_wait3A_123 = arith.constant 0 : i32
    %dma_wait3A_124 = tpu.memref_slice %arg10[%dma_wait3A_122, %dma_wait3A_123] : memref<80x128xi32, #tpu.memory_space<vmem>> -> memref<1x128xi32, #tpu.memory_space<vmem>>
    %dma_wait3A_125 = tpu.memref_squeeze %dma_wait3A_124 : memref<1x128xi32, #tpu.memory_space<vmem>> -> memref<128xi32, #tpu.memory_space<vmem>>
    %dma_wait3A_126 = arith.constant 0 : i32
    %dma_wait3A_127 = arith.constant 0 : i32
    %dma_wait3A_128 = tpu.memref_slice %arg24[%dma_wait3A_126, %dma_wait3A_127] : memref<10240x64xbf16, #tpu.memory_space<vmem_shared>> -> memref<10240x64xbf16, #tpu.memory_space<vmem_shared>>
    tpu.wait_indirect_dma semaphore(%arg22 : memref<!tpu.dma_semaphore, #tpu.memory_space<semaphore_mem>>) src(%arg14 : memref<128x64xbf16, #tpu.memory_space<vmem>>) dst(%dma_wait3A_128 : memref<10240x64xbf16, #tpu.memory_space<vmem_shared>>)
    %barrier3A_129 = arith.constant 0 : index
    tpu.barrier barrier_id(%barrier3A_129)
    %mul3A_130 = arith.constant 640 : i32
    %mul3A_131 = arith.muli %arg1, %mul3A_130 : i32
    %mul3A_132 = arith.constant 16 : i32
    %mul3A_133 = arith.muli %arg0, %mul3A_132 : i32
    %add3A_134 = arith.constant 32 : i32
    %add3A_135 = arith.addi %add3A_134, %mul3A_133 : i32
    %add3A_136 = arith.addi %add3A_135, %arg1 : i32
    "tpu.region"() ({
      %run_scoped3A = tpu.sem_alloc : memref<!tpu.dma_semaphore, #tpu.memory_space<semaphore_mem>>
      %dma_start3A_137 = arith.constant 0 : i32
      %dma_start3A_138 = arith.constant 0 : i32
      %dma_start3A_139 = tpu.memref_slice %arg7[%add3A_136, %dma_start3A_137, %dma_start3A_138] : memref<64x640x64xbf16, #tpu.memory_space<hbm>> -> memref<1x640x64xbf16, #tpu.memory_space<hbm>>
      %dma_start3A_140 = tpu.memref_squeeze %dma_start3A_139 : memref<1x640x64xbf16, #tpu.memory_space<hbm>> -> memref<640x64xbf16, #tpu.memory_space<hbm>>
      %dma_start3A_141 = arith.constant 0 : i32
      %dma_start3A_142 = tpu.memref_slice %arg24[%mul3A_131, %dma_start3A_141] : memref<10240x64xbf16, #tpu.memory_space<vmem_shared>> -> memref<640x64xbf16, #tpu.memory_space<vmem_shared>>
      tpu.enqueue_dma source(%dma_start3A_142 : memref<640x64xbf16, #tpu.memory_space<vmem_shared>>) target(%dma_start3A_140 : memref<640x64xbf16, #tpu.memory_space<hbm>>) target_semaphore(%run_scoped3A : memref<!tpu.dma_semaphore, #tpu.memory_space<semaphore_mem>>)
      %dma_wait3A_143 = arith.constant 0 : i32
      %dma_wait3A_144 = arith.constant 0 : i32
      %dma_wait3A_145 = tpu.memref_slice %arg7[%add3A_136, %dma_wait3A_143, %dma_wait3A_144] : memref<64x640x64xbf16, #tpu.memory_space<hbm>> -> memref<1x640x64xbf16, #tpu.memory_space<hbm>>
      %dma_wait3A_146 = tpu.memref_squeeze %dma_wait3A_145 : memref<1x640x64xbf16, #tpu.memory_space<hbm>> -> memref<640x64xbf16, #tpu.memory_space<hbm>>
      %dma_wait3A_147 = arith.constant 0 : i32
      %dma_wait3A_148 = tpu.memref_slice %arg24[%mul3A_131, %dma_wait3A_147] : memref<10240x64xbf16, #tpu.memory_space<vmem_shared>> -> memref<640x64xbf16, #tpu.memory_space<vmem_shared>>
      tpu.wait_dma2 semaphore(%run_scoped3A : memref<!tpu.dma_semaphore, #tpu.memory_space<semaphore_mem>>) src(%dma_wait3A_148 : memref<640x64xbf16, #tpu.memory_space<vmem_shared>>) dst(%dma_wait3A_146 : memref<640x64xbf16, #tpu.memory_space<hbm>>)
      tpu.yield
    }) : () -> ()
    return
  }
}

#map = affine_map<(d0, d1) -> (0, 0, 0)>
#map1 = affine_map<(d0, d1) -> (0, 0)>
module attributes {stable_mosaic.version = 14 : i64} {
  func.func @_deg_body(%arg0: i32, %arg1: i32, %arg2: memref<32x80x128xi32, #tpu.memory_space<hbm>>, %arg3: memref<10240x16xf32, #tpu.memory_space<hbm>>, %arg4: memref<128x16xf32, #tpu.memory_space<hbm>>, %arg5: memref<32x640x16xf32, #tpu.memory_space<hbm>>, %arg6: memref<80x128xi32, #tpu.memory_space<vmem>>, %arg7: memref<128x16xf32, #tpu.memory_space<vmem>>, %arg8: memref<10240x16xf32, #tpu.memory_space<vmem_shared>>) attributes {dimension_semantics = [#tpu.dimension_semantics<core_parallel>, #tpu.dimension_semantics<subcore_parallel>], iteration_bounds = array<i64: 2, 16>, scalar_prefetch = 0 : i64, scratch_operands = 3 : i64, tpu.core_type = #tpu.core_type<sc_vector_subcore>, window_params = [{transform_indices = #map}, {transform_indices = #map1}, {transform_indices = #map1}, {transform_indices = #map}]} {
    %mul3A = arith.constant 2 : i32
    %mul3A_0 = arith.muli %arg1, %mul3A : i32
    %add3A = arith.addi %mul3A_0, %arg0 : i32
    %mul3A_1 = arith.constant 640 : i32
    %mul3A_2 = arith.muli %arg1, %mul3A_1 : i32
    %mul3A_3 = arith.constant 640 : i32
    %mul3A_4 = arith.muli %arg1, %mul3A_3 : i32
    "tpu.region"() ({
      %run_scoped3A = tpu.sem_alloc : memref<!tpu.dma_semaphore, #tpu.memory_space<semaphore_mem>>
      %dma_start3A = arith.constant 0 : i32
      %dma_start3A_16 = tpu.memref_slice %arg8[%mul3A_4, %dma_start3A] : memref<10240x16xf32, #tpu.memory_space<vmem_shared>> -> memref<640x16xf32, #tpu.memory_space<vmem_shared>>
      %dma_start3A_17 = arith.constant 0 : i32
      %dma_start3A_18 = tpu.memref_slice %arg3[%mul3A_2, %dma_start3A_17] : memref<10240x16xf32, #tpu.memory_space<hbm>> -> memref<640x16xf32, #tpu.memory_space<hbm>>
      tpu.enqueue_dma source(%dma_start3A_18 : memref<640x16xf32, #tpu.memory_space<hbm>>) target(%dma_start3A_16 : memref<640x16xf32, #tpu.memory_space<vmem_shared>>) target_semaphore(%run_scoped3A : memref<!tpu.dma_semaphore, #tpu.memory_space<semaphore_mem>>)
      %dma_wait3A = arith.constant 0 : i32
      %dma_wait3A_19 = tpu.memref_slice %arg8[%mul3A_4, %dma_wait3A] : memref<10240x16xf32, #tpu.memory_space<vmem_shared>> -> memref<640x16xf32, #tpu.memory_space<vmem_shared>>
      %dma_wait3A_20 = arith.constant 0 : i32
      %dma_wait3A_21 = tpu.memref_slice %arg3[%mul3A_2, %dma_wait3A_20] : memref<10240x16xf32, #tpu.memory_space<hbm>> -> memref<640x16xf32, #tpu.memory_space<hbm>>
      tpu.wait_dma2 semaphore(%run_scoped3A : memref<!tpu.dma_semaphore, #tpu.memory_space<semaphore_mem>>) src(%dma_wait3A_21 : memref<640x16xf32, #tpu.memory_space<hbm>>) dst(%dma_wait3A_19 : memref<640x16xf32, #tpu.memory_space<vmem_shared>>)
      tpu.yield
    }) : () -> ()
    "tpu.region"() ({
      %run_scoped3A = tpu.sem_alloc : memref<!tpu.dma_semaphore, #tpu.memory_space<semaphore_mem>>
      %dma_start3A = arith.constant 0 : i32
      %dma_start3A_16 = arith.constant 0 : i32
      %dma_start3A_17 = tpu.memref_slice %arg2[%add3A, %dma_start3A, %dma_start3A_16] : memref<32x80x128xi32, #tpu.memory_space<hbm>> -> memref<1x80x128xi32, #tpu.memory_space<hbm>>
      %dma_start3A_18 = tpu.memref_squeeze %dma_start3A_17 : memref<1x80x128xi32, #tpu.memory_space<hbm>> -> memref<80x128xi32, #tpu.memory_space<hbm>>
      %dma_start3A_19 = arith.constant 0 : i32
      %dma_start3A_20 = arith.constant 0 : i32
      %dma_start3A_21 = tpu.memref_slice %arg2[%add3A, %dma_start3A_19, %dma_start3A_20] : memref<32x80x128xi32, #tpu.memory_space<hbm>> -> memref<1x80x128xi32, #tpu.memory_space<hbm>>
      %dma_start3A_22 = tpu.memref_squeeze %dma_start3A_21 : memref<1x80x128xi32, #tpu.memory_space<hbm>> -> memref<80x128xi32, #tpu.memory_space<hbm>>
      tpu.enqueue_dma source(%dma_start3A_22 : memref<80x128xi32, #tpu.memory_space<hbm>>) target(%arg6 : memref<80x128xi32, #tpu.memory_space<vmem>>) target_semaphore(%run_scoped3A : memref<!tpu.dma_semaphore, #tpu.memory_space<semaphore_mem>>)
      %dma_wait3A = arith.constant 0 : i32
      %dma_wait3A_23 = arith.constant 0 : i32
      %dma_wait3A_24 = tpu.memref_slice %arg2[%add3A, %dma_wait3A, %dma_wait3A_23] : memref<32x80x128xi32, #tpu.memory_space<hbm>> -> memref<1x80x128xi32, #tpu.memory_space<hbm>>
      %dma_wait3A_25 = tpu.memref_squeeze %dma_wait3A_24 : memref<1x80x128xi32, #tpu.memory_space<hbm>> -> memref<80x128xi32, #tpu.memory_space<hbm>>
      %dma_wait3A_26 = arith.constant 0 : i32
      %dma_wait3A_27 = arith.constant 0 : i32
      %dma_wait3A_28 = tpu.memref_slice %arg2[%add3A, %dma_wait3A_26, %dma_wait3A_27] : memref<32x80x128xi32, #tpu.memory_space<hbm>> -> memref<1x80x128xi32, #tpu.memory_space<hbm>>
      %dma_wait3A_29 = tpu.memref_squeeze %dma_wait3A_28 : memref<1x80x128xi32, #tpu.memory_space<hbm>> -> memref<80x128xi32, #tpu.memory_space<hbm>>
      tpu.wait_dma2 semaphore(%run_scoped3A : memref<!tpu.dma_semaphore, #tpu.memory_space<semaphore_mem>>) src(%dma_wait3A_29 : memref<80x128xi32, #tpu.memory_space<hbm>>) dst(%arg6 : memref<80x128xi32, #tpu.memory_space<vmem>>)
      tpu.yield
    }) : () -> ()
    "tpu.region"() ({
      %run_scoped3A = tpu.sem_alloc : memref<!tpu.dma_semaphore, #tpu.memory_space<semaphore_mem>>
      tpu.enqueue_dma source(%arg4 : memref<128x16xf32, #tpu.memory_space<hbm>>) target(%arg7 : memref<128x16xf32, #tpu.memory_space<vmem>>) target_semaphore(%run_scoped3A : memref<!tpu.dma_semaphore, #tpu.memory_space<semaphore_mem>>)
      tpu.wait_dma2 semaphore(%run_scoped3A : memref<!tpu.dma_semaphore, #tpu.memory_space<semaphore_mem>>) src(%arg4 : memref<128x16xf32, #tpu.memory_space<hbm>>) dst(%arg7 : memref<128x16xf32, #tpu.memory_space<vmem>>)
      tpu.yield
    }) : () -> ()
    %barrier3A = arith.constant 0 : index
    tpu.barrier barrier_id(%barrier3A)
    %scan3A = arith.constant 0 : i32
    %scan3A_5 = arith.constant 0 : i32
    %scan3A_6 = arith.constant 80 : i32
    %scan3A_7 = arith.addi %scan3A_5, %scan3A_6 : i32
    %scan3A_8 = arith.constant 1 : i32
    scf.for %scan3A_16 = %scan3A_5 to %scan3A_7 step %scan3A_8  : i32 {
      "tpu.region"() ({
        %run_scoped3A = tpu.sem_alloc : memref<!tpu.dma_semaphore, #tpu.memory_space<semaphore_mem>>
        %dma_start3A = arith.constant 0 : i32
        %dma_start3A_17 = tpu.memref_slice %arg6[%scan3A_16, %dma_start3A] : memref<80x128xi32, #tpu.memory_space<vmem>> -> memref<1x128xi32, #tpu.memory_space<vmem>>
        %dma_start3A_18 = tpu.memref_squeeze %dma_start3A_17 : memref<1x128xi32, #tpu.memory_space<vmem>> -> memref<128xi32, #tpu.memory_space<vmem>>
        %dma_start3A_19 = arith.constant 0 : i32
        %dma_start3A_20 = arith.constant 0 : i32
        %dma_start3A_21 = tpu.memref_slice %arg8[%dma_start3A_19, %dma_start3A_20] : memref<10240x16xf32, #tpu.memory_space<vmem_shared>> -> memref<10240x16xf32, #tpu.memory_space<vmem_shared>>
        tpu.enqueue_indirect_dma source(%arg7 : memref<128x16xf32, #tpu.memory_space<vmem>>) target(%dma_start3A_21 : memref<10240x16xf32, #tpu.memory_space<vmem_shared>>) offsets(%dma_start3A_18 : memref<128xi32, #tpu.memory_space<vmem>>) semaphore(%run_scoped3A : memref<!tpu.dma_semaphore, #tpu.memory_space<semaphore_mem>>) {add = true}
        %dma_wait3A = arith.constant 0 : i32
        %dma_wait3A_22 = tpu.memref_slice %arg6[%scan3A_16, %dma_wait3A] : memref<80x128xi32, #tpu.memory_space<vmem>> -> memref<1x128xi32, #tpu.memory_space<vmem>>
        %dma_wait3A_23 = tpu.memref_squeeze %dma_wait3A_22 : memref<1x128xi32, #tpu.memory_space<vmem>> -> memref<128xi32, #tpu.memory_space<vmem>>
        %dma_wait3A_24 = arith.constant 0 : i32
        %dma_wait3A_25 = arith.constant 0 : i32
        %dma_wait3A_26 = tpu.memref_slice %arg8[%dma_wait3A_24, %dma_wait3A_25] : memref<10240x16xf32, #tpu.memory_space<vmem_shared>> -> memref<10240x16xf32, #tpu.memory_space<vmem_shared>>
        tpu.wait_indirect_dma semaphore(%run_scoped3A : memref<!tpu.dma_semaphore, #tpu.memory_space<semaphore_mem>>) src(%arg7 : memref<128x16xf32, #tpu.memory_space<vmem>>) dst(%dma_wait3A_26 : memref<10240x16xf32, #tpu.memory_space<vmem_shared>>)
        tpu.yield
      }) : () -> ()
    }
    %scan3A_9 = arith.constant 80 : i32
    %barrier3A_10 = arith.constant 0 : index
    tpu.barrier barrier_id(%barrier3A_10)
    %mul3A_11 = arith.constant 640 : i32
    %mul3A_12 = arith.muli %arg1, %mul3A_11 : i32
    %mul3A_13 = arith.constant 16 : i32
    %mul3A_14 = arith.muli %arg0, %mul3A_13 : i32
    %add3A_15 = arith.addi %mul3A_14, %arg1 : i32
    "tpu.region"() ({
      %run_scoped3A = tpu.sem_alloc : memref<!tpu.dma_semaphore, #tpu.memory_space<semaphore_mem>>
      %dma_start3A = arith.constant 0 : i32
      %dma_start3A_16 = arith.constant 0 : i32
      %dma_start3A_17 = tpu.memref_slice %arg5[%add3A_15, %dma_start3A, %dma_start3A_16] : memref<32x640x16xf32, #tpu.memory_space<hbm>> -> memref<1x640x16xf32, #tpu.memory_space<hbm>>
      %dma_start3A_18 = tpu.memref_squeeze %dma_start3A_17 : memref<1x640x16xf32, #tpu.memory_space<hbm>> -> memref<640x16xf32, #tpu.memory_space<hbm>>
      %dma_start3A_19 = arith.constant 0 : i32
      %dma_start3A_20 = tpu.memref_slice %arg8[%mul3A_12, %dma_start3A_19] : memref<10240x16xf32, #tpu.memory_space<vmem_shared>> -> memref<640x16xf32, #tpu.memory_space<vmem_shared>>
      tpu.enqueue_dma source(%dma_start3A_20 : memref<640x16xf32, #tpu.memory_space<vmem_shared>>) target(%dma_start3A_18 : memref<640x16xf32, #tpu.memory_space<hbm>>) target_semaphore(%run_scoped3A : memref<!tpu.dma_semaphore, #tpu.memory_space<semaphore_mem>>)
      %dma_wait3A = arith.constant 0 : i32
      %dma_wait3A_21 = arith.constant 0 : i32
      %dma_wait3A_22 = tpu.memref_slice %arg5[%add3A_15, %dma_wait3A, %dma_wait3A_21] : memref<32x640x16xf32, #tpu.memory_space<hbm>> -> memref<1x640x16xf32, #tpu.memory_space<hbm>>
      %dma_wait3A_23 = tpu.memref_squeeze %dma_wait3A_22 : memref<1x640x16xf32, #tpu.memory_space<hbm>> -> memref<640x16xf32, #tpu.memory_space<hbm>>
      %dma_wait3A_24 = arith.constant 0 : i32
      %dma_wait3A_25 = tpu.memref_slice %arg8[%mul3A_12, %dma_wait3A_24] : memref<10240x16xf32, #tpu.memory_space<vmem_shared>> -> memref<640x16xf32, #tpu.memory_space<vmem_shared>>
      tpu.wait_dma2 semaphore(%run_scoped3A : memref<!tpu.dma_semaphore, #tpu.memory_space<semaphore_mem>>) src(%dma_wait3A_25 : memref<640x16xf32, #tpu.memory_space<vmem_shared>>) dst(%dma_wait3A_23 : memref<640x16xf32, #tpu.memory_space<hbm>>)
      tpu.yield
    }) : () -> ()
    return
  }
}

#map = affine_map<(d0, d1) -> (0, 0)>
#map1 = affine_map<(d0, d1) -> (0, 0, 0)>
module attributes {stable_mosaic.version = 14 : i64} {
  func.func @_msg_body(%arg0: i32, %arg1: i32, %arg2: memref<20480x64xbf16, #tpu.memory_space<hbm>>, %arg3: memref<32x80x128xi32, #tpu.memory_space<hbm>>, %arg4: memref<32x80x128xi32, #tpu.memory_space<hbm>>, %arg5: memref<32x80x128xi32, #tpu.memory_space<hbm>>, %arg6: memref<10240x64xbf16, #tpu.memory_space<hbm>>, %arg7: memref<64x640x64xbf16, #tpu.memory_space<hbm>>, %arg8: memref<80x128xi32, #tpu.memory_space<vmem>>, %arg9: memref<80x128xi32, #tpu.memory_space<vmem>>, %arg10: memref<80x128xi32, #tpu.memory_space<vmem>>, %arg11: memref<128x64xbf16, #tpu.memory_space<vmem>>, %arg12: memref<128x64xbf16, #tpu.memory_space<vmem>>, %arg13: memref<128x64xbf16, #tpu.memory_space<vmem>>, %arg14: memref<128x64xbf16, #tpu.memory_space<vmem>>, %arg15: memref<!tpu.dma_semaphore, #tpu.memory_space<semaphore_mem>>, %arg16: memref<!tpu.dma_semaphore, #tpu.memory_space<semaphore_mem>>, %arg17: memref<!tpu.dma_semaphore, #tpu.memory_space<semaphore_mem>>, %arg18: memref<!tpu.dma_semaphore, #tpu.memory_space<semaphore_mem>>, %arg19: memref<!tpu.dma_semaphore, #tpu.memory_space<semaphore_mem>>, %arg20: memref<!tpu.dma_semaphore, #tpu.memory_space<semaphore_mem>>, %arg21: memref<!tpu.dma_semaphore, #tpu.memory_space<semaphore_mem>>, %arg22: memref<!tpu.dma_semaphore, #tpu.memory_space<semaphore_mem>>, %arg23: memref<20480x64xbf16, #tpu.memory_space<vmem_shared>>, %arg24: memref<10240x64xbf16, #tpu.memory_space<vmem_shared>>) attributes {dimension_semantics = [#tpu.dimension_semantics<core_parallel>, #tpu.dimension_semantics<subcore_parallel>], iteration_bounds = array<i64: 2, 16>, scalar_prefetch = 0 : i64, scratch_operands = 17 : i64, tpu.core_type = #tpu.core_type<sc_vector_subcore>, window_params = [{transform_indices = #map}, {transform_indices = #map1}, {transform_indices = #map1}, {transform_indices = #map1}, {transform_indices = #map}, {transform_indices = #map1}]} {
    %mul3A = arith.constant 2 : i32
    %mul3A_0 = arith.muli %arg1, %mul3A : i32
    %add3A = arith.addi %mul3A_0, %arg0 : i32
    %mul3A_1 = arith.constant 1280 : i32
    %mul3A_2 = arith.muli %arg1, %mul3A_1 : i32
    %mul3A_3 = arith.constant 1280 : i32
    %mul3A_4 = arith.muli %arg1, %mul3A_3 : i32
    "tpu.region"() ({
      %run_scoped3A = tpu.sem_alloc : memref<!tpu.dma_semaphore, #tpu.memory_space<semaphore_mem>>
      %dma_start3A_137 = arith.constant 0 : i32
      %dma_start3A_138 = tpu.memref_slice %arg23[%mul3A_4, %dma_start3A_137] : memref<20480x64xbf16, #tpu.memory_space<vmem_shared>> -> memref<1280x64xbf16, #tpu.memory_space<vmem_shared>>
      %dma_start3A_139 = arith.constant 0 : i32
      %dma_start3A_140 = tpu.memref_slice %arg2[%mul3A_2, %dma_start3A_139] : memref<20480x64xbf16, #tpu.memory_space<hbm>> -> memref<1280x64xbf16, #tpu.memory_space<hbm>>
      tpu.enqueue_dma source(%dma_start3A_140 : memref<1280x64xbf16, #tpu.memory_space<hbm>>) target(%dma_start3A_138 : memref<1280x64xbf16, #tpu.memory_space<vmem_shared>>) target_semaphore(%run_scoped3A : memref<!tpu.dma_semaphore, #tpu.memory_space<semaphore_mem>>)
      %dma_wait3A_141 = arith.constant 0 : i32
      %dma_wait3A_142 = tpu.memref_slice %arg23[%mul3A_4, %dma_wait3A_141] : memref<20480x64xbf16, #tpu.memory_space<vmem_shared>> -> memref<1280x64xbf16, #tpu.memory_space<vmem_shared>>
      %dma_wait3A_143 = arith.constant 0 : i32
      %dma_wait3A_144 = tpu.memref_slice %arg2[%mul3A_2, %dma_wait3A_143] : memref<20480x64xbf16, #tpu.memory_space<hbm>> -> memref<1280x64xbf16, #tpu.memory_space<hbm>>
      tpu.wait_dma2 semaphore(%run_scoped3A : memref<!tpu.dma_semaphore, #tpu.memory_space<semaphore_mem>>) src(%dma_wait3A_144 : memref<1280x64xbf16, #tpu.memory_space<hbm>>) dst(%dma_wait3A_142 : memref<1280x64xbf16, #tpu.memory_space<vmem_shared>>)
      tpu.yield
    }) : () -> ()
    "tpu.region"() ({
      %run_scoped3A = tpu.sem_alloc : memref<!tpu.dma_semaphore, #tpu.memory_space<semaphore_mem>>
      %dma_start3A_137 = arith.constant 0 : i32
      %dma_start3A_138 = arith.constant 0 : i32
      %dma_start3A_139 = tpu.memref_slice %arg3[%add3A, %dma_start3A_137, %dma_start3A_138] : memref<32x80x128xi32, #tpu.memory_space<hbm>> -> memref<1x80x128xi32, #tpu.memory_space<hbm>>
      %dma_start3A_140 = tpu.memref_squeeze %dma_start3A_139 : memref<1x80x128xi32, #tpu.memory_space<hbm>> -> memref<80x128xi32, #tpu.memory_space<hbm>>
      %dma_start3A_141 = arith.constant 0 : i32
      %dma_start3A_142 = arith.constant 0 : i32
      %dma_start3A_143 = tpu.memref_slice %arg3[%add3A, %dma_start3A_141, %dma_start3A_142] : memref<32x80x128xi32, #tpu.memory_space<hbm>> -> memref<1x80x128xi32, #tpu.memory_space<hbm>>
      %dma_start3A_144 = tpu.memref_squeeze %dma_start3A_143 : memref<1x80x128xi32, #tpu.memory_space<hbm>> -> memref<80x128xi32, #tpu.memory_space<hbm>>
      tpu.enqueue_dma source(%dma_start3A_144 : memref<80x128xi32, #tpu.memory_space<hbm>>) target(%arg8 : memref<80x128xi32, #tpu.memory_space<vmem>>) target_semaphore(%run_scoped3A : memref<!tpu.dma_semaphore, #tpu.memory_space<semaphore_mem>>)
      %dma_wait3A_145 = arith.constant 0 : i32
      %dma_wait3A_146 = arith.constant 0 : i32
      %dma_wait3A_147 = tpu.memref_slice %arg3[%add3A, %dma_wait3A_145, %dma_wait3A_146] : memref<32x80x128xi32, #tpu.memory_space<hbm>> -> memref<1x80x128xi32, #tpu.memory_space<hbm>>
      %dma_wait3A_148 = tpu.memref_squeeze %dma_wait3A_147 : memref<1x80x128xi32, #tpu.memory_space<hbm>> -> memref<80x128xi32, #tpu.memory_space<hbm>>
      %dma_wait3A_149 = arith.constant 0 : i32
      %dma_wait3A_150 = arith.constant 0 : i32
      %dma_wait3A_151 = tpu.memref_slice %arg3[%add3A, %dma_wait3A_149, %dma_wait3A_150] : memref<32x80x128xi32, #tpu.memory_space<hbm>> -> memref<1x80x128xi32, #tpu.memory_space<hbm>>
      %dma_wait3A_152 = tpu.memref_squeeze %dma_wait3A_151 : memref<1x80x128xi32, #tpu.memory_space<hbm>> -> memref<80x128xi32, #tpu.memory_space<hbm>>
      tpu.wait_dma2 semaphore(%run_scoped3A : memref<!tpu.dma_semaphore, #tpu.memory_space<semaphore_mem>>) src(%dma_wait3A_152 : memref<80x128xi32, #tpu.memory_space<hbm>>) dst(%arg8 : memref<80x128xi32, #tpu.memory_space<vmem>>)
      tpu.yield
    }) : () -> ()
    "tpu.region"() ({
      %run_scoped3A = tpu.sem_alloc : memref<!tpu.dma_semaphore, #tpu.memory_space<semaphore_mem>>
      %dma_start3A_137 = arith.constant 0 : i32
      %dma_start3A_138 = arith.constant 0 : i32
      %dma_start3A_139 = tpu.memref_slice %arg4[%add3A, %dma_start3A_137, %dma_start3A_138] : memref<32x80x128xi32, #tpu.memory_space<hbm>> -> memref<1x80x128xi32, #tpu.memory_space<hbm>>
      %dma_start3A_140 = tpu.memref_squeeze %dma_start3A_139 : memref<1x80x128xi32, #tpu.memory_space<hbm>> -> memref<80x128xi32, #tpu.memory_space<hbm>>
      %dma_start3A_141 = arith.constant 0 : i32
      %dma_start3A_142 = arith.constant 0 : i32
      %dma_start3A_143 = tpu.memref_slice %arg4[%add3A, %dma_start3A_141, %dma_start3A_142] : memref<32x80x128xi32, #tpu.memory_space<hbm>> -> memref<1x80x128xi32, #tpu.memory_space<hbm>>
      %dma_start3A_144 = tpu.memref_squeeze %dma_start3A_143 : memref<1x80x128xi32, #tpu.memory_space<hbm>> -> memref<80x128xi32, #tpu.memory_space<hbm>>
      tpu.enqueue_dma source(%dma_start3A_144 : memref<80x128xi32, #tpu.memory_space<hbm>>) target(%arg9 : memref<80x128xi32, #tpu.memory_space<vmem>>) target_semaphore(%run_scoped3A : memref<!tpu.dma_semaphore, #tpu.memory_space<semaphore_mem>>)
      %dma_wait3A_145 = arith.constant 0 : i32
      %dma_wait3A_146 = arith.constant 0 : i32
      %dma_wait3A_147 = tpu.memref_slice %arg4[%add3A, %dma_wait3A_145, %dma_wait3A_146] : memref<32x80x128xi32, #tpu.memory_space<hbm>> -> memref<1x80x128xi32, #tpu.memory_space<hbm>>
      %dma_wait3A_148 = tpu.memref_squeeze %dma_wait3A_147 : memref<1x80x128xi32, #tpu.memory_space<hbm>> -> memref<80x128xi32, #tpu.memory_space<hbm>>
      %dma_wait3A_149 = arith.constant 0 : i32
      %dma_wait3A_150 = arith.constant 0 : i32
      %dma_wait3A_151 = tpu.memref_slice %arg4[%add3A, %dma_wait3A_149, %dma_wait3A_150] : memref<32x80x128xi32, #tpu.memory_space<hbm>> -> memref<1x80x128xi32, #tpu.memory_space<hbm>>
      %dma_wait3A_152 = tpu.memref_squeeze %dma_wait3A_151 : memref<1x80x128xi32, #tpu.memory_space<hbm>> -> memref<80x128xi32, #tpu.memory_space<hbm>>
      tpu.wait_dma2 semaphore(%run_scoped3A : memref<!tpu.dma_semaphore, #tpu.memory_space<semaphore_mem>>) src(%dma_wait3A_152 : memref<80x128xi32, #tpu.memory_space<hbm>>) dst(%arg9 : memref<80x128xi32, #tpu.memory_space<vmem>>)
      tpu.yield
    }) : () -> ()
    "tpu.region"() ({
      %run_scoped3A = tpu.sem_alloc : memref<!tpu.dma_semaphore, #tpu.memory_space<semaphore_mem>>
      %dma_start3A_137 = arith.constant 0 : i32
      %dma_start3A_138 = arith.constant 0 : i32
      %dma_start3A_139 = tpu.memref_slice %arg5[%add3A, %dma_start3A_137, %dma_start3A_138] : memref<32x80x128xi32, #tpu.memory_space<hbm>> -> memref<1x80x128xi32, #tpu.memory_space<hbm>>
      %dma_start3A_140 = tpu.memref_squeeze %dma_start3A_139 : memref<1x80x128xi32, #tpu.memory_space<hbm>> -> memref<80x128xi32, #tpu.memory_space<hbm>>
      %dma_start3A_141 = arith.constant 0 : i32
      %dma_start3A_142 = arith.constant 0 : i32
      %dma_start3A_143 = tpu.memref_slice %arg5[%add3A, %dma_start3A_141, %dma_start3A_142] : memref<32x80x128xi32, #tpu.memory_space<hbm>> -> memref<1x80x128xi32, #tpu.memory_space<hbm>>
      %dma_start3A_144 = tpu.memref_squeeze %dma_start3A_143 : memref<1x80x128xi32, #tpu.memory_space<hbm>> -> memref<80x128xi32, #tpu.memory_space<hbm>>
      tpu.enqueue_dma source(%dma_start3A_144 : memref<80x128xi32, #tpu.memory_space<hbm>>) target(%arg10 : memref<80x128xi32, #tpu.memory_space<vmem>>) target_semaphore(%run_scoped3A : memref<!tpu.dma_semaphore, #tpu.memory_space<semaphore_mem>>)
      %dma_wait3A_145 = arith.constant 0 : i32
      %dma_wait3A_146 = arith.constant 0 : i32
      %dma_wait3A_147 = tpu.memref_slice %arg5[%add3A, %dma_wait3A_145, %dma_wait3A_146] : memref<32x80x128xi32, #tpu.memory_space<hbm>> -> memref<1x80x128xi32, #tpu.memory_space<hbm>>
      %dma_wait3A_148 = tpu.memref_squeeze %dma_wait3A_147 : memref<1x80x128xi32, #tpu.memory_space<hbm>> -> memref<80x128xi32, #tpu.memory_space<hbm>>
      %dma_wait3A_149 = arith.constant 0 : i32
      %dma_wait3A_150 = arith.constant 0 : i32
      %dma_wait3A_151 = tpu.memref_slice %arg5[%add3A, %dma_wait3A_149, %dma_wait3A_150] : memref<32x80x128xi32, #tpu.memory_space<hbm>> -> memref<1x80x128xi32, #tpu.memory_space<hbm>>
      %dma_wait3A_152 = tpu.memref_squeeze %dma_wait3A_151 : memref<1x80x128xi32, #tpu.memory_space<hbm>> -> memref<80x128xi32, #tpu.memory_space<hbm>>
      tpu.wait_dma2 semaphore(%run_scoped3A : memref<!tpu.dma_semaphore, #tpu.memory_space<semaphore_mem>>) src(%dma_wait3A_152 : memref<80x128xi32, #tpu.memory_space<hbm>>) dst(%arg10 : memref<80x128xi32, #tpu.memory_space<vmem>>)
      tpu.yield
    }) : () -> ()
    %mul3A_5 = arith.constant 640 : i32
    %mul3A_6 = arith.muli %arg1, %mul3A_5 : i32
    %mul3A_7 = arith.constant 640 : i32
    %mul3A_8 = arith.muli %arg1, %mul3A_7 : i32
    "tpu.region"() ({
      %run_scoped3A = tpu.sem_alloc : memref<!tpu.dma_semaphore, #tpu.memory_space<semaphore_mem>>
      %dma_start3A_137 = arith.constant 0 : i32
      %dma_start3A_138 = tpu.memref_slice %arg24[%mul3A_8, %dma_start3A_137] : memref<10240x64xbf16, #tpu.memory_space<vmem_shared>> -> memref<640x64xbf16, #tpu.memory_space<vmem_shared>>
      %dma_start3A_139 = arith.constant 0 : i32
      %dma_start3A_140 = tpu.memref_slice %arg6[%mul3A_6, %dma_start3A_139] : memref<10240x64xbf16, #tpu.memory_space<hbm>> -> memref<640x64xbf16, #tpu.memory_space<hbm>>
      tpu.enqueue_dma source(%dma_start3A_140 : memref<640x64xbf16, #tpu.memory_space<hbm>>) target(%dma_start3A_138 : memref<640x64xbf16, #tpu.memory_space<vmem_shared>>) target_semaphore(%run_scoped3A : memref<!tpu.dma_semaphore, #tpu.memory_space<semaphore_mem>>)
      %dma_wait3A_141 = arith.constant 0 : i32
      %dma_wait3A_142 = tpu.memref_slice %arg24[%mul3A_8, %dma_wait3A_141] : memref<10240x64xbf16, #tpu.memory_space<vmem_shared>> -> memref<640x64xbf16, #tpu.memory_space<vmem_shared>>
      %dma_wait3A_143 = arith.constant 0 : i32
      %dma_wait3A_144 = tpu.memref_slice %arg6[%mul3A_6, %dma_wait3A_143] : memref<10240x64xbf16, #tpu.memory_space<hbm>> -> memref<640x64xbf16, #tpu.memory_space<hbm>>
      tpu.wait_dma2 semaphore(%run_scoped3A : memref<!tpu.dma_semaphore, #tpu.memory_space<semaphore_mem>>) src(%dma_wait3A_144 : memref<640x64xbf16, #tpu.memory_space<hbm>>) dst(%dma_wait3A_142 : memref<640x64xbf16, #tpu.memory_space<vmem_shared>>)
      tpu.yield
    }) : () -> ()
    %barrier3A = arith.constant 0 : index
    tpu.barrier barrier_id(%barrier3A)
    %dma_start3A = arith.constant 0 : i32
    %dma_start3A_9 = arith.constant 0 : i32
    %dma_start3A_10 = tpu.memref_slice %arg8[%dma_start3A, %dma_start3A_9] : memref<80x128xi32, #tpu.memory_space<vmem>> -> memref<1x128xi32, #tpu.memory_space<vmem>>
    %dma_start3A_11 = tpu.memref_squeeze %dma_start3A_10 : memref<1x128xi32, #tpu.memory_space<vmem>> -> memref<128xi32, #tpu.memory_space<vmem>>
    %dma_start3A_12 = arith.constant 0 : i32
    %dma_start3A_13 = arith.constant 0 : i32
    %dma_start3A_14 = tpu.memref_slice %arg23[%dma_start3A_12, %dma_start3A_13] : memref<20480x64xbf16, #tpu.memory_space<vmem_shared>> -> memref<20480x64xbf16, #tpu.memory_space<vmem_shared>>
    tpu.enqueue_indirect_dma source(%dma_start3A_14 : memref<20480x64xbf16, #tpu.memory_space<vmem_shared>>) target(%arg11 : memref<128x64xbf16, #tpu.memory_space<vmem>>) offsets(%dma_start3A_11 : memref<128xi32, #tpu.memory_space<vmem>>) semaphore(%arg15 : memref<!tpu.dma_semaphore, #tpu.memory_space<semaphore_mem>>)
    %dma_start3A_15 = arith.constant 1 : i32
    %dma_start3A_16 = arith.constant 0 : i32
    %dma_start3A_17 = tpu.memref_slice %arg8[%dma_start3A_15, %dma_start3A_16] : memref<80x128xi32, #tpu.memory_space<vmem>> -> memref<1x128xi32, #tpu.memory_space<vmem>>
    %dma_start3A_18 = tpu.memref_squeeze %dma_start3A_17 : memref<1x128xi32, #tpu.memory_space<vmem>> -> memref<128xi32, #tpu.memory_space<vmem>>
    %dma_start3A_19 = arith.constant 0 : i32
    %dma_start3A_20 = arith.constant 0 : i32
    %dma_start3A_21 = tpu.memref_slice %arg23[%dma_start3A_19, %dma_start3A_20] : memref<20480x64xbf16, #tpu.memory_space<vmem_shared>> -> memref<20480x64xbf16, #tpu.memory_space<vmem_shared>>
    tpu.enqueue_indirect_dma source(%dma_start3A_21 : memref<20480x64xbf16, #tpu.memory_space<vmem_shared>>) target(%arg12 : memref<128x64xbf16, #tpu.memory_space<vmem>>) offsets(%dma_start3A_18 : memref<128xi32, #tpu.memory_space<vmem>>) semaphore(%arg16 : memref<!tpu.dma_semaphore, #tpu.memory_space<semaphore_mem>>)
    %dma_start3A_22 = arith.constant 2 : i32
    %dma_start3A_23 = arith.constant 0 : i32
    %dma_start3A_24 = tpu.memref_slice %arg8[%dma_start3A_22, %dma_start3A_23] : memref<80x128xi32, #tpu.memory_space<vmem>> -> memref<1x128xi32, #tpu.memory_space<vmem>>
    %dma_start3A_25 = tpu.memref_squeeze %dma_start3A_24 : memref<1x128xi32, #tpu.memory_space<vmem>> -> memref<128xi32, #tpu.memory_space<vmem>>
    %dma_start3A_26 = arith.constant 0 : i32
    %dma_start3A_27 = arith.constant 0 : i32
    %dma_start3A_28 = tpu.memref_slice %arg23[%dma_start3A_26, %dma_start3A_27] : memref<20480x64xbf16, #tpu.memory_space<vmem_shared>> -> memref<20480x64xbf16, #tpu.memory_space<vmem_shared>>
    tpu.enqueue_indirect_dma source(%dma_start3A_28 : memref<20480x64xbf16, #tpu.memory_space<vmem_shared>>) target(%arg13 : memref<128x64xbf16, #tpu.memory_space<vmem>>) offsets(%dma_start3A_25 : memref<128xi32, #tpu.memory_space<vmem>>) semaphore(%arg17 : memref<!tpu.dma_semaphore, #tpu.memory_space<semaphore_mem>>)
    %scan3A = arith.constant 0 : i32
    %scan3A_29 = arith.constant 0 : i32
    %scan3A_30 = arith.constant 20 : i32
    %scan3A_31 = arith.addi %scan3A_29, %scan3A_30 : i32
    %scan3A_32 = arith.constant 1 : i32
    scf.for %scan3A_137 = %scan3A_29 to %scan3A_31 step %scan3A_32  : i32 {
      %mul3A_138 = arith.constant 4 : i32
      %mul3A_139 = arith.muli %mul3A_138, %scan3A_137 : i32
      %add3A_140 = arith.constant 0 : i32
      %add3A_141 = arith.addi %mul3A_139, %add3A_140 : i32
      %dma_wait3A_142 = arith.constant 0 : i32
      %dma_wait3A_143 = tpu.memref_slice %arg8[%add3A_141, %dma_wait3A_142] : memref<80x128xi32, #tpu.memory_space<vmem>> -> memref<1x128xi32, #tpu.memory_space<vmem>>
      %dma_wait3A_144 = tpu.memref_squeeze %dma_wait3A_143 : memref<1x128xi32, #tpu.memory_space<vmem>> -> memref<128xi32, #tpu.memory_space<vmem>>
      %dma_wait3A_145 = arith.constant 0 : i32
      %dma_wait3A_146 = arith.constant 0 : i32
      %dma_wait3A_147 = tpu.memref_slice %arg23[%dma_wait3A_145, %dma_wait3A_146] : memref<20480x64xbf16, #tpu.memory_space<vmem_shared>> -> memref<20480x64xbf16, #tpu.memory_space<vmem_shared>>
      tpu.wait_indirect_dma semaphore(%arg15 : memref<!tpu.dma_semaphore, #tpu.memory_space<semaphore_mem>>) src(%dma_wait3A_147 : memref<20480x64xbf16, #tpu.memory_space<vmem_shared>>) dst(%arg11 : memref<128x64xbf16, #tpu.memory_space<vmem>>)
      %dma_start3A_148 = arith.constant 0 : i32
      %dma_start3A_149 = tpu.memref_slice %arg10[%add3A_141, %dma_start3A_148] : memref<80x128xi32, #tpu.memory_space<vmem>> -> memref<1x128xi32, #tpu.memory_space<vmem>>
      %dma_start3A_150 = tpu.memref_squeeze %dma_start3A_149 : memref<1x128xi32, #tpu.memory_space<vmem>> -> memref<128xi32, #tpu.memory_space<vmem>>
      %dma_start3A_151 = arith.constant 0 : i32
      %dma_start3A_152 = arith.constant 0 : i32
      %dma_start3A_153 = tpu.memref_slice %arg24[%dma_start3A_151, %dma_start3A_152] : memref<10240x64xbf16, #tpu.memory_space<vmem_shared>> -> memref<10240x64xbf16, #tpu.memory_space<vmem_shared>>
      tpu.enqueue_indirect_dma source(%arg11 : memref<128x64xbf16, #tpu.memory_space<vmem>>) target(%dma_start3A_153 : memref<10240x64xbf16, #tpu.memory_space<vmem_shared>>) offsets(%dma_start3A_150 : memref<128xi32, #tpu.memory_space<vmem>>) semaphore(%arg19 : memref<!tpu.dma_semaphore, #tpu.memory_space<semaphore_mem>>) {add = true}
      %add3A_154 = arith.constant 4 : i32
      %add3A_155 = arith.addi %add3A_141, %add3A_154 : i32
      %sub3A = arith.constant 1 : i32
      %sub3A_156 = arith.subi %add3A_155, %sub3A : i32
      %lt3A = arith.constant 80 : i32
      %lt3A_157 = arith.cmpi slt, %sub3A_156, %lt3A : i32
      %convert_element_type3A = arith.extui %lt3A_157 : i1 to i32
      %cond3A = arith.constant 0 : i32
      %cond3A_158 = arith.cmpi ne, %convert_element_type3A, %cond3A : i32
      scf.if %cond3A_158 {
        %ge3A = arith.constant 1 : i32
        %ge3A_234 = arith.cmpi sge, %add3A_141, %ge3A : i32
        %convert_element_type3A_235 = arith.extui %ge3A_234 : i1 to i32
        %cond3A_236 = arith.constant 0 : i32
        %cond3A_237 = arith.cmpi ne, %convert_element_type3A_235, %cond3A_236 : i32
        scf.if %cond3A_237 {
          %dma_wait3A_248 = arith.constant 0 : i32
          %dma_wait3A_249 = arith.constant 0 : i32
          %dma_wait3A_250 = tpu.memref_slice %arg10[%dma_wait3A_248, %dma_wait3A_249] : memref<80x128xi32, #tpu.memory_space<vmem>> -> memref<1x128xi32, #tpu.memory_space<vmem>>
          %dma_wait3A_251 = tpu.memref_squeeze %dma_wait3A_250 : memref<1x128xi32, #tpu.memory_space<vmem>> -> memref<128xi32, #tpu.memory_space<vmem>>
          %dma_wait3A_252 = arith.constant 0 : i32
          %dma_wait3A_253 = arith.constant 0 : i32
          %dma_wait3A_254 = tpu.memref_slice %arg24[%dma_wait3A_252, %dma_wait3A_253] : memref<10240x64xbf16, #tpu.memory_space<vmem_shared>> -> memref<10240x64xbf16, #tpu.memory_space<vmem_shared>>
          tpu.wait_indirect_dma semaphore(%arg22 : memref<!tpu.dma_semaphore, #tpu.memory_space<semaphore_mem>>) src(%arg14 : memref<128x64xbf16, #tpu.memory_space<vmem>>) dst(%dma_wait3A_254 : memref<10240x64xbf16, #tpu.memory_space<vmem_shared>>)
        } else {
        }
        %add3A_238 = arith.constant 4 : i32
        %add3A_239 = arith.addi %add3A_141, %add3A_238 : i32
        %sub3A_240 = arith.constant 1 : i32
        %sub3A_241 = arith.subi %add3A_239, %sub3A_240 : i32
        %dma_start3A_242 = arith.constant 0 : i32
        %dma_start3A_243 = tpu.memref_slice %arg8[%sub3A_241, %dma_start3A_242] : memref<80x128xi32, #tpu.memory_space<vmem>> -> memref<1x128xi32, #tpu.memory_space<vmem>>
        %dma_start3A_244 = tpu.memref_squeeze %dma_start3A_243 : memref<1x128xi32, #tpu.memory_space<vmem>> -> memref<128xi32, #tpu.memory_space<vmem>>
        %dma_start3A_245 = arith.constant 0 : i32
        %dma_start3A_246 = arith.constant 0 : i32
        %dma_start3A_247 = tpu.memref_slice %arg23[%dma_start3A_245, %dma_start3A_246] : memref<20480x64xbf16, #tpu.memory_space<vmem_shared>> -> memref<20480x64xbf16, #tpu.memory_space<vmem_shared>>
        tpu.enqueue_indirect_dma source(%dma_start3A_247 : memref<20480x64xbf16, #tpu.memory_space<vmem_shared>>) target(%arg14 : memref<128x64xbf16, #tpu.memory_space<vmem>>) offsets(%dma_start3A_244 : memref<128xi32, #tpu.memory_space<vmem>>) semaphore(%arg18 : memref<!tpu.dma_semaphore, #tpu.memory_space<semaphore_mem>>)
      } else {
      }
      %mul3A_159 = arith.constant 4 : i32
      %mul3A_160 = arith.muli %mul3A_159, %scan3A_137 : i32
      %add3A_161 = arith.constant 1 : i32
      %add3A_162 = arith.addi %mul3A_160, %add3A_161 : i32
      %dma_wait3A_163 = arith.constant 0 : i32
      %dma_wait3A_164 = tpu.memref_slice %arg8[%add3A_162, %dma_wait3A_163] : memref<80x128xi32, #tpu.memory_space<vmem>> -> memref<1x128xi32, #tpu.memory_space<vmem>>
      %dma_wait3A_165 = tpu.memref_squeeze %dma_wait3A_164 : memref<1x128xi32, #tpu.memory_space<vmem>> -> memref<128xi32, #tpu.memory_space<vmem>>
      %dma_wait3A_166 = arith.constant 0 : i32
      %dma_wait3A_167 = arith.constant 0 : i32
      %dma_wait3A_168 = tpu.memref_slice %arg23[%dma_wait3A_166, %dma_wait3A_167] : memref<20480x64xbf16, #tpu.memory_space<vmem_shared>> -> memref<20480x64xbf16, #tpu.memory_space<vmem_shared>>
      tpu.wait_indirect_dma semaphore(%arg16 : memref<!tpu.dma_semaphore, #tpu.memory_space<semaphore_mem>>) src(%dma_wait3A_168 : memref<20480x64xbf16, #tpu.memory_space<vmem_shared>>) dst(%arg12 : memref<128x64xbf16, #tpu.memory_space<vmem>>)
      %dma_start3A_169 = arith.constant 0 : i32
      %dma_start3A_170 = tpu.memref_slice %arg10[%add3A_162, %dma_start3A_169] : memref<80x128xi32, #tpu.memory_space<vmem>> -> memref<1x128xi32, #tpu.memory_space<vmem>>
      %dma_start3A_171 = tpu.memref_squeeze %dma_start3A_170 : memref<1x128xi32, #tpu.memory_space<vmem>> -> memref<128xi32, #tpu.memory_space<vmem>>
      %dma_start3A_172 = arith.constant 0 : i32
      %dma_start3A_173 = arith.constant 0 : i32
      %dma_start3A_174 = tpu.memref_slice %arg24[%dma_start3A_172, %dma_start3A_173] : memref<10240x64xbf16, #tpu.memory_space<vmem_shared>> -> memref<10240x64xbf16, #tpu.memory_space<vmem_shared>>
      tpu.enqueue_indirect_dma source(%arg12 : memref<128x64xbf16, #tpu.memory_space<vmem>>) target(%dma_start3A_174 : memref<10240x64xbf16, #tpu.memory_space<vmem_shared>>) offsets(%dma_start3A_171 : memref<128xi32, #tpu.memory_space<vmem>>) semaphore(%arg20 : memref<!tpu.dma_semaphore, #tpu.memory_space<semaphore_mem>>) {add = true}
      %add3A_175 = arith.constant 4 : i32
      %add3A_176 = arith.addi %add3A_162, %add3A_175 : i32
      %sub3A_177 = arith.constant 1 : i32
      %sub3A_178 = arith.subi %add3A_176, %sub3A_177 : i32
      %lt3A_179 = arith.constant 80 : i32
      %lt3A_180 = arith.cmpi slt, %sub3A_178, %lt3A_179 : i32
      %convert_element_type3A_181 = arith.extui %lt3A_180 : i1 to i32
      %cond3A_182 = arith.constant 0 : i32
      %cond3A_183 = arith.cmpi ne, %convert_element_type3A_181, %cond3A_182 : i32
      scf.if %cond3A_183 {
        %ge3A = arith.constant 1 : i32
        %ge3A_234 = arith.cmpi sge, %add3A_162, %ge3A : i32
        %convert_element_type3A_235 = arith.extui %ge3A_234 : i1 to i32
        %cond3A_236 = arith.constant 0 : i32
        %cond3A_237 = arith.cmpi ne, %convert_element_type3A_235, %cond3A_236 : i32
        scf.if %cond3A_237 {
          %dma_wait3A_248 = arith.constant 0 : i32
          %dma_wait3A_249 = arith.constant 0 : i32
          %dma_wait3A_250 = tpu.memref_slice %arg10[%dma_wait3A_248, %dma_wait3A_249] : memref<80x128xi32, #tpu.memory_space<vmem>> -> memref<1x128xi32, #tpu.memory_space<vmem>>
          %dma_wait3A_251 = tpu.memref_squeeze %dma_wait3A_250 : memref<1x128xi32, #tpu.memory_space<vmem>> -> memref<128xi32, #tpu.memory_space<vmem>>
          %dma_wait3A_252 = arith.constant 0 : i32
          %dma_wait3A_253 = arith.constant 0 : i32
          %dma_wait3A_254 = tpu.memref_slice %arg24[%dma_wait3A_252, %dma_wait3A_253] : memref<10240x64xbf16, #tpu.memory_space<vmem_shared>> -> memref<10240x64xbf16, #tpu.memory_space<vmem_shared>>
          tpu.wait_indirect_dma semaphore(%arg19 : memref<!tpu.dma_semaphore, #tpu.memory_space<semaphore_mem>>) src(%arg11 : memref<128x64xbf16, #tpu.memory_space<vmem>>) dst(%dma_wait3A_254 : memref<10240x64xbf16, #tpu.memory_space<vmem_shared>>)
        } else {
        }
        %add3A_238 = arith.constant 4 : i32
        %add3A_239 = arith.addi %add3A_162, %add3A_238 : i32
        %sub3A_240 = arith.constant 1 : i32
        %sub3A_241 = arith.subi %add3A_239, %sub3A_240 : i32
        %dma_start3A_242 = arith.constant 0 : i32
        %dma_start3A_243 = tpu.memref_slice %arg8[%sub3A_241, %dma_start3A_242] : memref<80x128xi32, #tpu.memory_space<vmem>> -> memref<1x128xi32, #tpu.memory_space<vmem>>
        %dma_start3A_244 = tpu.memref_squeeze %dma_start3A_243 : memref<1x128xi32, #tpu.memory_space<vmem>> -> memref<128xi32, #tpu.memory_space<vmem>>
        %dma_start3A_245 = arith.constant 0 : i32
        %dma_start3A_246 = arith.constant 0 : i32
        %dma_start3A_247 = tpu.memref_slice %arg23[%dma_start3A_245, %dma_start3A_246] : memref<20480x64xbf16, #tpu.memory_space<vmem_shared>> -> memref<20480x64xbf16, #tpu.memory_space<vmem_shared>>
        tpu.enqueue_indirect_dma source(%dma_start3A_247 : memref<20480x64xbf16, #tpu.memory_space<vmem_shared>>) target(%arg11 : memref<128x64xbf16, #tpu.memory_space<vmem>>) offsets(%dma_start3A_244 : memref<128xi32, #tpu.memory_space<vmem>>) semaphore(%arg15 : memref<!tpu.dma_semaphore, #tpu.memory_space<semaphore_mem>>)
      } else {
      }
      %mul3A_184 = arith.constant 4 : i32
      %mul3A_185 = arith.muli %mul3A_184, %scan3A_137 : i32
      %add3A_186 = arith.constant 2 : i32
      %add3A_187 = arith.addi %mul3A_185, %add3A_186 : i32
      %dma_wait3A_188 = arith.constant 0 : i32
      %dma_wait3A_189 = tpu.memref_slice %arg8[%add3A_187, %dma_wait3A_188] : memref<80x128xi32, #tpu.memory_space<vmem>> -> memref<1x128xi32, #tpu.memory_space<vmem>>
      %dma_wait3A_190 = tpu.memref_squeeze %dma_wait3A_189 : memref<1x128xi32, #tpu.memory_space<vmem>> -> memref<128xi32, #tpu.memory_space<vmem>>
      %dma_wait3A_191 = arith.constant 0 : i32
      %dma_wait3A_192 = arith.constant 0 : i32
      %dma_wait3A_193 = tpu.memref_slice %arg23[%dma_wait3A_191, %dma_wait3A_192] : memref<20480x64xbf16, #tpu.memory_space<vmem_shared>> -> memref<20480x64xbf16, #tpu.memory_space<vmem_shared>>
      tpu.wait_indirect_dma semaphore(%arg17 : memref<!tpu.dma_semaphore, #tpu.memory_space<semaphore_mem>>) src(%dma_wait3A_193 : memref<20480x64xbf16, #tpu.memory_space<vmem_shared>>) dst(%arg13 : memref<128x64xbf16, #tpu.memory_space<vmem>>)
      %dma_start3A_194 = arith.constant 0 : i32
      %dma_start3A_195 = tpu.memref_slice %arg10[%add3A_187, %dma_start3A_194] : memref<80x128xi32, #tpu.memory_space<vmem>> -> memref<1x128xi32, #tpu.memory_space<vmem>>
      %dma_start3A_196 = tpu.memref_squeeze %dma_start3A_195 : memref<1x128xi32, #tpu.memory_space<vmem>> -> memref<128xi32, #tpu.memory_space<vmem>>
      %dma_start3A_197 = arith.constant 0 : i32
      %dma_start3A_198 = arith.constant 0 : i32
      %dma_start3A_199 = tpu.memref_slice %arg24[%dma_start3A_197, %dma_start3A_198] : memref<10240x64xbf16, #tpu.memory_space<vmem_shared>> -> memref<10240x64xbf16, #tpu.memory_space<vmem_shared>>
      tpu.enqueue_indirect_dma source(%arg13 : memref<128x64xbf16, #tpu.memory_space<vmem>>) target(%dma_start3A_199 : memref<10240x64xbf16, #tpu.memory_space<vmem_shared>>) offsets(%dma_start3A_196 : memref<128xi32, #tpu.memory_space<vmem>>) semaphore(%arg21 : memref<!tpu.dma_semaphore, #tpu.memory_space<semaphore_mem>>) {add = true}
      %add3A_200 = arith.constant 4 : i32
      %add3A_201 = arith.addi %add3A_187, %add3A_200 : i32
      %sub3A_202 = arith.constant 1 : i32
      %sub3A_203 = arith.subi %add3A_201, %sub3A_202 : i32
      %lt3A_204 = arith.constant 80 : i32
      %lt3A_205 = arith.cmpi slt, %sub3A_203, %lt3A_204 : i32
      %convert_element_type3A_206 = arith.extui %lt3A_205 : i1 to i32
      %cond3A_207 = arith.constant 0 : i32
      %cond3A_208 = arith.cmpi ne, %convert_element_type3A_206, %cond3A_207 : i32
      scf.if %cond3A_208 {
        %ge3A = arith.constant 1 : i32
        %ge3A_234 = arith.cmpi sge, %add3A_187, %ge3A : i32
        %convert_element_type3A_235 = arith.extui %ge3A_234 : i1 to i32
        %cond3A_236 = arith.constant 0 : i32
        %cond3A_237 = arith.cmpi ne, %convert_element_type3A_235, %cond3A_236 : i32
        scf.if %cond3A_237 {
          %dma_wait3A_248 = arith.constant 0 : i32
          %dma_wait3A_249 = arith.constant 0 : i32
          %dma_wait3A_250 = tpu.memref_slice %arg10[%dma_wait3A_248, %dma_wait3A_249] : memref<80x128xi32, #tpu.memory_space<vmem>> -> memref<1x128xi32, #tpu.memory_space<vmem>>
          %dma_wait3A_251 = tpu.memref_squeeze %dma_wait3A_250 : memref<1x128xi32, #tpu.memory_space<vmem>> -> memref<128xi32, #tpu.memory_space<vmem>>
          %dma_wait3A_252 = arith.constant 0 : i32
          %dma_wait3A_253 = arith.constant 0 : i32
          %dma_wait3A_254 = tpu.memref_slice %arg24[%dma_wait3A_252, %dma_wait3A_253] : memref<10240x64xbf16, #tpu.memory_space<vmem_shared>> -> memref<10240x64xbf16, #tpu.memory_space<vmem_shared>>
          tpu.wait_indirect_dma semaphore(%arg20 : memref<!tpu.dma_semaphore, #tpu.memory_space<semaphore_mem>>) src(%arg12 : memref<128x64xbf16, #tpu.memory_space<vmem>>) dst(%dma_wait3A_254 : memref<10240x64xbf16, #tpu.memory_space<vmem_shared>>)
        } else {
        }
        %add3A_238 = arith.constant 4 : i32
        %add3A_239 = arith.addi %add3A_187, %add3A_238 : i32
        %sub3A_240 = arith.constant 1 : i32
        %sub3A_241 = arith.subi %add3A_239, %sub3A_240 : i32
        %dma_start3A_242 = arith.constant 0 : i32
        %dma_start3A_243 = tpu.memref_slice %arg8[%sub3A_241, %dma_start3A_242] : memref<80x128xi32, #tpu.memory_space<vmem>> -> memref<1x128xi32, #tpu.memory_space<vmem>>
        %dma_start3A_244 = tpu.memref_squeeze %dma_start3A_243 : memref<1x128xi32, #tpu.memory_space<vmem>> -> memref<128xi32, #tpu.memory_space<vmem>>
        %dma_start3A_245 = arith.constant 0 : i32
        %dma_start3A_246 = arith.constant 0 : i32
        %dma_start3A_247 = tpu.memref_slice %arg23[%dma_start3A_245, %dma_start3A_246] : memref<20480x64xbf16, #tpu.memory_space<vmem_shared>> -> memref<20480x64xbf16, #tpu.memory_space<vmem_shared>>
        tpu.enqueue_indirect_dma source(%dma_start3A_247 : memref<20480x64xbf16, #tpu.memory_space<vmem_shared>>) target(%arg12 : memref<128x64xbf16, #tpu.memory_space<vmem>>) offsets(%dma_start3A_244 : memref<128xi32, #tpu.memory_space<vmem>>) semaphore(%arg16 : memref<!tpu.dma_semaphore, #tpu.memory_space<semaphore_mem>>)
      } else {
      }
      %mul3A_209 = arith.constant 4 : i32
      %mul3A_210 = arith.muli %mul3A_209, %scan3A_137 : i32
      %add3A_211 = arith.constant 3 : i32
      %add3A_212 = arith.addi %mul3A_210, %add3A_211 : i32
      %dma_wait3A_213 = arith.constant 0 : i32
      %dma_wait3A_214 = tpu.memref_slice %arg8[%add3A_212, %dma_wait3A_213] : memref<80x128xi32, #tpu.memory_space<vmem>> -> memref<1x128xi32, #tpu.memory_space<vmem>>
      %dma_wait3A_215 = tpu.memref_squeeze %dma_wait3A_214 : memref<1x128xi32, #tpu.memory_space<vmem>> -> memref<128xi32, #tpu.memory_space<vmem>>
      %dma_wait3A_216 = arith.constant 0 : i32
      %dma_wait3A_217 = arith.constant 0 : i32
      %dma_wait3A_218 = tpu.memref_slice %arg23[%dma_wait3A_216, %dma_wait3A_217] : memref<20480x64xbf16, #tpu.memory_space<vmem_shared>> -> memref<20480x64xbf16, #tpu.memory_space<vmem_shared>>
      tpu.wait_indirect_dma semaphore(%arg18 : memref<!tpu.dma_semaphore, #tpu.memory_space<semaphore_mem>>) src(%dma_wait3A_218 : memref<20480x64xbf16, #tpu.memory_space<vmem_shared>>) dst(%arg14 : memref<128x64xbf16, #tpu.memory_space<vmem>>)
      %dma_start3A_219 = arith.constant 0 : i32
      %dma_start3A_220 = tpu.memref_slice %arg10[%add3A_212, %dma_start3A_219] : memref<80x128xi32, #tpu.memory_space<vmem>> -> memref<1x128xi32, #tpu.memory_space<vmem>>
      %dma_start3A_221 = tpu.memref_squeeze %dma_start3A_220 : memref<1x128xi32, #tpu.memory_space<vmem>> -> memref<128xi32, #tpu.memory_space<vmem>>
      %dma_start3A_222 = arith.constant 0 : i32
      %dma_start3A_223 = arith.constant 0 : i32
      %dma_start3A_224 = tpu.memref_slice %arg24[%dma_start3A_222, %dma_start3A_223] : memref<10240x64xbf16, #tpu.memory_space<vmem_shared>> -> memref<10240x64xbf16, #tpu.memory_space<vmem_shared>>
      tpu.enqueue_indirect_dma source(%arg14 : memref<128x64xbf16, #tpu.memory_space<vmem>>) target(%dma_start3A_224 : memref<10240x64xbf16, #tpu.memory_space<vmem_shared>>) offsets(%dma_start3A_221 : memref<128xi32, #tpu.memory_space<vmem>>) semaphore(%arg22 : memref<!tpu.dma_semaphore, #tpu.memory_space<semaphore_mem>>) {add = true}
      %add3A_225 = arith.constant 4 : i32
      %add3A_226 = arith.addi %add3A_212, %add3A_225 : i32
      %sub3A_227 = arith.constant 1 : i32
      %sub3A_228 = arith.subi %add3A_226, %sub3A_227 : i32
      %lt3A_229 = arith.constant 80 : i32
      %lt3A_230 = arith.cmpi slt, %sub3A_228, %lt3A_229 : i32
      %convert_element_type3A_231 = arith.extui %lt3A_230 : i1 to i32
      %cond3A_232 = arith.constant 0 : i32
      %cond3A_233 = arith.cmpi ne, %convert_element_type3A_231, %cond3A_232 : i32
      scf.if %cond3A_233 {
        %ge3A = arith.constant 1 : i32
        %ge3A_234 = arith.cmpi sge, %add3A_212, %ge3A : i32
        %convert_element_type3A_235 = arith.extui %ge3A_234 : i1 to i32
        %cond3A_236 = arith.constant 0 : i32
        %cond3A_237 = arith.cmpi ne, %convert_element_type3A_235, %cond3A_236 : i32
        scf.if %cond3A_237 {
          %dma_wait3A_248 = arith.constant 0 : i32
          %dma_wait3A_249 = arith.constant 0 : i32
          %dma_wait3A_250 = tpu.memref_slice %arg10[%dma_wait3A_248, %dma_wait3A_249] : memref<80x128xi32, #tpu.memory_space<vmem>> -> memref<1x128xi32, #tpu.memory_space<vmem>>
          %dma_wait3A_251 = tpu.memref_squeeze %dma_wait3A_250 : memref<1x128xi32, #tpu.memory_space<vmem>> -> memref<128xi32, #tpu.memory_space<vmem>>
          %dma_wait3A_252 = arith.constant 0 : i32
          %dma_wait3A_253 = arith.constant 0 : i32
          %dma_wait3A_254 = tpu.memref_slice %arg24[%dma_wait3A_252, %dma_wait3A_253] : memref<10240x64xbf16, #tpu.memory_space<vmem_shared>> -> memref<10240x64xbf16, #tpu.memory_space<vmem_shared>>
          tpu.wait_indirect_dma semaphore(%arg21 : memref<!tpu.dma_semaphore, #tpu.memory_space<semaphore_mem>>) src(%arg13 : memref<128x64xbf16, #tpu.memory_space<vmem>>) dst(%dma_wait3A_254 : memref<10240x64xbf16, #tpu.memory_space<vmem_shared>>)
        } else {
        }
        %add3A_238 = arith.constant 4 : i32
        %add3A_239 = arith.addi %add3A_212, %add3A_238 : i32
        %sub3A_240 = arith.constant 1 : i32
        %sub3A_241 = arith.subi %add3A_239, %sub3A_240 : i32
        %dma_start3A_242 = arith.constant 0 : i32
        %dma_start3A_243 = tpu.memref_slice %arg8[%sub3A_241, %dma_start3A_242] : memref<80x128xi32, #tpu.memory_space<vmem>> -> memref<1x128xi32, #tpu.memory_space<vmem>>
        %dma_start3A_244 = tpu.memref_squeeze %dma_start3A_243 : memref<1x128xi32, #tpu.memory_space<vmem>> -> memref<128xi32, #tpu.memory_space<vmem>>
        %dma_start3A_245 = arith.constant 0 : i32
        %dma_start3A_246 = arith.constant 0 : i32
        %dma_start3A_247 = tpu.memref_slice %arg23[%dma_start3A_245, %dma_start3A_246] : memref<20480x64xbf16, #tpu.memory_space<vmem_shared>> -> memref<20480x64xbf16, #tpu.memory_space<vmem_shared>>
        tpu.enqueue_indirect_dma source(%dma_start3A_247 : memref<20480x64xbf16, #tpu.memory_space<vmem_shared>>) target(%arg13 : memref<128x64xbf16, #tpu.memory_space<vmem>>) offsets(%dma_start3A_244 : memref<128xi32, #tpu.memory_space<vmem>>) semaphore(%arg17 : memref<!tpu.dma_semaphore, #tpu.memory_space<semaphore_mem>>)
      } else {
      }
    }
    %scan3A_33 = arith.constant 20 : i32
    %dma_wait3A = arith.constant 0 : i32
    %dma_wait3A_34 = arith.constant 0 : i32
    %dma_wait3A_35 = tpu.memref_slice %arg10[%dma_wait3A, %dma_wait3A_34] : memref<80x128xi32, #tpu.memory_space<vmem>> -> memref<1x128xi32, #tpu.memory_space<vmem>>
    %dma_wait3A_36 = tpu.memref_squeeze %dma_wait3A_35 : memref<1x128xi32, #tpu.memory_space<vmem>> -> memref<128xi32, #tpu.memory_space<vmem>>
    %dma_wait3A_37 = arith.constant 0 : i32
    %dma_wait3A_38 = arith.constant 0 : i32
    %dma_wait3A_39 = tpu.memref_slice %arg24[%dma_wait3A_37, %dma_wait3A_38] : memref<10240x64xbf16, #tpu.memory_space<vmem_shared>> -> memref<10240x64xbf16, #tpu.memory_space<vmem_shared>>
    tpu.wait_indirect_dma semaphore(%arg19 : memref<!tpu.dma_semaphore, #tpu.memory_space<semaphore_mem>>) src(%arg11 : memref<128x64xbf16, #tpu.memory_space<vmem>>) dst(%dma_wait3A_39 : memref<10240x64xbf16, #tpu.memory_space<vmem_shared>>)
    %dma_wait3A_40 = arith.constant 0 : i32
    %dma_wait3A_41 = arith.constant 0 : i32
    %dma_wait3A_42 = tpu.memref_slice %arg10[%dma_wait3A_40, %dma_wait3A_41] : memref<80x128xi32, #tpu.memory_space<vmem>> -> memref<1x128xi32, #tpu.memory_space<vmem>>
    %dma_wait3A_43 = tpu.memref_squeeze %dma_wait3A_42 : memref<1x128xi32, #tpu.memory_space<vmem>> -> memref<128xi32, #tpu.memory_space<vmem>>
    %dma_wait3A_44 = arith.constant 0 : i32
    %dma_wait3A_45 = arith.constant 0 : i32
    %dma_wait3A_46 = tpu.memref_slice %arg24[%dma_wait3A_44, %dma_wait3A_45] : memref<10240x64xbf16, #tpu.memory_space<vmem_shared>> -> memref<10240x64xbf16, #tpu.memory_space<vmem_shared>>
    tpu.wait_indirect_dma semaphore(%arg20 : memref<!tpu.dma_semaphore, #tpu.memory_space<semaphore_mem>>) src(%arg12 : memref<128x64xbf16, #tpu.memory_space<vmem>>) dst(%dma_wait3A_46 : memref<10240x64xbf16, #tpu.memory_space<vmem_shared>>)
    %dma_wait3A_47 = arith.constant 0 : i32
    %dma_wait3A_48 = arith.constant 0 : i32
    %dma_wait3A_49 = tpu.memref_slice %arg10[%dma_wait3A_47, %dma_wait3A_48] : memref<80x128xi32, #tpu.memory_space<vmem>> -> memref<1x128xi32, #tpu.memory_space<vmem>>
    %dma_wait3A_50 = tpu.memref_squeeze %dma_wait3A_49 : memref<1x128xi32, #tpu.memory_space<vmem>> -> memref<128xi32, #tpu.memory_space<vmem>>
    %dma_wait3A_51 = arith.constant 0 : i32
    %dma_wait3A_52 = arith.constant 0 : i32
    %dma_wait3A_53 = tpu.memref_slice %arg24[%dma_wait3A_51, %dma_wait3A_52] : memref<10240x64xbf16, #tpu.memory_space<vmem_shared>> -> memref<10240x64xbf16, #tpu.memory_space<vmem_shared>>
    tpu.wait_indirect_dma semaphore(%arg21 : memref<!tpu.dma_semaphore, #tpu.memory_space<semaphore_mem>>) src(%arg13 : memref<128x64xbf16, #tpu.memory_space<vmem>>) dst(%dma_wait3A_53 : memref<10240x64xbf16, #tpu.memory_space<vmem_shared>>)
    %dma_wait3A_54 = arith.constant 0 : i32
    %dma_wait3A_55 = arith.constant 0 : i32
    %dma_wait3A_56 = tpu.memref_slice %arg10[%dma_wait3A_54, %dma_wait3A_55] : memref<80x128xi32, #tpu.memory_space<vmem>> -> memref<1x128xi32, #tpu.memory_space<vmem>>
    %dma_wait3A_57 = tpu.memref_squeeze %dma_wait3A_56 : memref<1x128xi32, #tpu.memory_space<vmem>> -> memref<128xi32, #tpu.memory_space<vmem>>
    %dma_wait3A_58 = arith.constant 0 : i32
    %dma_wait3A_59 = arith.constant 0 : i32
    %dma_wait3A_60 = tpu.memref_slice %arg24[%dma_wait3A_58, %dma_wait3A_59] : memref<10240x64xbf16, #tpu.memory_space<vmem_shared>> -> memref<10240x64xbf16, #tpu.memory_space<vmem_shared>>
    tpu.wait_indirect_dma semaphore(%arg22 : memref<!tpu.dma_semaphore, #tpu.memory_space<semaphore_mem>>) src(%arg14 : memref<128x64xbf16, #tpu.memory_space<vmem>>) dst(%dma_wait3A_60 : memref<10240x64xbf16, #tpu.memory_space<vmem_shared>>)
    %barrier3A_61 = arith.constant 0 : index
    tpu.barrier barrier_id(%barrier3A_61)
    %mul3A_62 = arith.constant 640 : i32
    %mul3A_63 = arith.muli %arg1, %mul3A_62 : i32
    %mul3A_64 = arith.constant 16 : i32
    %mul3A_65 = arith.muli %arg0, %mul3A_64 : i32
    %add3A_66 = arith.constant 0 : i32
    %add3A_67 = arith.addi %add3A_66, %mul3A_65 : i32
    %add3A_68 = arith.addi %add3A_67, %arg1 : i32
    "tpu.region"() ({
      %run_scoped3A = tpu.sem_alloc : memref<!tpu.dma_semaphore, #tpu.memory_space<semaphore_mem>>
      %dma_start3A_137 = arith.constant 0 : i32
      %dma_start3A_138 = arith.constant 0 : i32
      %dma_start3A_139 = tpu.memref_slice %arg7[%add3A_68, %dma_start3A_137, %dma_start3A_138] : memref<64x640x64xbf16, #tpu.memory_space<hbm>> -> memref<1x640x64xbf16, #tpu.memory_space<hbm>>
      %dma_start3A_140 = tpu.memref_squeeze %dma_start3A_139 : memref<1x640x64xbf16, #tpu.memory_space<hbm>> -> memref<640x64xbf16, #tpu.memory_space<hbm>>
      %dma_start3A_141 = arith.constant 0 : i32
      %dma_start3A_142 = tpu.memref_slice %arg24[%mul3A_63, %dma_start3A_141] : memref<10240x64xbf16, #tpu.memory_space<vmem_shared>> -> memref<640x64xbf16, #tpu.memory_space<vmem_shared>>
      tpu.enqueue_dma source(%dma_start3A_142 : memref<640x64xbf16, #tpu.memory_space<vmem_shared>>) target(%dma_start3A_140 : memref<640x64xbf16, #tpu.memory_space<hbm>>) target_semaphore(%run_scoped3A : memref<!tpu.dma_semaphore, #tpu.memory_space<semaphore_mem>>)
      %dma_wait3A_143 = arith.constant 0 : i32
      %dma_wait3A_144 = arith.constant 0 : i32
      %dma_wait3A_145 = tpu.memref_slice %arg7[%add3A_68, %dma_wait3A_143, %dma_wait3A_144] : memref<64x640x64xbf16, #tpu.memory_space<hbm>> -> memref<1x640x64xbf16, #tpu.memory_space<hbm>>
      %dma_wait3A_146 = tpu.memref_squeeze %dma_wait3A_145 : memref<1x640x64xbf16, #tpu.memory_space<hbm>> -> memref<640x64xbf16, #tpu.memory_space<hbm>>
      %dma_wait3A_147 = arith.constant 0 : i32
      %dma_wait3A_148 = tpu.memref_slice %arg24[%mul3A_63, %dma_wait3A_147] : memref<10240x64xbf16, #tpu.memory_space<vmem_shared>> -> memref<640x64xbf16, #tpu.memory_space<vmem_shared>>
      tpu.wait_dma2 semaphore(%run_scoped3A : memref<!tpu.dma_semaphore, #tpu.memory_space<semaphore_mem>>) src(%dma_wait3A_148 : memref<640x64xbf16, #tpu.memory_space<vmem_shared>>) dst(%dma_wait3A_146 : memref<640x64xbf16, #tpu.memory_space<hbm>>)
      tpu.yield
    }) : () -> ()
    %mul3A_69 = arith.constant 640 : i32
    %mul3A_70 = arith.muli %arg1, %mul3A_69 : i32
    %mul3A_71 = arith.constant 640 : i32
    %mul3A_72 = arith.muli %arg1, %mul3A_71 : i32
    "tpu.region"() ({
      %run_scoped3A = tpu.sem_alloc : memref<!tpu.dma_semaphore, #tpu.memory_space<semaphore_mem>>
      %dma_start3A_137 = arith.constant 0 : i32
      %dma_start3A_138 = tpu.memref_slice %arg24[%mul3A_72, %dma_start3A_137] : memref<10240x64xbf16, #tpu.memory_space<vmem_shared>> -> memref<640x64xbf16, #tpu.memory_space<vmem_shared>>
      %dma_start3A_139 = arith.constant 0 : i32
      %dma_start3A_140 = tpu.memref_slice %arg6[%mul3A_70, %dma_start3A_139] : memref<10240x64xbf16, #tpu.memory_space<hbm>> -> memref<640x64xbf16, #tpu.memory_space<hbm>>
      tpu.enqueue_dma source(%dma_start3A_140 : memref<640x64xbf16, #tpu.memory_space<hbm>>) target(%dma_start3A_138 : memref<640x64xbf16, #tpu.memory_space<vmem_shared>>) target_semaphore(%run_scoped3A : memref<!tpu.dma_semaphore, #tpu.memory_space<semaphore_mem>>)
      %dma_wait3A_141 = arith.constant 0 : i32
      %dma_wait3A_142 = tpu.memref_slice %arg24[%mul3A_72, %dma_wait3A_141] : memref<10240x64xbf16, #tpu.memory_space<vmem_shared>> -> memref<640x64xbf16, #tpu.memory_space<vmem_shared>>
      %dma_wait3A_143 = arith.constant 0 : i32
      %dma_wait3A_144 = tpu.memref_slice %arg6[%mul3A_70, %dma_wait3A_143] : memref<10240x64xbf16, #tpu.memory_space<hbm>> -> memref<640x64xbf16, #tpu.memory_space<hbm>>
      tpu.wait_dma2 semaphore(%run_scoped3A : memref<!tpu.dma_semaphore, #tpu.memory_space<semaphore_mem>>) src(%dma_wait3A_144 : memref<640x64xbf16, #tpu.memory_space<hbm>>) dst(%dma_wait3A_142 : memref<640x64xbf16, #tpu.memory_space<vmem_shared>>)
      tpu.yield
    }) : () -> ()
    %barrier3A_73 = arith.constant 0 : index
    tpu.barrier barrier_id(%barrier3A_73)
    %dma_start3A_74 = arith.constant 0 : i32
    %dma_start3A_75 = arith.constant 0 : i32
    %dma_start3A_76 = tpu.memref_slice %arg9[%dma_start3A_74, %dma_start3A_75] : memref<80x128xi32, #tpu.memory_space<vmem>> -> memref<1x128xi32, #tpu.memory_space<vmem>>
    %dma_start3A_77 = tpu.memref_squeeze %dma_start3A_76 : memref<1x128xi32, #tpu.memory_space<vmem>> -> memref<128xi32, #tpu.memory_space<vmem>>
    %dma_start3A_78 = arith.constant 0 : i32
    %dma_start3A_79 = arith.constant 0 : i32
    %dma_start3A_80 = tpu.memref_slice %arg23[%dma_start3A_78, %dma_start3A_79] : memref<20480x64xbf16, #tpu.memory_space<vmem_shared>> -> memref<20480x64xbf16, #tpu.memory_space<vmem_shared>>
    tpu.enqueue_indirect_dma source(%dma_start3A_80 : memref<20480x64xbf16, #tpu.memory_space<vmem_shared>>) target(%arg11 : memref<128x64xbf16, #tpu.memory_space<vmem>>) offsets(%dma_start3A_77 : memref<128xi32, #tpu.memory_space<vmem>>) semaphore(%arg15 : memref<!tpu.dma_semaphore, #tpu.memory_space<semaphore_mem>>)
    %dma_start3A_81 = arith.constant 1 : i32
    %dma_start3A_82 = arith.constant 0 : i32
    %dma_start3A_83 = tpu.memref_slice %arg9[%dma_start3A_81, %dma_start3A_82] : memref<80x128xi32, #tpu.memory_space<vmem>> -> memref<1x128xi32, #tpu.memory_space<vmem>>
    %dma_start3A_84 = tpu.memref_squeeze %dma_start3A_83 : memref<1x128xi32, #tpu.memory_space<vmem>> -> memref<128xi32, #tpu.memory_space<vmem>>
    %dma_start3A_85 = arith.constant 0 : i32
    %dma_start3A_86 = arith.constant 0 : i32
    %dma_start3A_87 = tpu.memref_slice %arg23[%dma_start3A_85, %dma_start3A_86] : memref<20480x64xbf16, #tpu.memory_space<vmem_shared>> -> memref<20480x64xbf16, #tpu.memory_space<vmem_shared>>
    tpu.enqueue_indirect_dma source(%dma_start3A_87 : memref<20480x64xbf16, #tpu.memory_space<vmem_shared>>) target(%arg12 : memref<128x64xbf16, #tpu.memory_space<vmem>>) offsets(%dma_start3A_84 : memref<128xi32, #tpu.memory_space<vmem>>) semaphore(%arg16 : memref<!tpu.dma_semaphore, #tpu.memory_space<semaphore_mem>>)
    %dma_start3A_88 = arith.constant 2 : i32
    %dma_start3A_89 = arith.constant 0 : i32
    %dma_start3A_90 = tpu.memref_slice %arg9[%dma_start3A_88, %dma_start3A_89] : memref<80x128xi32, #tpu.memory_space<vmem>> -> memref<1x128xi32, #tpu.memory_space<vmem>>
    %dma_start3A_91 = tpu.memref_squeeze %dma_start3A_90 : memref<1x128xi32, #tpu.memory_space<vmem>> -> memref<128xi32, #tpu.memory_space<vmem>>
    %dma_start3A_92 = arith.constant 0 : i32
    %dma_start3A_93 = arith.constant 0 : i32
    %dma_start3A_94 = tpu.memref_slice %arg23[%dma_start3A_92, %dma_start3A_93] : memref<20480x64xbf16, #tpu.memory_space<vmem_shared>> -> memref<20480x64xbf16, #tpu.memory_space<vmem_shared>>
    tpu.enqueue_indirect_dma source(%dma_start3A_94 : memref<20480x64xbf16, #tpu.memory_space<vmem_shared>>) target(%arg13 : memref<128x64xbf16, #tpu.memory_space<vmem>>) offsets(%dma_start3A_91 : memref<128xi32, #tpu.memory_space<vmem>>) semaphore(%arg17 : memref<!tpu.dma_semaphore, #tpu.memory_space<semaphore_mem>>)
    %scan3A_95 = arith.constant 0 : i32
    %scan3A_96 = arith.constant 0 : i32
    %scan3A_97 = arith.constant 20 : i32
    %scan3A_98 = arith.addi %scan3A_96, %scan3A_97 : i32
    %scan3A_99 = arith.constant 1 : i32
    scf.for %scan3A_137 = %scan3A_96 to %scan3A_98 step %scan3A_99  : i32 {
      %mul3A_138 = arith.constant 4 : i32
      %mul3A_139 = arith.muli %mul3A_138, %scan3A_137 : i32
      %add3A_140 = arith.constant 0 : i32
      %add3A_141 = arith.addi %mul3A_139, %add3A_140 : i32
      %dma_wait3A_142 = arith.constant 0 : i32
      %dma_wait3A_143 = tpu.memref_slice %arg9[%add3A_141, %dma_wait3A_142] : memref<80x128xi32, #tpu.memory_space<vmem>> -> memref<1x128xi32, #tpu.memory_space<vmem>>
      %dma_wait3A_144 = tpu.memref_squeeze %dma_wait3A_143 : memref<1x128xi32, #tpu.memory_space<vmem>> -> memref<128xi32, #tpu.memory_space<vmem>>
      %dma_wait3A_145 = arith.constant 0 : i32
      %dma_wait3A_146 = arith.constant 0 : i32
      %dma_wait3A_147 = tpu.memref_slice %arg23[%dma_wait3A_145, %dma_wait3A_146] : memref<20480x64xbf16, #tpu.memory_space<vmem_shared>> -> memref<20480x64xbf16, #tpu.memory_space<vmem_shared>>
      tpu.wait_indirect_dma semaphore(%arg15 : memref<!tpu.dma_semaphore, #tpu.memory_space<semaphore_mem>>) src(%dma_wait3A_147 : memref<20480x64xbf16, #tpu.memory_space<vmem_shared>>) dst(%arg11 : memref<128x64xbf16, #tpu.memory_space<vmem>>)
      %dma_start3A_148 = arith.constant 0 : i32
      %dma_start3A_149 = tpu.memref_slice %arg10[%add3A_141, %dma_start3A_148] : memref<80x128xi32, #tpu.memory_space<vmem>> -> memref<1x128xi32, #tpu.memory_space<vmem>>
      %dma_start3A_150 = tpu.memref_squeeze %dma_start3A_149 : memref<1x128xi32, #tpu.memory_space<vmem>> -> memref<128xi32, #tpu.memory_space<vmem>>
      %dma_start3A_151 = arith.constant 0 : i32
      %dma_start3A_152 = arith.constant 0 : i32
      %dma_start3A_153 = tpu.memref_slice %arg24[%dma_start3A_151, %dma_start3A_152] : memref<10240x64xbf16, #tpu.memory_space<vmem_shared>> -> memref<10240x64xbf16, #tpu.memory_space<vmem_shared>>
      tpu.enqueue_indirect_dma source(%arg11 : memref<128x64xbf16, #tpu.memory_space<vmem>>) target(%dma_start3A_153 : memref<10240x64xbf16, #tpu.memory_space<vmem_shared>>) offsets(%dma_start3A_150 : memref<128xi32, #tpu.memory_space<vmem>>) semaphore(%arg19 : memref<!tpu.dma_semaphore, #tpu.memory_space<semaphore_mem>>) {add = true}
      %add3A_154 = arith.constant 4 : i32
      %add3A_155 = arith.addi %add3A_141, %add3A_154 : i32
      %sub3A = arith.constant 1 : i32
      %sub3A_156 = arith.subi %add3A_155, %sub3A : i32
      %lt3A = arith.constant 80 : i32
      %lt3A_157 = arith.cmpi slt, %sub3A_156, %lt3A : i32
      %convert_element_type3A = arith.extui %lt3A_157 : i1 to i32
      %cond3A = arith.constant 0 : i32
      %cond3A_158 = arith.cmpi ne, %convert_element_type3A, %cond3A : i32
      scf.if %cond3A_158 {
        %ge3A = arith.constant 1 : i32
        %ge3A_234 = arith.cmpi sge, %add3A_141, %ge3A : i32
        %convert_element_type3A_235 = arith.extui %ge3A_234 : i1 to i32
        %cond3A_236 = arith.constant 0 : i32
        %cond3A_237 = arith.cmpi ne, %convert_element_type3A_235, %cond3A_236 : i32
        scf.if %cond3A_237 {
          %dma_wait3A_248 = arith.constant 0 : i32
          %dma_wait3A_249 = arith.constant 0 : i32
          %dma_wait3A_250 = tpu.memref_slice %arg10[%dma_wait3A_248, %dma_wait3A_249] : memref<80x128xi32, #tpu.memory_space<vmem>> -> memref<1x128xi32, #tpu.memory_space<vmem>>
          %dma_wait3A_251 = tpu.memref_squeeze %dma_wait3A_250 : memref<1x128xi32, #tpu.memory_space<vmem>> -> memref<128xi32, #tpu.memory_space<vmem>>
          %dma_wait3A_252 = arith.constant 0 : i32
          %dma_wait3A_253 = arith.constant 0 : i32
          %dma_wait3A_254 = tpu.memref_slice %arg24[%dma_wait3A_252, %dma_wait3A_253] : memref<10240x64xbf16, #tpu.memory_space<vmem_shared>> -> memref<10240x64xbf16, #tpu.memory_space<vmem_shared>>
          tpu.wait_indirect_dma semaphore(%arg22 : memref<!tpu.dma_semaphore, #tpu.memory_space<semaphore_mem>>) src(%arg14 : memref<128x64xbf16, #tpu.memory_space<vmem>>) dst(%dma_wait3A_254 : memref<10240x64xbf16, #tpu.memory_space<vmem_shared>>)
        } else {
        }
        %add3A_238 = arith.constant 4 : i32
        %add3A_239 = arith.addi %add3A_141, %add3A_238 : i32
        %sub3A_240 = arith.constant 1 : i32
        %sub3A_241 = arith.subi %add3A_239, %sub3A_240 : i32
        %dma_start3A_242 = arith.constant 0 : i32
        %dma_start3A_243 = tpu.memref_slice %arg9[%sub3A_241, %dma_start3A_242] : memref<80x128xi32, #tpu.memory_space<vmem>> -> memref<1x128xi32, #tpu.memory_space<vmem>>
        %dma_start3A_244 = tpu.memref_squeeze %dma_start3A_243 : memref<1x128xi32, #tpu.memory_space<vmem>> -> memref<128xi32, #tpu.memory_space<vmem>>
        %dma_start3A_245 = arith.constant 0 : i32
        %dma_start3A_246 = arith.constant 0 : i32
        %dma_start3A_247 = tpu.memref_slice %arg23[%dma_start3A_245, %dma_start3A_246] : memref<20480x64xbf16, #tpu.memory_space<vmem_shared>> -> memref<20480x64xbf16, #tpu.memory_space<vmem_shared>>
        tpu.enqueue_indirect_dma source(%dma_start3A_247 : memref<20480x64xbf16, #tpu.memory_space<vmem_shared>>) target(%arg14 : memref<128x64xbf16, #tpu.memory_space<vmem>>) offsets(%dma_start3A_244 : memref<128xi32, #tpu.memory_space<vmem>>) semaphore(%arg18 : memref<!tpu.dma_semaphore, #tpu.memory_space<semaphore_mem>>)
      } else {
      }
      %mul3A_159 = arith.constant 4 : i32
      %mul3A_160 = arith.muli %mul3A_159, %scan3A_137 : i32
      %add3A_161 = arith.constant 1 : i32
      %add3A_162 = arith.addi %mul3A_160, %add3A_161 : i32
      %dma_wait3A_163 = arith.constant 0 : i32
      %dma_wait3A_164 = tpu.memref_slice %arg9[%add3A_162, %dma_wait3A_163] : memref<80x128xi32, #tpu.memory_space<vmem>> -> memref<1x128xi32, #tpu.memory_space<vmem>>
      %dma_wait3A_165 = tpu.memref_squeeze %dma_wait3A_164 : memref<1x128xi32, #tpu.memory_space<vmem>> -> memref<128xi32, #tpu.memory_space<vmem>>
      %dma_wait3A_166 = arith.constant 0 : i32
      %dma_wait3A_167 = arith.constant 0 : i32
      %dma_wait3A_168 = tpu.memref_slice %arg23[%dma_wait3A_166, %dma_wait3A_167] : memref<20480x64xbf16, #tpu.memory_space<vmem_shared>> -> memref<20480x64xbf16, #tpu.memory_space<vmem_shared>>
      tpu.wait_indirect_dma semaphore(%arg16 : memref<!tpu.dma_semaphore, #tpu.memory_space<semaphore_mem>>) src(%dma_wait3A_168 : memref<20480x64xbf16, #tpu.memory_space<vmem_shared>>) dst(%arg12 : memref<128x64xbf16, #tpu.memory_space<vmem>>)
      %dma_start3A_169 = arith.constant 0 : i32
      %dma_start3A_170 = tpu.memref_slice %arg10[%add3A_162, %dma_start3A_169] : memref<80x128xi32, #tpu.memory_space<vmem>> -> memref<1x128xi32, #tpu.memory_space<vmem>>
      %dma_start3A_171 = tpu.memref_squeeze %dma_start3A_170 : memref<1x128xi32, #tpu.memory_space<vmem>> -> memref<128xi32, #tpu.memory_space<vmem>>
      %dma_start3A_172 = arith.constant 0 : i32
      %dma_start3A_173 = arith.constant 0 : i32
      %dma_start3A_174 = tpu.memref_slice %arg24[%dma_start3A_172, %dma_start3A_173] : memref<10240x64xbf16, #tpu.memory_space<vmem_shared>> -> memref<10240x64xbf16, #tpu.memory_space<vmem_shared>>
      tpu.enqueue_indirect_dma source(%arg12 : memref<128x64xbf16, #tpu.memory_space<vmem>>) target(%dma_start3A_174 : memref<10240x64xbf16, #tpu.memory_space<vmem_shared>>) offsets(%dma_start3A_171 : memref<128xi32, #tpu.memory_space<vmem>>) semaphore(%arg20 : memref<!tpu.dma_semaphore, #tpu.memory_space<semaphore_mem>>) {add = true}
      %add3A_175 = arith.constant 4 : i32
      %add3A_176 = arith.addi %add3A_162, %add3A_175 : i32
      %sub3A_177 = arith.constant 1 : i32
      %sub3A_178 = arith.subi %add3A_176, %sub3A_177 : i32
      %lt3A_179 = arith.constant 80 : i32
      %lt3A_180 = arith.cmpi slt, %sub3A_178, %lt3A_179 : i32
      %convert_element_type3A_181 = arith.extui %lt3A_180 : i1 to i32
      %cond3A_182 = arith.constant 0 : i32
      %cond3A_183 = arith.cmpi ne, %convert_element_type3A_181, %cond3A_182 : i32
      scf.if %cond3A_183 {
        %ge3A = arith.constant 1 : i32
        %ge3A_234 = arith.cmpi sge, %add3A_162, %ge3A : i32
        %convert_element_type3A_235 = arith.extui %ge3A_234 : i1 to i32
        %cond3A_236 = arith.constant 0 : i32
        %cond3A_237 = arith.cmpi ne, %convert_element_type3A_235, %cond3A_236 : i32
        scf.if %cond3A_237 {
          %dma_wait3A_248 = arith.constant 0 : i32
          %dma_wait3A_249 = arith.constant 0 : i32
          %dma_wait3A_250 = tpu.memref_slice %arg10[%dma_wait3A_248, %dma_wait3A_249] : memref<80x128xi32, #tpu.memory_space<vmem>> -> memref<1x128xi32, #tpu.memory_space<vmem>>
          %dma_wait3A_251 = tpu.memref_squeeze %dma_wait3A_250 : memref<1x128xi32, #tpu.memory_space<vmem>> -> memref<128xi32, #tpu.memory_space<vmem>>
          %dma_wait3A_252 = arith.constant 0 : i32
          %dma_wait3A_253 = arith.constant 0 : i32
          %dma_wait3A_254 = tpu.memref_slice %arg24[%dma_wait3A_252, %dma_wait3A_253] : memref<10240x64xbf16, #tpu.memory_space<vmem_shared>> -> memref<10240x64xbf16, #tpu.memory_space<vmem_shared>>
          tpu.wait_indirect_dma semaphore(%arg19 : memref<!tpu.dma_semaphore, #tpu.memory_space<semaphore_mem>>) src(%arg11 : memref<128x64xbf16, #tpu.memory_space<vmem>>) dst(%dma_wait3A_254 : memref<10240x64xbf16, #tpu.memory_space<vmem_shared>>)
        } else {
        }
        %add3A_238 = arith.constant 4 : i32
        %add3A_239 = arith.addi %add3A_162, %add3A_238 : i32
        %sub3A_240 = arith.constant 1 : i32
        %sub3A_241 = arith.subi %add3A_239, %sub3A_240 : i32
        %dma_start3A_242 = arith.constant 0 : i32
        %dma_start3A_243 = tpu.memref_slice %arg9[%sub3A_241, %dma_start3A_242] : memref<80x128xi32, #tpu.memory_space<vmem>> -> memref<1x128xi32, #tpu.memory_space<vmem>>
        %dma_start3A_244 = tpu.memref_squeeze %dma_start3A_243 : memref<1x128xi32, #tpu.memory_space<vmem>> -> memref<128xi32, #tpu.memory_space<vmem>>
        %dma_start3A_245 = arith.constant 0 : i32
        %dma_start3A_246 = arith.constant 0 : i32
        %dma_start3A_247 = tpu.memref_slice %arg23[%dma_start3A_245, %dma_start3A_246] : memref<20480x64xbf16, #tpu.memory_space<vmem_shared>> -> memref<20480x64xbf16, #tpu.memory_space<vmem_shared>>
        tpu.enqueue_indirect_dma source(%dma_start3A_247 : memref<20480x64xbf16, #tpu.memory_space<vmem_shared>>) target(%arg11 : memref<128x64xbf16, #tpu.memory_space<vmem>>) offsets(%dma_start3A_244 : memref<128xi32, #tpu.memory_space<vmem>>) semaphore(%arg15 : memref<!tpu.dma_semaphore, #tpu.memory_space<semaphore_mem>>)
      } else {
      }
      %mul3A_184 = arith.constant 4 : i32
      %mul3A_185 = arith.muli %mul3A_184, %scan3A_137 : i32
      %add3A_186 = arith.constant 2 : i32
      %add3A_187 = arith.addi %mul3A_185, %add3A_186 : i32
      %dma_wait3A_188 = arith.constant 0 : i32
      %dma_wait3A_189 = tpu.memref_slice %arg9[%add3A_187, %dma_wait3A_188] : memref<80x128xi32, #tpu.memory_space<vmem>> -> memref<1x128xi32, #tpu.memory_space<vmem>>
      %dma_wait3A_190 = tpu.memref_squeeze %dma_wait3A_189 : memref<1x128xi32, #tpu.memory_space<vmem>> -> memref<128xi32, #tpu.memory_space<vmem>>
      %dma_wait3A_191 = arith.constant 0 : i32
      %dma_wait3A_192 = arith.constant 0 : i32
      %dma_wait3A_193 = tpu.memref_slice %arg23[%dma_wait3A_191, %dma_wait3A_192] : memref<20480x64xbf16, #tpu.memory_space<vmem_shared>> -> memref<20480x64xbf16, #tpu.memory_space<vmem_shared>>
      tpu.wait_indirect_dma semaphore(%arg17 : memref<!tpu.dma_semaphore, #tpu.memory_space<semaphore_mem>>) src(%dma_wait3A_193 : memref<20480x64xbf16, #tpu.memory_space<vmem_shared>>) dst(%arg13 : memref<128x64xbf16, #tpu.memory_space<vmem>>)
      %dma_start3A_194 = arith.constant 0 : i32
      %dma_start3A_195 = tpu.memref_slice %arg10[%add3A_187, %dma_start3A_194] : memref<80x128xi32, #tpu.memory_space<vmem>> -> memref<1x128xi32, #tpu.memory_space<vmem>>
      %dma_start3A_196 = tpu.memref_squeeze %dma_start3A_195 : memref<1x128xi32, #tpu.memory_space<vmem>> -> memref<128xi32, #tpu.memory_space<vmem>>
      %dma_start3A_197 = arith.constant 0 : i32
      %dma_start3A_198 = arith.constant 0 : i32
      %dma_start3A_199 = tpu.memref_slice %arg24[%dma_start3A_197, %dma_start3A_198] : memref<10240x64xbf16, #tpu.memory_space<vmem_shared>> -> memref<10240x64xbf16, #tpu.memory_space<vmem_shared>>
      tpu.enqueue_indirect_dma source(%arg13 : memref<128x64xbf16, #tpu.memory_space<vmem>>) target(%dma_start3A_199 : memref<10240x64xbf16, #tpu.memory_space<vmem_shared>>) offsets(%dma_start3A_196 : memref<128xi32, #tpu.memory_space<vmem>>) semaphore(%arg21 : memref<!tpu.dma_semaphore, #tpu.memory_space<semaphore_mem>>) {add = true}
      %add3A_200 = arith.constant 4 : i32
      %add3A_201 = arith.addi %add3A_187, %add3A_200 : i32
      %sub3A_202 = arith.constant 1 : i32
      %sub3A_203 = arith.subi %add3A_201, %sub3A_202 : i32
      %lt3A_204 = arith.constant 80 : i32
      %lt3A_205 = arith.cmpi slt, %sub3A_203, %lt3A_204 : i32
      %convert_element_type3A_206 = arith.extui %lt3A_205 : i1 to i32
      %cond3A_207 = arith.constant 0 : i32
      %cond3A_208 = arith.cmpi ne, %convert_element_type3A_206, %cond3A_207 : i32
      scf.if %cond3A_208 {
        %ge3A = arith.constant 1 : i32
        %ge3A_234 = arith.cmpi sge, %add3A_187, %ge3A : i32
        %convert_element_type3A_235 = arith.extui %ge3A_234 : i1 to i32
        %cond3A_236 = arith.constant 0 : i32
        %cond3A_237 = arith.cmpi ne, %convert_element_type3A_235, %cond3A_236 : i32
        scf.if %cond3A_237 {
          %dma_wait3A_248 = arith.constant 0 : i32
          %dma_wait3A_249 = arith.constant 0 : i32
          %dma_wait3A_250 = tpu.memref_slice %arg10[%dma_wait3A_248, %dma_wait3A_249] : memref<80x128xi32, #tpu.memory_space<vmem>> -> memref<1x128xi32, #tpu.memory_space<vmem>>
          %dma_wait3A_251 = tpu.memref_squeeze %dma_wait3A_250 : memref<1x128xi32, #tpu.memory_space<vmem>> -> memref<128xi32, #tpu.memory_space<vmem>>
          %dma_wait3A_252 = arith.constant 0 : i32
          %dma_wait3A_253 = arith.constant 0 : i32
          %dma_wait3A_254 = tpu.memref_slice %arg24[%dma_wait3A_252, %dma_wait3A_253] : memref<10240x64xbf16, #tpu.memory_space<vmem_shared>> -> memref<10240x64xbf16, #tpu.memory_space<vmem_shared>>
          tpu.wait_indirect_dma semaphore(%arg20 : memref<!tpu.dma_semaphore, #tpu.memory_space<semaphore_mem>>) src(%arg12 : memref<128x64xbf16, #tpu.memory_space<vmem>>) dst(%dma_wait3A_254 : memref<10240x64xbf16, #tpu.memory_space<vmem_shared>>)
        } else {
        }
        %add3A_238 = arith.constant 4 : i32
        %add3A_239 = arith.addi %add3A_187, %add3A_238 : i32
        %sub3A_240 = arith.constant 1 : i32
        %sub3A_241 = arith.subi %add3A_239, %sub3A_240 : i32
        %dma_start3A_242 = arith.constant 0 : i32
        %dma_start3A_243 = tpu.memref_slice %arg9[%sub3A_241, %dma_start3A_242] : memref<80x128xi32, #tpu.memory_space<vmem>> -> memref<1x128xi32, #tpu.memory_space<vmem>>
        %dma_start3A_244 = tpu.memref_squeeze %dma_start3A_243 : memref<1x128xi32, #tpu.memory_space<vmem>> -> memref<128xi32, #tpu.memory_space<vmem>>
        %dma_start3A_245 = arith.constant 0 : i32
        %dma_start3A_246 = arith.constant 0 : i32
        %dma_start3A_247 = tpu.memref_slice %arg23[%dma_start3A_245, %dma_start3A_246] : memref<20480x64xbf16, #tpu.memory_space<vmem_shared>> -> memref<20480x64xbf16, #tpu.memory_space<vmem_shared>>
        tpu.enqueue_indirect_dma source(%dma_start3A_247 : memref<20480x64xbf16, #tpu.memory_space<vmem_shared>>) target(%arg12 : memref<128x64xbf16, #tpu.memory_space<vmem>>) offsets(%dma_start3A_244 : memref<128xi32, #tpu.memory_space<vmem>>) semaphore(%arg16 : memref<!tpu.dma_semaphore, #tpu.memory_space<semaphore_mem>>)
      } else {
      }
      %mul3A_209 = arith.constant 4 : i32
      %mul3A_210 = arith.muli %mul3A_209, %scan3A_137 : i32
      %add3A_211 = arith.constant 3 : i32
      %add3A_212 = arith.addi %mul3A_210, %add3A_211 : i32
      %dma_wait3A_213 = arith.constant 0 : i32
      %dma_wait3A_214 = tpu.memref_slice %arg9[%add3A_212, %dma_wait3A_213] : memref<80x128xi32, #tpu.memory_space<vmem>> -> memref<1x128xi32, #tpu.memory_space<vmem>>
      %dma_wait3A_215 = tpu.memref_squeeze %dma_wait3A_214 : memref<1x128xi32, #tpu.memory_space<vmem>> -> memref<128xi32, #tpu.memory_space<vmem>>
      %dma_wait3A_216 = arith.constant 0 : i32
      %dma_wait3A_217 = arith.constant 0 : i32
      %dma_wait3A_218 = tpu.memref_slice %arg23[%dma_wait3A_216, %dma_wait3A_217] : memref<20480x64xbf16, #tpu.memory_space<vmem_shared>> -> memref<20480x64xbf16, #tpu.memory_space<vmem_shared>>
      tpu.wait_indirect_dma semaphore(%arg18 : memref<!tpu.dma_semaphore, #tpu.memory_space<semaphore_mem>>) src(%dma_wait3A_218 : memref<20480x64xbf16, #tpu.memory_space<vmem_shared>>) dst(%arg14 : memref<128x64xbf16, #tpu.memory_space<vmem>>)
      %dma_start3A_219 = arith.constant 0 : i32
      %dma_start3A_220 = tpu.memref_slice %arg10[%add3A_212, %dma_start3A_219] : memref<80x128xi32, #tpu.memory_space<vmem>> -> memref<1x128xi32, #tpu.memory_space<vmem>>
      %dma_start3A_221 = tpu.memref_squeeze %dma_start3A_220 : memref<1x128xi32, #tpu.memory_space<vmem>> -> memref<128xi32, #tpu.memory_space<vmem>>
      %dma_start3A_222 = arith.constant 0 : i32
      %dma_start3A_223 = arith.constant 0 : i32
      %dma_start3A_224 = tpu.memref_slice %arg24[%dma_start3A_222, %dma_start3A_223] : memref<10240x64xbf16, #tpu.memory_space<vmem_shared>> -> memref<10240x64xbf16, #tpu.memory_space<vmem_shared>>
      tpu.enqueue_indirect_dma source(%arg14 : memref<128x64xbf16, #tpu.memory_space<vmem>>) target(%dma_start3A_224 : memref<10240x64xbf16, #tpu.memory_space<vmem_shared>>) offsets(%dma_start3A_221 : memref<128xi32, #tpu.memory_space<vmem>>) semaphore(%arg22 : memref<!tpu.dma_semaphore, #tpu.memory_space<semaphore_mem>>) {add = true}
      %add3A_225 = arith.constant 4 : i32
      %add3A_226 = arith.addi %add3A_212, %add3A_225 : i32
      %sub3A_227 = arith.constant 1 : i32
      %sub3A_228 = arith.subi %add3A_226, %sub3A_227 : i32
      %lt3A_229 = arith.constant 80 : i32
      %lt3A_230 = arith.cmpi slt, %sub3A_228, %lt3A_229 : i32
      %convert_element_type3A_231 = arith.extui %lt3A_230 : i1 to i32
      %cond3A_232 = arith.constant 0 : i32
      %cond3A_233 = arith.cmpi ne, %convert_element_type3A_231, %cond3A_232 : i32
      scf.if %cond3A_233 {
        %ge3A = arith.constant 1 : i32
        %ge3A_234 = arith.cmpi sge, %add3A_212, %ge3A : i32
        %convert_element_type3A_235 = arith.extui %ge3A_234 : i1 to i32
        %cond3A_236 = arith.constant 0 : i32
        %cond3A_237 = arith.cmpi ne, %convert_element_type3A_235, %cond3A_236 : i32
        scf.if %cond3A_237 {
          %dma_wait3A_248 = arith.constant 0 : i32
          %dma_wait3A_249 = arith.constant 0 : i32
          %dma_wait3A_250 = tpu.memref_slice %arg10[%dma_wait3A_248, %dma_wait3A_249] : memref<80x128xi32, #tpu.memory_space<vmem>> -> memref<1x128xi32, #tpu.memory_space<vmem>>
          %dma_wait3A_251 = tpu.memref_squeeze %dma_wait3A_250 : memref<1x128xi32, #tpu.memory_space<vmem>> -> memref<128xi32, #tpu.memory_space<vmem>>
          %dma_wait3A_252 = arith.constant 0 : i32
          %dma_wait3A_253 = arith.constant 0 : i32
          %dma_wait3A_254 = tpu.memref_slice %arg24[%dma_wait3A_252, %dma_wait3A_253] : memref<10240x64xbf16, #tpu.memory_space<vmem_shared>> -> memref<10240x64xbf16, #tpu.memory_space<vmem_shared>>
          tpu.wait_indirect_dma semaphore(%arg21 : memref<!tpu.dma_semaphore, #tpu.memory_space<semaphore_mem>>) src(%arg13 : memref<128x64xbf16, #tpu.memory_space<vmem>>) dst(%dma_wait3A_254 : memref<10240x64xbf16, #tpu.memory_space<vmem_shared>>)
        } else {
        }
        %add3A_238 = arith.constant 4 : i32
        %add3A_239 = arith.addi %add3A_212, %add3A_238 : i32
        %sub3A_240 = arith.constant 1 : i32
        %sub3A_241 = arith.subi %add3A_239, %sub3A_240 : i32
        %dma_start3A_242 = arith.constant 0 : i32
        %dma_start3A_243 = tpu.memref_slice %arg9[%sub3A_241, %dma_start3A_242] : memref<80x128xi32, #tpu.memory_space<vmem>> -> memref<1x128xi32, #tpu.memory_space<vmem>>
        %dma_start3A_244 = tpu.memref_squeeze %dma_start3A_243 : memref<1x128xi32, #tpu.memory_space<vmem>> -> memref<128xi32, #tpu.memory_space<vmem>>
        %dma_start3A_245 = arith.constant 0 : i32
        %dma_start3A_246 = arith.constant 0 : i32
        %dma_start3A_247 = tpu.memref_slice %arg23[%dma_start3A_245, %dma_start3A_246] : memref<20480x64xbf16, #tpu.memory_space<vmem_shared>> -> memref<20480x64xbf16, #tpu.memory_space<vmem_shared>>
        tpu.enqueue_indirect_dma source(%dma_start3A_247 : memref<20480x64xbf16, #tpu.memory_space<vmem_shared>>) target(%arg13 : memref<128x64xbf16, #tpu.memory_space<vmem>>) offsets(%dma_start3A_244 : memref<128xi32, #tpu.memory_space<vmem>>) semaphore(%arg17 : memref<!tpu.dma_semaphore, #tpu.memory_space<semaphore_mem>>)
      } else {
      }
    }
    %scan3A_100 = arith.constant 20 : i32
    %dma_wait3A_101 = arith.constant 0 : i32
    %dma_wait3A_102 = arith.constant 0 : i32
    %dma_wait3A_103 = tpu.memref_slice %arg10[%dma_wait3A_101, %dma_wait3A_102] : memref<80x128xi32, #tpu.memory_space<vmem>> -> memref<1x128xi32, #tpu.memory_space<vmem>>
    %dma_wait3A_104 = tpu.memref_squeeze %dma_wait3A_103 : memref<1x128xi32, #tpu.memory_space<vmem>> -> memref<128xi32, #tpu.memory_space<vmem>>
    %dma_wait3A_105 = arith.constant 0 : i32
    %dma_wait3A_106 = arith.constant 0 : i32
    %dma_wait3A_107 = tpu.memref_slice %arg24[%dma_wait3A_105, %dma_wait3A_106] : memref<10240x64xbf16, #tpu.memory_space<vmem_shared>> -> memref<10240x64xbf16, #tpu.memory_space<vmem_shared>>
    tpu.wait_indirect_dma semaphore(%arg19 : memref<!tpu.dma_semaphore, #tpu.memory_space<semaphore_mem>>) src(%arg11 : memref<128x64xbf16, #tpu.memory_space<vmem>>) dst(%dma_wait3A_107 : memref<10240x64xbf16, #tpu.memory_space<vmem_shared>>)
    %dma_wait3A_108 = arith.constant 0 : i32
    %dma_wait3A_109 = arith.constant 0 : i32
    %dma_wait3A_110 = tpu.memref_slice %arg10[%dma_wait3A_108, %dma_wait3A_109] : memref<80x128xi32, #tpu.memory_space<vmem>> -> memref<1x128xi32, #tpu.memory_space<vmem>>
    %dma_wait3A_111 = tpu.memref_squeeze %dma_wait3A_110 : memref<1x128xi32, #tpu.memory_space<vmem>> -> memref<128xi32, #tpu.memory_space<vmem>>
    %dma_wait3A_112 = arith.constant 0 : i32
    %dma_wait3A_113 = arith.constant 0 : i32
    %dma_wait3A_114 = tpu.memref_slice %arg24[%dma_wait3A_112, %dma_wait3A_113] : memref<10240x64xbf16, #tpu.memory_space<vmem_shared>> -> memref<10240x64xbf16, #tpu.memory_space<vmem_shared>>
    tpu.wait_indirect_dma semaphore(%arg20 : memref<!tpu.dma_semaphore, #tpu.memory_space<semaphore_mem>>) src(%arg12 : memref<128x64xbf16, #tpu.memory_space<vmem>>) dst(%dma_wait3A_114 : memref<10240x64xbf16, #tpu.memory_space<vmem_shared>>)
    %dma_wait3A_115 = arith.constant 0 : i32
    %dma_wait3A_116 = arith.constant 0 : i32
    %dma_wait3A_117 = tpu.memref_slice %arg10[%dma_wait3A_115, %dma_wait3A_116] : memref<80x128xi32, #tpu.memory_space<vmem>> -> memref<1x128xi32, #tpu.memory_space<vmem>>
    %dma_wait3A_118 = tpu.memref_squeeze %dma_wait3A_117 : memref<1x128xi32, #tpu.memory_space<vmem>> -> memref<128xi32, #tpu.memory_space<vmem>>
    %dma_wait3A_119 = arith.constant 0 : i32
    %dma_wait3A_120 = arith.constant 0 : i32
    %dma_wait3A_121 = tpu.memref_slice %arg24[%dma_wait3A_119, %dma_wait3A_120] : memref<10240x64xbf16, #tpu.memory_space<vmem_shared>> -> memref<10240x64xbf16, #tpu.memory_space<vmem_shared>>
    tpu.wait_indirect_dma semaphore(%arg21 : memref<!tpu.dma_semaphore, #tpu.memory_space<semaphore_mem>>) src(%arg13 : memref<128x64xbf16, #tpu.memory_space<vmem>>) dst(%dma_wait3A_121 : memref<10240x64xbf16, #tpu.memory_space<vmem_shared>>)
    %dma_wait3A_122 = arith.constant 0 : i32
    %dma_wait3A_123 = arith.constant 0 : i32
    %dma_wait3A_124 = tpu.memref_slice %arg10[%dma_wait3A_122, %dma_wait3A_123] : memref<80x128xi32, #tpu.memory_space<vmem>> -> memref<1x128xi32, #tpu.memory_space<vmem>>
    %dma_wait3A_125 = tpu.memref_squeeze %dma_wait3A_124 : memref<1x128xi32, #tpu.memory_space<vmem>> -> memref<128xi32, #tpu.memory_space<vmem>>
    %dma_wait3A_126 = arith.constant 0 : i32
    %dma_wait3A_127 = arith.constant 0 : i32
    %dma_wait3A_128 = tpu.memref_slice %arg24[%dma_wait3A_126, %dma_wait3A_127] : memref<10240x64xbf16, #tpu.memory_space<vmem_shared>> -> memref<10240x64xbf16, #tpu.memory_space<vmem_shared>>
    tpu.wait_indirect_dma semaphore(%arg22 : memref<!tpu.dma_semaphore, #tpu.memory_space<semaphore_mem>>) src(%arg14 : memref<128x64xbf16, #tpu.memory_space<vmem>>) dst(%dma_wait3A_128 : memref<10240x64xbf16, #tpu.memory_space<vmem_shared>>)
    %barrier3A_129 = arith.constant 0 : index
    tpu.barrier barrier_id(%barrier3A_129)
    %mul3A_130 = arith.constant 640 : i32
    %mul3A_131 = arith.muli %arg1, %mul3A_130 : i32
    %mul3A_132 = arith.constant 16 : i32
    %mul3A_133 = arith.muli %arg0, %mul3A_132 : i32
    %add3A_134 = arith.constant 32 : i32
    %add3A_135 = arith.addi %add3A_134, %mul3A_133 : i32
    %add3A_136 = arith.addi %add3A_135, %arg1 : i32
    "tpu.region"() ({
      %run_scoped3A = tpu.sem_alloc : memref<!tpu.dma_semaphore, #tpu.memory_space<semaphore_mem>>
      %dma_start3A_137 = arith.constant 0 : i32
      %dma_start3A_138 = arith.constant 0 : i32
      %dma_start3A_139 = tpu.memref_slice %arg7[%add3A_136, %dma_start3A_137, %dma_start3A_138] : memref<64x640x64xbf16, #tpu.memory_space<hbm>> -> memref<1x640x64xbf16, #tpu.memory_space<hbm>>
      %dma_start3A_140 = tpu.memref_squeeze %dma_start3A_139 : memref<1x640x64xbf16, #tpu.memory_space<hbm>> -> memref<640x64xbf16, #tpu.memory_space<hbm>>
      %dma_start3A_141 = arith.constant 0 : i32
      %dma_start3A_142 = tpu.memref_slice %arg24[%mul3A_131, %dma_start3A_141] : memref<10240x64xbf16, #tpu.memory_space<vmem_shared>> -> memref<640x64xbf16, #tpu.memory_space<vmem_shared>>
      tpu.enqueue_dma source(%dma_start3A_142 : memref<640x64xbf16, #tpu.memory_space<vmem_shared>>) target(%dma_start3A_140 : memref<640x64xbf16, #tpu.memory_space<hbm>>) target_semaphore(%run_scoped3A : memref<!tpu.dma_semaphore, #tpu.memory_space<semaphore_mem>>)
      %dma_wait3A_143 = arith.constant 0 : i32
      %dma_wait3A_144 = arith.constant 0 : i32
      %dma_wait3A_145 = tpu.memref_slice %arg7[%add3A_136, %dma_wait3A_143, %dma_wait3A_144] : memref<64x640x64xbf16, #tpu.memory_space<hbm>> -> memref<1x640x64xbf16, #tpu.memory_space<hbm>>
      %dma_wait3A_146 = tpu.memref_squeeze %dma_wait3A_145 : memref<1x640x64xbf16, #tpu.memory_space<hbm>> -> memref<640x64xbf16, #tpu.memory_space<hbm>>
      %dma_wait3A_147 = arith.constant 0 : i32
      %dma_wait3A_148 = tpu.memref_slice %arg24[%mul3A_131, %dma_wait3A_147] : memref<10240x64xbf16, #tpu.memory_space<vmem_shared>> -> memref<640x64xbf16, #tpu.memory_space<vmem_shared>>
      tpu.wait_dma2 semaphore(%run_scoped3A : memref<!tpu.dma_semaphore, #tpu.memory_space<semaphore_mem>>) src(%dma_wait3A_148 : memref<640x64xbf16, #tpu.memory_space<vmem_shared>>) dst(%dma_wait3A_146 : memref<640x64xbf16, #tpu.memory_space<hbm>>)
      tpu.yield
    }) : () -> ()
    return
  }
}

module attributes {stable_mosaic.version = 14 : i64} {
  func.func @_lin_body(%arg0: i32, %arg1: memref<5120x128xf32, #tpu.memory_space<vmem>>, %arg2: memref<128x128xf32, #tpu.memory_space<vmem>>, %arg3: memref<1x128xf32, #tpu.memory_space<vmem>>, %arg4: memref<5120x128xbf16, #tpu.memory_space<vmem>>) attributes {dimension_semantics = [#tpu.dimension_semantics<arbitrary>], iteration_bounds = array<i64: 2>, scalar_prefetch = 0 : i64, scratch_operands = 0 : i64, tpu.core_type = #tpu.core_type<tc>, window_params = [{transform_indices = @transform_0, window_bounds = array<i64: 5120, 128>}, {pipeline_mode = #tpu.pipeline_mode<synchronous>, transform_indices = @transform_1, window_bounds = array<i64: 128, 128>}, {pipeline_mode = #tpu.pipeline_mode<synchronous>, transform_indices = @transform_2, window_bounds = array<i64: 1, 128>}, {transform_indices = @transform_3, window_bounds = array<i64: 5120, 128>}]} {
    %get3A = arith.constant 0 : index
    %get3A_0 = arith.constant 0 : index
    %get3A_1 = vector.load %arg1[%get3A, %get3A_0] : memref<5120x128xf32, #tpu.memory_space<vmem>>, vector<5120x128xf32>
    %get3A_2 = arith.constant 0 : index
    %get3A_3 = arith.constant 0 : index
    %get3A_4 = vector.load %arg2[%get3A_2, %get3A_3] : memref<128x128xf32, #tpu.memory_space<vmem>>, vector<128x128xf32>
    %dot_general3A = arith.constant dense<0.000000e+00> : vector<5120x128xf32>
    %dot_general3A_5 = tpu.matmul %get3A_1, %get3A_4, %dot_general3A {dimension_numbers = #tpu.dot_dimension_numbers<[1], [0], [0], [1], [0, 0, 1, 1], [], []>, transpose_lhs_hint = false} : vector<5120x128xf32>, vector<128x128xf32>, vector<5120x128xf32> -> vector<5120x128xf32>
    %get3A_6 = arith.constant 0 : index
    %get3A_7 = arith.constant 0 : index
    %get3A_8 = vector.load %arg3[%get3A_6, %get3A_7] : memref<1x128xf32, #tpu.memory_space<vmem>>, vector<1x128xf32>
    %add3A = vector.broadcast %get3A_8 : vector<1x128xf32> to vector<5120x128xf32>
    %add3A_9 = arith.addf %dot_general3A_5, %add3A : vector<5120x128xf32>
    %convert_element_type3A = arith.truncf %add3A_9 : vector<5120x128xf32> to vector<5120x128xbf16>
    %swap3A = arith.constant 0 : index
    %swap3A_10 = arith.constant 0 : index
    %swap3A_11 = vector.load %arg4[%swap3A, %swap3A_10] : memref<5120x128xbf16, #tpu.memory_space<vmem>>, vector<5120x128xbf16>
    tpu.vector_store %arg4[%swap3A, %swap3A_10], %convert_element_type3A {strides = array<i32>} : memref<5120x128xbf16, #tpu.memory_space<vmem>>, vector<5120x128xbf16>,
    return
  }
  func.func @transform_0(%arg0: i32) -> (i32, i32) {
    %c0_i32 = arith.constant 0 : i32
    %c0_i32_0 = arith.constant 0 : i32
    return %arg0, %c0_i32 : i32, i32
  }
  func.func @transform_1(%arg0: i32) -> (i32, i32) {
    %c0_i32 = arith.constant 0 : i32
    %c0_i32_0 = arith.constant 0 : i32
    %c0_i32_1 = arith.constant 0 : i32
    return %c0_i32, %c0_i32_0 : i32, i32
  }
  func.func @transform_2(%arg0: i32) -> (i32, i32) {
    %c0_i32 = arith.constant 0 : i32
    %c0_i32_0 = arith.constant 0 : i32
    %c0_i32_1 = arith.constant 0 : i32
    return %c0_i32, %c0_i32_0 : i32, i32
  }
  func.func @transform_3(%arg0: i32) -> (i32, i32) {
    %c0_i32 = arith.constant 0 : i32
    %c0_i32_0 = arith.constant 0 : i32
    return %arg0, %c0_i32 : i32, i32
  }
}

module attributes {stable_mosaic.version = 14 : i64} {
  func.func @_layer_body(%arg0: i32, %arg1: memref<5120x128xbf16, #tpu.memory_space<vmem>>, %arg2: memref<2x2x5120x64xbf16, #tpu.memory_space<vmem>>, %arg3: memref<2x5120x16xf32, #tpu.memory_space<vmem>>, %arg4: memref<128x128xf32, #tpu.memory_space<vmem>>, %arg5: memref<1x128xf32, #tpu.memory_space<vmem>>, %arg6: memref<1x128xf32, #tpu.memory_space<vmem>>, %arg7: memref<1x128xf32, #tpu.memory_space<vmem>>, %arg8: memref<5120x128xbf16, #tpu.memory_space<vmem>>) attributes {dimension_semantics = [#tpu.dimension_semantics<arbitrary>], iteration_bounds = array<i64: 2>, scalar_prefetch = 0 : i64, scratch_operands = 0 : i64, tpu.core_type = #tpu.core_type<tc>, window_params = [{transform_indices = @transform_0, window_bounds = array<i64: 5120, 128>}, {transform_indices = @transform_1, window_bounds = array<i64: 2, 2, 5120, 64>}, {transform_indices = @transform_2, window_bounds = array<i64: 2, 5120, 16>}, {pipeline_mode = #tpu.pipeline_mode<synchronous>, transform_indices = @transform_3, window_bounds = array<i64: 128, 128>}, {pipeline_mode = #tpu.pipeline_mode<synchronous>, transform_indices = @transform_4, window_bounds = array<i64: 1, 128>}, {pipeline_mode = #tpu.pipeline_mode<synchronous>, transform_indices = @transform_5, window_bounds = array<i64: 1, 128>}, {pipeline_mode = #tpu.pipeline_mode<synchronous>, transform_indices = @transform_6, window_bounds = array<i64: 1, 128>}, {transform_indices = @transform_7, window_bounds = array<i64: 5120, 128>}]} {
    %get3A = arith.constant 0 : index
    %get3A_0 = arith.constant 0 : index
    %get3A_1 = vector.load %arg1[%get3A, %get3A_0] : memref<5120x128xbf16, #tpu.memory_space<vmem>>, vector<5120x128xbf16>
    %convert_element_type3A = arith.extf %get3A_1 : vector<5120x128xbf16> to vector<5120x128xf32>
    %get3A_2 = arith.constant 0 : index
    %get3A_3 = arith.constant 0 : index
    %get3A_4 = arith.constant 0 : index
    %get3A_5 = vector.load %arg3[%get3A_2, %get3A_3, %get3A_4] : memref<2x5120x16xf32, #tpu.memory_space<vmem>>, vector<1x5120x1xf32>
    %get3A_6 = vector.shape_cast %get3A_5 : vector<1x5120x1xf32> to vector<5120x1xf32>
    %get3A_7 = arith.constant 1 : index
    %get3A_8 = arith.constant 0 : index
    %get3A_9 = arith.constant 0 : index
    %get3A_10 = vector.load %arg3[%get3A_7, %get3A_8, %get3A_9] : memref<2x5120x16xf32, #tpu.memory_space<vmem>>, vector<1x5120x1xf32>
    %get3A_11 = vector.shape_cast %get3A_10 : vector<1x5120x1xf32> to vector<5120x1xf32>
    %add3A = arith.addf %get3A_6, %get3A_11 : vector<5120x1xf32>
    %max3A = arith.constant 1.000000e+00 : f32
    %max3A_12 = vector.broadcast %max3A : f32 to vector<5120x1xf32>
    %max3A_13 = arith.maximumf %add3A, %max3A_12 : vector<5120x1xf32>
    %get3A_14 = arith.constant 0 : index
    %get3A_15 = arith.constant 0 : index
    %get3A_16 = arith.constant 0 : index
    %get3A_17 = arith.constant 0 : index
    %get3A_18 = vector.load %arg2[%get3A_14, %get3A_15, %get3A_16, %get3A_17] : memref<2x2x5120x64xbf16, #tpu.memory_space<vmem>>, vector<1x1x5120x64xbf16>
    %get3A_19 = vector.shape_cast %get3A_18 : vector<1x1x5120x64xbf16> to vector<5120x64xbf16>
    %convert_element_type3A_20 = arith.extf %get3A_19 : vector<5120x64xbf16> to vector<5120x64xf32>
    %get3A_21 = arith.constant 0 : index
    %get3A_22 = arith.constant 1 : index
    %get3A_23 = arith.constant 0 : index
    %get3A_24 = arith.constant 0 : index
    %get3A_25 = vector.load %arg2[%get3A_21, %get3A_22, %get3A_23, %get3A_24] : memref<2x2x5120x64xbf16, #tpu.memory_space<vmem>>, vector<1x1x5120x64xbf16>
    %get3A_26 = vector.shape_cast %get3A_25 : vector<1x1x5120x64xbf16> to vector<5120x64xbf16>
    %convert_element_type3A_27 = arith.extf %get3A_26 : vector<5120x64xbf16> to vector<5120x64xf32>
    %add3A_28 = arith.addf %convert_element_type3A_20, %convert_element_type3A_27 : vector<5120x64xf32>
    %get3A_29 = arith.constant 1 : index
    %get3A_30 = arith.constant 0 : index
    %get3A_31 = arith.constant 0 : index
    %get3A_32 = arith.constant 0 : index
    %get3A_33 = vector.load %arg2[%get3A_29, %get3A_30, %get3A_31, %get3A_32] : memref<2x2x5120x64xbf16, #tpu.memory_space<vmem>>, vector<1x1x5120x64xbf16>
    %get3A_34 = vector.shape_cast %get3A_33 : vector<1x1x5120x64xbf16> to vector<5120x64xbf16>
    %convert_element_type3A_35 = arith.extf %get3A_34 : vector<5120x64xbf16> to vector<5120x64xf32>
    %get3A_36 = arith.constant 1 : index
    %get3A_37 = arith.constant 1 : index
    %get3A_38 = arith.constant 0 : index
    %get3A_39 = arith.constant 0 : index
    %get3A_40 = vector.load %arg2[%get3A_36, %get3A_37, %get3A_38, %get3A_39] : memref<2x2x5120x64xbf16, #tpu.memory_space<vmem>>, vector<1x1x5120x64xbf16>
    %get3A_41 = vector.shape_cast %get3A_40 : vector<1x1x5120x64xbf16> to vector<5120x64xbf16>
    %convert_element_type3A_42 = arith.extf %get3A_41 : vector<5120x64xbf16> to vector<5120x64xf32>
    %add3A_43 = arith.addf %convert_element_type3A_35, %convert_element_type3A_42 : vector<5120x64xf32>
    %concatenate3A = tpu.concatenate %add3A_28, %add3A_43 in 1 : vector<5120x64xf32>, vector<5120x64xf32> -> vector<5120x128xf32>
    %div3A = vector.broadcast %max3A_13 : vector<5120x1xf32> to vector<5120x128xf32>
    %div3A_44 = arith.divf %concatenate3A, %div3A : vector<5120x128xf32>
    %add3A_45 = arith.addf %convert_element_type3A, %div3A_44 : vector<5120x128xf32>
    %get3A_46 = arith.constant 0 : index
    %get3A_47 = arith.constant 0 : index
    %get3A_48 = vector.load %arg4[%get3A_46, %get3A_47] : memref<128x128xf32, #tpu.memory_space<vmem>>, vector<128x128xf32>
    %dot_general3A = arith.constant dense<0.000000e+00> : vector<5120x128xf32>
    %dot_general3A_49 = tpu.matmul %add3A_45, %get3A_48, %dot_general3A {dimension_numbers = #tpu.dot_dimension_numbers<[1], [0], [0], [1], [0, 0, 1, 1], [], []>, transpose_lhs_hint = false} : vector<5120x128xf32>, vector<128x128xf32>, vector<5120x128xf32> -> vector<5120x128xf32>
    %get3A_50 = arith.constant 0 : index
    %get3A_51 = arith.constant 0 : index
    %get3A_52 = vector.load %arg5[%get3A_50, %get3A_51] : memref<1x128xf32, #tpu.memory_space<vmem>>, vector<1x128xf32>
    %add3A_53 = vector.broadcast %get3A_52 : vector<1x128xf32> to vector<5120x128xf32>
    %add3A_54 = arith.addf %dot_general3A_49, %add3A_53 : vector<5120x128xf32>
    %reduce_sum3A = arith.constant dense<0.000000e+00> : vector<5120xf32>
    %reduce_sum3A_55 = vector.multi_reduction <add>, %add3A_54, %reduce_sum3A [1] : vector<5120x128xf32> to vector<5120xf32>
    %broadcast_in_dim3A = vector.shape_cast %reduce_sum3A_55 : vector<5120xf32> to vector<5120x1xf32>
    %div3A_56 = arith.constant 1.280000e+02 : f32
    %div3A_57 = vector.broadcast %div3A_56 : f32 to vector<5120x1xf32>
    %div3A_58 = arith.divf %broadcast_in_dim3A, %div3A_57 : vector<5120x1xf32>
    %sub3A = vector.broadcast %div3A_58 : vector<5120x1xf32> to vector<5120x128xf32>
    %sub3A_59 = arith.subf %add3A_54, %sub3A : vector<5120x128xf32>
    %square3A = arith.mulf %sub3A_59, %sub3A_59 : vector<5120x128xf32>
    %reduce_sum3A_60 = arith.constant dense<0.000000e+00> : vector<5120xf32>
    %reduce_sum3A_61 = vector.multi_reduction <add>, %square3A, %reduce_sum3A_60 [1] : vector<5120x128xf32> to vector<5120xf32>
    %broadcast_in_dim3A_62 = vector.shape_cast %reduce_sum3A_61 : vector<5120xf32> to vector<5120x1xf32>
    %div3A_63 = arith.constant 1.280000e+02 : f32
    %div3A_64 = vector.broadcast %div3A_63 : f32 to vector<5120x1xf32>
    %div3A_65 = arith.divf %broadcast_in_dim3A_62, %div3A_64 : vector<5120x1xf32>
    %sub3A_66 = vector.broadcast %div3A_58 : vector<5120x1xf32> to vector<5120x128xf32>
    %sub3A_67 = arith.subf %add3A_54, %sub3A_66 : vector<5120x128xf32>
    %add3A_68 = arith.constant 9.99999997E-7 : f32
    %add3A_69 = vector.broadcast %add3A_68 : f32 to vector<5120x1xf32>
    %add3A_70 = arith.addf %div3A_65, %add3A_69 : vector<5120x1xf32>
    %rsqrt3A = math.rsqrt %add3A_70 : vector<5120x1xf32>
    %mul3A = vector.broadcast %rsqrt3A : vector<5120x1xf32> to vector<5120x128xf32>
    %mul3A_71 = arith.mulf %sub3A_67, %mul3A : vector<5120x128xf32>
    %get3A_72 = arith.constant 0 : index
    %get3A_73 = arith.constant 0 : index
    %get3A_74 = vector.load %arg6[%get3A_72, %get3A_73] : memref<1x128xf32, #tpu.memory_space<vmem>>, vector<1x128xf32>
    %mul3A_75 = vector.broadcast %get3A_74 : vector<1x128xf32> to vector<5120x128xf32>
    %mul3A_76 = arith.mulf %mul3A_71, %mul3A_75 : vector<5120x128xf32>
    %get3A_77 = arith.constant 0 : index
    %get3A_78 = arith.constant 0 : index
    %get3A_79 = vector.load %arg7[%get3A_77, %get3A_78] : memref<1x128xf32, #tpu.memory_space<vmem>>, vector<1x128xf32>
    %add3A_80 = vector.broadcast %get3A_79 : vector<1x128xf32> to vector<5120x128xf32>
    %add3A_81 = arith.addf %mul3A_76, %add3A_80 : vector<5120x128xf32>
    %max3A_82 = arith.constant 0.000000e+00 : f32
    %max3A_83 = vector.broadcast %max3A_82 : f32 to vector<5120x128xf32>
    %max3A_84 = arith.maximumf %add3A_81, %max3A_83 : vector<5120x128xf32>
    %add3A_85 = arith.addf %max3A_84, %convert_element_type3A : vector<5120x128xf32>
    %convert_element_type3A_86 = arith.truncf %add3A_85 : vector<5120x128xf32> to vector<5120x128xbf16>
    %swap3A = arith.constant 0 : index
    %swap3A_87 = arith.constant 0 : index
    %swap3A_88 = vector.load %arg8[%swap3A, %swap3A_87] : memref<5120x128xbf16, #tpu.memory_space<vmem>>, vector<5120x128xbf16>
    tpu.vector_store %arg8[%swap3A, %swap3A_87], %convert_element_type3A_86 {strides = array<i32>} : memref<5120x128xbf16, #tpu.memory_space<vmem>>, vector<5120x128xbf16>,
    return
  }
  func.func @transform_0(%arg0: i32) -> (i32, i32) {
    %c0_i32 = arith.constant 0 : i32
    %c0_i32_0 = arith.constant 0 : i32
    return %arg0, %c0_i32 : i32, i32
  }
  func.func @transform_1(%arg0: i32) -> (i32, i32, i32, i32) {
    %c0_i32 = arith.constant 0 : i32
    %c0_i32_0 = arith.constant 0 : i32
    %c0_i32_1 = arith.constant 0 : i32
    %c0_i32_2 = arith.constant 0 : i32
    return %c0_i32, %c0_i32_0, %arg0, %c0_i32_1 : i32, i32, i32, i32
  }
  func.func @transform_2(%arg0: i32) -> (i32, i32, i32) {
    %c0_i32 = arith.constant 0 : i32
    %c0_i32_0 = arith.constant 0 : i32
    %c0_i32_1 = arith.constant 0 : i32
    return %c0_i32, %arg0, %c0_i32_0 : i32, i32, i32
  }
  func.func @transform_3(%arg0: i32) -> (i32, i32) {
    %c0_i32 = arith.constant 0 : i32
    %c0_i32_0 = arith.constant 0 : i32
    %c0_i32_1 = arith.constant 0 : i32
    return %c0_i32, %c0_i32_0 : i32, i32
  }
  func.func @transform_4(%arg0: i32) -> (i32, i32) {
    %c0_i32 = arith.constant 0 : i32
    %c0_i32_0 = arith.constant 0 : i32
    %c0_i32_1 = arith.constant 0 : i32
    return %c0_i32, %c0_i32_0 : i32, i32
  }
  func.func @transform_5(%arg0: i32) -> (i32, i32) {
    %c0_i32 = arith.constant 0 : i32
    %c0_i32_0 = arith.constant 0 : i32
    %c0_i32_1 = arith.constant 0 : i32
    return %c0_i32, %c0_i32_0 : i32, i32
  }
  func.func @transform_6(%arg0: i32) -> (i32, i32) {
    %c0_i32 = arith.constant 0 : i32
    %c0_i32_0 = arith.constant 0 : i32
    %c0_i32_1 = arith.constant 0 : i32
    return %c0_i32, %c0_i32_0 : i32, i32
  }
  func.func @transform_7(%arg0: i32) -> (i32, i32) {
    %c0_i32 = arith.constant 0 : i32
    %c0_i32_0 = arith.constant 0 : i32
    return %arg0, %c0_i32 : i32, i32
  }
}

module attributes {stable_mosaic.version = 14 : i64} {
  func.func @_last_body(%arg0: i32, %arg1: memref<5120x128xbf16, #tpu.memory_space<vmem>>, %arg2: memref<2x2x5120x64xbf16, #tpu.memory_space<vmem>>, %arg3: memref<2x5120x16xf32, #tpu.memory_space<vmem>>, %arg4: memref<128x128xf32, #tpu.memory_space<vmem>>, %arg5: memref<1x128xf32, #tpu.memory_space<vmem>>, %arg6: memref<1x128xf32, #tpu.memory_space<vmem>>, %arg7: memref<1x128xf32, #tpu.memory_space<vmem>>, %arg8: memref<128x128xf32, #tpu.memory_space<vmem>>, %arg9: memref<1x128xf32, #tpu.memory_space<vmem>>, %arg10: memref<1x128xf32, #tpu.memory_space<vmem>>, %arg11: memref<1x128xf32, #tpu.memory_space<vmem>>) attributes {dimension_semantics = [#tpu.dimension_semantics<arbitrary>], iteration_bounds = array<i64: 2>, scalar_prefetch = 0 : i64, scratch_operands = 1 : i64, tpu.core_type = #tpu.core_type<tc>, window_params = [{transform_indices = @transform_0, window_bounds = array<i64: 5120, 128>}, {transform_indices = @transform_1, window_bounds = array<i64: 2, 2, 5120, 64>}, {transform_indices = @transform_2, window_bounds = array<i64: 2, 5120, 16>}, {pipeline_mode = #tpu.pipeline_mode<synchronous>, transform_indices = @transform_3, window_bounds = array<i64: 128, 128>}, {pipeline_mode = #tpu.pipeline_mode<synchronous>, transform_indices = @transform_4, window_bounds = array<i64: 1, 128>}, {pipeline_mode = #tpu.pipeline_mode<synchronous>, transform_indices = @transform_5, window_bounds = array<i64: 1, 128>}, {pipeline_mode = #tpu.pipeline_mode<synchronous>, transform_indices = @transform_6, window_bounds = array<i64: 1, 128>}, {pipeline_mode = #tpu.pipeline_mode<synchronous>, transform_indices = @transform_7, window_bounds = array<i64: 128, 128>}, {pipeline_mode = #tpu.pipeline_mode<synchronous>, transform_indices = @transform_8, window_bounds = array<i64: 1, 128>}, {pipeline_mode = #tpu.pipeline_mode<synchronous>, transform_indices = @transform_9, window_bounds = array<i64: 1, 128>}]} {
    %get3A = arith.constant 0 : index
    %get3A_0 = arith.constant 0 : index
    %get3A_1 = vector.load %arg1[%get3A, %get3A_0] : memref<5120x128xbf16, #tpu.memory_space<vmem>>, vector<5120x128xbf16>
    %convert_element_type3A = arith.extf %get3A_1 : vector<5120x128xbf16> to vector<5120x128xf32>
    %get3A_2 = arith.constant 0 : index
    %get3A_3 = arith.constant 0 : index
    %get3A_4 = arith.constant 0 : index
    %get3A_5 = vector.load %arg3[%get3A_2, %get3A_3, %get3A_4] : memref<2x5120x16xf32, #tpu.memory_space<vmem>>, vector<1x5120x1xf32>
    %get3A_6 = vector.shape_cast %get3A_5 : vector<1x5120x1xf32> to vector<5120x1xf32>
    %get3A_7 = arith.constant 1 : index
    %get3A_8 = arith.constant 0 : index
    %get3A_9 = arith.constant 0 : index
    %get3A_10 = vector.load %arg3[%get3A_7, %get3A_8, %get3A_9] : memref<2x5120x16xf32, #tpu.memory_space<vmem>>, vector<1x5120x1xf32>
    %get3A_11 = vector.shape_cast %get3A_10 : vector<1x5120x1xf32> to vector<5120x1xf32>
    %add3A = arith.addf %get3A_6, %get3A_11 : vector<5120x1xf32>
    %max3A = arith.constant 1.000000e+00 : f32
    %max3A_12 = vector.broadcast %max3A : f32 to vector<5120x1xf32>
    %max3A_13 = arith.maximumf %add3A, %max3A_12 : vector<5120x1xf32>
    %get3A_14 = arith.constant 0 : index
    %get3A_15 = arith.constant 0 : index
    %get3A_16 = arith.constant 0 : index
    %get3A_17 = arith.constant 0 : index
    %get3A_18 = vector.load %arg2[%get3A_14, %get3A_15, %get3A_16, %get3A_17] : memref<2x2x5120x64xbf16, #tpu.memory_space<vmem>>, vector<1x1x5120x64xbf16>
    %get3A_19 = vector.shape_cast %get3A_18 : vector<1x1x5120x64xbf16> to vector<5120x64xbf16>
    %convert_element_type3A_20 = arith.extf %get3A_19 : vector<5120x64xbf16> to vector<5120x64xf32>
    %get3A_21 = arith.constant 0 : index
    %get3A_22 = arith.constant 1 : index
    %get3A_23 = arith.constant 0 : index
    %get3A_24 = arith.constant 0 : index
    %get3A_25 = vector.load %arg2[%get3A_21, %get3A_22, %get3A_23, %get3A_24] : memref<2x2x5120x64xbf16, #tpu.memory_space<vmem>>, vector<1x1x5120x64xbf16>
    %get3A_26 = vector.shape_cast %get3A_25 : vector<1x1x5120x64xbf16> to vector<5120x64xbf16>
    %convert_element_type3A_27 = arith.extf %get3A_26 : vector<5120x64xbf16> to vector<5120x64xf32>
    %add3A_28 = arith.addf %convert_element_type3A_20, %convert_element_type3A_27 : vector<5120x64xf32>
    %get3A_29 = arith.constant 1 : index
    %get3A_30 = arith.constant 0 : index
    %get3A_31 = arith.constant 0 : index
    %get3A_32 = arith.constant 0 : index
    %get3A_33 = vector.load %arg2[%get3A_29, %get3A_30, %get3A_31, %get3A_32] : memref<2x2x5120x64xbf16, #tpu.memory_space<vmem>>, vector<1x1x5120x64xbf16>
    %get3A_34 = vector.shape_cast %get3A_33 : vector<1x1x5120x64xbf16> to vector<5120x64xbf16>
    %convert_element_type3A_35 = arith.extf %get3A_34 : vector<5120x64xbf16> to vector<5120x64xf32>
    %get3A_36 = arith.constant 1 : index
    %get3A_37 = arith.constant 1 : index
    %get3A_38 = arith.constant 0 : index
    %get3A_39 = arith.constant 0 : index
    %get3A_40 = vector.load %arg2[%get3A_36, %get3A_37, %get3A_38, %get3A_39] : memref<2x2x5120x64xbf16, #tpu.memory_space<vmem>>, vector<1x1x5120x64xbf16>
    %get3A_41 = vector.shape_cast %get3A_40 : vector<1x1x5120x64xbf16> to vector<5120x64xbf16>
    %convert_element_type3A_42 = arith.extf %get3A_41 : vector<5120x64xbf16> to vector<5120x64xf32>
    %add3A_43 = arith.addf %convert_element_type3A_35, %convert_element_type3A_42 : vector<5120x64xf32>
    %concatenate3A = tpu.concatenate %add3A_28, %add3A_43 in 1 : vector<5120x64xf32>, vector<5120x64xf32> -> vector<5120x128xf32>
    %div3A = vector.broadcast %max3A_13 : vector<5120x1xf32> to vector<5120x128xf32>
    %div3A_44 = arith.divf %concatenate3A, %div3A : vector<5120x128xf32>
    %add3A_45 = arith.addf %convert_element_type3A, %div3A_44 : vector<5120x128xf32>
    %get3A_46 = arith.constant 0 : index
    %get3A_47 = arith.constant 0 : index
    %get3A_48 = vector.load %arg4[%get3A_46, %get3A_47] : memref<128x128xf32, #tpu.memory_space<vmem>>, vector<128x128xf32>
    %dot_general3A = arith.constant dense<0.000000e+00> : vector<5120x128xf32>
    %dot_general3A_49 = tpu.matmul %add3A_45, %get3A_48, %dot_general3A {dimension_numbers = #tpu.dot_dimension_numbers<[1], [0], [0], [1], [0, 0, 1, 1], [], []>, transpose_lhs_hint = false} : vector<5120x128xf32>, vector<128x128xf32>, vector<5120x128xf32> -> vector<5120x128xf32>
    %get3A_50 = arith.constant 0 : index
    %get3A_51 = arith.constant 0 : index
    %get3A_52 = vector.load %arg5[%get3A_50, %get3A_51] : memref<1x128xf32, #tpu.memory_space<vmem>>, vector<1x128xf32>
    %add3A_53 = vector.broadcast %get3A_52 : vector<1x128xf32> to vector<5120x128xf32>
    %add3A_54 = arith.addf %dot_general3A_49, %add3A_53 : vector<5120x128xf32>
    %reduce_sum3A = arith.constant dense<0.000000e+00> : vector<5120xf32>
    %reduce_sum3A_55 = vector.multi_reduction <add>, %add3A_54, %reduce_sum3A [1] : vector<5120x128xf32> to vector<5120xf32>
    %broadcast_in_dim3A = vector.shape_cast %reduce_sum3A_55 : vector<5120xf32> to vector<5120x1xf32>
    %div3A_56 = arith.constant 1.280000e+02 : f32
    %div3A_57 = vector.broadcast %div3A_56 : f32 to vector<5120x1xf32>
    %div3A_58 = arith.divf %broadcast_in_dim3A, %div3A_57 : vector<5120x1xf32>
    %sub3A = vector.broadcast %div3A_58 : vector<5120x1xf32> to vector<5120x128xf32>
    %sub3A_59 = arith.subf %add3A_54, %sub3A : vector<5120x128xf32>
    %square3A = arith.mulf %sub3A_59, %sub3A_59 : vector<5120x128xf32>
    %reduce_sum3A_60 = arith.constant dense<0.000000e+00> : vector<5120xf32>
    %reduce_sum3A_61 = vector.multi_reduction <add>, %square3A, %reduce_sum3A_60 [1] : vector<5120x128xf32> to vector<5120xf32>
    %broadcast_in_dim3A_62 = vector.shape_cast %reduce_sum3A_61 : vector<5120xf32> to vector<5120x1xf32>
    %div3A_63 = arith.constant 1.280000e+02 : f32
    %div3A_64 = vector.broadcast %div3A_63 : f32 to vector<5120x1xf32>
    %div3A_65 = arith.divf %broadcast_in_dim3A_62, %div3A_64 : vector<5120x1xf32>
    %sub3A_66 = vector.broadcast %div3A_58 : vector<5120x1xf32> to vector<5120x128xf32>
    %sub3A_67 = arith.subf %add3A_54, %sub3A_66 : vector<5120x128xf32>
    %add3A_68 = arith.constant 9.99999997E-7 : f32
    %add3A_69 = vector.broadcast %add3A_68 : f32 to vector<5120x1xf32>
    %add3A_70 = arith.addf %div3A_65, %add3A_69 : vector<5120x1xf32>
    %rsqrt3A = math.rsqrt %add3A_70 : vector<5120x1xf32>
    %mul3A = vector.broadcast %rsqrt3A : vector<5120x1xf32> to vector<5120x128xf32>
    %mul3A_71 = arith.mulf %sub3A_67, %mul3A : vector<5120x128xf32>
    %get3A_72 = arith.constant 0 : index
    %get3A_73 = arith.constant 0 : index
    %get3A_74 = vector.load %arg6[%get3A_72, %get3A_73] : memref<1x128xf32, #tpu.memory_space<vmem>>, vector<1x128xf32>
    %mul3A_75 = vector.broadcast %get3A_74 : vector<1x128xf32> to vector<5120x128xf32>
    %mul3A_76 = arith.mulf %mul3A_71, %mul3A_75 : vector<5120x128xf32>
    %get3A_77 = arith.constant 0 : index
    %get3A_78 = arith.constant 0 : index
    %get3A_79 = vector.load %arg7[%get3A_77, %get3A_78] : memref<1x128xf32, #tpu.memory_space<vmem>>, vector<1x128xf32>
    %add3A_80 = vector.broadcast %get3A_79 : vector<1x128xf32> to vector<5120x128xf32>
    %add3A_81 = arith.addf %mul3A_76, %add3A_80 : vector<5120x128xf32>
    %max3A_82 = arith.constant 0.000000e+00 : f32
    %max3A_83 = vector.broadcast %max3A_82 : f32 to vector<5120x128xf32>
    %max3A_84 = arith.maximumf %add3A_81, %max3A_83 : vector<5120x128xf32>
    %add3A_85 = arith.addf %max3A_84, %convert_element_type3A : vector<5120x128xf32>
    %mul3A_86 = arith.constant 5120 : i32
    %mul3A_87 = arith.muli %arg0, %mul3A_86 : i32
    %iota3A = tpu.iota {dimensions = array<i32: 0>} : vector<5120x1xi32>
    %add3A_88 = vector.broadcast %mul3A_87 : i32 to vector<5120x1xi32>
    %add3A_89 = arith.addi %add3A_88, %iota3A : vector<5120x1xi32>
    %lt3A = arith.constant 10000 : i32
    %lt3A_90 = vector.broadcast %lt3A : i32 to vector<5120x1xi32>
    %lt3A_91 = arith.cmpi slt, %add3A_89, %lt3A_90 : vector<5120x1xi32>
    %jit3A = arith.constant 0.000000e+00 : f32
    %broadcast_in_dim3A_92 = vector.shape_cast %lt3A_91 : vector<5120x1xi1> to vector<5120x1xi1>
    %broadcast_in_dim3A_93 = vector.broadcast %broadcast_in_dim3A_92 : vector<5120x1xi1> to vector<5120x128xi1>
    %broadcast_in_dim3A_94 = vector.broadcast %jit3A : f32 to vector<5120x128xf32>
    %select_n3A = arith.select %broadcast_in_dim3A_93, %add3A_85, %broadcast_in_dim3A_94 : vector<5120x128xi1>, vector<5120x128xf32>
    %reduce_sum3A_95 = arith.constant dense<0.000000e+00> : vector<128xf32>
    %reduce_sum3A_96 = vector.multi_reduction <add>, %select_n3A, %reduce_sum3A_95 [0] : vector<5120x128xf32> to vector<128xf32>
    %broadcast_in_dim3A_97 = vector.shape_cast %reduce_sum3A_96 : vector<128xf32> to vector<1x128xf32>
    %eq3A = arith.constant 0 : i32
    %eq3A_98 = arith.cmpi eq, %arg0, %eq3A : i32
    %convert_element_type3A_99 = arith.extui %eq3A_98 : i1 to i32
    %cond3A = arith.constant 0 : i32
    %cond3A_100 = arith.cmpi ne, %convert_element_type3A_99, %cond3A : i32
    scf.if %cond3A_100 {
      %broadcast_in_dim3A_112 = arith.constant 0.000000e+00 : f32
      %broadcast_in_dim3A_113 = vector.broadcast %broadcast_in_dim3A_112 : f32 to vector<1x128xf32>
      %swap3A_114 = arith.constant 0 : index
      %swap3A_115 = arith.constant 0 : index
      %swap3A_116 = vector.load %arg11[%swap3A_114, %swap3A_115] : memref<1x128xf32, #tpu.memory_space<vmem>>, vector<1x128xf32>
      tpu.vector_store %arg11[%swap3A_114, %swap3A_115], %broadcast_in_dim3A_113 {strides = array<i32>} : memref<1x128xf32, #tpu.memory_space<vmem>>, vector<1x128xf32>,
    } else {
    }
    %get3A_101 = arith.constant 0 : index
    %get3A_102 = arith.constant 0 : index
    %get3A_103 = vector.load %arg11[%get3A_101, %get3A_102] : memref<1x128xf32, #tpu.memory_space<vmem>>, vector<1x128xf32>
    %add3A_104 = arith.addf %get3A_103, %broadcast_in_dim3A_97 : vector<1x128xf32>
    %swap3A = arith.constant 0 : index
    %swap3A_105 = arith.constant 0 : index
    %swap3A_106 = vector.load %arg11[%swap3A, %swap3A_105] : memref<1x128xf32, #tpu.memory_space<vmem>>, vector<1x128xf32>
    tpu.vector_store %arg11[%swap3A, %swap3A_105], %add3A_104 {strides = array<i32>} : memref<1x128xf32, #tpu.memory_space<vmem>>, vector<1x128xf32>,
    %eq3A_107 = arith.constant 1 : i32
    %eq3A_108 = arith.cmpi eq, %arg0, %eq3A_107 : i32
    %convert_element_type3A_109 = arith.extui %eq3A_108 : i1 to i32
    %cond3A_110 = arith.constant 0 : i32
    %cond3A_111 = arith.cmpi ne, %convert_element_type3A_109, %cond3A_110 : i32
    scf.if %cond3A_111 {
      %get3A_112 = arith.constant 0 : index
      %get3A_113 = arith.constant 0 : index
      %get3A_114 = vector.load %arg11[%get3A_112, %get3A_113] : memref<1x128xf32, #tpu.memory_space<vmem>>, vector<1x128xf32>
      %get3A_115 = arith.constant 0 : index
      %get3A_116 = arith.constant 0 : index
      %get3A_117 = vector.load %arg8[%get3A_115, %get3A_116] : memref<128x128xf32, #tpu.memory_space<vmem>>, vector<128x128xf32>
      %dot_general3A_118 = arith.constant dense<0.000000e+00> : vector<1x128xf32>
      %dot_general3A_119 = tpu.matmul %get3A_114, %get3A_117, %dot_general3A_118 {dimension_numbers = #tpu.dot_dimension_numbers<[1], [0], [0], [1], [0, 0, 1, 1], [], []>, transpose_lhs_hint = false} : vector<1x128xf32>, vector<128x128xf32>, vector<1x128xf32> -> vector<1x128xf32>
      %mul3A_120 = arith.constant 9.99999974E-5 : f32
      %mul3A_121 = vector.broadcast %mul3A_120 : f32 to vector<1x128xf32>
      %mul3A_122 = arith.mulf %dot_general3A_119, %mul3A_121 : vector<1x128xf32>
      %get3A_123 = arith.constant 0 : index
      %get3A_124 = arith.constant 0 : index
      %get3A_125 = vector.load %arg9[%get3A_123, %get3A_124] : memref<1x128xf32, #tpu.memory_space<vmem>>, vector<1x128xf32>
      %add3A_126 = arith.addf %mul3A_122, %get3A_125 : vector<1x128xf32>
      %swap3A_127 = arith.constant 0 : index
      %swap3A_128 = arith.constant 0 : index
      %swap3A_129 = vector.load %arg10[%swap3A_127, %swap3A_128] : memref<1x128xf32, #tpu.memory_space<vmem>>, vector<1x128xf32>
      tpu.vector_store %arg10[%swap3A_127, %swap3A_128], %add3A_126 {strides = array<i32>} : memref<1x128xf32, #tpu.memory_space<vmem>>, vector<1x128xf32>,
    } else {
    }
    return
  }
  func.func @transform_0(%arg0: i32) -> (i32, i32) {
    %c0_i32 = arith.constant 0 : i32
    %c0_i32_0 = arith.constant 0 : i32
    return %arg0, %c0_i32 : i32, i32
  }
  func.func @transform_1(%arg0: i32) -> (i32, i32, i32, i32) {
    %c0_i32 = arith.constant 0 : i32
    %c0_i32_0 = arith.constant 0 : i32
    %c0_i32_1 = arith.constant 0 : i32
    %c0_i32_2 = arith.constant 0 : i32
    return %c0_i32, %c0_i32_0, %arg0, %c0_i32_1 : i32, i32, i32, i32
  }
  func.func @transform_2(%arg0: i32) -> (i32, i32, i32) {
    %c0_i32 = arith.constant 0 : i32
    %c0_i32_0 = arith.constant 0 : i32
    %c0_i32_1 = arith.constant 0 : i32
    return %c0_i32, %arg0, %c0_i32_0 : i32, i32, i32
  }
  func.func @transform_3(%arg0: i32) -> (i32, i32) {
    %c0_i32 = arith.constant 0 : i32
    %c0_i32_0 = arith.constant 0 : i32
    %c0_i32_1 = arith.constant 0 : i32
    return %c0_i32, %c0_i32_0 : i32, i32
  }
  func.func @transform_4(%arg0: i32) -> (i32, i32) {
    %c0_i32 = arith.constant 0 : i32
    %c0_i32_0 = arith.constant 0 : i32
    %c0_i32_1 = arith.constant 0 : i32
    return %c0_i32, %c0_i32_0 : i32, i32
  }
  func.func @transform_5(%arg0: i32) -> (i32, i32) {
    %c0_i32 = arith.constant 0 : i32
    %c0_i32_0 = arith.constant 0 : i32
    %c0_i32_1 = arith.constant 0 : i32
    return %c0_i32, %c0_i32_0 : i32, i32
  }
  func.func @transform_6(%arg0: i32) -> (i32, i32) {
    %c0_i32 = arith.constant 0 : i32
    %c0_i32_0 = arith.constant 0 : i32
    %c0_i32_1 = arith.constant 0 : i32
    return %c0_i32, %c0_i32_0 : i32, i32
  }
  func.func @transform_7(%arg0: i32) -> (i32, i32) {
    %c0_i32 = arith.constant 0 : i32
    %c0_i32_0 = arith.constant 0 : i32
    %c0_i32_1 = arith.constant 0 : i32
    return %c0_i32, %c0_i32_0 : i32, i32
  }
  func.func @transform_8(%arg0: i32) -> (i32, i32) {
    %c0_i32 = arith.constant 0 : i32
    %c0_i32_0 = arith.constant 0 : i32
    %c0_i32_1 = arith.constant 0 : i32
    return %c0_i32, %c0_i32_0 : i32, i32
  }
  func.func @transform_9(%arg0: i32) -> (i32, i32) {
    %c0_i32 = arith.constant 0 : i32
    %c0_i32_0 = arith.constant 0 : i32
    %c0_i32_1 = arith.constant 0 : i32
    return %c0_i32, %c0_i32_0 : i32, i32
  }
}

</mosaic_0001>

<sc_bundles>
// kernel: kernel.12.cloned.1.call-start
scs
__scs_entry_jumppad:
0x0: {  	(pc) =	sbr.rel $0x88, $3  }
0x1: {  	(tag) =	ssettag $0x0;
	lr =	simm.s32 $0x1  }
0x2: {  	[smem:$0x3F96] =	sst lr;
	_ =	strace $0xD0000000  }
0x3: {  	_ = 	snop  }
0x4: {  	_ = 	snop  }
0x5: {  	_ = 	snop  }
0x6: {  	_ = 	snop  }
0x7: {  	_ = 	snop  }
__scs_overlays_trampoline_lowered:
0x8: {  	[smem:$0x3FA5] =	sst s0  }
0x9: {  	[smem:$0x3FA6] =	sst s1  }
0xa: {  	[smem:$0x3FA7] =	sst s2  }
0xb: {  	[smem:$0x3FA8] =	sst s3  }
0xc: {  	[smem:$0x3FA9] =	sst s4  }
0xd: {  	[smem:$0x3FAA] =	sst s5  }
0xe: {  	[smem:$0x3FAB] =	sst s6  }
0xf: {  	[smem:$0x3FAC] =	sst s7  }
0x10: {  	[smem:$0x3FAD] =	sst s8  }
0x11: {  	[smem:$0x3FAE] =	sst s9;
	s0 =	simm.s32 @!p0 $0x0  }
0x12: {  	s1 =	sld [smem:$0x3F94];
	s0 =	simm.s32 @p0 $0x1  }
0x13: {  	[smem:$0x3FAF] =	sst s0;
	s0 =	simm.s32 @!p1 $0x0  }
0x14: {  	s2 =	sld [smem:$0x3F93];
	s0 =	simm.s32 @p1 $0x1  }
0x15: {  	[smem:$0x3FB0] =	sst s0;
	s0 =	simm.s32 @!p2 $0x0  }
0x16: {  	s3 =	sld [smem:$0x3FDB];
	s0 =	simm.s32 @p2 $0x1  }
0x17: {  	s4 =	simm.s32 $0x1BF5;
	[smem:$0x3FB2] =	sst s0  }
0x18: {  	s0 =	sld [smem:$0x3F95];
	_ =	swait.ge [sflag:s4], $0x0  }
0x19: {  	s7 =	sld [smem:$0x3F96]  }
0x1a: {  	s8 =	sadd.s32 $0xFFFFE003, lr  }
0x1b: {  	s9 =	sadd.s32 $0xFFFFFEF7, lr;
	s5 =	simm.s32 $0xFFFFFFFF;
	p2 =	slt.u32 s8, $0xFFFFF086  }
0x1c: {  	p1 =	slt.u32 s9, $0xF7A;
	s5 =	simm.s32 @!p2 $0x0  }
0x1d: {  	s5 =	simm.s32 @p1 $0x1;
	p0 =	seq.s32 s7, s2  }
0x1e: {  	s7 =	smul.u32 @!p0 $0xF7A, s2;
	p2 =	seq.s32 @!p0 s5, $0x0  }
0x1f: {  	s9 =	smul.u32 $0xF7A, s1;
	s8 =	simm.s32 @!p0 $0x1BF5;
	p2 =	por !p2, p0  }
0x20: {  	[sflag:s8] =	ssyncset.s32 @!p0 $0xFFFFF086;
	s6 =	sadd.s32 @!p0 s3, s7;
	s7 =	simm.s32 @!p0 $0x108  }
0x21: {  	s3 =	sadd.s32 s3, s9;
	s6 =	sadd.s32 @!p0 $0x88, s6;
	s7 =	simm.s32 @p2 $0x1082  }
0x22: {  	[simem:s7], [sflag:s8] =	dma.local @!p0 [hbm:s6], $0xF7A  }
0x23: {  	s9 =	sor.u32 $0xD0000000, s2;
	s6 =	simm.s32 $0x108;
	_ =	swait.ge @!p0 [sflag:s8], $0x0  }
0x24: {  	s3 =	sadd.s32 $0x88, s3;
	s6 =	simm.s32 @!p1 $0x1082;
	[sflag:s4] =	ssyncset.s32 $0xFFFFF086  }
0x25: {  	[simem:s6], [sflag:s4] =	dma.local [hbm:s3], $0xF7A  }
0x26: {  	[smem:$0x3F96] =	sst s1;
	(tag) =	ssettag s2;
	_ =	strace s9  }
0x27: {  	s1 =	sld [smem:$0x3FA6]  }
0x28: {  	s2 =	sld [smem:$0x3FA7]  }
0x29: {  	s4 =	sld [smem:$0x3FA9]  }
0x2a: {  	p0 =	seq.s32 s5, $0x0;
	s5 =	sld [smem:$0x3FAA]  }
0x2b: {  	s6 =	sld [smem:$0x3FAB]  }
0x2c: {  	s7 =	sld [smem:$0x3FAC]  }
0x2d: {  	s3 =	simm.s32 $0x108;
	s8 =	sld [smem:$0x3FAD]  }
0x2e: {  	s3 =	simm.s32 @!p0 $0x1082;
	s9 =	sld [smem:$0x3FAE]  }
0x2f: {  	lr =	sadd.s32 s0, s3;
	s0 =	sld [smem:$0x3FA5]  }
0x30: {  	s3 =	sld [smem:$0x3FA8]  }
0x31: {  	[smem:$0x3FB1] =	sst s10  }
0x32: {  	s10 =	sld [smem:$0x3FAF];
	_ =	sdelay $0x3  }
0x33: {  	p0 =	seq.s32 s10, $0x1;
	s10 =	sld [smem:$0x3FB1];
	_ =	sdelay $0x3  }
0x34: {  	[smem:$0x3FB1] =	sst s10  }
0x35: {  	s10 =	sld [smem:$0x3FB0];
	_ =	sdelay $0x3  }
0x36: {  	p1 =	seq.s32 s10, $0x1;
	s10 =	sld [smem:$0x3FB1];
	_ =	sdelay $0x3  }
0x37: {  	[smem:$0x3FB1] =	sst s10  }
0x38: {  	s10 =	sld [smem:$0x3FB2]  }
0x39: {  	_ = 	snop;
	(pc) =	sbr.ind lr, $3  }
0x3a: {  	_ = 	snop  }
0x3b: {  	_ = 	snop  }
0x3c: {  	p2 =	seq.s32 s10, $0x1;
	s10 =	sld [smem:$0x3FB1]  }
0x3d: {  	_ =	shalt  }
0x3e: {  	_ =	shalt  }
0x3f: {  	_ =	shalt  }
0x40: {  	_ =	shalt  }
0x41: {  	_ =	shalt  }
0x42: {  	_ =	shalt  }
0x43: {  	_ =	shalt  }
0x44: {  	_ =	shalt  }
0x45: {  	_ =	shalt  }
0x46: {  	_ =	shalt  }
0x47: {  	_ =	shalt  }
0x48: {  	_ =	shalt  }
0x49: {  	_ =	shalt  }
0x4a: {  	_ =	shalt  }
0x4b: {  	_ =	shalt  }
0x4c: {  	_ =	shalt  }
0x4d: {  	_ =	shalt  }
0x4e: {  	_ =	shalt  }
0x4f: {  	_ =	shalt  }
0x50: {  	_ =	shalt  }
0x51: {  	_ =	shalt  }
0x52: {  	_ =	shalt  }
0x53: {  	_ =	shalt  }
0x54: {  	_ =	shalt  }
0x55: {  	_ =	shalt  }
0x56: {  	_ =	shalt  }
0x57: {  	_ =	shalt  }
0x58: {  	_ =	shalt  }
0x59: {  	_ =	shalt  }
0x5a: {  	_ =	shalt  }
0x5b: {  	_ =	shalt  }
0x5c: {  	_ =	shalt  }
0x5d: {  	_ =	shalt  }
0x5e: {  	_ =	shalt  }
0x5f: {  	_ =	shalt  }
0x60: {  	_ =	shalt  }
0x61: {  	_ =	shalt  }
0x62: {  	_ =	shalt  }
0x63: {  	_ =	shalt  }
0x64: {  	_ =	shalt  }
0x65: {  	_ =	shalt  }
0x66: {  	_ =	shalt  }
0x67: {  	_ =	shalt  }
0x68: {  	_ =	shalt  }
0x69: {  	_ =	shalt  }
0x6a: {  	_ =	shalt  }
0x6b: {  	_ =	shalt  }
0x6c: {  	_ =	shalt  }
0x6d: {  	_ =	shalt  }
0x6e: {  	_ =	shalt  }
0x6f: {  	_ =	shalt  }
0x70: {  	_ =	shalt  }
0x71: {  	_ =	shalt  }
0x72: {  	_ =	shalt  }
0x73: {  	_ =	shalt  }
0x74: {  	_ =	shalt  }
0x75: {  	_ =	shalt  }
0x76: {  	_ =	shalt  }
0x77: {  	_ =	shalt  }
0x78: {  	_ =	shalt  }
0x79: {  	_ =	shalt  }
0x7a: {  	_ =	shalt  }
0x7b: {  	_ =	shalt  }
0x7c: {  	_ =	shalt  }
0x7d: {  	_ =	shalt  }
0x7e: {  	_ =	shalt  }
0x7f: {  	_ =	shalt  }
0x80: {  	_ =	shalt  }
0x81: {  	_ =	shalt  }
0x82: {  	_ =	shalt  }
0x83: {  	_ =	shalt  }
0x84: {  	_ =	shalt  }
0x85: {  	_ =	shalt  }
0x86: {  	_ =	shalt  }
0x87: {  	_ =	shalt  }
.Lfunc_end0:
.L_simem_size_0:
called_computation_lowered:
.L_overlay_start_0:
0x88: {  	s2 =	sld [smem:$0x3FD9]  }
0x89: {  	s3 =	sld [smem:$0x3FFE];
	_ =	sdelay $0x1  }
0x8a: {  	s1 =	srdreg.scid  }
0x8b: {  	s0 =	sand.u32 $0x1, s1  }
0x8c: {  	s17 =	sshll.u32 s0, $0xA;
	s2 =	sadd.s32 s3, s2  }
0x8d: {  	s2 =	sadd.s32 s2, s17  }
0x8e: {  	[smem:$0x3FBD] =	sst s2  }
0x8f: {  	_ = 	snop  }
0x90: {  	(tm) =	ssettm $0x1  }
0x91: {  	s18 =	sld [smem:$0x3FFB];
	_ =	sdelay $0x3  }
0x92: {  	_ =	strace s18  }
0x93: {  	s2 =	sld [smem:$0x3FFC];
	_ =	sdelay $0x3  }
0x94: {  	_ =	strace s2  }
0x95: {  	s2 =	sld [smem:$0x3FFD];
	_ =	sdelay $0x3  }
0x96: {  	_ =	strace s2  }
0x97: {  	_ =	strace $0x8FFFFFFF  }
0x98: {  	s19 =	sld [smem:$0x3FDB];
	_ =	sdelay $0x1  }
0x99: {  	s20 =	simm.s32 $_scs_section_size  }
0x9a: {  	s4 =	simm.s32 $_size__tile_overlayer_lowered;
	s5 =	simm.s32 $_tile_overlayer_lowered  }
0x9b: {  	s6 =	simm.s32 $0x1BFF;
	s21 =	sshll.u32 s5, $0x1;
	s3 =	sadd.s32 s20, s19  }
0x9c: {  	s22 =	simm.s32 $0x0;
	s4 =	sshll.u32 s4, $0x1;
	s5 =	sadd.s32 s21, s3  }
0x9d: {  	[timem:s22], [sflag:s6] =	dma.local [hbm:s5], s4  }
0x9e: {  	_ =	swait.ge [sflag:s6], s4  }
0x9f: {  	s4 =	ssub.s32 $0x0, s4;
	[sflag:s6] =	ssyncset.done $0x0  }
0xa0: {  	[sflag:s6] =	ssyncadd.s32 s4;
	_ =	sdelay $0x1  }
0xa1: {  	s23 =	simm.s32 $0x1B8B  }
0xa2: {  	_ =	swait.ge [sflag:s23], $0x1  }
0xa3: {  	[sflag:s23] =	ssyncset.done $0x0  }
0xa4: {  	[sflag:s23] =	ssyncadd.s32 $0xFFFFFFFF  }
0xa5: {  	s4 =	sld [smem:$0x0]  }
0xa6: {  	s5 =	sand.u32 $0xFFFFFFFE, s1  }
0xa7: {  	p0 =	sne.s32 s1, s5  }
0xa8: {  	s5 =	sshll.u32 @p0 s5, $0xE  }
0xa9: {  	s5 =	sadd.s32 @p0 $0x11B8D, s5;
	s6 =	sshll.u32 @p0 s4, $0x11  }
0xaa: {  	s5 =	sor.u32 @p0 s6, s5  }
0xab: {  	[sflag:s5] =	ssyncadd.remote.s32 @p0 $0x1;
	_ =	sdelay $0x1  }
0xac: {  	s5 =	simm.s32 @p0 $0x1B8D  }
0xad: {  	_ =	swait.eq @p0 [sflag:s5], $0x1  }
0xae: {  	[sflag:s5] =	ssyncadd.s32 @p0 $0xFFFFFFFF  }
0xaf: {  	s6 =	sshll.u32 @!p0 s1, $0xE  }
0xb0: {  	s6 =	sor.u32 @!p0 $0x4000, s6;
	s5 =	simm.s32 @!p0 $0x1B8D  }
0xb1: {  	s4 =	sshll.u32 @!p0 s4, $0x11;
	s6 =	sadd.s32 @!p0 $0x11B8D, s6;
	_ =	swait.eq @!p0 [sflag:s5], $0x1  }
0xb2: {  	s4 =	sor.u32 @!p0 s4, s6;
	[sflag:s5] =	ssyncadd.s32 @!p0 $0xFFFFFFFF  }
0xb3: {  	s25 =	simm.s32 $0x1B8E;
	s24 =	sld [smem:$0x3FFE];
	[sflag:s4] =	ssyncadd.remote.s32 @!p0 $0x1  }
0xb4: {  	s26 =	simm.s32 $execute0_lowered;
	[smem:$0x3FD2] =	sst s25  }
0xb5: {  	s5 =	sshll.u32 s26, $0x1;
	_ =	strace $0x80000049;
	[dreg:$0x1] =	wrdreg $0xFFFFFFFF  }
0xb6: {  	s28 =	simm.s32 $_size_execute0_lowered;
	s3 =	sadd.s32 s3, s5;
	[dreg:$0x0] =	wrdreg $0x0  }
0xb7: {  	s5 =	sshll.u32 s28, $0x1;
	[dreg:$0x2] =	wrdreg s3  }
0xb8: {  	[dreg:$0x3] =	wrdreg s5  }
0xb9: {  	[dreg:$0x4] =	wrdreg $0xC0  }
0xba: {  	_ =	task [dreg:s22], $0x5FFFF  }
0xbb: {  	[dreg:$0x1] =	wrdreg $0xFFFFFFFF  }
0xbc: {  	[dreg:$0x0] =	wrdreg $0x60  }
0xbd: {  	[dreg:$0x2] =	wrdreg s24  }
0xbe: {  	[dreg:$0x3] =	wrdreg $0x30000  }
0xbf: {  	[dreg:$0x4] =	wrdreg $0x9  }
0xc0: {  	_ =	task.clear_ibuf [dreg:s22], $0x5FFFF;
	_ =	strace $0x90000049  }
0xc1: {  	s29 =	simm.s32 $0x9;
	_ =	strace $0x8000004B  }
0xc2: {  	_ =	swait.ge [sflag:s29], $0x1  }
0xc3: {  	[sflag:s29] =	ssyncadd.s32 $0xFFFFFFFF  }
0xc4: {  	_ =	strace $0x9000004B  }
0xc5: {  	_ =	sfence  }
0xc6: {  	s30 =	sld [smem:$0x0];
	_ =	sdelay $0x2  }
0xc7: {  	s31 =	sshll.u32 s1, $0xD;
	s1 =	sshrl.u32 s1, $0x2  }
0xc8: {  	s4 =	sand.u32 $0x4000, s31;
	s1 =	sadd.s32 s1, s30  }
0xc9: {  	s0 =	sor.u32 s4, s0;
	s1 =	sshll.u32 s1, $0x11  }
0xca: {  	s0 =	sor.u32 s1, s0  }
0xcb: {  	s0 =	sadd.s32 $0x8F2B, s0  }
0xcc: {  	[sflag:s0] =	ssyncadd.remote.s32 $0x1  }
0xcd: {  	_ =	sfence.sel $0xFFFF  }
0xce: {  	[dreg:$0x0] =	wrdreg $0xFFFFFFFF;
	(pc) =	sbr.abs _section_cstart, $3  }
0xcf: {  	[dreg:$0x1] =	wrdreg $0xFFFFFFFF  }
0xd0: {  	_ =	task.clear_ibuf [dreg:s22], $0x2FFFF;
	_ =	strace $0x9FFFFFFF  }
0xd1: {  	(tm) =	ssettm $0x7FFFFFFF  }
tec
execute0_lowered:
.L_overlay_start_1:
0x0: {  	(tag) =	ssettag $0x1  }
0x1: {  	s5 =	rddreg [dreg:$0x0]  }
0x2: {  	s2 =	rddreg [dreg:$0x1]  }
0x3: {  	s0 =	rddreg [dreg:$0x2]  }
0x4: {  	s3 =	simm.s32 $0x0;
	s4 =	srdreg.scid;
	s1 =	stileid.u32  }
0x5: {  	s12 =	simm.s32 $0x2800;
	s13 =	simm.s32 $0x80;
	s14 =	simm.s32 $0x0  }
0x6: {  	[smem:$0x7FF] =	sst s3;
	s4 =	sand.u32 $0x1, s4;
	s6 =	sshll.u32 s1, $0x1  }
0x7: {  	s7 =	smul.u32 $0x2800, s1;
	s31 =	sshll.u32 s1, $0x6;
	s6 =	sor.u32 s4, s6  }
0x8: {  	s8 =	sshll.u32 s4, $0x4;
	_ =	strace $0x8000004A;
	s10 =	ssub.s32 $0x2, s4  }
0x9: {  	s4 =	sadd.s32 $0x67200, s5;
	s6 =	smul.u32 $0x500, s6;
	s8 =	sor.u32 s1, s8  }
0xa: {  	s9 =	sshrl.u32 s7, $0x3;
	s29 =	sshrl.u32 s10, $0x1;
	s30 =	sadd.s32 s7, s2  }
0xb: {  	s8 =	smul.u32 $0x500, s8;
	s28 =	sadd.s32 s9, s5;
	s9 =	ssub.s32 s10, s29  }
0xc: {  	s10 =	sshrl.u32 s30, $0x3;
	s11 =	sadd.s32 s6, s5;
	s6 =	sor.u32 $0x1C01, s31  }
0xd: {  	s9 =	smax.u32 s9, $0x1;
	s8 =	sadd.s32 s8, s5;
	s5 =	sadd.s32 $0x67400, s28  }
0xe: {  	s7 =	sadd.s32 $0x35200, s11;
	s11 =	simm.s32 $0x1;
	s8 =	sadd.s32 $0x6C400, s8  }
.LBB2_1:
0xf: {  	[spmem:s10], [sflag:s6] =	dma.local [hbm:s5], $0x500  }
0x10: {  	_ =	swait.ge [sflag:s11], $0x500  }
0x11: {  	[sflag:s11] =	ssyncset.done $0x0  }
0x12: {  	[sflag:s11] =	ssyncadd.s32 $0xFFFFFB00  }
0x13: {  	[tilespmem:s3], [sflag:$0x1] =	stream.linear.gather [hbm4b:s7+s3], $0x2800, $0x38;
	[tilespmem:$0x5800] =	vst v63  }
0x14: {  	_ =	swait.ge [sflag:s11], $0x2800  }
0x15: {  	[sflag:s11] =	ssyncset.done $0x0  }
0x16: {  	[sflag:s11] =	ssyncadd.s32 $0xFFFFD800  }
0x17: {  	[tilespmem:s12], [sflag:$0x1] =	stream.linear.gather [hbm4b:s4+s3], $0x800, $0x38;
	[tilespmem:$0x5800] =	vst v63  }
0x18: {  	_ =	swait.ge [sflag:s11], $0x800  }
0x19: {  	[sflag:s11] =	ssyncset.done $0x0  }
0x1a: {  	[sflag:s11] =	ssyncadd.s32 $0xFFFFF800  }
0x1b: {  	s15 =	simm.s32 $0x0;
	[bflag:$0x0] =	sbarrier.arrive $0xFFFF  }
0x1c: {  	[spmem:s2] =	stream.indirect.scatter.add.f32 [tilespmem:s12], [sflag:$0x1], $0x10, s15, s13, $0xb8;
	[tilespmem:$0x5800] =	vst v63  }
0x1d: {  	_ =	swait.ge [sflag:s11], $0x800  }
0x1e: {  	s15 =	simm.s32 $0x200;
	[sflag:s11] =	ssyncset.done $0x0  }
.LBB2_2:
0x1f: {  	s16 =	sshra.s32 s15, $0x2;
	[sflag:s11] =	ssyncadd.s32 $0xFFFFF800;
	p0 =	sne.s32 s15, $0x9E00  }
0x20: {  	[spmem:s2] =	stream.indirect.scatter.add.f32 [tilespmem:s12], [sflag:$0x1], $0x10, s16, s13, $0xb8;
	[tilespmem:$0x5800] =	vst v63  }
.Ltmp0:
0x21: {  	_ = 	snop;
	(pc) =	sbr.rel @p0 .LBB2_2-.Ltmp0, $4  }
0x22: {  	_ = 	snop  }
0x23: {  	s15 =	sadd.s32 $0x200, s15  }
0x24: {  	_ =	swait.ge [sflag:s11], $0x800  }
0x25: {  	[sflag:s11] =	ssyncset.done $0x0  }
0x26: {  	s14 =	sadd.s32 $0x1, s14  }
0x27: {  	[sflag:s11] =	ssyncadd.s32 $0xFFFFF800;
	p0 =	sne.s32 s14, s9  }
.Ltmp1:
0x28: {  	[bflag:$0x0] =	sbarrier.arrive $0xFFFF;
	(pc) =	sbr.rel @p0 .LBB2_1-.Ltmp1, $4  }
0x29: {  	[hbm:s8], [sflag:s6] =	dma.local [spmem:s10], $0x500  }
0x2a: {  	_ =	swait.ge [sflag:s11], $0x500  }
0x2b: {  	[sflag:s11] =	ssyncset.done $0x0  }
0x2c: {  	[sflag:s11] =	ssyncadd.s32 $0xFFFFFB00  }
0x2d: {  	_ =	sfence.sel $0x180000  }
0x2e: {  	[bflag:$0x0] =	sbarrier.arrive $0xFFFF  }
0x2f: {  	p0 =	sne.s32 s1, $0x0;
	_ =	strace $0x9000004A  }
0x30: {  	s0 =	sadd.s32 @!p0 $0x100000, s0;
	[bflag:$0x2] =	sbarrier.arrive $0xFFFF  }
0x31: {  	[sflag:s0] =	ssyncadd.tile.s32 @!p0 $0x1;
	_ =	shalt  }
.Lfunc_end2:
_tile_overlayer_lowered:
.L_overlay_start_2:
0x32: {  	(tag) =	ssettag $0x2  }
0x33: {  	s0 =	rddreg [dreg:$0x0];
	s2 =	stileid.u32  }
0x34: {  	s1 =	rddreg [dreg:$0x1];
	p0 =	sne.s32 s2, $0x0  }
0x35: {  	s3 =	rddreg [dreg:$0x2];
	[bflag:$0x3] =	sbarrier.arrive $0xFFFF;
	s2 =	simm.s32 @!p0 $0x1C01  }
0x36: {  	[timem:s3], [sflag:s2] =	dma.local @!p0 [hbm:s0], s1  }
0x37: {  	s0 =	simm.s32 @!p0 $0x1  }
0x38: {  	_ =	swait.ge @!p0 [sflag:s0], s1  }
0x39: {  	s1 =	ssub.s32 @!p0 $0x0, s1;
	[sflag:s0] =	ssyncset.done @!p0 $0x0  }
0x3a: {  	[sflag:s0] =	ssyncadd.s32 @!p0 s1  }
0x3b: {  	[bflag:$0x3] =	sbarrier.arrive $0xFFFF  }
0x3c: {  	_ =	shalt  }

// kernel: kernel.15.cloned.1.call-start
scs
__scs_entry_jumppad:
0x0: {  	(pc) =	sbr.rel $0x88, $3  }
0x1: {  	(tag) =	ssettag $0x0;
	lr =	simm.s32 $0x1  }
0x2: {  	[smem:$0x3F96] =	sst lr;
	_ =	strace $0xD0000000  }
0x3: {  	_ = 	snop  }
0x4: {  	_ = 	snop  }
0x5: {  	_ = 	snop  }
0x6: {  	_ = 	snop  }
0x7: {  	_ = 	snop  }
__scs_overlays_trampoline_lowered:
0x8: {  	[smem:$0x3FA5] =	sst s0  }
0x9: {  	[smem:$0x3FA6] =	sst s1  }
0xa: {  	[smem:$0x3FA7] =	sst s2  }
0xb: {  	[smem:$0x3FA8] =	sst s3  }
0xc: {  	[smem:$0x3FA9] =	sst s4  }
0xd: {  	[smem:$0x3FAA] =	sst s5  }
0xe: {  	[smem:$0x3FAB] =	sst s6  }
0xf: {  	[smem:$0x3FAC] =	sst s7  }
0x10: {  	[smem:$0x3FAD] =	sst s8  }
0x11: {  	[smem:$0x3FAE] =	sst s9;
	s0 =	simm.s32 @!p0 $0x0  }
0x12: {  	s1 =	sld [smem:$0x3F94];
	s0 =	simm.s32 @p0 $0x1  }
0x13: {  	[smem:$0x3FAF] =	sst s0;
	s0 =	simm.s32 @!p1 $0x0  }
0x14: {  	s2 =	sld [smem:$0x3F93];
	s0 =	simm.s32 @p1 $0x1  }
0x15: {  	[smem:$0x3FB0] =	sst s0;
	s0 =	simm.s32 @!p2 $0x0  }
0x16: {  	s3 =	sld [smem:$0x3FDB];
	s0 =	simm.s32 @p2 $0x1  }
0x17: {  	s4 =	simm.s32 $0x1BF5;
	[smem:$0x3FB2] =	sst s0  }
0x18: {  	s0 =	sld [smem:$0x3F95];
	_ =	swait.ge [sflag:s4], $0x0  }
0x19: {  	s7 =	sld [smem:$0x3F96]  }
0x1a: {  	s8 =	sadd.s32 $0xFFFFE003, lr  }
0x1b: {  	s9 =	sadd.s32 $0xFFFFFEF7, lr;
	s5 =	simm.s32 $0xFFFFFFFF;
	p2 =	slt.u32 s8, $0xFFFFF086  }
0x1c: {  	p1 =	slt.u32 s9, $0xF7A;
	s5 =	simm.s32 @!p2 $0x0  }
0x1d: {  	s5 =	simm.s32 @p1 $0x1;
	p0 =	seq.s32 s7, s2  }
0x1e: {  	s7 =	smul.u32 @!p0 $0xF7A, s2;
	p2 =	seq.s32 @!p0 s5, $0x0  }
0x1f: {  	s9 =	smul.u32 $0xF7A, s1;
	s8 =	simm.s32 @!p0 $0x1BF5;
	p2 =	por !p2, p0  }
0x20: {  	[sflag:s8] =	ssyncset.s32 @!p0 $0xFFFFF086;
	s6 =	sadd.s32 @!p0 s3, s7;
	s7 =	simm.s32 @!p0 $0x108  }
0x21: {  	s3 =	sadd.s32 s3, s9;
	s6 =	sadd.s32 @!p0 $0x88, s6;
	s7 =	simm.s32 @p2 $0x1082  }
0x22: {  	[simem:s7], [sflag:s8] =	dma.local @!p0 [hbm:s6], $0xF7A  }
0x23: {  	s9 =	sor.u32 $0xD0000000, s2;
	s6 =	simm.s32 $0x108;
	_ =	swait.ge @!p0 [sflag:s8], $0x0  }
0x24: {  	s3 =	sadd.s32 $0x88, s3;
	s6 =	simm.s32 @!p1 $0x1082;
	[sflag:s4] =	ssyncset.s32 $0xFFFFF086  }
0x25: {  	[simem:s6], [sflag:s4] =	dma.local [hbm:s3], $0xF7A  }
0x26: {  	[smem:$0x3F96] =	sst s1;
	(tag) =	ssettag s2;
	_ =	strace s9  }
0x27: {  	s1 =	sld [smem:$0x3FA6]  }
0x28: {  	s2 =	sld [smem:$0x3FA7]  }
0x29: {  	s4 =	sld [smem:$0x3FA9]  }
0x2a: {  	p0 =	seq.s32 s5, $0x0;
	s5 =	sld [smem:$0x3FAA]  }
0x2b: {  	s6 =	sld [smem:$0x3FAB]  }
0x2c: {  	s7 =	sld [smem:$0x3FAC]  }
0x2d: {  	s3 =	simm.s32 $0x108;
	s8 =	sld [smem:$0x3FAD]  }
0x2e: {  	s3 =	simm.s32 @!p0 $0x1082;
	s9 =	sld [smem:$0x3FAE]  }
0x2f: {  	lr =	sadd.s32 s0, s3;
	s0 =	sld [smem:$0x3FA5]  }
0x30: {  	s3 =	sld [smem:$0x3FA8]  }
0x31: {  	[smem:$0x3FB1] =	sst s10  }
0x32: {  	s10 =	sld [smem:$0x3FAF];
	_ =	sdelay $0x3  }
0x33: {  	p0 =	seq.s32 s10, $0x1;
	s10 =	sld [smem:$0x3FB1];
	_ =	sdelay $0x3  }
0x34: {  	[smem:$0x3FB1] =	sst s10  }
0x35: {  	s10 =	sld [smem:$0x3FB0];
	_ =	sdelay $0x3  }
0x36: {  	p1 =	seq.s32 s10, $0x1;
	s10 =	sld [smem:$0x3FB1];
	_ =	sdelay $0x3  }
0x37: {  	[smem:$0x3FB1] =	sst s10  }
0x38: {  	s10 =	sld [smem:$0x3FB2]  }
0x39: {  	_ = 	snop;
	(pc) =	sbr.ind lr, $3  }
0x3a: {  	_ = 	snop  }
0x3b: {  	_ = 	snop  }
0x3c: {  	p2 =	seq.s32 s10, $0x1;
	s10 =	sld [smem:$0x3FB1]  }
0x3d: {  	_ =	shalt  }
0x3e: {  	_ =	shalt  }
0x3f: {  	_ =	shalt  }
0x40: {  	_ =	shalt  }
0x41: {  	_ =	shalt  }
0x42: {  	_ =	shalt  }
0x43: {  	_ =	shalt  }
0x44: {  	_ =	shalt  }
0x45: {  	_ =	shalt  }
0x46: {  	_ =	shalt  }
0x47: {  	_ =	shalt  }
0x48: {  	_ =	shalt  }
0x49: {  	_ =	shalt  }
0x4a: {  	_ =	shalt  }
0x4b: {  	_ =	shalt  }
0x4c: {  	_ =	shalt  }
0x4d: {  	_ =	shalt  }
0x4e: {  	_ =	shalt  }
0x4f: {  	_ =	shalt  }
0x50: {  	_ =	shalt  }
0x51: {  	_ =	shalt  }
0x52: {  	_ =	shalt  }
0x53: {  	_ =	shalt  }
0x54: {  	_ =	shalt  }
0x55: {  	_ =	shalt  }
0x56: {  	_ =	shalt  }
0x57: {  	_ =	shalt  }
0x58: {  	_ =	shalt  }
0x59: {  	_ =	shalt  }
0x5a: {  	_ =	shalt  }
0x5b: {  	_ =	shalt  }
0x5c: {  	_ =	shalt  }
0x5d: {  	_ =	shalt  }
0x5e: {  	_ =	shalt  }
0x5f: {  	_ =	shalt  }
0x60: {  	_ =	shalt  }
0x61: {  	_ =	shalt  }
0x62: {  	_ =	shalt  }
0x63: {  	_ =	shalt  }
0x64: {  	_ =	shalt  }
0x65: {  	_ =	shalt  }
0x66: {  	_ =	shalt  }
0x67: {  	_ =	shalt  }
0x68: {  	_ =	shalt  }
0x69: {  	_ =	shalt  }
0x6a: {  	_ =	shalt  }
0x6b: {  	_ =	shalt  }
0x6c: {  	_ =	shalt  }
0x6d: {  	_ =	shalt  }
0x6e: {  	_ =	shalt  }
0x6f: {  	_ =	shalt  }
0x70: {  	_ =	shalt  }
0x71: {  	_ =	shalt  }
0x72: {  	_ =	shalt  }
0x73: {  	_ =	shalt  }
0x74: {  	_ =	shalt  }
0x75: {  	_ =	shalt  }
0x76: {  	_ =	shalt  }
0x77: {  	_ =	shalt  }
0x78: {  	_ =	shalt  }
0x79: {  	_ =	shalt  }
0x7a: {  	_ =	shalt  }
0x7b: {  	_ =	shalt  }
0x7c: {  	_ =	shalt  }
0x7d: {  	_ =	shalt  }
0x7e: {  	_ =	shalt  }
0x7f: {  	_ =	shalt  }
0x80: {  	_ =	shalt  }
0x81: {  	_ =	shalt  }
0x82: {  	_ =	shalt  }
0x83: {  	_ =	shalt  }
0x84: {  	_ =	shalt  }
0x85: {  	_ =	shalt  }
0x86: {  	_ =	shalt  }
0x87: {  	_ =	shalt  }
.Lfunc_end0:
.L_simem_size_0:
called_computation.1_lowered:
.L_overlay_start_0:
0x88: {  	s2 =	sld [smem:$0x3FD9]  }
0x89: {  	s3 =	sld [smem:$0x3FFE];
	_ =	sdelay $0x1  }
0x8a: {  	s1 =	srdreg.scid  }
0x8b: {  	s0 =	sand.u32 $0x1, s1  }
0x8c: {  	s16 =	sshll.u32 s0, $0xA;
	s2 =	sadd.s32 s3, s2  }
0x8d: {  	s2 =	sadd.s32 s2, s16  }
0x8e: {  	[smem:$0x3FBD] =	sst s2  }
0x8f: {  	_ = 	snop  }
0x90: {  	(tm) =	ssettm $0x1  }
0x91: {  	s17 =	sld [smem:$0x3FFB];
	_ =	sdelay $0x3  }
0x92: {  	_ =	strace s17  }
0x93: {  	s2 =	sld [smem:$0x3FFC];
	_ =	sdelay $0x3  }
0x94: {  	_ =	strace s2  }
0x95: {  	s2 =	sld [smem:$0x3FFD];
	_ =	sdelay $0x3  }
0x96: {  	_ =	strace s2  }
0x97: {  	_ =	strace $0x8FFFFFFF  }
0x98: {  	s18 =	sld [smem:$0x3FDB];
	_ =	sdelay $0x1  }
0x99: {  	s19 =	simm.s32 $_scs_section_size  }
0x9a: {  	s4 =	simm.s32 $_size__tile_overlayer_lowered;
	s5 =	simm.s32 $_tile_overlayer_lowered  }
0x9b: {  	s22 =	simm.s32 $0x1BFF;
	s21 =	sshll.u32 s5, $0x1;
	s2 =	sadd.s32 s19, s18  }
0x9c: {  	s6 =	simm.s32 $0x0;
	s20 =	sshll.u32 s4, $0x1;
	s4 =	sadd.s32 s21, s2  }
0x9d: {  	[timem:s6], [sflag:s22] =	dma.local [hbm:s4], s20  }
0x9e: {  	_ =	swait.ge [sflag:s22], s20  }
0x9f: {  	s3 =	ssub.s32 $0x0, s20;
	[sflag:s22] =	ssyncset.done $0x0  }
0xa0: {  	[sflag:s22] =	ssyncadd.s32 s3;
	_ =	sdelay $0x1  }
0xa1: {  	s23 =	simm.s32 $0x1B8B  }
0xa2: {  	_ =	swait.ge [sflag:s23], $0x1  }
0xa3: {  	[sflag:s23] =	ssyncset.done $0x0  }
0xa4: {  	s25 =	simm.s32 $0x1B8E;
	s24 =	sld [smem:$0x3FFE];
	[sflag:s23] =	ssyncadd.s32 $0xFFFFFFFF  }
0xa5: {  	s26 =	simm.s32 $execute0_lowered;
	[smem:$0x3FD2] =	sst s25  }
0xa6: {  	s4 =	sshll.u32 s26, $0x1;
	_ =	strace $0x80000046;
	[dreg:$0x1] =	wrdreg $0xFFFFFFFF  }
0xa7: {  	s28 =	simm.s32 $_size_execute0_lowered;
	s2 =	sadd.s32 s2, s4;
	[dreg:$0x0] =	wrdreg $0x0  }
0xa8: {  	s4 =	sshll.u32 s28, $0x1;
	[dreg:$0x2] =	wrdreg s2  }
0xa9: {  	[dreg:$0x3] =	wrdreg s4  }
0xaa: {  	[dreg:$0x4] =	wrdreg $0xC0  }
0xab: {  	_ =	task [dreg:s6], $0x5FFFF  }
0xac: {  	[dreg:$0x1] =	wrdreg $0xFFFFFFFF  }
0xad: {  	[dreg:$0x0] =	wrdreg $0x60  }
0xae: {  	[dreg:$0x2] =	wrdreg s24  }
0xaf: {  	[dreg:$0x3] =	wrdreg $0xB8000  }
0xb0: {  	[dreg:$0x4] =	wrdreg $0x158000  }
0xb1: {  	[dreg:$0x5] =	wrdreg $0xA  }
0xb2: {  	_ =	task.clear_ibuf [dreg:s6], $0x6FFFF;
	_ =	strace $0x90000046  }
0xb3: {  	s29 =	simm.s32 $0xA;
	_ =	strace $0x80000048  }
0xb4: {  	_ =	swait.ge [sflag:s29], $0x1  }
0xb5: {  	[sflag:s29] =	ssyncadd.s32 $0xFFFFFFFF  }
0xb6: {  	_ =	strace $0x90000048  }
0xb7: {  	_ =	sfence  }
0xb8: {  	s30 =	sld [smem:$0x0];
	_ =	sdelay $0x2  }
0xb9: {  	s31 =	sshll.u32 s1, $0xD;
	s1 =	sshrl.u32 s1, $0x2  }
0xba: {  	s3 =	sand.u32 $0x4000, s31;
	s1 =	sadd.s32 s1, s30  }
0xbb: {  	s0 =	sor.u32 s3, s0;
	s1 =	sshll.u32 s1, $0x11  }
0xbc: {  	s0 =	sor.u32 s1, s0  }
0xbd: {  	s0 =	sadd.s32 $0x8F2B, s0  }
0xbe: {  	[sflag:s0] =	ssyncadd.remote.s32 $0x1  }
0xbf: {  	_ =	sfence.sel $0xFFFF  }
0xc0: {  	[dreg:$0x0] =	wrdreg $0xFFFFFFFF;
	(pc) =	sbr.abs _section_cstart, $3  }
0xc1: {  	[dreg:$0x1] =	wrdreg $0xFFFFFFFF  }
0xc2: {  	_ =	task.clear_ibuf [dreg:s6], $0x2FFFF;
	_ =	strace $0x9FFFFFFF  }
0xc3: {  	(tm) =	ssettm $0x7FFFFFFF  }
tec
execute0_lowered:
.L_overlay_start_1:
0x0: {  	(tag) =	ssettag $0x1  }
0x1: {  	s0 =	rddreg [dreg:$0x0]  }
0x2: {  	s2 =	rddreg [dreg:$0x1]  }
0x3: {  	s3 =	rddreg [dreg:$0x2];
	s11 =	stileid.u32  }
0x4: {  	s1 =	srdreg.scid;
	s4 =	simm.s32 $0x0;
	s15 =	simm.s32 $0x9  }
0x5: {  	s28 =	simm.s32 $0x2;
	s29 =	simm.s32 $0x5080;
	s30 =	simm.s32 $0x5  }
0x6: {  	s31 =	simm.s32 $0x4;
	s1 =	sand.u32 $0x1, s1;
	s6 =	smul.u32 $0x14000, s11  }
0x7: {  	s5 =	sshll.u32 s11, $0x1;
	[smem:$0x7FF] =	sst s4;
	s9 =	smul.u32 $0xA000, s11  }
0x8: {  	s17 =	sshll.u32 s11, $0x6;
	s5 =	sor.u32 s1, s5;
	s7 =	sshll.u32 s1, $0x4  }
0x9: {  	_ =	strace $0x80000047;
	s1 =	ssub.s32 $0x2, s1;
	s5 =	smul.u32 $0x500, s5  }
0xa: {  	s8 =	sshrl.u32 s6, $0x4;
	s7 =	sor.u32 s11, s7;
	s10 =	sshrl.u32 s9, $0x4  }
0xb: {  	s16 =	sshrl.u32 s1, $0x1;
	s6 =	sshrl.u32 s6, $0x1;
	s22 =	sshrl.u32 s9, $0x1  }
0xc: {  	s8 =	sadd.s32 s8, s0;
	s7 =	smul.u32 $0xA00, s7;
	s10 =	sadd.s32 s10, s0  }
0xd: {  	s1 =	ssub.s32 s1, s16;
	s18 =	sadd.s32 s6, s2;
	s6 =	sor.u32 $0x1C09, s17  }
0xe: {  	s23 =	sadd.s32 s22, s3;
	s17 =	simm.s32 $0x5000;
	s22 =	simm.s32 $0x6  }
0xf: {  	s5 =	sadd.s32 s5, s0;
	s19 =	sadd.s32 $0x21200, s8;
	s10 =	sadd.s32 $0x3200, s10  }
0x10: {  	s25 =	smax.u32 s1, $0x1;
	s26 =	sshrl.u32 s18, $0x3;
	s18 =	sshrl.u32 s23, $0x3  }
0x11: {  	s23 =	simm.s32 $0x9800;
	s1 =	simm.s32 $0x5100;
	[dreg:$0x4] =	wrdreg s19  }
0x12: {  	s8 =	simm.s32 $0x0;
	s0 =	sadd.s32 s7, s0;
	[dreg:$0xa] =	wrdreg s25  }
0x13: {  	s20 =	sadd.s32 $0xD200, s5;
	s21 =	sadd.s32 $0x17200, s5;
	[dreg:$0xb] =	wrdreg s26  }
0x14: {  	s5 =	sadd.s32 $0x35200, s5;
	s19 =	simm.s32 $0x80;
	[dreg:$0x5] =	wrdreg s20  }
.Ltmp0:
0x15: {  	s26 =	simm.s32 $0xA800;
	[dreg:$0x6] =	wrdreg s21;
	(pc) =	sbr.rel .LBB2_1-.Ltmp0, $4  }
0x16: {  	s25 =	simm.s32 $0x5180;
	s7 =	simm.s32 $0x8;
	[dreg:$0x7] =	wrdreg s5  }
0x17: {  	s24 =	sadd.s32 $0x3F200, s0;
	s0 =	sadd.s32 $0x53200, s0;
	s20 =	simm.s32 $0x7800  }
0x18: {  	s21 =	simm.s32 $0x8800;
	s5 =	simm.s32 $0x7;
	[dreg:$0x8] =	wrdreg s24  }
0x19: {  	[dreg:$0x9] =	wrdreg s0;
	s24 =	simm.s32 $0x1;
	s0 =	simm.s32 $0x3  }
.LBB2_7:
0x1a: {  	_ =	swait.ge [sflag:s30], $0x1000  }
0x1b: {  	[sflag:s30] =	ssyncset.done $0x0  }
0x1c: {  	[sflag:s30] =	ssyncadd.s32 $0xFFFFF000  }
0x1d: {  	_ =	swait.ge [sflag:s22], $0x1000  }
0x1e: {  	[sflag:s22] =	ssyncset.done $0x0  }
0x1f: {  	[sflag:s22] =	ssyncadd.s32 $0xFFFFF000  }
0x20: {  	_ =	swait.ge [sflag:s5], $0x1000  }
0x21: {  	[sflag:s5] =	ssyncset.done $0x0  }
0x22: {  	[sflag:s5] =	ssyncadd.s32 $0xFFFFF000  }
0x23: {  	_ =	swait.ge [sflag:s7], $0x1000  }
0x24: {  	[sflag:s7] =	ssyncset.done $0x0  }
0x25: {  	[sflag:s7] =	ssyncadd.s32 $0xFFFFF000  }
0x26: {  	[bflag:$0x0] =	sbarrier.arrive $0xFFFF  }
0x27: {  	s9 =	rddreg [dreg:$0x9]  }
0x28: {  	[hbm:s9], [sflag:s6] =	dma.local [spmem:s18], $0xA00  }
0x29: {  	_ =	swait.ge [sflag:s15], $0xA00  }
0x2a: {  	s8 =	sadd.s32 $0x1, s8;
	s16 =	rddreg [dreg:$0xa]  }
0x2b: {  	p0 =	sne.s32 s8, s16  }
.Ltmp1:
0x2c: {  	_ = 	snop;
	(pc) =	sbr.rel @!p0 .LBB2_8-.Ltmp1, $3  }
0x2d: {  	_ =	sdelay $0x1  }
0x2e: {  	[sflag:s15] =	ssyncset.done $0x0  }
0x2f: {  	[sflag:s15] =	ssyncadd.s32 $0xFFFFF600  }
.LBB2_1:
0x30: {  	s9 =	rddreg [dreg:$0x4]  }
0x31: {  	s11 =	rddreg [dreg:$0xb]  }
0x32: {  	[spmem:s11], [sflag:s6] =	dma.local [hbm:s9], $0x1400  }
0x33: {  	_ =	swait.ge [sflag:s15], $0x1400  }
0x34: {  	[sflag:s15] =	ssyncset.done $0x0  }
0x35: {  	s12 =	rddreg [dreg:$0x5];
	[sflag:s15] =	ssyncadd.s32 $0xFFFFEC00  }
0x36: {  	[tilespmem:s4], [sflag:$0x9] =	stream.linear.gather [hbm4b:s12+s4], $0x2800, $0x38;
	[tilespmem:$0x1A800] =	vst v63  }
0x37: {  	_ =	swait.ge [sflag:s15], $0x2800  }
0x38: {  	[sflag:s15] =	ssyncset.done $0x0  }
0x39: {  	s14 =	simm.s32 $0x2800;
	s13 =	rddreg [dreg:$0x6];
	[sflag:s15] =	ssyncadd.s32 $0xFFFFD800  }
0x3a: {  	[tilespmem:s14], [sflag:$0x9] =	stream.linear.gather [hbm4b:s13+s4], $0x2800, $0x38;
	[tilespmem:$0x1A800] =	vst v63  }
0x3b: {  	_ =	swait.ge [sflag:s15], $0x2800  }
0x3c: {  	[sflag:s15] =	ssyncset.done $0x0  }
0x3d: {  	s16 =	rddreg [dreg:$0x7];
	[sflag:s15] =	ssyncadd.s32 $0xFFFFD800  }
0x3e: {  	[tilespmem:s17], [sflag:$0x9] =	stream.linear.gather [hbm4b:s16+s4], $0x2800, $0x38;
	[tilespmem:$0x1A800] =	vst v63  }
0x3f: {  	_ =	swait.ge [sflag:s15], $0x2800  }
0x40: {  	[sflag:s15] =	ssyncset.done $0x0  }
0x41: {  	[sflag:s15] =	ssyncadd.s32 $0xFFFFD800  }
0x42: {  	[spmem:s18], [sflag:s6] =	dma.local [hbm:s10], $0xA00  }
0x43: {  	_ =	swait.ge [sflag:s15], $0xA00  }
0x44: {  	[sflag:s15] =	ssyncset.done $0x0  }
0x45: {  	[sflag:s15] =	ssyncadd.s32 $0xFFFFF600  }
0x46: {  	[bflag:$0x0] =	sbarrier.arrive $0xFFFF  }
0x47: {  	[tilespmem:s20], [sflag:$0x1] =	stream.indirect.gather [spmem:s2], $0x20, s4, s19, $0xb8;
	[tilespmem:$0x1A800] =	vst v63  }
0x48: {  	_ = 	snop  }
0x49: {  	[tilespmem:s21], [sflag:$0x2] =	stream.indirect.gather [spmem:s2], $0x20, s19, s19, $0xb8;
	[tilespmem:$0x1A800] =	vst v63  }
0x4a: {  	s11 =	simm.s32 $0x100  }
0x4b: {  	[tilespmem:s23], [sflag:$0x3] =	stream.indirect.gather [spmem:s2], $0x20, s11, s19, $0xb8;
	[tilespmem:$0x1A800] =	vst v63  }
0x4c: {  	_ =	swait.ge [sflag:s24], $0x1000  }
0x4d: {  	[sflag:s24] =	ssyncset.done $0x0  }
0x4e: {  	[sflag:s24] =	ssyncadd.s32 $0xFFFFF000  }
0x4f: {  	[spmem:s3] =	stream.indirect.scatter.add.bf16 [tilespmem:s20], [sflag:$0x5], $0x20, s17, s19, $0xb8;
	[tilespmem:$0x1A800] =	vst v63  }
0x50: {  	s12 =	simm.s32 $0x180  }
0x51: {  	[tilespmem:s26], [sflag:$0x4] =	stream.indirect.gather [spmem:s2], $0x20, s12, s19, $0xb8;
	[tilespmem:$0x1A800] =	vst v63  }
0x52: {  	_ =	swait.ge [sflag:s28], $0x1000  }
0x53: {  	[sflag:s28] =	ssyncset.done $0x0  }
0x54: {  	[sflag:s28] =	ssyncadd.s32 $0xFFFFF000  }
0x55: {  	[spmem:s3] =	stream.indirect.scatter.add.bf16 [tilespmem:s21], [sflag:$0x6], $0x20, s29, s19, $0xb8;
	[tilespmem:$0x1A800] =	vst v63  }
0x56: {  	_ =	swait.ge [sflag:s30], $0x1000  }
0x57: {  	[sflag:s30] =	ssyncset.done $0x0  }
0x58: {  	s13 =	simm.s32 $0x200;
	[sflag:s30] =	ssyncadd.s32 $0xFFFFF000  }
0x59: {  	[tilespmem:s20], [sflag:$0x1] =	stream.indirect.gather [spmem:s2], $0x20, s13, s19, $0xb8;
	[tilespmem:$0x1A800] =	vst v63  }
0x5a: {  	_ =	swait.ge [sflag:s0], $0x1000  }
0x5b: {  	[sflag:s0] =	ssyncset.done $0x0  }
0x5c: {  	[sflag:s0] =	ssyncadd.s32 $0xFFFFF000  }
0x5d: {  	[spmem:s3] =	stream.indirect.scatter.add.bf16 [tilespmem:s23], [sflag:$0x7], $0x20, s1, s19, $0xb8;
	[tilespmem:$0x1A800] =	vst v63  }
0x5e: {  	_ =	swait.ge [sflag:s22], $0x1000  }
0x5f: {  	[sflag:s22] =	ssyncset.done $0x0  }
0x60: {  	s14 =	simm.s32 $0x280;
	[sflag:s22] =	ssyncadd.s32 $0xFFFFF000  }
0x61: {  	[tilespmem:s21], [sflag:$0x2] =	stream.indirect.gather [spmem:s2], $0x20, s14, s19, $0xb8;
	[tilespmem:$0x1A800] =	vst v63  }
0x62: {  	_ =	swait.ge [sflag:s31], $0x1000  }
0x63: {  	[sflag:s31] =	ssyncset.done $0x0  }
0x64: {  	[sflag:s31] =	ssyncadd.s32 $0xFFFFF000  }
0x65: {  	[spmem:s3] =	stream.indirect.scatter.add.bf16 [tilespmem:s26], [sflag:$0x8], $0x20, s25, s19, $0xb8;
	[tilespmem:$0x1A800] =	vst v63  }
0x66: {  	_ =	swait.ge [sflag:s5], $0x1000  }
0x67: {  	[sflag:s5] =	ssyncset.done $0x0  }
0x68: {  	s9 =	simm.s32 $0x0;
	s16 =	simm.s32 $0x300;
	[sflag:s5] =	ssyncadd.s32 $0xFFFFF000  }
0x69: {  	[tilespmem:s23], [sflag:$0x3] =	stream.indirect.gather [spmem:s2], $0x20, s16, s19, $0xb8;
	[tilespmem:$0x1A800] =	vst v63  }
.LBB2_2:
0x6a: {  	_ =	swait.ge [sflag:s24], $0x1000  }
0x6b: {  	s11 =	sshra.s32 s9, $0x2;
	[sflag:s24] =	ssyncset.done $0x0  }
0x6c: {  	s16 =	sadd.s32 $0x5200, s11;
	[sflag:s24] =	ssyncadd.s32 $0xFFFFF000  }
0x6d: {  	[spmem:s3] =	stream.indirect.scatter.add.bf16 [tilespmem:s20], [sflag:$0x5], $0x20, s16, s19, $0xb8;
	[tilespmem:$0x1A800] =	vst v63  }
0x6e: {  	_ =	swait.ge [sflag:s7], $0x1000  }
0x6f: {  	[sflag:s7] =	ssyncset.done $0x0  }
0x70: {  	s13 =	sadd.s32 $0x380, s11;
	[sflag:s7] =	ssyncadd.s32 $0xFFFFF000  }
0x71: {  	[tilespmem:s26], [sflag:$0x4] =	stream.indirect.gather [spmem:s2], $0x20, s13, s19, $0xb8;
	[tilespmem:$0x1A800] =	vst v63  }
0x72: {  	_ =	swait.ge [sflag:s28], $0x1000  }
0x73: {  	p0 =	seq.s32 s9, $0x9000;
	[sflag:s28] =	ssyncset.done $0x0  }
0x74: {  	s14 =	sadd.s32 $0x5280, s11;
	s16 =	simm.s32 @p0 $0x3;
	[sflag:s28] =	ssyncadd.s32 $0xFFFFF000  }
0x75: {  	[spmem:s3] =	stream.indirect.scatter.add.bf16 [tilespmem:s21], [sflag:$0x6], $0x20, s14, s19, $0xb8;
	[tilespmem:$0x1A800] =	vst v63  }
0x76: {  	_ =	swait.ge @p0 [sflag:s16], $0x1000  }
0x77: {  	[sflag:s16] =	ssyncset.done @p0 $0x0  }
0x78: {  	[sflag:s16] =	ssyncadd.s32 @p0 $0xFFFFF000;
	s16 =	sshra.s32 @p0 s9, $0x2  }
0x79: {  	s12 =	simm.s32 @p0 $0x80;
	s13 =	simm.s32 @p0 $0x9800;
	s16 =	sadd.s32 @p0 $0x5300, s16  }
0x7a: {  	[spmem:s3] =	stream.indirect.scatter.add.bf16 @p0 [tilespmem:s13], [sflag:$0x7], $0x20, s16, s12, $0xb8;
	[tilespmem:$0x1A800] =	vst v63  }
0x7b: {  	s12 =	simm.s32 @!p0 $0x5  }
0x7c: {  	_ =	swait.ge @!p0 [sflag:s12], $0x1000  }
0x7d: {  	[sflag:s12] =	ssyncset.done @!p0 $0x0  }
0x7e: {  	[sflag:s12] =	ssyncadd.s32 @!p0 $0xFFFFF000;
	s12 =	sshra.s32 @!p0 s9, $0x2  }
0x7f: {  	s14 =	simm.s32 @!p0 $0x7800;
	s16 =	simm.s32 @!p0 $0x80;
	s13 =	sadd.s32 @!p0 $0x400, s12  }
0x80: {  	[tilespmem:s14], [sflag:$0x1] =	stream.indirect.gather @!p0 [spmem:s2], $0x20, s13, s16, $0xb8;
	[tilespmem:$0x1A800] =	vst v63  }
0x81: {  	s13 =	simm.s32 @!p0 $0x3  }
0x82: {  	_ =	swait.ge @!p0 [sflag:s13], $0x1000  }
0x83: {  	[sflag:s13] =	ssyncset.done @!p0 $0x0  }
0x84: {  	s14 =	simm.s32 @!p0 $0x9800;
	[sflag:s13] =	ssyncadd.s32 @!p0 $0xFFFFF000;
	s13 =	sadd.s32 @!p0 $0x5300, s12  }
0x85: {  	[spmem:s3] =	stream.indirect.scatter.add.bf16 @!p0 [tilespmem:s14], [sflag:$0x7], $0x20, s13, s16, $0xb8;
	[tilespmem:$0x1A800] =	vst v63  }
0x86: {  	s13 =	simm.s32 @!p0 $0x6  }
0x87: {  	_ =	swait.ge @!p0 [sflag:s13], $0x1000  }
0x88: {  	[sflag:s13] =	ssyncset.done @!p0 $0x0  }
0x89: {  	s12 =	sadd.s32 @!p0 $0x480, s12;
	[sflag:s13] =	ssyncadd.s32 @!p0 $0xFFFFF000;
	s13 =	simm.s32 @!p0 $0x8800  }
0x8a: {  	[tilespmem:s13], [sflag:$0x2] =	stream.indirect.gather @!p0 [spmem:s2], $0x20, s12, s16, $0xb8;
	[tilespmem:$0x1A800] =	vst v63  }
.Ltmp2:
0x8b: {  	_ = 	snop;
	(pc) =	sbr.rel @p0 .LBB2_4-.Ltmp2, $4  }
0x8c: {  	_ =	swait.ge [sflag:s31], $0x1000  }
0x8d: {  	[sflag:s31] =	ssyncset.done $0x0  }
0x8e: {  	s16 =	sadd.s32 $0x5380, s11;
	[sflag:s31] =	ssyncadd.s32 $0xFFFFF000  }
0x8f: {  	[spmem:s3] =	stream.indirect.scatter.add.bf16 [tilespmem:s26], [sflag:$0x8], $0x20, s16, s19, $0xb8;
	[tilespmem:$0x1A800] =	vst v63  }
.Ltmp3:
0x90: {  	(pc) =	sbr.rel .LBB2_2-.Ltmp3, $4  }
0x91: {  	_ =	swait.ge [sflag:s5], $0x1000  }
0x92: {  	[sflag:s5] =	ssyncset.done $0x0  }
0x93: {  	s11 =	sadd.s32 $0x500, s11;
	s9 =	sadd.s32 $0x800, s9;
	[sflag:s5] =	ssyncadd.s32 $0xFFFFF000  }
0x94: {  	[tilespmem:s23], [sflag:$0x3] =	stream.indirect.gather [spmem:s2], $0x20, s11, s19, $0xb8;
	[tilespmem:$0x1A800] =	vst v63  }
.LBB2_4:
0x95: {  	_ =	swait.ge [sflag:s30], $0x1000  }
0x96: {  	[sflag:s30] =	ssyncset.done $0x0  }
0x97: {  	[sflag:s30] =	ssyncadd.s32 $0xFFFFF000  }
0x98: {  	_ =	swait.ge [sflag:s22], $0x1000  }
0x99: {  	[sflag:s22] =	ssyncset.done $0x0  }
0x9a: {  	[sflag:s22] =	ssyncadd.s32 $0xFFFFF000  }
0x9b: {  	_ =	swait.ge [sflag:s5], $0x1000  }
0x9c: {  	[sflag:s5] =	ssyncset.done $0x0  }
0x9d: {  	[sflag:s5] =	ssyncadd.s32 $0xFFFFF000  }
0x9e: {  	_ =	swait.ge [sflag:s7], $0x1000  }
0x9f: {  	[sflag:s7] =	ssyncset.done $0x0  }
0xa0: {  	[sflag:s7] =	ssyncadd.s32 $0xFFFFF000  }
0xa1: {  	[bflag:$0x0] =	sbarrier.arrive $0xFFFF  }
0xa2: {  	s9 =	rddreg [dreg:$0x8]  }
0xa3: {  	[hbm:s9], [sflag:s6] =	dma.local [spmem:s18], $0xA00  }
0xa4: {  	_ =	swait.ge [sflag:s15], $0xA00  }
0xa5: {  	[sflag:s15] =	ssyncset.done $0x0  }
0xa6: {  	[sflag:s15] =	ssyncadd.s32 $0xFFFFF600  }
0xa7: {  	[spmem:s18], [sflag:s6] =	dma.local [hbm:s10], $0xA00  }
0xa8: {  	_ =	swait.ge [sflag:s15], $0xA00  }
0xa9: {  	[sflag:s15] =	ssyncset.done $0x0  }
0xaa: {  	[sflag:s15] =	ssyncadd.s32 $0xFFFFF600  }
0xab: {  	s14 =	simm.s32 $0x2800;
	[bflag:$0x0] =	sbarrier.arrive $0xFFFF  }
0xac: {  	[tilespmem:s20], [sflag:$0x1] =	stream.indirect.gather [spmem:s2], $0x20, s14, s19, $0xb8;
	[tilespmem:$0x1A800] =	vst v63  }
0xad: {  	s16 =	simm.s32 $0x2880  }
0xae: {  	[tilespmem:s21], [sflag:$0x2] =	stream.indirect.gather [spmem:s2], $0x20, s16, s19, $0xb8;
	[tilespmem:$0x1A800] =	vst v63  }
0xaf: {  	s11 =	simm.s32 $0x2900  }
0xb0: {  	[tilespmem:s23], [sflag:$0x3] =	stream.indirect.gather [spmem:s2], $0x20, s11, s19, $0xb8;
	[tilespmem:$0x1A800] =	vst v63  }
0xb1: {  	_ =	swait.ge [sflag:s24], $0x1000  }
0xb2: {  	[sflag:s24] =	ssyncset.done $0x0  }
0xb3: {  	[sflag:s24] =	ssyncadd.s32 $0xFFFFF000  }
0xb4: {  	[spmem:s3] =	stream.indirect.scatter.add.bf16 [tilespmem:s20], [sflag:$0x5], $0x20, s17, s19, $0xb8;
	[tilespmem:$0x1A800] =	vst v63  }
0xb5: {  	s12 =	simm.s32 $0x2980  }
0xb6: {  	[tilespmem:s26], [sflag:$0x4] =	stream.indirect.gather [spmem:s2], $0x20, s12, s19, $0xb8;
	[tilespmem:$0x1A800] =	vst v63  }
0xb7: {  	_ =	swait.ge [sflag:s28], $0x1000  }
0xb8: {  	[sflag:s28] =	ssyncset.done $0x0  }
0xb9: {  	[sflag:s28] =	ssyncadd.s32 $0xFFFFF000  }
0xba: {  	[spmem:s3] =	stream.indirect.scatter.add.bf16 [tilespmem:s21], [sflag:$0x6], $0x20, s29, s19, $0xb8;
	[tilespmem:$0x1A800] =	vst v63  }
0xbb: {  	_ =	swait.ge [sflag:s30], $0x1000  }
0xbc: {  	[sflag:s30] =	ssyncset.done $0x0  }
0xbd: {  	s13 =	simm.s32 $0x2A00;
	[sflag:s30] =	ssyncadd.s32 $0xFFFFF000  }
0xbe: {  	[tilespmem:s20], [sflag:$0x1] =	stream.indirect.gather [spmem:s2], $0x20, s13, s19, $0xb8;
	[tilespmem:$0x1A800] =	vst v63  }
0xbf: {  	_ =	swait.ge [sflag:s0], $0x1000  }
0xc0: {  	[sflag:s0] =	ssyncset.done $0x0  }
0xc1: {  	[sflag:s0] =	ssyncadd.s32 $0xFFFFF000  }
0xc2: {  	[spmem:s3] =	stream.indirect.scatter.add.bf16 [tilespmem:s23], [sflag:$0x7], $0x20, s1, s19, $0xb8;
	[tilespmem:$0x1A800] =	vst v63  }
0xc3: {  	_ =	swait.ge [sflag:s22], $0x1000  }
0xc4: {  	[sflag:s22] =	ssyncset.done $0x0  }
0xc5: {  	s14 =	simm.s32 $0x2A80;
	[sflag:s22] =	ssyncadd.s32 $0xFFFFF000  }
0xc6: {  	[tilespmem:s21], [sflag:$0x2] =	stream.indirect.gather [spmem:s2], $0x20, s14, s19, $0xb8;
	[tilespmem:$0x1A800] =	vst v63  }
0xc7: {  	_ =	swait.ge [sflag:s31], $0x1000  }
0xc8: {  	[sflag:s31] =	ssyncset.done $0x0  }
0xc9: {  	[sflag:s31] =	ssyncadd.s32 $0xFFFFF000  }
0xca: {  	[spmem:s3] =	stream.indirect.scatter.add.bf16 [tilespmem:s26], [sflag:$0x8], $0x20, s25, s19, $0xb8;
	[tilespmem:$0x1A800] =	vst v63  }
0xcb: {  	_ =	swait.ge [sflag:s5], $0x1000  }
0xcc: {  	[sflag:s5] =	ssyncset.done $0x0  }
0xcd: {  	s9 =	simm.s32 $0x0;
	s16 =	simm.s32 $0x2B00;
	[sflag:s5] =	ssyncadd.s32 $0xFFFFF000  }
0xce: {  	[tilespmem:s23], [sflag:$0x3] =	stream.indirect.gather [spmem:s2], $0x20, s16, s19, $0xb8;
	[tilespmem:$0x1A800] =	vst v63  }
.LBB2_5:
0xcf: {  	_ =	swait.ge [sflag:s24], $0x1000  }
0xd0: {  	s11 =	sshra.s32 s9, $0x2;
	[sflag:s24] =	ssyncset.done $0x0  }
0xd1: {  	s12 =	sadd.s32 $0x5200, s11;
	[sflag:s24] =	ssyncadd.s32 $0xFFFFF000  }
0xd2: {  	[spmem:s3] =	stream.indirect.scatter.add.bf16 [tilespmem:s20], [sflag:$0x5], $0x20, s12, s19, $0xb8;
	[tilespmem:$0x1A800] =	vst v63  }
0xd3: {  	_ =	swait.ge [sflag:s7], $0x1000  }
0xd4: {  	[sflag:s7] =	ssyncset.done $0x0  }
0xd5: {  	s13 =	sadd.s32 $0x2B80, s11;
	[sflag:s7] =	ssyncadd.s32 $0xFFFFF000  }
0xd6: {  	[tilespmem:s26], [sflag:$0x4] =	stream.indirect.gather [spmem:s2], $0x20, s13, s19, $0xb8;
	[tilespmem:$0x1A800] =	vst v63  }
0xd7: {  	_ =	swait.ge [sflag:s28], $0x1000  }
0xd8: {  	p0 =	seq.s32 s9, $0x9000;
	[sflag:s28] =	ssyncset.done $0x0  }
0xd9: {  	s14 =	sadd.s32 $0x5280, s11;
	s12 =	simm.s32 @p0 $0x3;
	[sflag:s28] =	ssyncadd.s32 $0xFFFFF000  }
0xda: {  	[spmem:s3] =	stream.indirect.scatter.add.bf16 [tilespmem:s21], [sflag:$0x6], $0x20, s14, s19, $0xb8;
	[tilespmem:$0x1A800] =	vst v63  }
0xdb: {  	_ =	swait.ge @p0 [sflag:s12], $0x1000  }
0xdc: {  	[sflag:s12] =	ssyncset.done @p0 $0x0  }
0xdd: {  	[sflag:s12] =	ssyncadd.s32 @p0 $0xFFFFF000;
	s12 =	sshra.s32 @p0 s9, $0x2  }
0xde: {  	s13 =	simm.s32 @p0 $0x80;
	s14 =	simm.s32 @p0 $0x9800;
	s12 =	sadd.s32 @p0 $0x5300, s12  }
0xdf: {  	[spmem:s3] =	stream.indirect.scatter.add.bf16 @p0 [tilespmem:s14], [sflag:$0x7], $0x20, s12, s13, $0xb8;
	[tilespmem:$0x1A800] =	vst v63  }
0xe0: {  	s12 =	simm.s32 @!p0 $0x5  }
0xe1: {  	_ =	swait.ge @!p0 [sflag:s12], $0x1000  }
0xe2: {  	[sflag:s12] =	ssyncset.done @!p0 $0x0  }
0xe3: {  	[sflag:s12] =	ssyncadd.s32 @!p0 $0xFFFFF000;
	s12 =	sshra.s32 @!p0 s9, $0x2  }
0xe4: {  	s16 =	simm.s32 @!p0 $0x7800;
	s14 =	simm.s32 @!p0 $0x80;
	s13 =	sadd.s32 @!p0 $0x2C00, s12  }
0xe5: {  	[tilespmem:s16], [sflag:$0x1] =	stream.indirect.gather @!p0 [spmem:s2], $0x20, s13, s14, $0xb8;
	[tilespmem:$0x1A800] =	vst v63  }
0xe6: {  	s13 =	simm.s32 @!p0 $0x3  }
0xe7: {  	_ =	swait.ge @!p0 [sflag:s13], $0x1000  }
0xe8: {  	[sflag:s13] =	ssyncset.done @!p0 $0x0  }
0xe9: {  	s16 =	simm.s32 @!p0 $0x9800;
	[sflag:s13] =	ssyncadd.s32 @!p0 $0xFFFFF000;
	s13 =	sadd.s32 @!p0 $0x5300, s12  }
0xea: {  	[spmem:s3] =	stream.indirect.scatter.add.bf16 @!p0 [tilespmem:s16], [sflag:$0x7], $0x20, s13, s14, $0xb8;
	[tilespmem:$0x1A800] =	vst v63  }
0xeb: {  	s13 =	simm.s32 @!p0 $0x6  }
0xec: {  	_ =	swait.ge @!p0 [sflag:s13], $0x1000  }
0xed: {  	[sflag:s13] =	ssyncset.done @!p0 $0x0  }
0xee: {  	s12 =	sadd.s32 @!p0 $0x2C80, s12;
	[sflag:s13] =	ssyncadd.s32 @!p0 $0xFFFFF000;
	s13 =	simm.s32 @!p0 $0x8800  }
0xef: {  	[tilespmem:s13], [sflag:$0x2] =	stream.indirect.gather @!p0 [spmem:s2], $0x20, s12, s14, $0xb8;
	[tilespmem:$0x1A800] =	vst v63  }
.Ltmp4:
0xf0: {  	_ = 	snop;
	(pc) =	sbr.rel @p0 .LBB2_7-.Ltmp4, $4  }
0xf1: {  	_ =	swait.ge [sflag:s31], $0x1000  }
0xf2: {  	[sflag:s31] =	ssyncset.done $0x0  }
0xf3: {  	s16 =	sadd.s32 $0x5380, s11;
	[sflag:s31] =	ssyncadd.s32 $0xFFFFF000  }
0xf4: {  	[spmem:s3] =	stream.indirect.scatter.add.bf16 [tilespmem:s26], [sflag:$0x8], $0x20, s16, s19, $0xb8;
	[tilespmem:$0x1A800] =	vst v63  }
.Ltmp5:
0xf5: {  	(pc) =	sbr.rel .LBB2_5-.Ltmp5, $4  }
0xf6: {  	_ =	swait.ge [sflag:s5], $0x1000  }
0xf7: {  	[sflag:s5] =	ssyncset.done $0x0  }
0xf8: {  	s11 =	sadd.s32 $0x2D00, s11;
	s9 =	sadd.s32 $0x800, s9;
	[sflag:s5] =	ssyncadd.s32 $0xFFFFF000  }
0xf9: {  	[tilespmem:s23], [sflag:$0x3] =	stream.indirect.gather [spmem:s2], $0x20, s11, s19, $0xb8;
	[tilespmem:$0x1A800] =	vst v63  }
.LBB2_8:
0xfa: {  	_ =	sfence.sel $0x180000  }
0xfb: {  	[bflag:$0x0] =	sbarrier.arrive $0xFFFF  }
0xfc: {  	_ =	strace $0x90000047  }
0xfd: {  	s0 =	stileid.u32;
	[bflag:$0x2] =	sbarrier.arrive $0xFFFF  }
0xfe: {  	p0 =	sne.s32 s0, $0x0;
	s0 =	rddreg [dreg:$0x3]  }
0xff: {  	s0 =	sadd.s32 @!p0 $0x100000, s0  }
0x100: {  	[sflag:s0] =	ssyncadd.tile.s32 @!p0 $0x1;
	_ =	shalt  }
.Lfunc_end2:
_tile_overlayer_lowered:
.L_overlay_start_2:
0x101: {  	(tag) =	ssettag $0x2  }
0x102: {  	s0 =	rddreg [dreg:$0x0];
	s2 =	stileid.u32  }
0x103: {  	s1 =	rddreg [dreg:$0x1];
	p0 =	sne.s32 s2, $0x0  }
0x104: {  	s3 =	rddreg [dreg:$0x2];
	[bflag:$0x3] =	sbarrier.arrive $0xFFFF;
	s2 =	simm.s32 @!p0 $0x1C09  }
0x105: {  	[timem:s3], [sflag:s2] =	dma.local @!p0 [hbm:s0], s1  }
0x106: {  	s0 =	simm.s32 @!p0 $0x9  }
0x107: {  	_ =	swait.ge @!p0 [sflag:s0], s1  }
0x108: {  	s1 =	ssub.s32 @!p0 $0x0, s1;
	[sflag:s0] =	ssyncset.done @!p0 $0x0  }
0x109: {  	[sflag:s0] =	ssyncadd.s32 @!p0 s1  }
0x10a: {  	[bflag:$0x3] =	sbarrier.arrive $0xFFFF  }
0x10b: {  	_ =	shalt  }

// kernel: kernel.18.cloned.1.call-start
scs
__scs_entry_jumppad:
0x0: {  	(pc) =	sbr.rel $0x88, $3  }
0x1: {  	(tag) =	ssettag $0x0;
	lr =	simm.s32 $0x1  }
0x2: {  	[smem:$0x3F96] =	sst lr;
	_ =	strace $0xD0000000  }
0x3: {  	_ = 	snop  }
0x4: {  	_ = 	snop  }
0x5: {  	_ = 	snop  }
0x6: {  	_ = 	snop  }
0x7: {  	_ = 	snop  }
__scs_overlays_trampoline_lowered:
0x8: {  	[smem:$0x3FA5] =	sst s0  }
0x9: {  	[smem:$0x3FA6] =	sst s1  }
0xa: {  	[smem:$0x3FA7] =	sst s2  }
0xb: {  	[smem:$0x3FA8] =	sst s3  }
0xc: {  	[smem:$0x3FA9] =	sst s4  }
0xd: {  	[smem:$0x3FAA] =	sst s5  }
0xe: {  	[smem:$0x3FAB] =	sst s6  }
0xf: {  	[smem:$0x3FAC] =	sst s7  }
0x10: {  	[smem:$0x3FAD] =	sst s8  }
0x11: {  	[smem:$0x3FAE] =	sst s9;
	s0 =	simm.s32 @!p0 $0x0  }
0x12: {  	s1 =	sld [smem:$0x3F94];
	s0 =	simm.s32 @p0 $0x1  }
0x13: {  	[smem:$0x3FAF] =	sst s0;
	s0 =	simm.s32 @!p1 $0x0  }
0x14: {  	s2 =	sld [smem:$0x3F93];
	s0 =	simm.s32 @p1 $0x1  }
0x15: {  	[smem:$0x3FB0] =	sst s0;
	s0 =	simm.s32 @!p2 $0x0  }
0x16: {  	s3 =	sld [smem:$0x3FDB];
	s0 =	simm.s32 @p2 $0x1  }
0x17: {  	s4 =	simm.s32 $0x1BF5;
	[smem:$0x3FB2] =	sst s0  }
0x18: {  	s0 =	sld [smem:$0x3F95];
	_ =	swait.ge [sflag:s4], $0x0  }
0x19: {  	s7 =	sld [smem:$0x3F96]  }
0x1a: {  	s8 =	sadd.s32 $0xFFFFE003, lr  }
0x1b: {  	s9 =	sadd.s32 $0xFFFFFEF7, lr;
	s5 =	simm.s32 $0xFFFFFFFF;
	p2 =	slt.u32 s8, $0xFFFFF086  }
0x1c: {  	p1 =	slt.u32 s9, $0xF7A;
	s5 =	simm.s32 @!p2 $0x0  }
0x1d: {  	s5 =	simm.s32 @p1 $0x1;
	p0 =	seq.s32 s7, s2  }
0x1e: {  	s7 =	smul.u32 @!p0 $0xF7A, s2;
	p2 =	seq.s32 @!p0 s5, $0x0  }
0x1f: {  	s9 =	smul.u32 $0xF7A, s1;
	s8 =	simm.s32 @!p0 $0x1BF5;
	p2 =	por !p2, p0  }
0x20: {  	[sflag:s8] =	ssyncset.s32 @!p0 $0xFFFFF086;
	s6 =	sadd.s32 @!p0 s3, s7;
	s7 =	simm.s32 @!p0 $0x108  }
0x21: {  	s3 =	sadd.s32 s3, s9;
	s6 =	sadd.s32 @!p0 $0x88, s6;
	s7 =	simm.s32 @p2 $0x1082  }
0x22: {  	[simem:s7], [sflag:s8] =	dma.local @!p0 [hbm:s6], $0xF7A  }
0x23: {  	s9 =	sor.u32 $0xD0000000, s2;
	s6 =	simm.s32 $0x108;
	_ =	swait.ge @!p0 [sflag:s8], $0x0  }
0x24: {  	s3 =	sadd.s32 $0x88, s3;
	s6 =	simm.s32 @!p1 $0x1082;
	[sflag:s4] =	ssyncset.s32 $0xFFFFF086  }
0x25: {  	[simem:s6], [sflag:s4] =	dma.local [hbm:s3], $0xF7A  }
0x26: {  	[smem:$0x3F96] =	sst s1;
	(tag) =	ssettag s2;
	_ =	strace s9  }
0x27: {  	s1 =	sld [smem:$0x3FA6]  }
0x28: {  	s2 =	sld [smem:$0x3FA7]  }
0x29: {  	s4 =	sld [smem:$0x3FA9]  }
0x2a: {  	p0 =	seq.s32 s5, $0x0;
	s5 =	sld [smem:$0x3FAA]  }
0x2b: {  	s6 =	sld [smem:$0x3FAB]  }
0x2c: {  	s7 =	sld [smem:$0x3FAC]  }
0x2d: {  	s3 =	simm.s32 $0x108;
	s8 =	sld [smem:$0x3FAD]  }
0x2e: {  	s3 =	simm.s32 @!p0 $0x1082;
	s9 =	sld [smem:$0x3FAE]  }
0x2f: {  	lr =	sadd.s32 s0, s3;
	s0 =	sld [smem:$0x3FA5]  }
0x30: {  	s3 =	sld [smem:$0x3FA8]  }
0x31: {  	[smem:$0x3FB1] =	sst s10  }
0x32: {  	s10 =	sld [smem:$0x3FAF];
	_ =	sdelay $0x3  }
0x33: {  	p0 =	seq.s32 s10, $0x1;
	s10 =	sld [smem:$0x3FB1];
	_ =	sdelay $0x3  }
0x34: {  	[smem:$0x3FB1] =	sst s10  }
0x35: {  	s10 =	sld [smem:$0x3FB0];
	_ =	sdelay $0x3  }
0x36: {  	p1 =	seq.s32 s10, $0x1;
	s10 =	sld [smem:$0x3FB1];
	_ =	sdelay $0x3  }
0x37: {  	[smem:$0x3FB1] =	sst s10  }
0x38: {  	s10 =	sld [smem:$0x3FB2]  }
0x39: {  	_ = 	snop;
	(pc) =	sbr.ind lr, $3  }
0x3a: {  	_ = 	snop  }
0x3b: {  	_ = 	snop  }
0x3c: {  	p2 =	seq.s32 s10, $0x1;
	s10 =	sld [smem:$0x3FB1]  }
0x3d: {  	_ =	shalt  }
0x3e: {  	_ =	shalt  }
0x3f: {  	_ =	shalt  }
0x40: {  	_ =	shalt  }
0x41: {  	_ =	shalt  }
0x42: {  	_ =	shalt  }
0x43: {  	_ =	shalt  }
0x44: {  	_ =	shalt  }
0x45: {  	_ =	shalt  }
0x46: {  	_ =	shalt  }
0x47: {  	_ =	shalt  }
0x48: {  	_ =	shalt  }
0x49: {  	_ =	shalt  }
0x4a: {  	_ =	shalt  }
0x4b: {  	_ =	shalt  }
0x4c: {  	_ =	shalt  }
0x4d: {  	_ =	shalt  }
0x4e: {  	_ =	shalt  }
0x4f: {  	_ =	shalt  }
0x50: {  	_ =	shalt  }
0x51: {  	_ =	shalt  }
0x52: {  	_ =	shalt  }
0x53: {  	_ =	shalt  }
0x54: {  	_ =	shalt  }
0x55: {  	_ =	shalt  }
0x56: {  	_ =	shalt  }
0x57: {  	_ =	shalt  }
0x58: {  	_ =	shalt  }
0x59: {  	_ =	shalt  }
0x5a: {  	_ =	shalt  }
0x5b: {  	_ =	shalt  }
0x5c: {  	_ =	shalt  }
0x5d: {  	_ =	shalt  }
0x5e: {  	_ =	shalt  }
0x5f: {  	_ =	shalt  }
0x60: {  	_ =	shalt  }
0x61: {  	_ =	shalt  }
0x62: {  	_ =	shalt  }
0x63: {  	_ =	shalt  }
0x64: {  	_ =	shalt  }
0x65: {  	_ =	shalt  }
0x66: {  	_ =	shalt  }
0x67: {  	_ =	shalt  }
0x68: {  	_ =	shalt  }
0x69: {  	_ =	shalt  }
0x6a: {  	_ =	shalt  }
0x6b: {  	_ =	shalt  }
0x6c: {  	_ =	shalt  }
0x6d: {  	_ =	shalt  }
0x6e: {  	_ =	shalt  }
0x6f: {  	_ =	shalt  }
0x70: {  	_ =	shalt  }
0x71: {  	_ =	shalt  }
0x72: {  	_ =	shalt  }
0x73: {  	_ =	shalt  }
0x74: {  	_ =	shalt  }
0x75: {  	_ =	shalt  }
0x76: {  	_ =	shalt  }
0x77: {  	_ =	shalt  }
0x78: {  	_ =	shalt  }
0x79: {  	_ =	shalt  }
0x7a: {  	_ =	shalt  }
0x7b: {  	_ =	shalt  }
0x7c: {  	_ =	shalt  }
0x7d: {  	_ =	shalt  }
0x7e: {  	_ =	shalt  }
0x7f: {  	_ =	shalt  }
0x80: {  	_ =	shalt  }
0x81: {  	_ =	shalt  }
0x82: {  	_ =	shalt  }
0x83: {  	_ =	shalt  }
0x84: {  	_ =	shalt  }
0x85: {  	_ =	shalt  }
0x86: {  	_ =	shalt  }
0x87: {  	_ =	shalt  }
.Lfunc_end0:
.L_simem_size_0:
called_computation.2_lowered:
.L_overlay_start_0:
0x88: {  	s2 =	sld [smem:$0x3FD9]  }
0x89: {  	s3 =	sld [smem:$0x3FFE];
	_ =	sdelay $0x1  }
0x8a: {  	s1 =	srdreg.scid  }
0x8b: {  	s0 =	sand.u32 $0x1, s1  }
0x8c: {  	s16 =	sshll.u32 s0, $0xA;
	s2 =	sadd.s32 s3, s2  }
0x8d: {  	s2 =	sadd.s32 s2, s16  }
0x8e: {  	[smem:$0x3FBD] =	sst s2  }
0x8f: {  	_ = 	snop  }
0x90: {  	(tm) =	ssettm $0x1  }
0x91: {  	s17 =	sld [smem:$0x3FFB];
	_ =	sdelay $0x3  }
0x92: {  	_ =	strace s17  }
0x93: {  	s2 =	sld [smem:$0x3FFC];
	_ =	sdelay $0x3  }
0x94: {  	_ =	strace s2  }
0x95: {  	s2 =	sld [smem:$0x3FFD];
	_ =	sdelay $0x3  }
0x96: {  	_ =	strace s2  }
0x97: {  	_ =	strace $0x8FFFFFFF  }
0x98: {  	s18 =	sld [smem:$0x3FDB];
	_ =	sdelay $0x1  }
0x99: {  	s19 =	simm.s32 $_scs_section_size  }
0x9a: {  	s4 =	simm.s32 $_size__tile_overlayer_lowered;
	s5 =	simm.s32 $_tile_overlayer_lowered  }
0x9b: {  	s22 =	simm.s32 $0x1BFF;
	s21 =	sshll.u32 s5, $0x1;
	s2 =	sadd.s32 s19, s18  }
0x9c: {  	s6 =	simm.s32 $0x0;
	s20 =	sshll.u32 s4, $0x1;
	s4 =	sadd.s32 s21, s2  }
0x9d: {  	[timem:s6], [sflag:s22] =	dma.local [hbm:s4], s20  }
0x9e: {  	_ =	swait.ge [sflag:s22], s20  }
0x9f: {  	s3 =	ssub.s32 $0x0, s20;
	[sflag:s22] =	ssyncset.done $0x0  }
0xa0: {  	[sflag:s22] =	ssyncadd.s32 s3;
	_ =	sdelay $0x1  }
0xa1: {  	s23 =	simm.s32 $0x1B8B  }
0xa2: {  	_ =	swait.ge [sflag:s23], $0x1  }
0xa3: {  	[sflag:s23] =	ssyncset.done $0x0  }
0xa4: {  	s25 =	simm.s32 $0x1B8E;
	s24 =	sld [smem:$0x3FFE];
	[sflag:s23] =	ssyncadd.s32 $0xFFFFFFFF  }
0xa5: {  	s26 =	simm.s32 $execute0_lowered;
	[smem:$0x3FD2] =	sst s25  }
0xa6: {  	s4 =	sshll.u32 s26, $0x1;
	_ =	strace $0x8000004C;
	[dreg:$0x1] =	wrdreg $0xFFFFFFFF  }
0xa7: {  	s28 =	simm.s32 $_size_execute0_lowered;
	s2 =	sadd.s32 s2, s4;
	[dreg:$0x0] =	wrdreg $0x0  }
0xa8: {  	s4 =	sshll.u32 s28, $0x1;
	[dreg:$0x2] =	wrdreg s2  }
0xa9: {  	[dreg:$0x3] =	wrdreg s4  }
0xaa: {  	[dreg:$0x4] =	wrdreg $0xC0  }
0xab: {  	_ =	task [dreg:s6], $0x5FFFF  }
0xac: {  	[dreg:$0x1] =	wrdreg $0xFFFFFFFF  }
0xad: {  	[dreg:$0x0] =	wrdreg $0x60  }
0xae: {  	[dreg:$0x2] =	wrdreg s24  }
0xaf: {  	[dreg:$0x3] =	wrdreg $0xB8000  }
0xb0: {  	[dreg:$0x4] =	wrdreg $0x158000  }
0xb1: {  	[dreg:$0x5] =	wrdreg $0x9  }
0xb2: {  	_ =	task.clear_ibuf [dreg:s6], $0x6FFFF;
	_ =	strace $0x9000004C  }
0xb3: {  	s29 =	simm.s32 $0x9;
	_ =	strace $0x8000004E  }
0xb4: {  	_ =	swait.ge [sflag:s29], $0x1  }
0xb5: {  	[sflag:s29] =	ssyncadd.s32 $0xFFFFFFFF  }
0xb6: {  	_ =	strace $0x9000004E  }
0xb7: {  	_ =	sfence  }
0xb8: {  	s30 =	sld [smem:$0x0];
	_ =	sdelay $0x2  }
0xb9: {  	s31 =	sshll.u32 s1, $0xD;
	s1 =	sshrl.u32 s1, $0x2  }
0xba: {  	s3 =	sand.u32 $0x4000, s31;
	s1 =	sadd.s32 s1, s30  }
0xbb: {  	s0 =	sor.u32 s3, s0;
	s1 =	sshll.u32 s1, $0x11  }
0xbc: {  	s0 =	sor.u32 s1, s0  }
0xbd: {  	s0 =	sadd.s32 $0x8F2B, s0  }
0xbe: {  	[sflag:s0] =	ssyncadd.remote.s32 $0x1  }
0xbf: {  	_ =	sfence.sel $0xFFFF  }
0xc0: {  	[dreg:$0x0] =	wrdreg $0xFFFFFFFF;
	(pc) =	sbr.abs _section_cstart, $3  }
0xc1: {  	[dreg:$0x1] =	wrdreg $0xFFFFFFFF  }
0xc2: {  	_ =	task.clear_ibuf [dreg:s6], $0x2FFFF;
	_ =	strace $0x9FFFFFFF  }
0xc3: {  	(tm) =	ssettm $0x7FFFFFFF  }
tec
execute0_lowered:
.L_overlay_start_1:
0x0: {  	(tag) =	ssettag $0x1  }
0x1: {  	s0 =	rddreg [dreg:$0x0]  }
0x2: {  	s2 =	rddreg [dreg:$0x1]  }
0x3: {  	s3 =	rddreg [dreg:$0x2];
	s11 =	stileid.u32  }
0x4: {  	s1 =	srdreg.scid;
	s4 =	simm.s32 $0x0;
	s15 =	simm.s32 $0x9  }
0x5: {  	s28 =	simm.s32 $0x2;
	s29 =	simm.s32 $0x5080;
	s30 =	simm.s32 $0x5  }
0x6: {  	s31 =	simm.s32 $0x4;
	s1 =	sand.u32 $0x1, s1;
	s6 =	smul.u32 $0x14000, s11  }
0x7: {  	s5 =	sshll.u32 s11, $0x1;
	[smem:$0x7FF] =	sst s4;
	s9 =	smul.u32 $0xA000, s11  }
0x8: {  	s17 =	sshll.u32 s11, $0x6;
	s5 =	sor.u32 s1, s5;
	s7 =	sshll.u32 s1, $0x4  }
0x9: {  	_ =	strace $0x8000004D;
	s1 =	ssub.s32 $0x2, s1;
	s5 =	smul.u32 $0x500, s5  }
0xa: {  	s8 =	sshrl.u32 s6, $0x4;
	s7 =	sor.u32 s11, s7;
	s10 =	sshrl.u32 s9, $0x4  }
0xb: {  	s16 =	sshrl.u32 s1, $0x1;
	s6 =	sshrl.u32 s6, $0x1;
	s22 =	sshrl.u32 s9, $0x1  }
0xc: {  	s8 =	sadd.s32 s8, s0;
	s7 =	smul.u32 $0xA00, s7;
	s10 =	sadd.s32 s10, s0  }
0xd: {  	s1 =	ssub.s32 s1, s16;
	s18 =	sadd.s32 s6, s2;
	s6 =	sor.u32 $0x1C09, s17  }
0xe: {  	s23 =	sadd.s32 s22, s3;
	s17 =	simm.s32 $0x5000;
	s22 =	simm.s32 $0x6  }
0xf: {  	s5 =	sadd.s32 s5, s0;
	s19 =	sadd.s32 $0x21200, s8;
	s10 =	sadd.s32 $0x3200, s10  }
0x10: {  	s25 =	smax.u32 s1, $0x1;
	s26 =	sshrl.u32 s18, $0x3;
	s18 =	sshrl.u32 s23, $0x3  }
0x11: {  	s23 =	simm.s32 $0x9800;
	s1 =	simm.s32 $0x5100;
	[dreg:$0x4] =	wrdreg s19  }
0x12: {  	s8 =	simm.s32 $0x0;
	s0 =	sadd.s32 s7, s0;
	[dreg:$0xa] =	wrdreg s25  }
0x13: {  	s20 =	sadd.s32 $0xD200, s5;
	s21 =	sadd.s32 $0x17200, s5;
	[dreg:$0xb] =	wrdreg s26  }
0x14: {  	s5 =	sadd.s32 $0x35200, s5;
	s19 =	simm.s32 $0x80;
	[dreg:$0x5] =	wrdreg s20  }
.Ltmp0:
0x15: {  	s26 =	simm.s32 $0xA800;
	[dreg:$0x6] =	wrdreg s21;
	(pc) =	sbr.rel .LBB2_1-.Ltmp0, $4  }
0x16: {  	s25 =	simm.s32 $0x5180;
	s7 =	simm.s32 $0x8;
	[dreg:$0x7] =	wrdreg s5  }
0x17: {  	s24 =	sadd.s32 $0x3F200, s0;
	s0 =	sadd.s32 $0x53200, s0;
	s20 =	simm.s32 $0x7800  }
0x18: {  	s21 =	simm.s32 $0x8800;
	s5 =	simm.s32 $0x7;
	[dreg:$0x8] =	wrdreg s24  }
0x19: {  	[dreg:$0x9] =	wrdreg s0;
	s24 =	simm.s32 $0x1;
	s0 =	simm.s32 $0x3  }
.LBB2_7:
0x1a: {  	_ =	swait.ge [sflag:s30], $0x1000  }
0x1b: {  	[sflag:s30] =	ssyncset.done $0x0  }
0x1c: {  	[sflag:s30] =	ssyncadd.s32 $0xFFFFF000  }
0x1d: {  	_ =	swait.ge [sflag:s22], $0x1000  }
0x1e: {  	[sflag:s22] =	ssyncset.done $0x0  }
0x1f: {  	[sflag:s22] =	ssyncadd.s32 $0xFFFFF000  }
0x20: {  	_ =	swait.ge [sflag:s5], $0x1000  }
0x21: {  	[sflag:s5] =	ssyncset.done $0x0  }
0x22: {  	[sflag:s5] =	ssyncadd.s32 $0xFFFFF000  }
0x23: {  	_ =	swait.ge [sflag:s7], $0x1000  }
0x24: {  	[sflag:s7] =	ssyncset.done $0x0  }
0x25: {  	[sflag:s7] =	ssyncadd.s32 $0xFFFFF000  }
0x26: {  	[bflag:$0x0] =	sbarrier.arrive $0xFFFF  }
0x27: {  	s9 =	rddreg [dreg:$0x9]  }
0x28: {  	[hbm:s9], [sflag:s6] =	dma.local [spmem:s18], $0xA00  }
0x29: {  	_ =	swait.ge [sflag:s15], $0xA00  }
0x2a: {  	s8 =	sadd.s32 $0x1, s8;
	s16 =	rddreg [dreg:$0xa]  }
0x2b: {  	p0 =	sne.s32 s8, s16  }
.Ltmp1:
0x2c: {  	_ = 	snop;
	(pc) =	sbr.rel @!p0 .LBB2_8-.Ltmp1, $3  }
0x2d: {  	_ =	sdelay $0x1  }
0x2e: {  	[sflag:s15] =	ssyncset.done $0x0  }
0x2f: {  	[sflag:s15] =	ssyncadd.s32 $0xFFFFF600  }
.LBB2_1:
0x30: {  	s9 =	rddreg [dreg:$0x4]  }
0x31: {  	s11 =	rddreg [dreg:$0xb]  }
0x32: {  	[spmem:s11], [sflag:s6] =	dma.local [hbm:s9], $0x1400  }
0x33: {  	_ =	swait.ge [sflag:s15], $0x1400  }
0x34: {  	[sflag:s15] =	ssyncset.done $0x0  }
0x35: {  	s12 =	rddreg [dreg:$0x5];
	[sflag:s15] =	ssyncadd.s32 $0xFFFFEC00  }
0x36: {  	[tilespmem:s4], [sflag:$0x9] =	stream.linear.gather [hbm4b:s12+s4], $0x2800, $0x38;
	[tilespmem:$0x1A800] =	vst v63  }
0x37: {  	_ =	swait.ge [sflag:s15], $0x2800  }
0x38: {  	[sflag:s15] =	ssyncset.done $0x0  }
0x39: {  	s14 =	simm.s32 $0x2800;
	s13 =	rddreg [dreg:$0x6];
	[sflag:s15] =	ssyncadd.s32 $0xFFFFD800  }
0x3a: {  	[tilespmem:s14], [sflag:$0x9] =	stream.linear.gather [hbm4b:s13+s4], $0x2800, $0x38;
	[tilespmem:$0x1A800] =	vst v63  }
0x3b: {  	_ =	swait.ge [sflag:s15], $0x2800  }
0x3c: {  	[sflag:s15] =	ssyncset.done $0x0  }
0x3d: {  	s16 =	rddreg [dreg:$0x7];
	[sflag:s15] =	ssyncadd.s32 $0xFFFFD800  }
0x3e: {  	[tilespmem:s17], [sflag:$0x9] =	stream.linear.gather [hbm4b:s16+s4], $0x2800, $0x38;
	[tilespmem:$0x1A800] =	vst v63  }
0x3f: {  	_ =	swait.ge [sflag:s15], $0x2800  }
0x40: {  	[sflag:s15] =	ssyncset.done $0x0  }
0x41: {  	[sflag:s15] =	ssyncadd.s32 $0xFFFFD800  }
0x42: {  	[spmem:s18], [sflag:s6] =	dma.local [hbm:s10], $0xA00  }
0x43: {  	_ =	swait.ge [sflag:s15], $0xA00  }
0x44: {  	[sflag:s15] =	ssyncset.done $0x0  }
0x45: {  	[sflag:s15] =	ssyncadd.s32 $0xFFFFF600  }
0x46: {  	[bflag:$0x0] =	sbarrier.arrive $0xFFFF  }
0x47: {  	[tilespmem:s20], [sflag:$0x1] =	stream.indirect.gather [spmem:s2], $0x20, s4, s19, $0xb8;
	[tilespmem:$0x1A800] =	vst v63  }
0x48: {  	_ = 	snop  }
0x49: {  	[tilespmem:s21], [sflag:$0x2] =	stream.indirect.gather [spmem:s2], $0x20, s19, s19, $0xb8;
	[tilespmem:$0x1A800] =	vst v63  }
0x4a: {  	s11 =	simm.s32 $0x100  }
0x4b: {  	[tilespmem:s23], [sflag:$0x3] =	stream.indirect.gather [spmem:s2], $0x20, s11, s19, $0xb8;
	[tilespmem:$0x1A800] =	vst v63  }
0x4c: {  	_ =	swait.ge [sflag:s24], $0x1000  }
0x4d: {  	[sflag:s24] =	ssyncset.done $0x0  }
0x4e: {  	[sflag:s24] =	ssyncadd.s32 $0xFFFFF000  }
0x4f: {  	[spmem:s3] =	stream.indirect.scatter.add.bf16 [tilespmem:s20], [sflag:$0x5], $0x20, s17, s19, $0xb8;
	[tilespmem:$0x1A800] =	vst v63  }
0x50: {  	s12 =	simm.s32 $0x180  }
0x51: {  	[tilespmem:s26], [sflag:$0x4] =	stream.indirect.gather [spmem:s2], $0x20, s12, s19, $0xb8;
	[tilespmem:$0x1A800] =	vst v63  }
0x52: {  	_ =	swait.ge [sflag:s28], $0x1000  }
0x53: {  	[sflag:s28] =	ssyncset.done $0x0  }
0x54: {  	[sflag:s28] =	ssyncadd.s32 $0xFFFFF000  }
0x55: {  	[spmem:s3] =	stream.indirect.scatter.add.bf16 [tilespmem:s21], [sflag:$0x6], $0x20, s29, s19, $0xb8;
	[tilespmem:$0x1A800] =	vst v63  }
0x56: {  	_ =	swait.ge [sflag:s30], $0x1000  }
0x57: {  	[sflag:s30] =	ssyncset.done $0x0  }
0x58: {  	s13 =	simm.s32 $0x200;
	[sflag:s30] =	ssyncadd.s32 $0xFFFFF000  }
0x59: {  	[tilespmem:s20], [sflag:$0x1] =	stream.indirect.gather [spmem:s2], $0x20, s13, s19, $0xb8;
	[tilespmem:$0x1A800] =	vst v63  }
0x5a: {  	_ =	swait.ge [sflag:s0], $0x1000  }
0x5b: {  	[sflag:s0] =	ssyncset.done $0x0  }
0x5c: {  	[sflag:s0] =	ssyncadd.s32 $0xFFFFF000  }
0x5d: {  	[spmem:s3] =	stream.indirect.scatter.add.bf16 [tilespmem:s23], [sflag:$0x7], $0x20, s1, s19, $0xb8;
	[tilespmem:$0x1A800] =	vst v63  }
0x5e: {  	_ =	swait.ge [sflag:s22], $0x1000  }
0x5f: {  	[sflag:s22] =	ssyncset.done $0x0  }
0x60: {  	s14 =	simm.s32 $0x280;
	[sflag:s22] =	ssyncadd.s32 $0xFFFFF000  }
0x61: {  	[tilespmem:s21], [sflag:$0x2] =	stream.indirect.gather [spmem:s2], $0x20, s14, s19, $0xb8;
	[tilespmem:$0x1A800] =	vst v63  }
0x62: {  	_ =	swait.ge [sflag:s31], $0x1000  }
0x63: {  	[sflag:s31] =	ssyncset.done $0x0  }
0x64: {  	[sflag:s31] =	ssyncadd.s32 $0xFFFFF000  }
0x65: {  	[spmem:s3] =	stream.indirect.scatter.add.bf16 [tilespmem:s26], [sflag:$0x8], $0x20, s25, s19, $0xb8;
	[tilespmem:$0x1A800] =	vst v63  }
0x66: {  	_ =	swait.ge [sflag:s5], $0x1000  }
0x67: {  	[sflag:s5] =	ssyncset.done $0x0  }
0x68: {  	s9 =	simm.s32 $0x0;
	s16 =	simm.s32 $0x300;
	[sflag:s5] =	ssyncadd.s32 $0xFFFFF000  }
0x69: {  	[tilespmem:s23], [sflag:$0x3] =	stream.indirect.gather [spmem:s2], $0x20, s16, s19, $0xb8;
	[tilespmem:$0x1A800] =	vst v63  }
.LBB2_2:
0x6a: {  	_ =	swait.ge [sflag:s24], $0x1000  }
0x6b: {  	s11 =	sshra.s32 s9, $0x2;
	[sflag:s24] =	ssyncset.done $0x0  }
0x6c: {  	s16 =	sadd.s32 $0x5200, s11;
	[sflag:s24] =	ssyncadd.s32 $0xFFFFF000  }
0x6d: {  	[spmem:s3] =	stream.indirect.scatter.add.bf16 [tilespmem:s20], [sflag:$0x5], $0x20, s16, s19, $0xb8;
	[tilespmem:$0x1A800] =	vst v63  }
0x6e: {  	_ =	swait.ge [sflag:s7], $0x1000  }
0x6f: {  	[sflag:s7] =	ssyncset.done $0x0  }
0x70: {  	s13 =	sadd.s32 $0x380, s11;
	[sflag:s7] =	ssyncadd.s32 $0xFFFFF000  }
0x71: {  	[tilespmem:s26], [sflag:$0x4] =	stream.indirect.gather [spmem:s2], $0x20, s13, s19, $0xb8;
	[tilespmem:$0x1A800] =	vst v63  }
0x72: {  	_ =	swait.ge [sflag:s28], $0x1000  }
0x73: {  	p0 =	seq.s32 s9, $0x9000;
	[sflag:s28] =	ssyncset.done $0x0  }
0x74: {  	s14 =	sadd.s32 $0x5280, s11;
	s16 =	simm.s32 @p0 $0x3;
	[sflag:s28] =	ssyncadd.s32 $0xFFFFF000  }
0x75: {  	[spmem:s3] =	stream.indirect.scatter.add.bf16 [tilespmem:s21], [sflag:$0x6], $0x20, s14, s19, $0xb8;
	[tilespmem:$0x1A800] =	vst v63  }
0x76: {  	_ =	swait.ge @p0 [sflag:s16], $0x1000  }
0x77: {  	[sflag:s16] =	ssyncset.done @p0 $0x0  }
0x78: {  	[sflag:s16] =	ssyncadd.s32 @p0 $0xFFFFF000;
	s16 =	sshra.s32 @p0 s9, $0x2  }
0x79: {  	s12 =	simm.s32 @p0 $0x80;
	s13 =	simm.s32 @p0 $0x9800;
	s16 =	sadd.s32 @p0 $0x5300, s16  }
0x7a: {  	[spmem:s3] =	stream.indirect.scatter.add.bf16 @p0 [tilespmem:s13], [sflag:$0x7], $0x20, s16, s12, $0xb8;
	[tilespmem:$0x1A800] =	vst v63  }
0x7b: {  	s12 =	simm.s32 @!p0 $0x5  }
0x7c: {  	_ =	swait.ge @!p0 [sflag:s12], $0x1000  }
0x7d: {  	[sflag:s12] =	ssyncset.done @!p0 $0x0  }
0x7e: {  	[sflag:s12] =	ssyncadd.s32 @!p0 $0xFFFFF000;
	s12 =	sshra.s32 @!p0 s9, $0x2  }
0x7f: {  	s14 =	simm.s32 @!p0 $0x7800;
	s16 =	simm.s32 @!p0 $0x80;
	s13 =	sadd.s32 @!p0 $0x400, s12  }
0x80: {  	[tilespmem:s14], [sflag:$0x1] =	stream.indirect.gather @!p0 [spmem:s2], $0x20, s13, s16, $0xb8;
	[tilespmem:$0x1A800] =	vst v63  }
0x81: {  	s13 =	simm.s32 @!p0 $0x3  }
0x82: {  	_ =	swait.ge @!p0 [sflag:s13], $0x1000  }
0x83: {  	[sflag:s13] =	ssyncset.done @!p0 $0x0  }
0x84: {  	s14 =	simm.s32 @!p0 $0x9800;
	[sflag:s13] =	ssyncadd.s32 @!p0 $0xFFFFF000;
	s13 =	sadd.s32 @!p0 $0x5300, s12  }
0x85: {  	[spmem:s3] =	stream.indirect.scatter.add.bf16 @!p0 [tilespmem:s14], [sflag:$0x7], $0x20, s13, s16, $0xb8;
	[tilespmem:$0x1A800] =	vst v63  }
0x86: {  	s13 =	simm.s32 @!p0 $0x6  }
0x87: {  	_ =	swait.ge @!p0 [sflag:s13], $0x1000  }
0x88: {  	[sflag:s13] =	ssyncset.done @!p0 $0x0  }
0x89: {  	s12 =	sadd.s32 @!p0 $0x480, s12;
	[sflag:s13] =	ssyncadd.s32 @!p0 $0xFFFFF000;
	s13 =	simm.s32 @!p0 $0x8800  }
0x8a: {  	[tilespmem:s13], [sflag:$0x2] =	stream.indirect.gather @!p0 [spmem:s2], $0x20, s12, s16, $0xb8;
	[tilespmem:$0x1A800] =	vst v63  }
.Ltmp2:
0x8b: {  	_ = 	snop;
	(pc) =	sbr.rel @p0 .LBB2_4-.Ltmp2, $4  }
0x8c: {  	_ =	swait.ge [sflag:s31], $0x1000  }
0x8d: {  	[sflag:s31] =	ssyncset.done $0x0  }
0x8e: {  	s16 =	sadd.s32 $0x5380, s11;
	[sflag:s31] =	ssyncadd.s32 $0xFFFFF000  }
0x8f: {  	[spmem:s3] =	stream.indirect.scatter.add.bf16 [tilespmem:s26], [sflag:$0x8], $0x20, s16, s19, $0xb8;
	[tilespmem:$0x1A800] =	vst v63  }
.Ltmp3:
0x90: {  	(pc) =	sbr.rel .LBB2_2-.Ltmp3, $4  }
0x91: {  	_ =	swait.ge [sflag:s5], $0x1000  }
0x92: {  	[sflag:s5] =	ssyncset.done $0x0  }
0x93: {  	s11 =	sadd.s32 $0x500, s11;
	s9 =	sadd.s32 $0x800, s9;
	[sflag:s5] =	ssyncadd.s32 $0xFFFFF000  }
0x94: {  	[tilespmem:s23], [sflag:$0x3] =	stream.indirect.gather [spmem:s2], $0x20, s11, s19, $0xb8;
	[tilespmem:$0x1A800] =	vst v63  }
.LBB2_4:
0x95: {  	_ =	swait.ge [sflag:s30], $0x1000  }
0x96: {  	[sflag:s30] =	ssyncset.done $0x0  }
0x97: {  	[sflag:s30] =	ssyncadd.s32 $0xFFFFF000  }
0x98: {  	_ =	swait.ge [sflag:s22], $0x1000  }
0x99: {  	[sflag:s22] =	ssyncset.done $0x0  }
0x9a: {  	[sflag:s22] =	ssyncadd.s32 $0xFFFFF000  }
0x9b: {  	_ =	swait.ge [sflag:s5], $0x1000  }
0x9c: {  	[sflag:s5] =	ssyncset.done $0x0  }
0x9d: {  	[sflag:s5] =	ssyncadd.s32 $0xFFFFF000  }
0x9e: {  	_ =	swait.ge [sflag:s7], $0x1000  }
0x9f: {  	[sflag:s7] =	ssyncset.done $0x0  }
0xa0: {  	[sflag:s7] =	ssyncadd.s32 $0xFFFFF000  }
0xa1: {  	[bflag:$0x0] =	sbarrier.arrive $0xFFFF  }
0xa2: {  	s9 =	rddreg [dreg:$0x8]  }
0xa3: {  	[hbm:s9], [sflag:s6] =	dma.local [spmem:s18], $0xA00  }
0xa4: {  	_ =	swait.ge [sflag:s15], $0xA00  }
0xa5: {  	[sflag:s15] =	ssyncset.done $0x0  }
0xa6: {  	[sflag:s15] =	ssyncadd.s32 $0xFFFFF600  }
0xa7: {  	[spmem:s18], [sflag:s6] =	dma.local [hbm:s10], $0xA00  }
0xa8: {  	_ =	swait.ge [sflag:s15], $0xA00  }
0xa9: {  	[sflag:s15] =	ssyncset.done $0x0  }
0xaa: {  	[sflag:s15] =	ssyncadd.s32 $0xFFFFF600  }
0xab: {  	s14 =	simm.s32 $0x2800;
	[bflag:$0x0] =	sbarrier.arrive $0xFFFF  }
0xac: {  	[tilespmem:s20], [sflag:$0x1] =	stream.indirect.gather [spmem:s2], $0x20, s14, s19, $0xb8;
	[tilespmem:$0x1A800] =	vst v63  }
0xad: {  	s16 =	simm.s32 $0x2880  }
0xae: {  	[tilespmem:s21], [sflag:$0x2] =	stream.indirect.gather [spmem:s2], $0x20, s16, s19, $0xb8;
	[tilespmem:$0x1A800] =	vst v63  }
0xaf: {  	s11 =	simm.s32 $0x2900  }
0xb0: {  	[tilespmem:s23], [sflag:$0x3] =	stream.indirect.gather [spmem:s2], $0x20, s11, s19, $0xb8;
	[tilespmem:$0x1A800] =	vst v63  }
0xb1: {  	_ =	swait.ge [sflag:s24], $0x1000  }
0xb2: {  	[sflag:s24] =	ssyncset.done $0x0  }
0xb3: {  	[sflag:s24] =	ssyncadd.s32 $0xFFFFF000  }
0xb4: {  	[spmem:s3] =	stream.indirect.scatter.add.bf16 [tilespmem:s20], [sflag:$0x5], $0x20, s17, s19, $0xb8;
	[tilespmem:$0x1A800] =	vst v63  }
0xb5: {  	s12 =	simm.s32 $0x2980  }
0xb6: {  	[tilespmem:s26], [sflag:$0x4] =	stream.indirect.gather [spmem:s2], $0x20, s12, s19, $0xb8;
	[tilespmem:$0x1A800] =	vst v63  }
0xb7: {  	_ =	swait.ge [sflag:s28], $0x1000  }
0xb8: {  	[sflag:s28] =	ssyncset.done $0x0  }
0xb9: {  	[sflag:s28] =	ssyncadd.s32 $0xFFFFF000  }
0xba: {  	[spmem:s3] =	stream.indirect.scatter.add.bf16 [tilespmem:s21], [sflag:$0x6], $0x20, s29, s19, $0xb8;
	[tilespmem:$0x1A800] =	vst v63  }
0xbb: {  	_ =	swait.ge [sflag:s30], $0x1000  }
0xbc: {  	[sflag:s30] =	ssyncset.done $0x0  }
0xbd: {  	s13 =	simm.s32 $0x2A00;
	[sflag:s30] =	ssyncadd.s32 $0xFFFFF000  }
0xbe: {  	[tilespmem:s20], [sflag:$0x1] =	stream.indirect.gather [spmem:s2], $0x20, s13, s19, $0xb8;
	[tilespmem:$0x1A800] =	vst v63  }
0xbf: {  	_ =	swait.ge [sflag:s0], $0x1000  }
0xc0: {  	[sflag:s0] =	ssyncset.done $0x0  }
0xc1: {  	[sflag:s0] =	ssyncadd.s32 $0xFFFFF000  }
0xc2: {  	[spmem:s3] =	stream.indirect.scatter.add.bf16 [tilespmem:s23], [sflag:$0x7], $0x20, s1, s19, $0xb8;
	[tilespmem:$0x1A800] =	vst v63  }
0xc3: {  	_ =	swait.ge [sflag:s22], $0x1000  }
0xc4: {  	[sflag:s22] =	ssyncset.done $0x0  }
0xc5: {  	s14 =	simm.s32 $0x2A80;
	[sflag:s22] =	ssyncadd.s32 $0xFFFFF000  }
0xc6: {  	[tilespmem:s21], [sflag:$0x2] =	stream.indirect.gather [spmem:s2], $0x20, s14, s19, $0xb8;
	[tilespmem:$0x1A800] =	vst v63  }
0xc7: {  	_ =	swait.ge [sflag:s31], $0x1000  }
0xc8: {  	[sflag:s31] =	ssyncset.done $0x0  }
0xc9: {  	[sflag:s31] =	ssyncadd.s32 $0xFFFFF000  }
0xca: {  	[spmem:s3] =	stream.indirect.scatter.add.bf16 [tilespmem:s26], [sflag:$0x8], $0x20, s25, s19, $0xb8;
	[tilespmem:$0x1A800] =	vst v63  }
0xcb: {  	_ =	swait.ge [sflag:s5], $0x1000  }
0xcc: {  	[sflag:s5] =	ssyncset.done $0x0  }
0xcd: {  	s9 =	simm.s32 $0x0;
	s16 =	simm.s32 $0x2B00;
	[sflag:s5] =	ssyncadd.s32 $0xFFFFF000  }
0xce: {  	[tilespmem:s23], [sflag:$0x3] =	stream.indirect.gather [spmem:s2], $0x20, s16, s19, $0xb8;
	[tilespmem:$0x1A800] =	vst v63  }
.LBB2_5:
0xcf: {  	_ =	swait.ge [sflag:s24], $0x1000  }
0xd0: {  	s11 =	sshra.s32 s9, $0x2;
	[sflag:s24] =	ssyncset.done $0x0  }
0xd1: {  	s12 =	sadd.s32 $0x5200, s11;
	[sflag:s24] =	ssyncadd.s32 $0xFFFFF000  }
0xd2: {  	[spmem:s3] =	stream.indirect.scatter.add.bf16 [tilespmem:s20], [sflag:$0x5], $0x20, s12, s19, $0xb8;
	[tilespmem:$0x1A800] =	vst v63  }
0xd3: {  	_ =	swait.ge [sflag:s7], $0x1000  }
0xd4: {  	[sflag:s7] =	ssyncset.done $0x0  }
0xd5: {  	s13 =	sadd.s32 $0x2B80, s11;
	[sflag:s7] =	ssyncadd.s32 $0xFFFFF000  }
0xd6: {  	[tilespmem:s26], [sflag:$0x4] =	stream.indirect.gather [spmem:s2], $0x20, s13, s19, $0xb8;
	[tilespmem:$0x1A800] =	vst v63  }
0xd7: {  	_ =	swait.ge [sflag:s28], $0x1000  }
0xd8: {  	p0 =	seq.s32 s9, $0x9000;
	[sflag:s28] =	ssyncset.done $0x0  }
0xd9: {  	s14 =	sadd.s32 $0x5280, s11;
	s12 =	simm.s32 @p0 $0x3;
	[sflag:s28] =	ssyncadd.s32 $0xFFFFF000  }
0xda: {  	[spmem:s3] =	stream.indirect.scatter.add.bf16 [tilespmem:s21], [sflag:$0x6], $0x20, s14, s19, $0xb8;
	[tilespmem:$0x1A800] =	vst v63  }
0xdb: {  	_ =	swait.ge @p0 [sflag:s12], $0x1000  }
0xdc: {  	[sflag:s12] =	ssyncset.done @p0 $0x0  }
0xdd: {  	[sflag:s12] =	ssyncadd.s32 @p0 $0xFFFFF000;
	s12 =	sshra.s32 @p0 s9, $0x2  }
0xde: {  	s13 =	simm.s32 @p0 $0x80;
	s14 =	simm.s32 @p0 $0x9800;
	s12 =	sadd.s32 @p0 $0x5300, s12  }
0xdf: {  	[spmem:s3] =	stream.indirect.scatter.add.bf16 @p0 [tilespmem:s14], [sflag:$0x7], $0x20, s12, s13, $0xb8;
	[tilespmem:$0x1A800] =	vst v63  }
0xe0: {  	s12 =	simm.s32 @!p0 $0x5  }
0xe1: {  	_ =	swait.ge @!p0 [sflag:s12], $0x1000  }
0xe2: {  	[sflag:s12] =	ssyncset.done @!p0 $0x0  }
0xe3: {  	[sflag:s12] =	ssyncadd.s32 @!p0 $0xFFFFF000;
	s12 =	sshra.s32 @!p0 s9, $0x2  }
0xe4: {  	s16 =	simm.s32 @!p0 $0x7800;
	s14 =	simm.s32 @!p0 $0x80;
	s13 =	sadd.s32 @!p0 $0x2C00, s12  }
0xe5: {  	[tilespmem:s16], [sflag:$0x1] =	stream.indirect.gather @!p0 [spmem:s2], $0x20, s13, s14, $0xb8;
	[tilespmem:$0x1A800] =	vst v63  }
0xe6: {  	s13 =	simm.s32 @!p0 $0x3  }
0xe7: {  	_ =	swait.ge @!p0 [sflag:s13], $0x1000  }
0xe8: {  	[sflag:s13] =	ssyncset.done @!p0 $0x0  }
0xe9: {  	s16 =	simm.s32 @!p0 $0x9800;
	[sflag:s13] =	ssyncadd.s32 @!p0 $0xFFFFF000;
	s13 =	sadd.s32 @!p0 $0x5300, s12  }
0xea: {  	[spmem:s3] =	stream.indirect.scatter.add.bf16 @!p0 [tilespmem:s16], [sflag:$0x7], $0x20, s13, s14, $0xb8;
	[tilespmem:$0x1A800] =	vst v63  }
0xeb: {  	s13 =	simm.s32 @!p0 $0x6  }
0xec: {  	_ =	swait.ge @!p0 [sflag:s13], $0x1000  }
0xed: {  	[sflag:s13] =	ssyncset.done @!p0 $0x0  }
0xee: {  	s12 =	sadd.s32 @!p0 $0x2C80, s12;
	[sflag:s13] =	ssyncadd.s32 @!p0 $0xFFFFF000;
	s13 =	simm.s32 @!p0 $0x8800  }
0xef: {  	[tilespmem:s13], [sflag:$0x2] =	stream.indirect.gather @!p0 [spmem:s2], $0x20, s12, s14, $0xb8;
	[tilespmem:$0x1A800] =	vst v63  }
.Ltmp4:
0xf0: {  	_ = 	snop;
	(pc) =	sbr.rel @p0 .LBB2_7-.Ltmp4, $4  }
0xf1: {  	_ =	swait.ge [sflag:s31], $0x1000  }
0xf2: {  	[sflag:s31] =	ssyncset.done $0x0  }
0xf3: {  	s16 =	sadd.s32 $0x5380, s11;
	[sflag:s31] =	ssyncadd.s32 $0xFFFFF000  }
0xf4: {  	[spmem:s3] =	stream.indirect.scatter.add.bf16 [tilespmem:s26], [sflag:$0x8], $0x20, s16, s19, $0xb8;
	[tilespmem:$0x1A800] =	vst v63  }
.Ltmp5:
0xf5: {  	(pc) =	sbr.rel .LBB2_5-.Ltmp5, $4  }
0xf6: {  	_ =	swait.ge [sflag:s5], $0x1000  }
0xf7: {  	[sflag:s5] =	ssyncset.done $0x0  }
0xf8: {  	s11 =	sadd.s32 $0x2D00, s11;
	s9 =	sadd.s32 $0x800, s9;
	[sflag:s5] =	ssyncadd.s32 $0xFFFFF000  }
0xf9: {  	[tilespmem:s23], [sflag:$0x3] =	stream.indirect.gather [spmem:s2], $0x20, s11, s19, $0xb8;
	[tilespmem:$0x1A800] =	vst v63  }
.LBB2_8:
0xfa: {  	_ =	sfence.sel $0x180000  }
0xfb: {  	[bflag:$0x0] =	sbarrier.arrive $0xFFFF  }
0xfc: {  	_ =	strace $0x9000004D  }
0xfd: {  	s0 =	stileid.u32;
	[bflag:$0x2] =	sbarrier.arrive $0xFFFF  }
0xfe: {  	p0 =	sne.s32 s0, $0x0;
	s0 =	rddreg [dreg:$0x3]  }
0xff: {  	s0 =	sadd.s32 @!p0 $0x100000, s0  }
0x100: {  	[sflag:s0] =	ssyncadd.tile.s32 @!p0 $0x1;
	_ =	shalt  }
.Lfunc_end2:
_tile_overlayer_lowered:
.L_overlay_start_2:
0x101: {  	(tag) =	ssettag $0x2  }
0x102: {  	s0 =	rddreg [dreg:$0x0];
	s2 =	stileid.u32  }
0x103: {  	s1 =	rddreg [dreg:$0x1];
	p0 =	sne.s32 s2, $0x0  }
0x104: {  	s3 =	rddreg [dreg:$0x2];
	[bflag:$0x3] =	sbarrier.arrive $0xFFFF;
	s2 =	simm.s32 @!p0 $0x1C09  }
0x105: {  	[timem:s3], [sflag:s2] =	dma.local @!p0 [hbm:s0], s1  }
0x106: {  	s0 =	simm.s32 @!p0 $0x9  }
0x107: {  	_ =	swait.ge @!p0 [sflag:s0], s1  }
0x108: {  	s1 =	ssub.s32 @!p0 $0x0, s1;
	[sflag:s0] =	ssyncset.done @!p0 $0x0  }
0x109: {  	[sflag:s0] =	ssyncadd.s32 @!p0 s1  }
0x10a: {  	[bflag:$0x3] =	sbarrier.arrive $0xFFFF  }
0x10b: {  	_ =	shalt  }

// kernel: kernel.21.cloned.1.call-start
scs
__scs_entry_jumppad:
0x0: {  	(pc) =	sbr.rel $0x88, $3  }
0x1: {  	(tag) =	ssettag $0x0;
	lr =	simm.s32 $0x1  }
0x2: {  	[smem:$0x3F96] =	sst lr;
	_ =	strace $0xD0000000  }
0x3: {  	_ = 	snop  }
0x4: {  	_ = 	snop  }
0x5: {  	_ = 	snop  }
0x6: {  	_ = 	snop  }
0x7: {  	_ = 	snop  }
__scs_overlays_trampoline_lowered:
0x8: {  	[smem:$0x3FA5] =	sst s0  }
0x9: {  	[smem:$0x3FA6] =	sst s1  }
0xa: {  	[smem:$0x3FA7] =	sst s2  }
0xb: {  	[smem:$0x3FA8] =	sst s3  }
0xc: {  	[smem:$0x3FA9] =	sst s4  }
0xd: {  	[smem:$0x3FAA] =	sst s5  }
0xe: {  	[smem:$0x3FAB] =	sst s6  }
0xf: {  	[smem:$0x3FAC] =	sst s7  }
0x10: {  	[smem:$0x3FAD] =	sst s8  }
0x11: {  	[smem:$0x3FAE] =	sst s9;
	s0 =	simm.s32 @!p0 $0x0  }
0x12: {  	s1 =	sld [smem:$0x3F94];
	s0 =	simm.s32 @p0 $0x1  }
0x13: {  	[smem:$0x3FAF] =	sst s0;
	s0 =	simm.s32 @!p1 $0x0  }
0x14: {  	s2 =	sld [smem:$0x3F93];
	s0 =	simm.s32 @p1 $0x1  }
0x15: {  	[smem:$0x3FB0] =	sst s0;
	s0 =	simm.s32 @!p2 $0x0  }
0x16: {  	s3 =	sld [smem:$0x3FDB];
	s0 =	simm.s32 @p2 $0x1  }
0x17: {  	s4 =	simm.s32 $0x1BF5;
	[smem:$0x3FB2] =	sst s0  }
0x18: {  	s0 =	sld [smem:$0x3F95];
	_ =	swait.ge [sflag:s4], $0x0  }
0x19: {  	s7 =	sld [smem:$0x3F96]  }
0x1a: {  	s8 =	sadd.s32 $0xFFFFE003, lr  }
0x1b: {  	s9 =	sadd.s32 $0xFFFFFEF7, lr;
	s5 =	simm.s32 $0xFFFFFFFF;
	p2 =	slt.u32 s8, $0xFFFFF086  }
0x1c: {  	p1 =	slt.u32 s9, $0xF7A;
	s5 =	simm.s32 @!p2 $0x0  }
0x1d: {  	s5 =	simm.s32 @p1 $0x1;
	p0 =	seq.s32 s7, s2  }
0x1e: {  	s7 =	smul.u32 @!p0 $0xF7A, s2;
	p2 =	seq.s32 @!p0 s5, $0x0  }
0x1f: {  	s9 =	smul.u32 $0xF7A, s1;
	s8 =	simm.s32 @!p0 $0x1BF5;
	p2 =	por !p2, p0  }
0x20: {  	[sflag:s8] =	ssyncset.s32 @!p0 $0xFFFFF086;
	s6 =	sadd.s32 @!p0 s3, s7;
	s7 =	simm.s32 @!p0 $0x108  }
0x21: {  	s3 =	sadd.s32 s3, s9;
	s6 =	sadd.s32 @!p0 $0x88, s6;
	s7 =	simm.s32 @p2 $0x1082  }
0x22: {  	[simem:s7], [sflag:s8] =	dma.local @!p0 [hbm:s6], $0xF7A  }
0x23: {  	s9 =	sor.u32 $0xD0000000, s2;
	s6 =	simm.s32 $0x108;
	_ =	swait.ge @!p0 [sflag:s8], $0x0  }
0x24: {  	s3 =	sadd.s32 $0x88, s3;
	s6 =	simm.s32 @!p1 $0x1082;
	[sflag:s4] =	ssyncset.s32 $0xFFFFF086  }
0x25: {  	[simem:s6], [sflag:s4] =	dma.local [hbm:s3], $0xF7A  }
0x26: {  	[smem:$0x3F96] =	sst s1;
	(tag) =	ssettag s2;
	_ =	strace s9  }
0x27: {  	s1 =	sld [smem:$0x3FA6]  }
0x28: {  	s2 =	sld [smem:$0x3FA7]  }
0x29: {  	s4 =	sld [smem:$0x3FA9]  }
0x2a: {  	p0 =	seq.s32 s5, $0x0;
	s5 =	sld [smem:$0x3FAA]  }
0x2b: {  	s6 =	sld [smem:$0x3FAB]  }
0x2c: {  	s7 =	sld [smem:$0x3FAC]  }
0x2d: {  	s3 =	simm.s32 $0x108;
	s8 =	sld [smem:$0x3FAD]  }
0x2e: {  	s3 =	simm.s32 @!p0 $0x1082;
	s9 =	sld [smem:$0x3FAE]  }
0x2f: {  	lr =	sadd.s32 s0, s3;
	s0 =	sld [smem:$0x3FA5]  }
0x30: {  	s3 =	sld [smem:$0x3FA8]  }
0x31: {  	[smem:$0x3FB1] =	sst s10  }
0x32: {  	s10 =	sld [smem:$0x3FAF];
	_ =	sdelay $0x3  }
0x33: {  	p0 =	seq.s32 s10, $0x1;
	s10 =	sld [smem:$0x3FB1];
	_ =	sdelay $0x3  }
0x34: {  	[smem:$0x3FB1] =	sst s10  }
0x35: {  	s10 =	sld [smem:$0x3FB0];
	_ =	sdelay $0x3  }
0x36: {  	p1 =	seq.s32 s10, $0x1;
	s10 =	sld [smem:$0x3FB1];
	_ =	sdelay $0x3  }
0x37: {  	[smem:$0x3FB1] =	sst s10  }
0x38: {  	s10 =	sld [smem:$0x3FB2]  }
0x39: {  	_ = 	snop;
	(pc) =	sbr.ind lr, $3  }
0x3a: {  	_ = 	snop  }
0x3b: {  	_ = 	snop  }
0x3c: {  	p2 =	seq.s32 s10, $0x1;
	s10 =	sld [smem:$0x3FB1]  }
0x3d: {  	_ =	shalt  }
0x3e: {  	_ =	shalt  }
0x3f: {  	_ =	shalt  }
0x40: {  	_ =	shalt  }
0x41: {  	_ =	shalt  }
0x42: {  	_ =	shalt  }
0x43: {  	_ =	shalt  }
0x44: {  	_ =	shalt  }
0x45: {  	_ =	shalt  }
0x46: {  	_ =	shalt  }
0x47: {  	_ =	shalt  }
0x48: {  	_ =	shalt  }
0x49: {  	_ =	shalt  }
0x4a: {  	_ =	shalt  }
0x4b: {  	_ =	shalt  }
0x4c: {  	_ =	shalt  }
0x4d: {  	_ =	shalt  }
0x4e: {  	_ =	shalt  }
0x4f: {  	_ =	shalt  }
0x50: {  	_ =	shalt  }
0x51: {  	_ =	shalt  }
0x52: {  	_ =	shalt  }
0x53: {  	_ =	shalt  }
0x54: {  	_ =	shalt  }
0x55: {  	_ =	shalt  }
0x56: {  	_ =	shalt  }
0x57: {  	_ =	shalt  }
0x58: {  	_ =	shalt  }
0x59: {  	_ =	shalt  }
0x5a: {  	_ =	shalt  }
0x5b: {  	_ =	shalt  }
0x5c: {  	_ =	shalt  }
0x5d: {  	_ =	shalt  }
0x5e: {  	_ =	shalt  }
0x5f: {  	_ =	shalt  }
0x60: {  	_ =	shalt  }
0x61: {  	_ =	shalt  }
0x62: {  	_ =	shalt  }
0x63: {  	_ =	shalt  }
0x64: {  	_ =	shalt  }
0x65: {  	_ =	shalt  }
0x66: {  	_ =	shalt  }
0x67: {  	_ =	shalt  }
0x68: {  	_ =	shalt  }
0x69: {  	_ =	shalt  }
0x6a: {  	_ =	shalt  }
0x6b: {  	_ =	shalt  }
0x6c: {  	_ =	shalt  }
0x6d: {  	_ =	shalt  }
0x6e: {  	_ =	shalt  }
0x6f: {  	_ =	shalt  }
0x70: {  	_ =	shalt  }
0x71: {  	_ =	shalt  }
0x72: {  	_ =	shalt  }
0x73: {  	_ =	shalt  }
0x74: {  	_ =	shalt  }
0x75: {  	_ =	shalt  }
0x76: {  	_ =	shalt  }
0x77: {  	_ =	shalt  }
0x78: {  	_ =	shalt  }
0x79: {  	_ =	shalt  }
0x7a: {  	_ =	shalt  }
0x7b: {  	_ =	shalt  }
0x7c: {  	_ =	shalt  }
0x7d: {  	_ =	shalt  }
0x7e: {  	_ =	shalt  }
0x7f: {  	_ =	shalt  }
0x80: {  	_ =	shalt  }
0x81: {  	_ =	shalt  }
0x82: {  	_ =	shalt  }
0x83: {  	_ =	shalt  }
0x84: {  	_ =	shalt  }
0x85: {  	_ =	shalt  }
0x86: {  	_ =	shalt  }
0x87: {  	_ =	shalt  }
.Lfunc_end0:
.L_simem_size_0:
called_computation.3_lowered:
.L_overlay_start_0:
0x88: {  	s2 =	sld [smem:$0x3FD9]  }
0x89: {  	s3 =	sld [smem:$0x3FFE];
	_ =	sdelay $0x1  }
0x8a: {  	s1 =	srdreg.scid  }
0x8b: {  	s0 =	sand.u32 $0x1, s1  }
0x8c: {  	s16 =	sshll.u32 s0, $0xA;
	s2 =	sadd.s32 s3, s2  }
0x8d: {  	s2 =	sadd.s32 s2, s16  }
0x8e: {  	[smem:$0x3FBD] =	sst s2  }
0x8f: {  	_ = 	snop  }
0x90: {  	(tm) =	ssettm $0x1  }
0x91: {  	s17 =	sld [smem:$0x3FFB];
	_ =	sdelay $0x3  }
0x92: {  	_ =	strace s17  }
0x93: {  	s2 =	sld [smem:$0x3FFC];
	_ =	sdelay $0x3  }
0x94: {  	_ =	strace s2  }
0x95: {  	s2 =	sld [smem:$0x3FFD];
	_ =	sdelay $0x3  }
0x96: {  	_ =	strace s2  }
0x97: {  	_ =	strace $0x8FFFFFFF  }
0x98: {  	s18 =	sld [smem:$0x3FDB];
	_ =	sdelay $0x1  }
0x99: {  	s19 =	simm.s32 $_scs_section_size  }
0x9a: {  	s4 =	simm.s32 $_size__tile_overlayer_lowered;
	s5 =	simm.s32 $_tile_overlayer_lowered  }
0x9b: {  	s22 =	simm.s32 $0x1BFF;
	s21 =	sshll.u32 s5, $0x1;
	s2 =	sadd.s32 s19, s18  }
0x9c: {  	s6 =	simm.s32 $0x0;
	s20 =	sshll.u32 s4, $0x1;
	s4 =	sadd.s32 s21, s2  }
0x9d: {  	[timem:s6], [sflag:s22] =	dma.local [hbm:s4], s20  }
0x9e: {  	_ =	swait.ge [sflag:s22], s20  }
0x9f: {  	s3 =	ssub.s32 $0x0, s20;
	[sflag:s22] =	ssyncset.done $0x0  }
0xa0: {  	[sflag:s22] =	ssyncadd.s32 s3;
	_ =	sdelay $0x1  }
0xa1: {  	s23 =	simm.s32 $0x1B8B  }
0xa2: {  	_ =	swait.ge [sflag:s23], $0x1  }
0xa3: {  	[sflag:s23] =	ssyncset.done $0x0  }
0xa4: {  	s25 =	simm.s32 $0x1B8E;
	s24 =	sld [smem:$0x3FFE];
	[sflag:s23] =	ssyncadd.s32 $0xFFFFFFFF  }
0xa5: {  	s26 =	simm.s32 $execute0_lowered;
	[smem:$0x3FD2] =	sst s25  }
0xa6: {  	s4 =	sshll.u32 s26, $0x1;
	_ =	strace $0x8000004F;
	[dreg:$0x1] =	wrdreg $0xFFFFFFFF  }
0xa7: {  	s28 =	simm.s32 $_size_execute0_lowered;
	s2 =	sadd.s32 s2, s4;
	[dreg:$0x0] =	wrdreg $0x0  }
0xa8: {  	s4 =	sshll.u32 s28, $0x1;
	[dreg:$0x2] =	wrdreg s2  }
0xa9: {  	[dreg:$0x3] =	wrdreg s4  }
0xaa: {  	[dreg:$0x4] =	wrdreg $0xC0  }
0xab: {  	_ =	task [dreg:s6], $0x5FFFF  }
0xac: {  	[dreg:$0x1] =	wrdreg $0xFFFFFFFF  }
0xad: {  	[dreg:$0x0] =	wrdreg $0x60  }
0xae: {  	[dreg:$0x2] =	wrdreg s24  }
0xaf: {  	[dreg:$0x3] =	wrdreg $0xB8000  }
0xb0: {  	[dreg:$0x4] =	wrdreg $0x158000  }
0xb1: {  	[dreg:$0x5] =	wrdreg $0x9  }
0xb2: {  	_ =	task.clear_ibuf [dreg:s6], $0x6FFFF;
	_ =	strace $0x9000004F  }
0xb3: {  	s29 =	simm.s32 $0x9;
	_ =	strace $0x80000051  }
0xb4: {  	_ =	swait.ge [sflag:s29], $0x1  }
0xb5: {  	[sflag:s29] =	ssyncadd.s32 $0xFFFFFFFF  }
0xb6: {  	_ =	strace $0x90000051  }
0xb7: {  	_ =	sfence  }
0xb8: {  	s30 =	sld [smem:$0x0];
	_ =	sdelay $0x2  }
0xb9: {  	s31 =	sshll.u32 s1, $0xD;
	s1 =	sshrl.u32 s1, $0x2  }
0xba: {  	s3 =	sand.u32 $0x4000, s31;
	s1 =	sadd.s32 s1, s30  }
0xbb: {  	s0 =	sor.u32 s3, s0;
	s1 =	sshll.u32 s1, $0x11  }
0xbc: {  	s0 =	sor.u32 s1, s0  }
0xbd: {  	s0 =	sadd.s32 $0x8F2B, s0  }
0xbe: {  	[sflag:s0] =	ssyncadd.remote.s32 $0x1  }
0xbf: {  	_ =	sfence.sel $0xFFFF  }
0xc0: {  	[dreg:$0x0] =	wrdreg $0xFFFFFFFF;
	(pc) =	sbr.abs _section_cstart, $3  }
0xc1: {  	[dreg:$0x1] =	wrdreg $0xFFFFFFFF  }
0xc2: {  	_ =	task.clear_ibuf [dreg:s6], $0x2FFFF;
	_ =	strace $0x9FFFFFFF  }
0xc3: {  	(tm) =	ssettm $0x7FFFFFFF  }
tec
execute0_lowered:
.L_overlay_start_1:
0x0: {  	(tag) =	ssettag $0x1  }
0x1: {  	s0 =	rddreg [dreg:$0x0]  }
0x2: {  	s2 =	rddreg [dreg:$0x1]  }
0x3: {  	s3 =	rddreg [dreg:$0x2];
	s11 =	stileid.u32  }
0x4: {  	s1 =	srdreg.scid;
	s4 =	simm.s32 $0x0;
	s15 =	simm.s32 $0x9  }
0x5: {  	s28 =	simm.s32 $0x2;
	s29 =	simm.s32 $0x5080;
	s30 =	simm.s32 $0x5  }
0x6: {  	s31 =	simm.s32 $0x4;
	s1 =	sand.u32 $0x1, s1;
	s6 =	smul.u32 $0x14000, s11  }
0x7: {  	s5 =	sshll.u32 s11, $0x1;
	[smem:$0x7FF] =	sst s4;
	s9 =	smul.u32 $0xA000, s11  }
0x8: {  	s17 =	sshll.u32 s11, $0x6;
	s5 =	sor.u32 s1, s5;
	s7 =	sshll.u32 s1, $0x4  }
0x9: {  	_ =	strace $0x80000050;
	s1 =	ssub.s32 $0x2, s1;
	s5 =	smul.u32 $0x500, s5  }
0xa: {  	s8 =	sshrl.u32 s6, $0x4;
	s7 =	sor.u32 s11, s7;
	s10 =	sshrl.u32 s9, $0x4  }
0xb: {  	s16 =	sshrl.u32 s1, $0x1;
	s6 =	sshrl.u32 s6, $0x1;
	s22 =	sshrl.u32 s9, $0x1  }
0xc: {  	s8 =	sadd.s32 s8, s0;
	s7 =	smul.u32 $0xA00, s7;
	s10 =	sadd.s32 s10, s0  }
0xd: {  	s1 =	ssub.s32 s1, s16;
	s18 =	sadd.s32 s6, s2;
	s6 =	sor.u32 $0x1C09, s17  }
0xe: {  	s23 =	sadd.s32 s22, s3;
	s17 =	simm.s32 $0x5000;
	s22 =	simm.s32 $0x6  }
0xf: {  	s5 =	sadd.s32 s5, s0;
	s19 =	sadd.s32 $0x21200, s8;
	s10 =	sadd.s32 $0x3200, s10  }
0x10: {  	s25 =	smax.u32 s1, $0x1;
	s26 =	sshrl.u32 s18, $0x3;
	s18 =	sshrl.u32 s23, $0x3  }
0x11: {  	s23 =	simm.s32 $0x9800;
	s1 =	simm.s32 $0x5100;
	[dreg:$0x4] =	wrdreg s19  }
0x12: {  	s8 =	simm.s32 $0x0;
	s0 =	sadd.s32 s7, s0;
	[dreg:$0xa] =	wrdreg s25  }
0x13: {  	s20 =	sadd.s32 $0xD200, s5;
	s21 =	sadd.s32 $0x17200, s5;
	[dreg:$0xb] =	wrdreg s26  }
0x14: {  	s5 =	sadd.s32 $0x35200, s5;
	s19 =	simm.s32 $0x80;
	[dreg:$0x5] =	wrdreg s20  }
.Ltmp0:
0x15: {  	s26 =	simm.s32 $0xA800;
	[dreg:$0x6] =	wrdreg s21;
	(pc) =	sbr.rel .LBB2_1-.Ltmp0, $4  }
0x16: {  	s25 =	simm.s32 $0x5180;
	s7 =	simm.s32 $0x8;
	[dreg:$0x7] =	wrdreg s5  }
0x17: {  	s24 =	sadd.s32 $0x3F200, s0;
	s0 =	sadd.s32 $0x53200, s0;
	s20 =	simm.s32 $0x7800  }
0x18: {  	s21 =	simm.s32 $0x8800;
	s5 =	simm.s32 $0x7;
	[dreg:$0x8] =	wrdreg s24  }
0x19: {  	[dreg:$0x9] =	wrdreg s0;
	s24 =	simm.s32 $0x1;
	s0 =	simm.s32 $0x3  }
.LBB2_7:
0x1a: {  	_ =	swait.ge [sflag:s30], $0x1000  }
0x1b: {  	[sflag:s30] =	ssyncset.done $0x0  }
0x1c: {  	[sflag:s30] =	ssyncadd.s32 $0xFFFFF000  }
0x1d: {  	_ =	swait.ge [sflag:s22], $0x1000  }
0x1e: {  	[sflag:s22] =	ssyncset.done $0x0  }
0x1f: {  	[sflag:s22] =	ssyncadd.s32 $0xFFFFF000  }
0x20: {  	_ =	swait.ge [sflag:s5], $0x1000  }
0x21: {  	[sflag:s5] =	ssyncset.done $0x0  }
0x22: {  	[sflag:s5] =	ssyncadd.s32 $0xFFFFF000  }
0x23: {  	_ =	swait.ge [sflag:s7], $0x1000  }
0x24: {  	[sflag:s7] =	ssyncset.done $0x0  }
0x25: {  	[sflag:s7] =	ssyncadd.s32 $0xFFFFF000  }
0x26: {  	[bflag:$0x0] =	sbarrier.arrive $0xFFFF  }
0x27: {  	s9 =	rddreg [dreg:$0x9]  }
0x28: {  	[hbm:s9], [sflag:s6] =	dma.local [spmem:s18], $0xA00  }
0x29: {  	_ =	swait.ge [sflag:s15], $0xA00  }
0x2a: {  	s8 =	sadd.s32 $0x1, s8;
	s16 =	rddreg [dreg:$0xa]  }
0x2b: {  	p0 =	sne.s32 s8, s16  }
.Ltmp1:
0x2c: {  	_ = 	snop;
	(pc) =	sbr.rel @!p0 .LBB2_8-.Ltmp1, $3  }
0x2d: {  	_ =	sdelay $0x1  }
0x2e: {  	[sflag:s15] =	ssyncset.done $0x0  }
0x2f: {  	[sflag:s15] =	ssyncadd.s32 $0xFFFFF600  }
.LBB2_1:
0x30: {  	s9 =	rddreg [dreg:$0x4]  }
0x31: {  	s11 =	rddreg [dreg:$0xb]  }
0x32: {  	[spmem:s11], [sflag:s6] =	dma.local [hbm:s9], $0x1400  }
0x33: {  	_ =	swait.ge [sflag:s15], $0x1400  }
0x34: {  	[sflag:s15] =	ssyncset.done $0x0  }
0x35: {  	s12 =	rddreg [dreg:$0x5];
	[sflag:s15] =	ssyncadd.s32 $0xFFFFEC00  }
0x36: {  	[tilespmem:s4], [sflag:$0x9] =	stream.linear.gather [hbm4b:s12+s4], $0x2800, $0x38;
	[tilespmem:$0x1A800] =	vst v63  }
0x37: {  	_ =	swait.ge [sflag:s15], $0x2800  }
0x38: {  	[sflag:s15] =	ssyncset.done $0x0  }
0x39: {  	s14 =	simm.s32 $0x2800;
	s13 =	rddreg [dreg:$0x6];
	[sflag:s15] =	ssyncadd.s32 $0xFFFFD800  }
0x3a: {  	[tilespmem:s14], [sflag:$0x9] =	stream.linear.gather [hbm4b:s13+s4], $0x2800, $0x38;
	[tilespmem:$0x1A800] =	vst v63  }
0x3b: {  	_ =	swait.ge [sflag:s15], $0x2800  }
0x3c: {  	[sflag:s15] =	ssyncset.done $0x0  }
0x3d: {  	s16 =	rddreg [dreg:$0x7];
	[sflag:s15] =	ssyncadd.s32 $0xFFFFD800  }
0x3e: {  	[tilespmem:s17], [sflag:$0x9] =	stream.linear.gather [hbm4b:s16+s4], $0x2800, $0x38;
	[tilespmem:$0x1A800] =	vst v63  }
0x3f: {  	_ =	swait.ge [sflag:s15], $0x2800  }
0x40: {  	[sflag:s15] =	ssyncset.done $0x0  }
0x41: {  	[sflag:s15] =	ssyncadd.s32 $0xFFFFD800  }
0x42: {  	[spmem:s18], [sflag:s6] =	dma.local [hbm:s10], $0xA00  }
0x43: {  	_ =	swait.ge [sflag:s15], $0xA00  }
0x44: {  	[sflag:s15] =	ssyncset.done $0x0  }
0x45: {  	[sflag:s15] =	ssyncadd.s32 $0xFFFFF600  }
0x46: {  	[bflag:$0x0] =	sbarrier.arrive $0xFFFF  }
0x47: {  	[tilespmem:s20], [sflag:$0x1] =	stream.indirect.gather [spmem:s2], $0x20, s4, s19, $0xb8;
	[tilespmem:$0x1A800] =	vst v63  }
0x48: {  	_ = 	snop  }
0x49: {  	[tilespmem:s21], [sflag:$0x2] =	stream.indirect.gather [spmem:s2], $0x20, s19, s19, $0xb8;
	[tilespmem:$0x1A800] =	vst v63  }
0x4a: {  	s11 =	simm.s32 $0x100  }
0x4b: {  	[tilespmem:s23], [sflag:$0x3] =	stream.indirect.gather [spmem:s2], $0x20, s11, s19, $0xb8;
	[tilespmem:$0x1A800] =	vst v63  }
0x4c: {  	_ =	swait.ge [sflag:s24], $0x1000  }
0x4d: {  	[sflag:s24] =	ssyncset.done $0x0  }
0x4e: {  	[sflag:s24] =	ssyncadd.s32 $0xFFFFF000  }
0x4f: {  	[spmem:s3] =	stream.indirect.scatter.add.bf16 [tilespmem:s20], [sflag:$0x5], $0x20, s17, s19, $0xb8;
	[tilespmem:$0x1A800] =	vst v63  }
0x50: {  	s12 =	simm.s32 $0x180  }
0x51: {  	[tilespmem:s26], [sflag:$0x4] =	stream.indirect.gather [spmem:s2], $0x20, s12, s19, $0xb8;
	[tilespmem:$0x1A800] =	vst v63  }
0x52: {  	_ =	swait.ge [sflag:s28], $0x1000  }
0x53: {  	[sflag:s28] =	ssyncset.done $0x0  }
0x54: {  	[sflag:s28] =	ssyncadd.s32 $0xFFFFF000  }
0x55: {  	[spmem:s3] =	stream.indirect.scatter.add.bf16 [tilespmem:s21], [sflag:$0x6], $0x20, s29, s19, $0xb8;
	[tilespmem:$0x1A800] =	vst v63  }
0x56: {  	_ =	swait.ge [sflag:s30], $0x1000  }
0x57: {  	[sflag:s30] =	ssyncset.done $0x0  }
0x58: {  	s13 =	simm.s32 $0x200;
	[sflag:s30] =	ssyncadd.s32 $0xFFFFF000  }
0x59: {  	[tilespmem:s20], [sflag:$0x1] =	stream.indirect.gather [spmem:s2], $0x20, s13, s19, $0xb8;
	[tilespmem:$0x1A800] =	vst v63  }
0x5a: {  	_ =	swait.ge [sflag:s0], $0x1000  }
0x5b: {  	[sflag:s0] =	ssyncset.done $0x0  }
0x5c: {  	[sflag:s0] =	ssyncadd.s32 $0xFFFFF000  }
0x5d: {  	[spmem:s3] =	stream.indirect.scatter.add.bf16 [tilespmem:s23], [sflag:$0x7], $0x20, s1, s19, $0xb8;
	[tilespmem:$0x1A800] =	vst v63  }
0x5e: {  	_ =	swait.ge [sflag:s22], $0x1000  }
0x5f: {  	[sflag:s22] =	ssyncset.done $0x0  }
0x60: {  	s14 =	simm.s32 $0x280;
	[sflag:s22] =	ssyncadd.s32 $0xFFFFF000  }
0x61: {  	[tilespmem:s21], [sflag:$0x2] =	stream.indirect.gather [spmem:s2], $0x20, s14, s19, $0xb8;
	[tilespmem:$0x1A800] =	vst v63  }
0x62: {  	_ =	swait.ge [sflag:s31], $0x1000  }
0x63: {  	[sflag:s31] =	ssyncset.done $0x0  }
0x64: {  	[sflag:s31] =	ssyncadd.s32 $0xFFFFF000  }
0x65: {  	[spmem:s3] =	stream.indirect.scatter.add.bf16 [tilespmem:s26], [sflag:$0x8], $0x20, s25, s19, $0xb8;
	[tilespmem:$0x1A800] =	vst v63  }
0x66: {  	_ =	swait.ge [sflag:s5], $0x1000  }
0x67: {  	[sflag:s5] =	ssyncset.done $0x0  }
0x68: {  	s9 =	simm.s32 $0x0;
	s16 =	simm.s32 $0x300;
	[sflag:s5] =	ssyncadd.s32 $0xFFFFF000  }
0x69: {  	[tilespmem:s23], [sflag:$0x3] =	stream.indirect.gather [spmem:s2], $0x20, s16, s19, $0xb8;
	[tilespmem:$0x1A800] =	vst v63  }
.LBB2_2:
0x6a: {  	_ =	swait.ge [sflag:s24], $0x1000  }
0x6b: {  	s11 =	sshra.s32 s9, $0x2;
	[sflag:s24] =	ssyncset.done $0x0  }
0x6c: {  	s16 =	sadd.s32 $0x5200, s11;
	[sflag:s24] =	ssyncadd.s32 $0xFFFFF000  }
0x6d: {  	[spmem:s3] =	stream.indirect.scatter.add.bf16 [tilespmem:s20], [sflag:$0x5], $0x20, s16, s19, $0xb8;
	[tilespmem:$0x1A800] =	vst v63  }
0x6e: {  	_ =	swait.ge [sflag:s7], $0x1000  }
0x6f: {  	[sflag:s7] =	ssyncset.done $0x0  }
0x70: {  	s13 =	sadd.s32 $0x380, s11;
	[sflag:s7] =	ssyncadd.s32 $0xFFFFF000  }
0x71: {  	[tilespmem:s26], [sflag:$0x4] =	stream.indirect.gather [spmem:s2], $0x20, s13, s19, $0xb8;
	[tilespmem:$0x1A800] =	vst v63  }
0x72: {  	_ =	swait.ge [sflag:s28], $0x1000  }
0x73: {  	p0 =	seq.s32 s9, $0x9000;
	[sflag:s28] =	ssyncset.done $0x0  }
0x74: {  	s14 =	sadd.s32 $0x5280, s11;
	s16 =	simm.s32 @p0 $0x3;
	[sflag:s28] =	ssyncadd.s32 $0xFFFFF000  }
0x75: {  	[spmem:s3] =	stream.indirect.scatter.add.bf16 [tilespmem:s21], [sflag:$0x6], $0x20, s14, s19, $0xb8;
	[tilespmem:$0x1A800] =	vst v63  }
0x76: {  	_ =	swait.ge @p0 [sflag:s16], $0x1000  }
0x77: {  	[sflag:s16] =	ssyncset.done @p0 $0x0  }
0x78: {  	[sflag:s16] =	ssyncadd.s32 @p0 $0xFFFFF000;
	s16 =	sshra.s32 @p0 s9, $0x2  }
0x79: {  	s12 =	simm.s32 @p0 $0x80;
	s13 =	simm.s32 @p0 $0x9800;
	s16 =	sadd.s32 @p0 $0x5300, s16  }
0x7a: {  	[spmem:s3] =	stream.indirect.scatter.add.bf16 @p0 [tilespmem:s13], [sflag:$0x7], $0x20, s16, s12, $0xb8;
	[tilespmem:$0x1A800] =	vst v63  }
0x7b: {  	s12 =	simm.s32 @!p0 $0x5  }
0x7c: {  	_ =	swait.ge @!p0 [sflag:s12], $0x1000  }
0x7d: {  	[sflag:s12] =	ssyncset.done @!p0 $0x0  }
0x7e: {  	[sflag:s12] =	ssyncadd.s32 @!p0 $0xFFFFF000;
	s12 =	sshra.s32 @!p0 s9, $0x2  }
0x7f: {  	s14 =	simm.s32 @!p0 $0x7800;
	s16 =	simm.s32 @!p0 $0x80;
	s13 =	sadd.s32 @!p0 $0x400, s12  }
0x80: {  	[tilespmem:s14], [sflag:$0x1] =	stream.indirect.gather @!p0 [spmem:s2], $0x20, s13, s16, $0xb8;
	[tilespmem:$0x1A800] =	vst v63  }
0x81: {  	s13 =	simm.s32 @!p0 $0x3  }
0x82: {  	_ =	swait.ge @!p0 [sflag:s13], $0x1000  }
0x83: {  	[sflag:s13] =	ssyncset.done @!p0 $0x0  }
0x84: {  	s14 =	simm.s32 @!p0 $0x9800;
	[sflag:s13] =	ssyncadd.s32 @!p0 $0xFFFFF000;
	s13 =	sadd.s32 @!p0 $0x5300, s12  }
0x85: {  	[spmem:s3] =	stream.indirect.scatter.add.bf16 @!p0 [tilespmem:s14], [sflag:$0x7], $0x20, s13, s16, $0xb8;
	[tilespmem:$0x1A800] =	vst v63  }
0x86: {  	s13 =	simm.s32 @!p0 $0x6  }
0x87: {  	_ =	swait.ge @!p0 [sflag:s13], $0x1000  }
0x88: {  	[sflag:s13] =	ssyncset.done @!p0 $0x0  }
0x89: {  	s12 =	sadd.s32 @!p0 $0x480, s12;
	[sflag:s13] =	ssyncadd.s32 @!p0 $0xFFFFF000;
	s13 =	simm.s32 @!p0 $0x8800  }
0x8a: {  	[tilespmem:s13], [sflag:$0x2] =	stream.indirect.gather @!p0 [spmem:s2], $0x20, s12, s16, $0xb8;
	[tilespmem:$0x1A800] =	vst v63  }
.Ltmp2:
0x8b: {  	_ = 	snop;
	(pc) =	sbr.rel @p0 .LBB2_4-.Ltmp2, $4  }
0x8c: {  	_ =	swait.ge [sflag:s31], $0x1000  }
0x8d: {  	[sflag:s31] =	ssyncset.done $0x0  }
0x8e: {  	s16 =	sadd.s32 $0x5380, s11;
	[sflag:s31] =	ssyncadd.s32 $0xFFFFF000  }
0x8f: {  	[spmem:s3] =	stream.indirect.scatter.add.bf16 [tilespmem:s26], [sflag:$0x8], $0x20, s16, s19, $0xb8;
	[tilespmem:$0x1A800] =	vst v63  }
.Ltmp3:
0x90: {  	(pc) =	sbr.rel .LBB2_2-.Ltmp3, $4  }
0x91: {  	_ =	swait.ge [sflag:s5], $0x1000  }
0x92: {  	[sflag:s5] =	ssyncset.done $0x0  }
0x93: {  	s11 =	sadd.s32 $0x500, s11;
	s9 =	sadd.s32 $0x800, s9;
	[sflag:s5] =	ssyncadd.s32 $0xFFFFF000  }
0x94: {  	[tilespmem:s23], [sflag:$0x3] =	stream.indirect.gather [spmem:s2], $0x20, s11, s19, $0xb8;
	[tilespmem:$0x1A800] =	vst v63  }
.LBB2_4:
0x95: {  	_ =	swait.ge [sflag:s30], $0x1000  }
0x96: {  	[sflag:s30] =	ssyncset.done $0x0  }
0x97: {  	[sflag:s30] =	ssyncadd.s32 $0xFFFFF000  }
0x98: {  	_ =	swait.ge [sflag:s22], $0x1000  }
0x99: {  	[sflag:s22] =	ssyncset.done $0x0  }
0x9a: {  	[sflag:s22] =	ssyncadd.s32 $0xFFFFF000  }
0x9b: {  	_ =	swait.ge [sflag:s5], $0x1000  }
0x9c: {  	[sflag:s5] =	ssyncset.done $0x0  }
0x9d: {  	[sflag:s5] =	ssyncadd.s32 $0xFFFFF000  }
0x9e: {  	_ =	swait.ge [sflag:s7], $0x1000  }
0x9f: {  	[sflag:s7] =	ssyncset.done $0x0  }
0xa0: {  	[sflag:s7] =	ssyncadd.s32 $0xFFFFF000  }
0xa1: {  	[bflag:$0x0] =	sbarrier.arrive $0xFFFF  }
0xa2: {  	s9 =	rddreg [dreg:$0x8]  }
0xa3: {  	[hbm:s9], [sflag:s6] =	dma.local [spmem:s18], $0xA00  }
0xa4: {  	_ =	swait.ge [sflag:s15], $0xA00  }
0xa5: {  	[sflag:s15] =	ssyncset.done $0x0  }
0xa6: {  	[sflag:s15] =	ssyncadd.s32 $0xFFFFF600  }
0xa7: {  	[spmem:s18], [sflag:s6] =	dma.local [hbm:s10], $0xA00  }
0xa8: {  	_ =	swait.ge [sflag:s15], $0xA00  }
0xa9: {  	[sflag:s15] =	ssyncset.done $0x0  }
0xaa: {  	[sflag:s15] =	ssyncadd.s32 $0xFFFFF600  }
0xab: {  	s14 =	simm.s32 $0x2800;
	[bflag:$0x0] =	sbarrier.arrive $0xFFFF  }
0xac: {  	[tilespmem:s20], [sflag:$0x1] =	stream.indirect.gather [spmem:s2], $0x20, s14, s19, $0xb8;
	[tilespmem:$0x1A800] =	vst v63  }
0xad: {  	s16 =	simm.s32 $0x2880  }
0xae: {  	[tilespmem:s21], [sflag:$0x2] =	stream.indirect.gather [spmem:s2], $0x20, s16, s19, $0xb8;
	[tilespmem:$0x1A800] =	vst v63  }
0xaf: {  	s11 =	simm.s32 $0x2900  }
0xb0: {  	[tilespmem:s23], [sflag:$0x3] =	stream.indirect.gather [spmem:s2], $0x20, s11, s19, $0xb8;
	[tilespmem:$0x1A800] =	vst v63  }
0xb1: {  	_ =	swait.ge [sflag:s24], $0x1000  }
0xb2: {  	[sflag:s24] =	ssyncset.done $0x0  }
0xb3: {  	[sflag:s24] =	ssyncadd.s32 $0xFFFFF000  }
0xb4: {  	[spmem:s3] =	stream.indirect.scatter.add.bf16 [tilespmem:s20], [sflag:$0x5], $0x20, s17, s19, $0xb8;
	[tilespmem:$0x1A800] =	vst v63  }
0xb5: {  	s12 =	simm.s32 $0x2980  }
0xb6: {  	[tilespmem:s26], [sflag:$0x4] =	stream.indirect.gather [spmem:s2], $0x20, s12, s19, $0xb8;
	[tilespmem:$0x1A800] =	vst v63  }
0xb7: {  	_ =	swait.ge [sflag:s28], $0x1000  }
0xb8: {  	[sflag:s28] =	ssyncset.done $0x0  }
0xb9: {  	[sflag:s28] =	ssyncadd.s32 $0xFFFFF000  }
0xba: {  	[spmem:s3] =	stream.indirect.scatter.add.bf16 [tilespmem:s21], [sflag:$0x6], $0x20, s29, s19, $0xb8;
	[tilespmem:$0x1A800] =	vst v63  }
0xbb: {  	_ =	swait.ge [sflag:s30], $0x1000  }
0xbc: {  	[sflag:s30] =	ssyncset.done $0x0  }
0xbd: {  	s13 =	simm.s32 $0x2A00;
	[sflag:s30] =	ssyncadd.s32 $0xFFFFF000  }
0xbe: {  	[tilespmem:s20], [sflag:$0x1] =	stream.indirect.gather [spmem:s2], $0x20, s13, s19, $0xb8;
	[tilespmem:$0x1A800] =	vst v63  }
0xbf: {  	_ =	swait.ge [sflag:s0], $0x1000  }
0xc0: {  	[sflag:s0] =	ssyncset.done $0x0  }
0xc1: {  	[sflag:s0] =	ssyncadd.s32 $0xFFFFF000  }
0xc2: {  	[spmem:s3] =	stream.indirect.scatter.add.bf16 [tilespmem:s23], [sflag:$0x7], $0x20, s1, s19, $0xb8;
	[tilespmem:$0x1A800] =	vst v63  }
0xc3: {  	_ =	swait.ge [sflag:s22], $0x1000  }
0xc4: {  	[sflag:s22] =	ssyncset.done $0x0  }
0xc5: {  	s14 =	simm.s32 $0x2A80;
	[sflag:s22] =	ssyncadd.s32 $0xFFFFF000  }
0xc6: {  	[tilespmem:s21], [sflag:$0x2] =	stream.indirect.gather [spmem:s2], $0x20, s14, s19, $0xb8;
	[tilespmem:$0x1A800] =	vst v63  }
0xc7: {  	_ =	swait.ge [sflag:s31], $0x1000  }
0xc8: {  	[sflag:s31] =	ssyncset.done $0x0  }
0xc9: {  	[sflag:s31] =	ssyncadd.s32 $0xFFFFF000  }
0xca: {  	[spmem:s3] =	stream.indirect.scatter.add.bf16 [tilespmem:s26], [sflag:$0x8], $0x20, s25, s19, $0xb8;
	[tilespmem:$0x1A800] =	vst v63  }
0xcb: {  	_ =	swait.ge [sflag:s5], $0x1000  }
0xcc: {  	[sflag:s5] =	ssyncset.done $0x0  }
0xcd: {  	s9 =	simm.s32 $0x0;
	s16 =	simm.s32 $0x2B00;
	[sflag:s5] =	ssyncadd.s32 $0xFFFFF000  }
0xce: {  	[tilespmem:s23], [sflag:$0x3] =	stream.indirect.gather [spmem:s2], $0x20, s16, s19, $0xb8;
	[tilespmem:$0x1A800] =	vst v63  }
.LBB2_5:
0xcf: {  	_ =	swait.ge [sflag:s24], $0x1000  }
0xd0: {  	s11 =	sshra.s32 s9, $0x2;
	[sflag:s24] =	ssyncset.done $0x0  }
0xd1: {  	s12 =	sadd.s32 $0x5200, s11;
	[sflag:s24] =	ssyncadd.s32 $0xFFFFF000  }
0xd2: {  	[spmem:s3] =	stream.indirect.scatter.add.bf16 [tilespmem:s20], [sflag:$0x5], $0x20, s12, s19, $0xb8;
	[tilespmem:$0x1A800] =	vst v63  }
0xd3: {  	_ =	swait.ge [sflag:s7], $0x1000  }
0xd4: {  	[sflag:s7] =	ssyncset.done $0x0  }
0xd5: {  	s13 =	sadd.s32 $0x2B80, s11;
	[sflag:s7] =	ssyncadd.s32 $0xFFFFF000  }
0xd6: {  	[tilespmem:s26], [sflag:$0x4] =	stream.indirect.gather [spmem:s2], $0x20, s13, s19, $0xb8;
	[tilespmem:$0x1A800] =	vst v63  }
0xd7: {  	_ =	swait.ge [sflag:s28], $0x1000  }
0xd8: {  	p0 =	seq.s32 s9, $0x9000;
	[sflag:s28] =	ssyncset.done $0x0  }
0xd9: {  	s14 =	sadd.s32 $0x5280, s11;
	s12 =	simm.s32 @p0 $0x3;
	[sflag:s28] =	ssyncadd.s32 $0xFFFFF000  }
0xda: {  	[spmem:s3] =	stream.indirect.scatter.add.bf16 [tilespmem:s21], [sflag:$0x6], $0x20, s14, s19, $0xb8;
	[tilespmem:$0x1A800] =	vst v63  }
0xdb: {  	_ =	swait.ge @p0 [sflag:s12], $0x1000  }
0xdc: {  	[sflag:s12] =	ssyncset.done @p0 $0x0  }
0xdd: {  	[sflag:s12] =	ssyncadd.s32 @p0 $0xFFFFF000;
	s12 =	sshra.s32 @p0 s9, $0x2  }
0xde: {  	s13 =	simm.s32 @p0 $0x80;
	s14 =	simm.s32 @p0 $0x9800;
	s12 =	sadd.s32 @p0 $0x5300, s12  }
0xdf: {  	[spmem:s3] =	stream.indirect.scatter.add.bf16 @p0 [tilespmem:s14], [sflag:$0x7], $0x20, s12, s13, $0xb8;
	[tilespmem:$0x1A800] =	vst v63  }
0xe0: {  	s12 =	simm.s32 @!p0 $0x5  }
0xe1: {  	_ =	swait.ge @!p0 [sflag:s12], $0x1000  }
0xe2: {  	[sflag:s12] =	ssyncset.done @!p0 $0x0  }
0xe3: {  	[sflag:s12] =	ssyncadd.s32 @!p0 $0xFFFFF000;
	s12 =	sshra.s32 @!p0 s9, $0x2  }
0xe4: {  	s16 =	simm.s32 @!p0 $0x7800;
	s14 =	simm.s32 @!p0 $0x80;
	s13 =	sadd.s32 @!p0 $0x2C00, s12  }
0xe5: {  	[tilespmem:s16], [sflag:$0x1] =	stream.indirect.gather @!p0 [spmem:s2], $0x20, s13, s14, $0xb8;
	[tilespmem:$0x1A800] =	vst v63  }
0xe6: {  	s13 =	simm.s32 @!p0 $0x3  }
0xe7: {  	_ =	swait.ge @!p0 [sflag:s13], $0x1000  }
0xe8: {  	[sflag:s13] =	ssyncset.done @!p0 $0x0  }
0xe9: {  	s16 =	simm.s32 @!p0 $0x9800;
	[sflag:s13] =	ssyncadd.s32 @!p0 $0xFFFFF000;
	s13 =	sadd.s32 @!p0 $0x5300, s12  }
0xea: {  	[spmem:s3] =	stream.indirect.scatter.add.bf16 @!p0 [tilespmem:s16], [sflag:$0x7], $0x20, s13, s14, $0xb8;
	[tilespmem:$0x1A800] =	vst v63  }
0xeb: {  	s13 =	simm.s32 @!p0 $0x6  }
0xec: {  	_ =	swait.ge @!p0 [sflag:s13], $0x1000  }
0xed: {  	[sflag:s13] =	ssyncset.done @!p0 $0x0  }
0xee: {  	s12 =	sadd.s32 @!p0 $0x2C80, s12;
	[sflag:s13] =	ssyncadd.s32 @!p0 $0xFFFFF000;
	s13 =	simm.s32 @!p0 $0x8800  }
0xef: {  	[tilespmem:s13], [sflag:$0x2] =	stream.indirect.gather @!p0 [spmem:s2], $0x20, s12, s14, $0xb8;
	[tilespmem:$0x1A800] =	vst v63  }
.Ltmp4:
0xf0: {  	_ = 	snop;
	(pc) =	sbr.rel @p0 .LBB2_7-.Ltmp4, $4  }
0xf1: {  	_ =	swait.ge [sflag:s31], $0x1000  }
0xf2: {  	[sflag:s31] =	ssyncset.done $0x0  }
0xf3: {  	s16 =	sadd.s32 $0x5380, s11;
	[sflag:s31] =	ssyncadd.s32 $0xFFFFF000  }
0xf4: {  	[spmem:s3] =	stream.indirect.scatter.add.bf16 [tilespmem:s26], [sflag:$0x8], $0x20, s16, s19, $0xb8;
	[tilespmem:$0x1A800] =	vst v63  }
.Ltmp5:
0xf5: {  	(pc) =	sbr.rel .LBB2_5-.Ltmp5, $4  }
0xf6: {  	_ =	swait.ge [sflag:s5], $0x1000  }
0xf7: {  	[sflag:s5] =	ssyncset.done $0x0  }
0xf8: {  	s11 =	sadd.s32 $0x2D00, s11;
	s9 =	sadd.s32 $0x800, s9;
	[sflag:s5] =	ssyncadd.s32 $0xFFFFF000  }
0xf9: {  	[tilespmem:s23], [sflag:$0x3] =	stream.indirect.gather [spmem:s2], $0x20, s11, s19, $0xb8;
	[tilespmem:$0x1A800] =	vst v63  }
.LBB2_8:
0xfa: {  	_ =	sfence.sel $0x180000  }
0xfb: {  	[bflag:$0x0] =	sbarrier.arrive $0xFFFF  }
0xfc: {  	_ =	strace $0x90000050  }
0xfd: {  	s0 =	stileid.u32;
	[bflag:$0x2] =	sbarrier.arrive $0xFFFF  }
0xfe: {  	p0 =	sne.s32 s0, $0x0;
	s0 =	rddreg [dreg:$0x3]  }
0xff: {  	s0 =	sadd.s32 @!p0 $0x100000, s0  }
0x100: {  	[sflag:s0] =	ssyncadd.tile.s32 @!p0 $0x1;
	_ =	shalt  }
.Lfunc_end2:
_tile_overlayer_lowered:
.L_overlay_start_2:
0x101: {  	(tag) =	ssettag $0x2  }
0x102: {  	s0 =	rddreg [dreg:$0x0];
	s2 =	stileid.u32  }
0x103: {  	s1 =	rddreg [dreg:$0x1];
	p0 =	sne.s32 s2, $0x0  }
0x104: {  	s3 =	rddreg [dreg:$0x2];
	[bflag:$0x3] =	sbarrier.arrive $0xFFFF;
	s2 =	simm.s32 @!p0 $0x1C09  }
0x105: {  	[timem:s3], [sflag:s2] =	dma.local @!p0 [hbm:s0], s1  }
0x106: {  	s0 =	simm.s32 @!p0 $0x9  }
0x107: {  	_ =	swait.ge @!p0 [sflag:s0], s1  }
0x108: {  	s1 =	ssub.s32 @!p0 $0x0, s1;
	[sflag:s0] =	ssyncset.done @!p0 $0x0  }
0x109: {  	[sflag:s0] =	ssyncadd.s32 @!p0 s1  }
0x10a: {  	[bflag:$0x3] =	sbarrier.arrive $0xFFFF  }
0x10b: {  	_ =	shalt  }

// kernel: kernel.24.cloned.1.call-start
scs
__scs_entry_jumppad:
0x0: {  	(pc) =	sbr.rel $0x88, $3  }
0x1: {  	(tag) =	ssettag $0x0;
	lr =	simm.s32 $0x1  }
0x2: {  	[smem:$0x3F96] =	sst lr;
	_ =	strace $0xD0000000  }
0x3: {  	_ = 	snop  }
0x4: {  	_ = 	snop  }
0x5: {  	_ = 	snop  }
0x6: {  	_ = 	snop  }
0x7: {  	_ = 	snop  }
__scs_overlays_trampoline_lowered:
0x8: {  	[smem:$0x3FA5] =	sst s0  }
0x9: {  	[smem:$0x3FA6] =	sst s1  }
0xa: {  	[smem:$0x3FA7] =	sst s2  }
0xb: {  	[smem:$0x3FA8] =	sst s3  }
0xc: {  	[smem:$0x3FA9] =	sst s4  }
0xd: {  	[smem:$0x3FAA] =	sst s5  }
0xe: {  	[smem:$0x3FAB] =	sst s6  }
0xf: {  	[smem:$0x3FAC] =	sst s7  }
0x10: {  	[smem:$0x3FAD] =	sst s8  }
0x11: {  	[smem:$0x3FAE] =	sst s9;
	s0 =	simm.s32 @!p0 $0x0  }
0x12: {  	s1 =	sld [smem:$0x3F94];
	s0 =	simm.s32 @p0 $0x1  }
0x13: {  	[smem:$0x3FAF] =	sst s0;
	s0 =	simm.s32 @!p1 $0x0  }
0x14: {  	s2 =	sld [smem:$0x3F93];
	s0 =	simm.s32 @p1 $0x1  }
0x15: {  	[smem:$0x3FB0] =	sst s0;
	s0 =	simm.s32 @!p2 $0x0  }
0x16: {  	s3 =	sld [smem:$0x3FDB];
	s0 =	simm.s32 @p2 $0x1  }
0x17: {  	s4 =	simm.s32 $0x1BF5;
	[smem:$0x3FB2] =	sst s0  }
0x18: {  	s0 =	sld [smem:$0x3F95];
	_ =	swait.ge [sflag:s4], $0x0  }
0x19: {  	s7 =	sld [smem:$0x3F96]  }
0x1a: {  	s8 =	sadd.s32 $0xFFFFE003, lr  }
0x1b: {  	s9 =	sadd.s32 $0xFFFFFEF7, lr;
	s5 =	simm.s32 $0xFFFFFFFF;
	p2 =	slt.u32 s8, $0xFFFFF086  }
0x1c: {  	p1 =	slt.u32 s9, $0xF7A;
	s5 =	simm.s32 @!p2 $0x0  }
0x1d: {  	s5 =	simm.s32 @p1 $0x1;
	p0 =	seq.s32 s7, s2  }
0x1e: {  	s7 =	smul.u32 @!p0 $0xF7A, s2;
	p2 =	seq.s32 @!p0 s5, $0x0  }
0x1f: {  	s9 =	smul.u32 $0xF7A, s1;
	s8 =	simm.s32 @!p0 $0x1BF5;
	p2 =	por !p2, p0  }
0x20: {  	[sflag:s8] =	ssyncset.s32 @!p0 $0xFFFFF086;
	s6 =	sadd.s32 @!p0 s3, s7;
	s7 =	simm.s32 @!p0 $0x108  }
0x21: {  	s3 =	sadd.s32 s3, s9;
	s6 =	sadd.s32 @!p0 $0x88, s6;
	s7 =	simm.s32 @p2 $0x1082  }
0x22: {  	[simem:s7], [sflag:s8] =	dma.local @!p0 [hbm:s6], $0xF7A  }
0x23: {  	s9 =	sor.u32 $0xD0000000, s2;
	s6 =	simm.s32 $0x108;
	_ =	swait.ge @!p0 [sflag:s8], $0x0  }
0x24: {  	s3 =	sadd.s32 $0x88, s3;
	s6 =	simm.s32 @!p1 $0x1082;
	[sflag:s4] =	ssyncset.s32 $0xFFFFF086  }
0x25: {  	[simem:s6], [sflag:s4] =	dma.local [hbm:s3], $0xF7A  }
0x26: {  	[smem:$0x3F96] =	sst s1;
	(tag) =	ssettag s2;
	_ =	strace s9  }
0x27: {  	s1 =	sld [smem:$0x3FA6]  }
0x28: {  	s2 =	sld [smem:$0x3FA7]  }
0x29: {  	s4 =	sld [smem:$0x3FA9]  }
0x2a: {  	p0 =	seq.s32 s5, $0x0;
	s5 =	sld [smem:$0x3FAA]  }
0x2b: {  	s6 =	sld [smem:$0x3FAB]  }
0x2c: {  	s7 =	sld [smem:$0x3FAC]  }
0x2d: {  	s3 =	simm.s32 $0x108;
	s8 =	sld [smem:$0x3FAD]  }
0x2e: {  	s3 =	simm.s32 @!p0 $0x1082;
	s9 =	sld [smem:$0x3FAE]  }
0x2f: {  	lr =	sadd.s32 s0, s3;
	s0 =	sld [smem:$0x3FA5]  }
0x30: {  	s3 =	sld [smem:$0x3FA8]  }
0x31: {  	[smem:$0x3FB1] =	sst s10  }
0x32: {  	s10 =	sld [smem:$0x3FAF];
	_ =	sdelay $0x3  }
0x33: {  	p0 =	seq.s32 s10, $0x1;
	s10 =	sld [smem:$0x3FB1];
	_ =	sdelay $0x3  }
0x34: {  	[smem:$0x3FB1] =	sst s10  }
0x35: {  	s10 =	sld [smem:$0x3FB0];
	_ =	sdelay $0x3  }
0x36: {  	p1 =	seq.s32 s10, $0x1;
	s10 =	sld [smem:$0x3FB1];
	_ =	sdelay $0x3  }
0x37: {  	[smem:$0x3FB1] =	sst s10  }
0x38: {  	s10 =	sld [smem:$0x3FB2]  }
0x39: {  	_ = 	snop;
	(pc) =	sbr.ind lr, $3  }
0x3a: {  	_ = 	snop  }
0x3b: {  	_ = 	snop  }
0x3c: {  	p2 =	seq.s32 s10, $0x1;
	s10 =	sld [smem:$0x3FB1]  }
0x3d: {  	_ =	shalt  }
0x3e: {  	_ =	shalt  }
0x3f: {  	_ =	shalt  }
0x40: {  	_ =	shalt  }
0x41: {  	_ =	shalt  }
0x42: {  	_ =	shalt  }
0x43: {  	_ =	shalt  }
0x44: {  	_ =	shalt  }
0x45: {  	_ =	shalt  }
0x46: {  	_ =	shalt  }
0x47: {  	_ =	shalt  }
0x48: {  	_ =	shalt  }
0x49: {  	_ =	shalt  }
0x4a: {  	_ =	shalt  }
0x4b: {  	_ =	shalt  }
0x4c: {  	_ =	shalt  }
0x4d: {  	_ =	shalt  }
0x4e: {  	_ =	shalt  }
0x4f: {  	_ =	shalt  }
0x50: {  	_ =	shalt  }
0x51: {  	_ =	shalt  }
0x52: {  	_ =	shalt  }
0x53: {  	_ =	shalt  }
0x54: {  	_ =	shalt  }
0x55: {  	_ =	shalt  }
0x56: {  	_ =	shalt  }
0x57: {  	_ =	shalt  }
0x58: {  	_ =	shalt  }
0x59: {  	_ =	shalt  }
0x5a: {  	_ =	shalt  }
0x5b: {  	_ =	shalt  }
0x5c: {  	_ =	shalt  }
0x5d: {  	_ =	shalt  }
0x5e: {  	_ =	shalt  }
0x5f: {  	_ =	shalt  }
0x60: {  	_ =	shalt  }
0x61: {  	_ =	shalt  }
0x62: {  	_ =	shalt  }
0x63: {  	_ =	shalt  }
0x64: {  	_ =	shalt  }
0x65: {  	_ =	shalt  }
0x66: {  	_ =	shalt  }
0x67: {  	_ =	shalt  }
0x68: {  	_ =	shalt  }
0x69: {  	_ =	shalt  }
0x6a: {  	_ =	shalt  }
0x6b: {  	_ =	shalt  }
0x6c: {  	_ =	shalt  }
0x6d: {  	_ =	shalt  }
0x6e: {  	_ =	shalt  }
0x6f: {  	_ =	shalt  }
0x70: {  	_ =	shalt  }
0x71: {  	_ =	shalt  }
0x72: {  	_ =	shalt  }
0x73: {  	_ =	shalt  }
0x74: {  	_ =	shalt  }
0x75: {  	_ =	shalt  }
0x76: {  	_ =	shalt  }
0x77: {  	_ =	shalt  }
0x78: {  	_ =	shalt  }
0x79: {  	_ =	shalt  }
0x7a: {  	_ =	shalt  }
0x7b: {  	_ =	shalt  }
0x7c: {  	_ =	shalt  }
0x7d: {  	_ =	shalt  }
0x7e: {  	_ =	shalt  }
0x7f: {  	_ =	shalt  }
0x80: {  	_ =	shalt  }
0x81: {  	_ =	shalt  }
0x82: {  	_ =	shalt  }
0x83: {  	_ =	shalt  }
0x84: {  	_ =	shalt  }
0x85: {  	_ =	shalt  }
0x86: {  	_ =	shalt  }
0x87: {  	_ =	shalt  }
.Lfunc_end0:
.L_simem_size_0:
called_computation.4_lowered:
.L_overlay_start_0:
0x88: {  	s2 =	sld [smem:$0x3FD9]  }
0x89: {  	s3 =	sld [smem:$0x3FFE];
	_ =	sdelay $0x1  }
0x8a: {  	s1 =	srdreg.scid  }
0x8b: {  	s0 =	sand.u32 $0x1, s1  }
0x8c: {  	s16 =	sshll.u32 s0, $0xA;
	s2 =	sadd.s32 s3, s2  }
0x8d: {  	s2 =	sadd.s32 s2, s16  }
0x8e: {  	[smem:$0x3FBD] =	sst s2  }
0x8f: {  	_ = 	snop  }
0x90: {  	(tm) =	ssettm $0x1  }
0x91: {  	s17 =	sld [smem:$0x3FFB];
	_ =	sdelay $0x3  }
0x92: {  	_ =	strace s17  }
0x93: {  	s2 =	sld [smem:$0x3FFC];
	_ =	sdelay $0x3  }
0x94: {  	_ =	strace s2  }
0x95: {  	s2 =	sld [smem:$0x3FFD];
	_ =	sdelay $0x3  }
0x96: {  	_ =	strace s2  }
0x97: {  	_ =	strace $0x8FFFFFFF  }
0x98: {  	s18 =	sld [smem:$0x3FDB];
	_ =	sdelay $0x1  }
0x99: {  	s19 =	simm.s32 $_scs_section_size  }
0x9a: {  	s4 =	simm.s32 $_size__tile_overlayer_lowered;
	s5 =	simm.s32 $_tile_overlayer_lowered  }
0x9b: {  	s22 =	simm.s32 $0x1BFF;
	s21 =	sshll.u32 s5, $0x1;
	s2 =	sadd.s32 s19, s18  }
0x9c: {  	s6 =	simm.s32 $0x0;
	s20 =	sshll.u32 s4, $0x1;
	s4 =	sadd.s32 s21, s2  }
0x9d: {  	[timem:s6], [sflag:s22] =	dma.local [hbm:s4], s20  }
0x9e: {  	_ =	swait.ge [sflag:s22], s20  }
0x9f: {  	s3 =	ssub.s32 $0x0, s20;
	[sflag:s22] =	ssyncset.done $0x0  }
0xa0: {  	[sflag:s22] =	ssyncadd.s32 s3;
	_ =	sdelay $0x1  }
0xa1: {  	s23 =	simm.s32 $0x1B8B  }
0xa2: {  	_ =	swait.ge [sflag:s23], $0x1  }
0xa3: {  	[sflag:s23] =	ssyncset.done $0x0  }
0xa4: {  	s25 =	simm.s32 $0x1B8E;
	s24 =	sld [smem:$0x3FFE];
	[sflag:s23] =	ssyncadd.s32 $0xFFFFFFFF  }
0xa5: {  	s26 =	simm.s32 $execute0_lowered;
	[smem:$0x3FD2] =	sst s25  }
0xa6: {  	s4 =	sshll.u32 s26, $0x1;
	_ =	strace $0x80000052;
	[dreg:$0x1] =	wrdreg $0xFFFFFFFF  }
0xa7: {  	s28 =	simm.s32 $_size_execute0_lowered;
	s2 =	sadd.s32 s2, s4;
	[dreg:$0x0] =	wrdreg $0x0  }
0xa8: {  	s4 =	sshll.u32 s28, $0x1;
	[dreg:$0x2] =	wrdreg s2  }
0xa9: {  	[dreg:$0x3] =	wrdreg s4  }
0xaa: {  	[dreg:$0x4] =	wrdreg $0xC0  }
0xab: {  	_ =	task [dreg:s6], $0x5FFFF  }
0xac: {  	[dreg:$0x1] =	wrdreg $0xFFFFFFFF  }
0xad: {  	[dreg:$0x0] =	wrdreg $0x60  }
0xae: {  	[dreg:$0x2] =	wrdreg s24  }
0xaf: {  	[dreg:$0x3] =	wrdreg $0xB8000  }
0xb0: {  	[dreg:$0x4] =	wrdreg $0x158000  }
0xb1: {  	[dreg:$0x5] =	wrdreg $0x9  }
0xb2: {  	_ =	task.clear_ibuf [dreg:s6], $0x6FFFF;
	_ =	strace $0x90000052  }
0xb3: {  	s29 =	simm.s32 $0x9;
	_ =	strace $0x80000054  }
0xb4: {  	_ =	swait.ge [sflag:s29], $0x1  }
0xb5: {  	[sflag:s29] =	ssyncadd.s32 $0xFFFFFFFF  }
0xb6: {  	_ =	strace $0x90000054  }
0xb7: {  	_ =	sfence  }
0xb8: {  	s30 =	sld [smem:$0x0];
	_ =	sdelay $0x2  }
0xb9: {  	s31 =	sshll.u32 s1, $0xD;
	s1 =	sshrl.u32 s1, $0x2  }
0xba: {  	s3 =	sand.u32 $0x4000, s31;
	s1 =	sadd.s32 s1, s30  }
0xbb: {  	s0 =	sor.u32 s3, s0;
	s1 =	sshll.u32 s1, $0x11  }
0xbc: {  	s0 =	sor.u32 s1, s0  }
0xbd: {  	s0 =	sadd.s32 $0x8F2B, s0  }
0xbe: {  	[sflag:s0] =	ssyncadd.remote.s32 $0x1  }
0xbf: {  	_ =	sfence.sel $0xFFFF  }
0xc0: {  	[dreg:$0x0] =	wrdreg $0xFFFFFFFF;
	(pc) =	sbr.abs _section_cstart, $3  }
0xc1: {  	[dreg:$0x1] =	wrdreg $0xFFFFFFFF  }
0xc2: {  	_ =	task.clear_ibuf [dreg:s6], $0x2FFFF;
	_ =	strace $0x9FFFFFFF  }
0xc3: {  	(tm) =	ssettm $0x7FFFFFFF  }
tec
execute0_lowered:
.L_overlay_start_1:
0x0: {  	(tag) =	ssettag $0x1  }
0x1: {  	s0 =	rddreg [dreg:$0x0]  }
0x2: {  	s2 =	rddreg [dreg:$0x1]  }
0x3: {  	s3 =	rddreg [dreg:$0x2];
	s11 =	stileid.u32  }
0x4: {  	s1 =	srdreg.scid;
	s4 =	simm.s32 $0x0;
	s15 =	simm.s32 $0x9  }
0x5: {  	s28 =	simm.s32 $0x2;
	s29 =	simm.s32 $0x5080;
	s30 =	simm.s32 $0x5  }
0x6: {  	s31 =	simm.s32 $0x4;
	s1 =	sand.u32 $0x1, s1;
	s6 =	smul.u32 $0x14000, s11  }
0x7: {  	s5 =	sshll.u32 s11, $0x1;
	[smem:$0x7FF] =	sst s4;
	s9 =	smul.u32 $0xA000, s11  }
0x8: {  	s17 =	sshll.u32 s11, $0x6;
	s5 =	sor.u32 s1, s5;
	s7 =	sshll.u32 s1, $0x4  }
0x9: {  	_ =	strace $0x80000053;
	s1 =	ssub.s32 $0x2, s1;
	s5 =	smul.u32 $0x500, s5  }
0xa: {  	s8 =	sshrl.u32 s6, $0x4;
	s7 =	sor.u32 s11, s7;
	s10 =	sshrl.u32 s9, $0x4  }
0xb: {  	s16 =	sshrl.u32 s1, $0x1;
	s6 =	sshrl.u32 s6, $0x1;
	s22 =	sshrl.u32 s9, $0x1  }
0xc: {  	s8 =	sadd.s32 s8, s0;
	s7 =	smul.u32 $0xA00, s7;
	s10 =	sadd.s32 s10, s0  }
0xd: {  	s1 =	ssub.s32 s1, s16;
	s18 =	sadd.s32 s6, s2;
	s6 =	sor.u32 $0x1C09, s17  }
0xe: {  	s23 =	sadd.s32 s22, s3;
	s17 =	simm.s32 $0x5000;
	s22 =	simm.s32 $0x6  }
0xf: {  	s5 =	sadd.s32 s5, s0;
	s19 =	sadd.s32 $0x21200, s8;
	s10 =	sadd.s32 $0x3200, s10  }
0x10: {  	s25 =	smax.u32 s1, $0x1;
	s26 =	sshrl.u32 s18, $0x3;
	s18 =	sshrl.u32 s23, $0x3  }
0x11: {  	s23 =	simm.s32 $0x9800;
	s1 =	simm.s32 $0x5100;
	[dreg:$0x4] =	wrdreg s19  }
0x12: {  	s8 =	simm.s32 $0x0;
	s0 =	sadd.s32 s7, s0;
	[dreg:$0xa] =	wrdreg s25  }
0x13: {  	s20 =	sadd.s32 $0xD200, s5;
	s21 =	sadd.s32 $0x17200, s5;
	[dreg:$0xb] =	wrdreg s26  }
0x14: {  	s5 =	sadd.s32 $0x35200, s5;
	s19 =	simm.s32 $0x80;
	[dreg:$0x5] =	wrdreg s20  }
.Ltmp0:
0x15: {  	s26 =	simm.s32 $0xA800;
	[dreg:$0x6] =	wrdreg s21;
	(pc) =	sbr.rel .LBB2_1-.Ltmp0, $4  }
0x16: {  	s25 =	simm.s32 $0x5180;
	s7 =	simm.s32 $0x8;
	[dreg:$0x7] =	wrdreg s5  }
0x17: {  	s24 =	sadd.s32 $0x3F200, s0;
	s0 =	sadd.s32 $0x53200, s0;
	s20 =	simm.s32 $0x7800  }
0x18: {  	s21 =	simm.s32 $0x8800;
	s5 =	simm.s32 $0x7;
	[dreg:$0x8] =	wrdreg s24  }
0x19: {  	[dreg:$0x9] =	wrdreg s0;
	s24 =	simm.s32 $0x1;
	s0 =	simm.s32 $0x3  }
.LBB2_7:
0x1a: {  	_ =	swait.ge [sflag:s30], $0x1000  }
0x1b: {  	[sflag:s30] =	ssyncset.done $0x0  }
0x1c: {  	[sflag:s30] =	ssyncadd.s32 $0xFFFFF000  }
0x1d: {  	_ =	swait.ge [sflag:s22], $0x1000  }
0x1e: {  	[sflag:s22] =	ssyncset.done $0x0  }
0x1f: {  	[sflag:s22] =	ssyncadd.s32 $0xFFFFF000  }
0x20: {  	_ =	swait.ge [sflag:s5], $0x1000  }
0x21: {  	[sflag:s5] =	ssyncset.done $0x0  }
0x22: {  	[sflag:s5] =	ssyncadd.s32 $0xFFFFF000  }
0x23: {  	_ =	swait.ge [sflag:s7], $0x1000  }
0x24: {  	[sflag:s7] =	ssyncset.done $0x0  }
0x25: {  	[sflag:s7] =	ssyncadd.s32 $0xFFFFF000  }
0x26: {  	[bflag:$0x0] =	sbarrier.arrive $0xFFFF  }
0x27: {  	s9 =	rddreg [dreg:$0x9]  }
0x28: {  	[hbm:s9], [sflag:s6] =	dma.local [spmem:s18], $0xA00  }
0x29: {  	_ =	swait.ge [sflag:s15], $0xA00  }
0x2a: {  	s8 =	sadd.s32 $0x1, s8;
	s16 =	rddreg [dreg:$0xa]  }
0x2b: {  	p0 =	sne.s32 s8, s16  }
.Ltmp1:
0x2c: {  	_ = 	snop;
	(pc) =	sbr.rel @!p0 .LBB2_8-.Ltmp1, $3  }
0x2d: {  	_ =	sdelay $0x1  }
0x2e: {  	[sflag:s15] =	ssyncset.done $0x0  }
0x2f: {  	[sflag:s15] =	ssyncadd.s32 $0xFFFFF600  }
.LBB2_1:
0x30: {  	s9 =	rddreg [dreg:$0x4]  }
0x31: {  	s11 =	rddreg [dreg:$0xb]  }
0x32: {  	[spmem:s11], [sflag:s6] =	dma.local [hbm:s9], $0x1400  }
0x33: {  	_ =	swait.ge [sflag:s15], $0x1400  }
0x34: {  	[sflag:s15] =	ssyncset.done $0x0  }
0x35: {  	s12 =	rddreg [dreg:$0x5];
	[sflag:s15] =	ssyncadd.s32 $0xFFFFEC00  }
0x36: {  	[tilespmem:s4], [sflag:$0x9] =	stream.linear.gather [hbm4b:s12+s4], $0x2800, $0x38;
	[tilespmem:$0x1A800] =	vst v63  }
0x37: {  	_ =	swait.ge [sflag:s15], $0x2800  }
0x38: {  	[sflag:s15] =	ssyncset.done $0x0  }
0x39: {  	s14 =	simm.s32 $0x2800;
	s13 =	rddreg [dreg:$0x6];
	[sflag:s15] =	ssyncadd.s32 $0xFFFFD800  }
0x3a: {  	[tilespmem:s14], [sflag:$0x9] =	stream.linear.gather [hbm4b:s13+s4], $0x2800, $0x38;
	[tilespmem:$0x1A800] =	vst v63  }
0x3b: {  	_ =	swait.ge [sflag:s15], $0x2800  }
0x3c: {  	[sflag:s15] =	ssyncset.done $0x0  }
0x3d: {  	s16 =	rddreg [dreg:$0x7];
	[sflag:s15] =	ssyncadd.s32 $0xFFFFD800  }
0x3e: {  	[tilespmem:s17], [sflag:$0x9] =	stream.linear.gather [hbm4b:s16+s4], $0x2800, $0x38;
	[tilespmem:$0x1A800] =	vst v63  }
0x3f: {  	_ =	swait.ge [sflag:s15], $0x2800  }
0x40: {  	[sflag:s15] =	ssyncset.done $0x0  }
0x41: {  	[sflag:s15] =	ssyncadd.s32 $0xFFFFD800  }
0x42: {  	[spmem:s18], [sflag:s6] =	dma.local [hbm:s10], $0xA00  }
0x43: {  	_ =	swait.ge [sflag:s15], $0xA00  }
0x44: {  	[sflag:s15] =	ssyncset.done $0x0  }
0x45: {  	[sflag:s15] =	ssyncadd.s32 $0xFFFFF600  }
0x46: {  	[bflag:$0x0] =	sbarrier.arrive $0xFFFF  }
0x47: {  	[tilespmem:s20], [sflag:$0x1] =	stream.indirect.gather [spmem:s2], $0x20, s4, s19, $0xb8;
	[tilespmem:$0x1A800] =	vst v63  }
0x48: {  	_ = 	snop  }
0x49: {  	[tilespmem:s21], [sflag:$0x2] =	stream.indirect.gather [spmem:s2], $0x20, s19, s19, $0xb8;
	[tilespmem:$0x1A800] =	vst v63  }
0x4a: {  	s11 =	simm.s32 $0x100  }
0x4b: {  	[tilespmem:s23], [sflag:$0x3] =	stream.indirect.gather [spmem:s2], $0x20, s11, s19, $0xb8;
	[tilespmem:$0x1A800] =	vst v63  }
0x4c: {  	_ =	swait.ge [sflag:s24], $0x1000  }
0x4d: {  	[sflag:s24] =	ssyncset.done $0x0  }
0x4e: {  	[sflag:s24] =	ssyncadd.s32 $0xFFFFF000  }
0x4f: {  	[spmem:s3] =	stream.indirect.scatter.add.bf16 [tilespmem:s20], [sflag:$0x5], $0x20, s17, s19, $0xb8;
	[tilespmem:$0x1A800] =	vst v63  }
0x50: {  	s12 =	simm.s32 $0x180  }
0x51: {  	[tilespmem:s26], [sflag:$0x4] =	stream.indirect.gather [spmem:s2], $0x20, s12, s19, $0xb8;
	[tilespmem:$0x1A800] =	vst v63  }
0x52: {  	_ =	swait.ge [sflag:s28], $0x1000  }
0x53: {  	[sflag:s28] =	ssyncset.done $0x0  }
0x54: {  	[sflag:s28] =	ssyncadd.s32 $0xFFFFF000  }
0x55: {  	[spmem:s3] =	stream.indirect.scatter.add.bf16 [tilespmem:s21], [sflag:$0x6], $0x20, s29, s19, $0xb8;
	[tilespmem:$0x1A800] =	vst v63  }
0x56: {  	_ =	swait.ge [sflag:s30], $0x1000  }
0x57: {  	[sflag:s30] =	ssyncset.done $0x0  }
0x58: {  	s13 =	simm.s32 $0x200;
	[sflag:s30] =	ssyncadd.s32 $0xFFFFF000  }
0x59: {  	[tilespmem:s20], [sflag:$0x1] =	stream.indirect.gather [spmem:s2], $0x20, s13, s19, $0xb8;
	[tilespmem:$0x1A800] =	vst v63  }
0x5a: {  	_ =	swait.ge [sflag:s0], $0x1000  }
0x5b: {  	[sflag:s0] =	ssyncset.done $0x0  }
0x5c: {  	[sflag:s0] =	ssyncadd.s32 $0xFFFFF000  }
0x5d: {  	[spmem:s3] =	stream.indirect.scatter.add.bf16 [tilespmem:s23], [sflag:$0x7], $0x20, s1, s19, $0xb8;
	[tilespmem:$0x1A800] =	vst v63  }
0x5e: {  	_ =	swait.ge [sflag:s22], $0x1000  }
0x5f: {  	[sflag:s22] =	ssyncset.done $0x0  }
0x60: {  	s14 =	simm.s32 $0x280;
	[sflag:s22] =	ssyncadd.s32 $0xFFFFF000  }
0x61: {  	[tilespmem:s21], [sflag:$0x2] =	stream.indirect.gather [spmem:s2], $0x20, s14, s19, $0xb8;
	[tilespmem:$0x1A800] =	vst v63  }
0x62: {  	_ =	swait.ge [sflag:s31], $0x1000  }
0x63: {  	[sflag:s31] =	ssyncset.done $0x0  }
0x64: {  	[sflag:s31] =	ssyncadd.s32 $0xFFFFF000  }
0x65: {  	[spmem:s3] =	stream.indirect.scatter.add.bf16 [tilespmem:s26], [sflag:$0x8], $0x20, s25, s19, $0xb8;
	[tilespmem:$0x1A800] =	vst v63  }
0x66: {  	_ =	swait.ge [sflag:s5], $0x1000  }
0x67: {  	[sflag:s5] =	ssyncset.done $0x0  }
0x68: {  	s9 =	simm.s32 $0x0;
	s16 =	simm.s32 $0x300;
	[sflag:s5] =	ssyncadd.s32 $0xFFFFF000  }
0x69: {  	[tilespmem:s23], [sflag:$0x3] =	stream.indirect.gather [spmem:s2], $0x20, s16, s19, $0xb8;
	[tilespmem:$0x1A800] =	vst v63  }
.LBB2_2:
0x6a: {  	_ =	swait.ge [sflag:s24], $0x1000  }
0x6b: {  	s11 =	sshra.s32 s9, $0x2;
	[sflag:s24] =	ssyncset.done $0x0  }
0x6c: {  	s16 =	sadd.s32 $0x5200, s11;
	[sflag:s24] =	ssyncadd.s32 $0xFFFFF000  }
0x6d: {  	[spmem:s3] =	stream.indirect.scatter.add.bf16 [tilespmem:s20], [sflag:$0x5], $0x20, s16, s19, $0xb8;
	[tilespmem:$0x1A800] =	vst v63  }
0x6e: {  	_ =	swait.ge [sflag:s7], $0x1000  }
0x6f: {  	[sflag:s7] =	ssyncset.done $0x0  }
0x70: {  	s13 =	sadd.s32 $0x380, s11;
	[sflag:s7] =	ssyncadd.s32 $0xFFFFF000  }
0x71: {  	[tilespmem:s26], [sflag:$0x4] =	stream.indirect.gather [spmem:s2], $0x20, s13, s19, $0xb8;
	[tilespmem:$0x1A800] =	vst v63  }
0x72: {  	_ =	swait.ge [sflag:s28], $0x1000  }
0x73: {  	p0 =	seq.s32 s9, $0x9000;
	[sflag:s28] =	ssyncset.done $0x0  }
0x74: {  	s14 =	sadd.s32 $0x5280, s11;
	s16 =	simm.s32 @p0 $0x3;
	[sflag:s28] =	ssyncadd.s32 $0xFFFFF000  }
0x75: {  	[spmem:s3] =	stream.indirect.scatter.add.bf16 [tilespmem:s21], [sflag:$0x6], $0x20, s14, s19, $0xb8;
	[tilespmem:$0x1A800] =	vst v63  }
0x76: {  	_ =	swait.ge @p0 [sflag:s16], $0x1000  }
0x77: {  	[sflag:s16] =	ssyncset.done @p0 $0x0  }
0x78: {  	[sflag:s16] =	ssyncadd.s32 @p0 $0xFFFFF000;
	s16 =	sshra.s32 @p0 s9, $0x2  }
0x79: {  	s12 =	simm.s32 @p0 $0x80;
	s13 =	simm.s32 @p0 $0x9800;
	s16 =	sadd.s32 @p0 $0x5300, s16  }
0x7a: {  	[spmem:s3] =	stream.indirect.scatter.add.bf16 @p0 [tilespmem:s13], [sflag:$0x7], $0x20, s16, s12, $0xb8;
	[tilespmem:$0x1A800] =	vst v63  }
0x7b: {  	s12 =	simm.s32 @!p0 $0x5  }
0x7c: {  	_ =	swait.ge @!p0 [sflag:s12], $0x1000  }
0x7d: {  	[sflag:s12] =	ssyncset.done @!p0 $0x0  }
0x7e: {  	[sflag:s12] =	ssyncadd.s32 @!p0 $0xFFFFF000;
	s12 =	sshra.s32 @!p0 s9, $0x2  }
0x7f: {  	s14 =	simm.s32 @!p0 $0x7800;
	s16 =	simm.s32 @!p0 $0x80;
	s13 =	sadd.s32 @!p0 $0x400, s12  }
0x80: {  	[tilespmem:s14], [sflag:$0x1] =	stream.indirect.gather @!p0 [spmem:s2], $0x20, s13, s16, $0xb8;
	[tilespmem:$0x1A800] =	vst v63  }
0x81: {  	s13 =	simm.s32 @!p0 $0x3  }
0x82: {  	_ =	swait.ge @!p0 [sflag:s13], $0x1000  }
0x83: {  	[sflag:s13] =	ssyncset.done @!p0 $0x0  }
0x84: {  	s14 =	simm.s32 @!p0 $0x9800;
	[sflag:s13] =	ssyncadd.s32 @!p0 $0xFFFFF000;
	s13 =	sadd.s32 @!p0 $0x5300, s12  }
0x85: {  	[spmem:s3] =	stream.indirect.scatter.add.bf16 @!p0 [tilespmem:s14], [sflag:$0x7], $0x20, s13, s16, $0xb8;
	[tilespmem:$0x1A800] =	vst v63  }
0x86: {  	s13 =	simm.s32 @!p0 $0x6  }
0x87: {  	_ =	swait.ge @!p0 [sflag:s13], $0x1000  }
0x88: {  	[sflag:s13] =	ssyncset.done @!p0 $0x0  }
0x89: {  	s12 =	sadd.s32 @!p0 $0x480, s12;
	[sflag:s13] =	ssyncadd.s32 @!p0 $0xFFFFF000;
	s13 =	simm.s32 @!p0 $0x8800  }
0x8a: {  	[tilespmem:s13], [sflag:$0x2] =	stream.indirect.gather @!p0 [spmem:s2], $0x20, s12, s16, $0xb8;
	[tilespmem:$0x1A800] =	vst v63  }
.Ltmp2:
0x8b: {  	_ = 	snop;
	(pc) =	sbr.rel @p0 .LBB2_4-.Ltmp2, $4  }
0x8c: {  	_ =	swait.ge [sflag:s31], $0x1000  }
0x8d: {  	[sflag:s31] =	ssyncset.done $0x0  }
0x8e: {  	s16 =	sadd.s32 $0x5380, s11;
	[sflag:s31] =	ssyncadd.s32 $0xFFFFF000  }
0x8f: {  	[spmem:s3] =	stream.indirect.scatter.add.bf16 [tilespmem:s26], [sflag:$0x8], $0x20, s16, s19, $0xb8;
	[tilespmem:$0x1A800] =	vst v63  }
.Ltmp3:
0x90: {  	(pc) =	sbr.rel .LBB2_2-.Ltmp3, $4  }
0x91: {  	_ =	swait.ge [sflag:s5], $0x1000  }
0x92: {  	[sflag:s5] =	ssyncset.done $0x0  }
0x93: {  	s11 =	sadd.s32 $0x500, s11;
	s9 =	sadd.s32 $0x800, s9;
	[sflag:s5] =	ssyncadd.s32 $0xFFFFF000  }
0x94: {  	[tilespmem:s23], [sflag:$0x3] =	stream.indirect.gather [spmem:s2], $0x20, s11, s19, $0xb8;
	[tilespmem:$0x1A800] =	vst v63  }
.LBB2_4:
0x95: {  	_ =	swait.ge [sflag:s30], $0x1000  }
0x96: {  	[sflag:s30] =	ssyncset.done $0x0  }
0x97: {  	[sflag:s30] =	ssyncadd.s32 $0xFFFFF000  }
0x98: {  	_ =	swait.ge [sflag:s22], $0x1000  }
0x99: {  	[sflag:s22] =	ssyncset.done $0x0  }
0x9a: {  	[sflag:s22] =	ssyncadd.s32 $0xFFFFF000  }
0x9b: {  	_ =	swait.ge [sflag:s5], $0x1000  }
0x9c: {  	[sflag:s5] =	ssyncset.done $0x0  }
0x9d: {  	[sflag:s5] =	ssyncadd.s32 $0xFFFFF000  }
0x9e: {  	_ =	swait.ge [sflag:s7], $0x1000  }
0x9f: {  	[sflag:s7] =	ssyncset.done $0x0  }
0xa0: {  	[sflag:s7] =	ssyncadd.s32 $0xFFFFF000  }
0xa1: {  	[bflag:$0x0] =	sbarrier.arrive $0xFFFF  }
0xa2: {  	s9 =	rddreg [dreg:$0x8]  }
0xa3: {  	[hbm:s9], [sflag:s6] =	dma.local [spmem:s18], $0xA00  }
0xa4: {  	_ =	swait.ge [sflag:s15], $0xA00  }
0xa5: {  	[sflag:s15] =	ssyncset.done $0x0  }
0xa6: {  	[sflag:s15] =	ssyncadd.s32 $0xFFFFF600  }
0xa7: {  	[spmem:s18], [sflag:s6] =	dma.local [hbm:s10], $0xA00  }
0xa8: {  	_ =	swait.ge [sflag:s15], $0xA00  }
0xa9: {  	[sflag:s15] =	ssyncset.done $0x0  }
0xaa: {  	[sflag:s15] =	ssyncadd.s32 $0xFFFFF600  }
0xab: {  	s14 =	simm.s32 $0x2800;
	[bflag:$0x0] =	sbarrier.arrive $0xFFFF  }
0xac: {  	[tilespmem:s20], [sflag:$0x1] =	stream.indirect.gather [spmem:s2], $0x20, s14, s19, $0xb8;
	[tilespmem:$0x1A800] =	vst v63  }
0xad: {  	s16 =	simm.s32 $0x2880  }
0xae: {  	[tilespmem:s21], [sflag:$0x2] =	stream.indirect.gather [spmem:s2], $0x20, s16, s19, $0xb8;
	[tilespmem:$0x1A800] =	vst v63  }
0xaf: {  	s11 =	simm.s32 $0x2900  }
0xb0: {  	[tilespmem:s23], [sflag:$0x3] =	stream.indirect.gather [spmem:s2], $0x20, s11, s19, $0xb8;
	[tilespmem:$0x1A800] =	vst v63  }
0xb1: {  	_ =	swait.ge [sflag:s24], $0x1000  }
0xb2: {  	[sflag:s24] =	ssyncset.done $0x0  }
0xb3: {  	[sflag:s24] =	ssyncadd.s32 $0xFFFFF000  }
0xb4: {  	[spmem:s3] =	stream.indirect.scatter.add.bf16 [tilespmem:s20], [sflag:$0x5], $0x20, s17, s19, $0xb8;
	[tilespmem:$0x1A800] =	vst v63  }
0xb5: {  	s12 =	simm.s32 $0x2980  }
0xb6: {  	[tilespmem:s26], [sflag:$0x4] =	stream.indirect.gather [spmem:s2], $0x20, s12, s19, $0xb8;
	[tilespmem:$0x1A800] =	vst v63  }
0xb7: {  	_ =	swait.ge [sflag:s28], $0x1000  }
0xb8: {  	[sflag:s28] =	ssyncset.done $0x0  }
0xb9: {  	[sflag:s28] =	ssyncadd.s32 $0xFFFFF000  }
0xba: {  	[spmem:s3] =	stream.indirect.scatter.add.bf16 [tilespmem:s21], [sflag:$0x6], $0x20, s29, s19, $0xb8;
	[tilespmem:$0x1A800] =	vst v63  }
0xbb: {  	_ =	swait.ge [sflag:s30], $0x1000  }
0xbc: {  	[sflag:s30] =	ssyncset.done $0x0  }
0xbd: {  	s13 =	simm.s32 $0x2A00;
	[sflag:s30] =	ssyncadd.s32 $0xFFFFF000  }
0xbe: {  	[tilespmem:s20], [sflag:$0x1] =	stream.indirect.gather [spmem:s2], $0x20, s13, s19, $0xb8;
	[tilespmem:$0x1A800] =	vst v63  }
0xbf: {  	_ =	swait.ge [sflag:s0], $0x1000  }
0xc0: {  	[sflag:s0] =	ssyncset.done $0x0  }
0xc1: {  	[sflag:s0] =	ssyncadd.s32 $0xFFFFF000  }
0xc2: {  	[spmem:s3] =	stream.indirect.scatter.add.bf16 [tilespmem:s23], [sflag:$0x7], $0x20, s1, s19, $0xb8;
	[tilespmem:$0x1A800] =	vst v63  }
0xc3: {  	_ =	swait.ge [sflag:s22], $0x1000  }
0xc4: {  	[sflag:s22] =	ssyncset.done $0x0  }
0xc5: {  	s14 =	simm.s32 $0x2A80;
	[sflag:s22] =	ssyncadd.s32 $0xFFFFF000  }
0xc6: {  	[tilespmem:s21], [sflag:$0x2] =	stream.indirect.gather [spmem:s2], $0x20, s14, s19, $0xb8;
	[tilespmem:$0x1A800] =	vst v63  }
0xc7: {  	_ =	swait.ge [sflag:s31], $0x1000  }
0xc8: {  	[sflag:s31] =	ssyncset.done $0x0  }
0xc9: {  	[sflag:s31] =	ssyncadd.s32 $0xFFFFF000  }
0xca: {  	[spmem:s3] =	stream.indirect.scatter.add.bf16 [tilespmem:s26], [sflag:$0x8], $0x20, s25, s19, $0xb8;
	[tilespmem:$0x1A800] =	vst v63  }
0xcb: {  	_ =	swait.ge [sflag:s5], $0x1000  }
0xcc: {  	[sflag:s5] =	ssyncset.done $0x0  }
0xcd: {  	s9 =	simm.s32 $0x0;
	s16 =	simm.s32 $0x2B00;
	[sflag:s5] =	ssyncadd.s32 $0xFFFFF000  }
0xce: {  	[tilespmem:s23], [sflag:$0x3] =	stream.indirect.gather [spmem:s2], $0x20, s16, s19, $0xb8;
	[tilespmem:$0x1A800] =	vst v63  }
.LBB2_5:
0xcf: {  	_ =	swait.ge [sflag:s24], $0x1000  }
0xd0: {  	s11 =	sshra.s32 s9, $0x2;
	[sflag:s24] =	ssyncset.done $0x0  }
0xd1: {  	s12 =	sadd.s32 $0x5200, s11;
	[sflag:s24] =	ssyncadd.s32 $0xFFFFF000  }
0xd2: {  	[spmem:s3] =	stream.indirect.scatter.add.bf16 [tilespmem:s20], [sflag:$0x5], $0x20, s12, s19, $0xb8;
	[tilespmem:$0x1A800] =	vst v63  }
0xd3: {  	_ =	swait.ge [sflag:s7], $0x1000  }
0xd4: {  	[sflag:s7] =	ssyncset.done $0x0  }
0xd5: {  	s13 =	sadd.s32 $0x2B80, s11;
	[sflag:s7] =	ssyncadd.s32 $0xFFFFF000  }
0xd6: {  	[tilespmem:s26], [sflag:$0x4] =	stream.indirect.gather [spmem:s2], $0x20, s13, s19, $0xb8;
	[tilespmem:$0x1A800] =	vst v63  }
0xd7: {  	_ =	swait.ge [sflag:s28], $0x1000  }
0xd8: {  	p0 =	seq.s32 s9, $0x9000;
	[sflag:s28] =	ssyncset.done $0x0  }
0xd9: {  	s14 =	sadd.s32 $0x5280, s11;
	s12 =	simm.s32 @p0 $0x3;
	[sflag:s28] =	ssyncadd.s32 $0xFFFFF000  }
0xda: {  	[spmem:s3] =	stream.indirect.scatter.add.bf16 [tilespmem:s21], [sflag:$0x6], $0x20, s14, s19, $0xb8;
	[tilespmem:$0x1A800] =	vst v63  }
0xdb: {  	_ =	swait.ge @p0 [sflag:s12], $0x1000  }
0xdc: {  	[sflag:s12] =	ssyncset.done @p0 $0x0  }
0xdd: {  	[sflag:s12] =	ssyncadd.s32 @p0 $0xFFFFF000;
	s12 =	sshra.s32 @p0 s9, $0x2  }
0xde: {  	s13 =	simm.s32 @p0 $0x80;
	s14 =	simm.s32 @p0 $0x9800;
	s12 =	sadd.s32 @p0 $0x5300, s12  }
0xdf: {  	[spmem:s3] =	stream.indirect.scatter.add.bf16 @p0 [tilespmem:s14], [sflag:$0x7], $0x20, s12, s13, $0xb8;
	[tilespmem:$0x1A800] =	vst v63  }
0xe0: {  	s12 =	simm.s32 @!p0 $0x5  }
0xe1: {  	_ =	swait.ge @!p0 [sflag:s12], $0x1000  }
0xe2: {  	[sflag:s12] =	ssyncset.done @!p0 $0x0  }
0xe3: {  	[sflag:s12] =	ssyncadd.s32 @!p0 $0xFFFFF000;
	s12 =	sshra.s32 @!p0 s9, $0x2  }
0xe4: {  	s16 =	simm.s32 @!p0 $0x7800;
	s14 =	simm.s32 @!p0 $0x80;
	s13 =	sadd.s32 @!p0 $0x2C00, s12  }
0xe5: {  	[tilespmem:s16], [sflag:$0x1] =	stream.indirect.gather @!p0 [spmem:s2], $0x20, s13, s14, $0xb8;
	[tilespmem:$0x1A800] =	vst v63  }
0xe6: {  	s13 =	simm.s32 @!p0 $0x3  }
0xe7: {  	_ =	swait.ge @!p0 [sflag:s13], $0x1000  }
0xe8: {  	[sflag:s13] =	ssyncset.done @!p0 $0x0  }
0xe9: {  	s16 =	simm.s32 @!p0 $0x9800;
	[sflag:s13] =	ssyncadd.s32 @!p0 $0xFFFFF000;
	s13 =	sadd.s32 @!p0 $0x5300, s12  }
0xea: {  	[spmem:s3] =	stream.indirect.scatter.add.bf16 @!p0 [tilespmem:s16], [sflag:$0x7], $0x20, s13, s14, $0xb8;
	[tilespmem:$0x1A800] =	vst v63  }
0xeb: {  	s13 =	simm.s32 @!p0 $0x6  }
0xec: {  	_ =	swait.ge @!p0 [sflag:s13], $0x1000  }
0xed: {  	[sflag:s13] =	ssyncset.done @!p0 $0x0  }
0xee: {  	s12 =	sadd.s32 @!p0 $0x2C80, s12;
	[sflag:s13] =	ssyncadd.s32 @!p0 $0xFFFFF000;
	s13 =	simm.s32 @!p0 $0x8800  }
0xef: {  	[tilespmem:s13], [sflag:$0x2] =	stream.indirect.gather @!p0 [spmem:s2], $0x20, s12, s14, $0xb8;
	[tilespmem:$0x1A800] =	vst v63  }
.Ltmp4:
0xf0: {  	_ = 	snop;
	(pc) =	sbr.rel @p0 .LBB2_7-.Ltmp4, $4  }
0xf1: {  	_ =	swait.ge [sflag:s31], $0x1000  }
0xf2: {  	[sflag:s31] =	ssyncset.done $0x0  }
0xf3: {  	s16 =	sadd.s32 $0x5380, s11;
	[sflag:s31] =	ssyncadd.s32 $0xFFFFF000  }
0xf4: {  	[spmem:s3] =	stream.indirect.scatter.add.bf16 [tilespmem:s26], [sflag:$0x8], $0x20, s16, s19, $0xb8;
	[tilespmem:$0x1A800] =	vst v63  }
.Ltmp5:
0xf5: {  	(pc) =	sbr.rel .LBB2_5-.Ltmp5, $4  }
0xf6: {  	_ =	swait.ge [sflag:s5], $0x1000  }
0xf7: {  	[sflag:s5] =	ssyncset.done $0x0  }
0xf8: {  	s11 =	sadd.s32 $0x2D00, s11;
	s9 =	sadd.s32 $0x800, s9;
	[sflag:s5] =	ssyncadd.s32 $0xFFFFF000  }
0xf9: {  	[tilespmem:s23], [sflag:$0x3] =	stream.indirect.gather [spmem:s2], $0x20, s11, s19, $0xb8;
	[tilespmem:$0x1A800] =	vst v63  }
.LBB2_8:
0xfa: {  	_ =	sfence.sel $0x180000  }
0xfb: {  	[bflag:$0x0] =	sbarrier.arrive $0xFFFF  }
0xfc: {  	_ =	strace $0x90000053  }
0xfd: {  	s0 =	stileid.u32;
	[bflag:$0x2] =	sbarrier.arrive $0xFFFF  }
0xfe: {  	p0 =	sne.s32 s0, $0x0;
	s0 =	rddreg [dreg:$0x3]  }
0xff: {  	s0 =	sadd.s32 @!p0 $0x100000, s0  }
0x100: {  	[sflag:s0] =	ssyncadd.tile.s32 @!p0 $0x1;
	_ =	shalt  }
.Lfunc_end2:
_tile_overlayer_lowered:
.L_overlay_start_2:
0x101: {  	(tag) =	ssettag $0x2  }
0x102: {  	s0 =	rddreg [dreg:$0x0];
	s2 =	stileid.u32  }
0x103: {  	s1 =	rddreg [dreg:$0x1];
	p0 =	sne.s32 s2, $0x0  }
0x104: {  	s3 =	rddreg [dreg:$0x2];
	[bflag:$0x3] =	sbarrier.arrive $0xFFFF;
	s2 =	simm.s32 @!p0 $0x1C09  }
0x105: {  	[timem:s3], [sflag:s2] =	dma.local @!p0 [hbm:s0], s1  }
0x106: {  	s0 =	simm.s32 @!p0 $0x9  }
0x107: {  	_ =	swait.ge @!p0 [sflag:s0], s1  }
0x108: {  	s1 =	ssub.s32 @!p0 $0x0, s1;
	[sflag:s0] =	ssyncset.done @!p0 $0x0  }
0x109: {  	[sflag:s0] =	ssyncadd.s32 @!p0 s1  }
0x10a: {  	[bflag:$0x3] =	sbarrier.arrive $0xFFFF  }
0x10b: {  	_ =	shalt  }

</sc_bundles>
